<compile_context>
chip_gen: v7x
topology: tpu7x:2x2x1
jax: 0.10.2.dev20260603
libtpu: 0.0.44.dev20260713+nightly
codegen_flags: <defaults>
</compile_context>

<pallas_src>
import functools

import jax
import jax.numpy as jnp
from jax import lax
from jax.experimental import pallas as pl
from jax.experimental.pallas import tpu as pltpu
from jax.experimental.pallas import tpu_sc as plsc

N = 10000
E = 320000
DF = 128
DH = 128
DC = 64

NC = 2
NS = 16
NW = NC * NS

NPAD = 10240
RT = NPAD // NS

CH = 80
EPT = E // NW
NCHUNK = EPT // CH

R = 2048
GRID = NPAD // R

_mesh = plsc.VectorSubcoreMesh(core_axis_name="c", subcore_axis_name="s")


@functools.partial(
    pl.kernel,
    out_type=jax.ShapeDtypeStruct((NC, NPAD), jnp.float32),
    mesh=_mesh,
    scratch_types=[
        pltpu.VMEM((EPT,), jnp.int32),
        pltpu.VMEM((CH,), jnp.float32),
        pltpu.VMEM((RT,), jnp.float32),
        pltpu.VMEM_SHARED((NPAD,), jnp.float32),
    ],
)
def _deg_kernel(dst_hbm, out_hbm, dst_v, ones_v, zeros_v, acc_sh):
    c = lax.axis_index("c")
    s = lax.axis_index("s")
    wid = c * NS + s
    for k in range(RT // 16):
        zeros_v[pl.ds(k * 16, 16)] = jnp.zeros((16,), jnp.float32)
    for k in range(CH // 16):
        ones_v[pl.ds(k * 16, 16)] = jnp.ones((16,), jnp.float32)
    pltpu.sync_copy(zeros_v, acc_sh.at[pl.ds(s * RT, RT)])
    pltpu.sync_copy(dst_hbm.at[pl.ds(wid * EPT, EPT)], dst_v)
    plsc.subcore_barrier()

    def body(i, carry):
        pltpu.sync_copy(ones_v, acc_sh.at[dst_v.at[pl.ds(i * CH, CH)]],
                        add=True)
        return carry

    lax.fori_loop(0, NCHUNK, body, 0)
    plsc.subcore_barrier()
    pltpu.sync_copy(acc_sh.at[pl.ds(s * RT, RT)], out_hbm.at[c, pl.ds(s * RT, RT)])


NBUF = 4
NIDX = 8


def _make_agg(d_feat):
    @functools.partial(
        pl.kernel,
        out_type=jax.ShapeDtypeStruct((NC, NPAD, d_feat), jnp.float32),
        mesh=_mesh,
        scratch_types=(
            [pltpu.VMEM((CH, d_feat), jnp.float32) for _ in range(NBUF)]
            + [pltpu.VMEM((CH,), jnp.int32) for _ in range(NIDX)]
            + [pltpu.VMEM((CH,), jnp.int32) for _ in range(NIDX)]
            + [pltpu.VMEM_SHARED((NPAD, d_feat), jnp.float32)]
            + [pltpu.SemaphoreType.DMA for _ in range(NBUF + NIDX)]
        ),
    )
    def _agg_kernel(h_hbm, src_hbm, dst_hbm, zeros_hbm, out_hbm, *rest):
        rows = rest[:NBUF]
        srci = rest[NBUF:NBUF + NIDX]
        dsti = rest[NBUF + NIDX:NBUF + 2 * NIDX]
        acc_sh = rest[NBUF + 2 * NIDX]
        rsem = rest[NBUF + 2 * NIDX + 1:NBUF + 2 * NIDX + 1 + NBUF]
        isem = rest[NBUF + 2 * NIDX + 1 + NBUF:]
        c = lax.axis_index("c")
        s = lax.axis_index("s")
        base = (c * NS + s) * EPT

        def _idx_copy(k, q):
            pltpu.async_copy(src_hbm.at[pl.ds(base + k * CH, CH)],
                             srci[q], isem[q])
            pltpu.async_copy(dst_hbm.at[pl.ds(base + k * CH, CH)],
                             dsti[q], isem[q])

        def _wait_idx(k, q):
            pltpu.make_async_copy(src_hbm.at[pl.ds(base + k * CH, CH)],
                                  srci[q], isem[q]).wait()
            pltpu.make_async_copy(dst_hbm.at[pl.ds(base + k * CH, CH)],
                                  dsti[q], isem[q]).wait()

        def _gather(b, q):
            pltpu.async_copy(h_hbm.at[srci[q]], rows[b], rsem[b])

        def _wait_gather(b, q):
            pltpu.make_async_copy(h_hbm.at[srci[q]], rows[b],
                                  rsem[b]).wait()

        def _scatter(b, q):
            pltpu.sync_copy(rows[b], acc_sh.at[dsti[q]], add=True)

        for q in range(NIDX):
            _idx_copy(q, q)
        pltpu.sync_copy(zeros_hbm, acc_sh.at[pl.ds(s * RT, RT)])
        plsc.subcore_barrier()
        for b in range(NBUF):
            _wait_idx(b, b)
            _gather(b, b)

        NFULL = (NCHUNK // NIDX) * NIDX

        def body(j, carry):
            for u in range(NIDX):
                k = j * NIDX + u
                _wait_gather(u % NBUF, u)
                _scatter(u % NBUF, u)
                nq = (u + NBUF) % NIDX
                _wait_idx(k + NBUF, nq)
                _gather(u % NBUF, nq)
                nk8 = k + NIDX

                @pl.when(nk8 < NCHUNK)
                def _refill_idx():
                    _idx_copy(nk8, u)

            return carry

        lax.fori_loop(0, NFULL // NIDX, body, 0)
        for k in range(NFULL, NCHUNK):
            _wait_gather(k % NBUF, k % NIDX)
            _scatter(k % NBUF, k % NIDX)
            nk = k + NBUF
            if nk < NCHUNK:
                _wait_idx(nk, nk % NIDX)
                _gather(nk % NBUF, nk % NIDX)
        plsc.subcore_barrier()
        pltpu.sync_copy(acc_sh.at[pl.ds(s * RT, RT)],
                        out_hbm.at[c, pl.ds(s * RT, RT)])

    return _agg_kernel


_agg128 = _make_agg(DH)


_TR = 256


def _dinv_col(degp_ref):
    dsum = degp_ref[0, :] + degp_ref[1, :] + 1.0
    dl = lax.rsqrt(dsum)
    rows = lax.broadcasted_iota(jnp.int32, (_TR, _TR), 0)
    cols = lax.broadcasted_iota(jnp.int32, (_TR, _TR), 1)
    eye = (rows == cols)
    cols_out = []
    for t in range(R // _TR):
        diag = jnp.where(eye, dl[None, t * _TR:(t + 1) * _TR], 0.0)
        cols_out.append(jnp.sum(diag, axis=1, keepdims=True))
    return jnp.concatenate(cols_out, axis=0)


def _mm1_body(x_ref, w_ref, h_ref):
    h_ref[...] = jnp.dot(x_ref[...], w_ref[...],
                         preferred_element_type=jnp.float32)


def _scale_body(h_ref, degp_ref, hs_ref, dinv_ref):
    col = _dinv_col(degp_ref)
    hs_ref[...] = h_ref[...] * col
    dinv_ref[...] = col


def _mm2_body(aggp_ref, h1_ref, dinv_ref, b1_ref, w2_ref, h2_ref):
    agg = aggp_ref[0] + aggp_ref[1]
    z = dinv_ref[...] * (agg + h1_ref[...]) + b1_ref[...]
    z = jnp.maximum(z, 0.0)
    h2 = jnp.dot(z, w2_ref[...], preferred_element_type=jnp.float32)
    h2_ref[...] = jnp.concatenate(
        [h2 * dinv_ref[...], jnp.zeros((R, DH - DC), jnp.float32)], axis=1)


def _out_body(aggp_ref, h2_ref, dinv_ref, b2_ref, out_ref):
    acc = aggp_ref[0] + aggp_ref[1] + h2_ref[...]
    z = dinv_ref[...] * acc[:, :DC] + b2_ref[...]
    m = jnp.max(z, axis=1, keepdims=True)
    lse = jnp.log(jnp.sum(jnp.exp(z - m), axis=1, keepdims=True))
    out_ref[...] = z - m - lse


def _split_body(e_ref, src_ref, dst_ref):
    src_ref[...] = e_ref[0, :]
    dst_ref[...] = e_ref[1, :]


def _tc_split(edges):
    return pl.pallas_call(
        _split_body,
        out_shape=[
            jax.ShapeDtypeStruct((E,), jnp.int32),
            jax.ShapeDtypeStruct((E,), jnp.int32),
        ],
    )(edges)


def kernel(features, edges, W1, b1, W2, b2):
    src, dst = _tc_split(edges.astype(jnp.int32))

    degp = _deg_kernel(dst)
    h1 = _tc_mm1(features, W1)
    h1p, dinvc = _tc_scale(h1, degp)
    zrow = jnp.zeros((RT, DH), jnp.float32)
    agg1 = _agg128(h1p, src, dst, zrow)
    h2p = _tc_layer2(agg1, h1p, dinvc, b1.reshape(1, DH), W2)
    agg2 = _agg128(h2p, src, dst, zrow)
    return _tc_out(agg2, h2p, dinvc, b2.reshape(1, DC))


def _tc_mm1(x, W1):
    return pl.pallas_call(
        _mm1_body,
        grid=(GRID,),
        in_specs=[
            pl.BlockSpec((R, DF), lambda i: (i, 0)),
            pl.BlockSpec((DF, DH), lambda i: (0, 0)),
        ],
        out_specs=pl.BlockSpec((R, DH), lambda i: (i, 0)),
        out_shape=jax.ShapeDtypeStruct((NPAD, DH), jnp.float32),
    )(x, W1)


def _tc_scale(h1, degp):
    return pl.pallas_call(
        _scale_body,
        grid=(GRID,),
        in_specs=[
            pl.BlockSpec((R, DH), lambda i: (i, 0)),
            pl.BlockSpec((NC, R), lambda i: (0, i)),
        ],
        out_specs=[
            pl.BlockSpec((R, DH), lambda i: (i, 0)),
            pl.BlockSpec((R, 1), lambda i: (i, 0)),
        ],
        out_shape=[
            jax.ShapeDtypeStruct((NPAD, DH), jnp.float32),
            jax.ShapeDtypeStruct((NPAD, 1), jnp.float32),
        ],
    )(h1, degp)


def _tc_layer2(agg1, h1p, dinvc, b1, W2):
    return pl.pallas_call(
        _mm2_body,
        grid=(GRID,),
        in_specs=[
            pl.BlockSpec((NC, R, DH), lambda i: (0, i, 0)),
            pl.BlockSpec((R, DH), lambda i: (i, 0)),
            pl.BlockSpec((R, 1), lambda i: (i, 0)),
            pl.BlockSpec((1, DH), lambda i: (0, 0)),
            pl.BlockSpec((DH, DC), lambda i: (0, 0)),
        ],
        out_specs=pl.BlockSpec((R, DH), lambda i: (i, 0)),
        out_shape=jax.ShapeDtypeStruct((NPAD, DH), jnp.float32),
    )(agg1, h1p, dinvc, b1, W2)


RO = N // GRID


def _tc_out(agg2, h2p, dinvc, b2):
    return pl.pallas_call(
        _out_body,
        grid=(GRID,),
        in_specs=[
            pl.BlockSpec((NC, RO, DH), lambda i: (0, i, 0)),
            pl.BlockSpec((RO, DH), lambda i: (i, 0)),
            pl.BlockSpec((RO, 1), lambda i: (i, 0)),
            pl.BlockSpec((1, DC), lambda i: (0, 0)),
        ],
        out_specs=pl.BlockSpec((RO, DC), lambda i: (i, 0)),
        out_shape=jax.ShapeDtypeStruct((N, DC), jnp.float32),
    )(agg2, h2p, dinvc, b2)

# --- scband reference (transcript-rebuilt; emitter-appended) ---
"""Pipeline reference for scband-gcnconv-84645215470226 (READ-ONLY COPY).

The authoritative reference and input builder live on the scoring server;
editing this copy changes nothing except your own understanding.
"""

import jax, jax.numpy as jnp
import numpy as np

N_NODES = 10000
N_EDGES = 320000
D_FEAT = 128
D_HID = 128
D_CLS = 64


def setup_inputs(seed: int = 0) -> dict:
    key = jax.random.key(seed)
    k1, k2, k3, k4, k5, k6 = jax.random.split(key, 6)
    features = jax.random.normal(k1, (N_NODES, D_FEAT), dtype=jnp.float32)
    edges = jax.random.randint(k2, (2, N_EDGES), 0, N_NODES, dtype=jnp.int64)
    # glorot-ish init for layer weights (PyG GCNConv: lin weight [in, out], bias [out])
    W1 = jax.random.normal(k3, (D_FEAT, D_HID), dtype=jnp.float32) * (1.0 / np.sqrt(D_FEAT))
    b1 = jnp.zeros((D_HID,), dtype=jnp.float32)
    W2 = jax.random.normal(k4, (D_HID, D_CLS), dtype=jnp.float32) * (1.0 / np.sqrt(D_HID))
    b2 = jnp.zeros((D_CLS,), dtype=jnp.float32)
    return {"features": features, "edges": edges, "W1": W1, "b1": b1, "W2": W2, "b2": b2}


def _gcn_layer(x, src, dst, norm, W, b):
    # PyG GCNConv: h = x @ W; aggregate with symmetric norm; add bias
    h = x @ W
    msgs = h[src] * norm[:, None]
    out = jnp.zeros((x.shape[0], h.shape[1]), dtype=h.dtype).at[dst].add(msgs)
    return out + b


def reference(features, edges, W1, b1, W2, b2):
    n = features.shape[0]
    loop = jnp.arange(n, dtype=edges.dtype)
    src = jnp.concatenate([edges[0], loop])
    dst = jnp.concatenate([edges[1], loop])
    # symmetric normalization D^-1/2 (A + I) D^-1/2 (degree counted on dst, incl. self loops)
    deg = jnp.zeros((n,), dtype=jnp.float32).at[dst].add(1.0)
    dinv = jnp.where(deg > 0, 1.0 / jnp.sqrt(deg), 0.0)
    norm = dinv[src] * dinv[dst]
    h = _gcn_layer(features, src, dst, norm, W1, b1)
    h = jax.nn.relu(h)
    # F.dropout(training=self.training); eval mode -> identity
    h = _gcn_layer(h, src, dst, norm, W2, b2)
    return jax.nn.log_softmax(h, axis=1)

if __name__ == "__main__":
    import jax
    _d = setup_inputs()
    print(jax.jit(kernel)(*tuple(_d.values())))

</pallas_src>

<mosaic_0001>
#map = affine_map<(d0, d1) -> (0, 0)>
#map1 = affine_map<(d0, d1) -> (0)>
#map2 = affine_map<(d0, d1) -> (0, 0, 0)>
module attributes {stable_mosaic.version = 14 : i64} {
  func.func @_agg_kernel(%arg0: i32, %arg1: i32, %arg2: memref<10240x128xf32, #tpu.memory_space<hbm>>, %arg3: memref<320000xi32, #tpu.memory_space<hbm>>, %arg4: memref<320000xi32, #tpu.memory_space<hbm>>, %arg5: memref<640x128xf32, #tpu.memory_space<hbm>>, %arg6: memref<2x10240x128xf32, #tpu.memory_space<hbm>>, %arg7: memref<80x128xf32, #tpu.memory_space<vmem>>, %arg8: memref<80x128xf32, #tpu.memory_space<vmem>>, %arg9: memref<80x128xf32, #tpu.memory_space<vmem>>, %arg10: memref<80x128xf32, #tpu.memory_space<vmem>>, %arg11: memref<80xi32, #tpu.memory_space<vmem>>, %arg12: memref<80xi32, #tpu.memory_space<vmem>>, %arg13: memref<80xi32, #tpu.memory_space<vmem>>, %arg14: memref<80xi32, #tpu.memory_space<vmem>>, %arg15: memref<80xi32, #tpu.memory_space<vmem>>, %arg16: memref<80xi32, #tpu.memory_space<vmem>>, %arg17: memref<80xi32, #tpu.memory_space<vmem>>, %arg18: memref<80xi32, #tpu.memory_space<vmem>>, %arg19: memref<80xi32, #tpu.memory_space<vmem>>, %arg20: memref<80xi32, #tpu.memory_space<vmem>>, %arg21: memref<80xi32, #tpu.memory_space<vmem>>, %arg22: memref<80xi32, #tpu.memory_space<vmem>>, %arg23: memref<80xi32, #tpu.memory_space<vmem>>, %arg24: memref<80xi32, #tpu.memory_space<vmem>>, %arg25: memref<80xi32, #tpu.memory_space<vmem>>, %arg26: memref<80xi32, #tpu.memory_space<vmem>>, %arg27: memref<10240x128xf32, #tpu.memory_space<vmem_shared>>, %arg28: memref<!tpu.dma_semaphore, #tpu.memory_space<semaphore_mem>>, %arg29: memref<!tpu.dma_semaphore, #tpu.memory_space<semaphore_mem>>, %arg30: memref<!tpu.dma_semaphore, #tpu.memory_space<semaphore_mem>>, %arg31: memref<!tpu.dma_semaphore, #tpu.memory_space<semaphore_mem>>, %arg32: memref<!tpu.dma_semaphore, #tpu.memory_space<semaphore_mem>>, %arg33: memref<!tpu.dma_semaphore, #tpu.memory_space<semaphore_mem>>, %arg34: memref<!tpu.dma_semaphore, #tpu.memory_space<semaphore_mem>>, %arg35: memref<!tpu.dma_semaphore, #tpu.memory_space<semaphore_mem>>, %arg36: memref<!tpu.dma_semaphore, #tpu.memory_space<semaphore_mem>>, %arg37: memref<!tpu.dma_semaphore, #tpu.memory_space<semaphore_mem>>, %arg38: memref<!tpu.dma_semaphore, #tpu.memory_space<semaphore_mem>>, %arg39: memref<!tpu.dma_semaphore, #tpu.memory_space<semaphore_mem>>) attributes {dimension_semantics = [#tpu.dimension_semantics<core_parallel>, #tpu.dimension_semantics<subcore_parallel>], iteration_bounds = array<i64: 2, 16>, scalar_prefetch = 0 : i64, scratch_operands = 33 : i64, tpu.core_type = #tpu.core_type<sc_vector_subcore>, window_params = [{transform_indices = #map}, {transform_indices = #map1}, {transform_indices = #map1}, {transform_indices = #map}, {transform_indices = #map2}]} {
    %mul3A = arith.constant 16 : i32
    %mul3A_0 = arith.muli %arg0, %mul3A : i32
    %add3A = arith.addi %mul3A_0, %arg1 : i32
    %mul3A_1 = arith.constant 10000 : i32
    %mul3A_2 = arith.muli %add3A, %mul3A_1 : i32
    %add3A_3 = arith.constant 0 : i32
    %add3A_4 = arith.addi %mul3A_2, %add3A_3 : i32
    %dma_start3A = tpu.memref_slice %arg3[%add3A_4] : memref<320000xi32, #tpu.memory_space<hbm>> -> memref<80xi32, #tpu.memory_space<hbm>>
    %dma_start3A_5 = tpu.memref_slice %arg3[%add3A_4] : memref<320000xi32, #tpu.memory_space<hbm>> -> memref<80xi32, #tpu.memory_space<hbm>>
    tpu.enqueue_dma source(%dma_start3A_5 : memref<80xi32, #tpu.memory_space<hbm>>) target(%arg11 : memref<80xi32, #tpu.memory_space<vmem>>) target_semaphore(%arg32 : memref<!tpu.dma_semaphore, #tpu.memory_space<semaphore_mem>>)
    %add3A_6 = arith.constant 0 : i32
    %add3A_7 = arith.addi %mul3A_2, %add3A_6 : i32
    %dma_start3A_8 = tpu.memref_slice %arg4[%add3A_7] : memref<320000xi32, #tpu.memory_space<hbm>> -> memref<80xi32, #tpu.memory_space<hbm>>
    %dma_start3A_9 = tpu.memref_slice %arg4[%add3A_7] : memref<320000xi32, #tpu.memory_space<hbm>> -> memref<80xi32, #tpu.memory_space<hbm>>
    tpu.enqueue_dma source(%dma_start3A_9 : memref<80xi32, #tpu.memory_space<hbm>>) target(%arg19 : memref<80xi32, #tpu.memory_space<vmem>>) target_semaphore(%arg32 : memref<!tpu.dma_semaphore, #tpu.memory_space<semaphore_mem>>)
    %add3A_10 = arith.constant 80 : i32
    %add3A_11 = arith.addi %mul3A_2, %add3A_10 : i32
    %dma_start3A_12 = tpu.memref_slice %arg3[%add3A_11] : memref<320000xi32, #tpu.memory_space<hbm>> -> memref<80xi32, #tpu.memory_space<hbm>>
    %dma_start3A_13 = tpu.memref_slice %arg3[%add3A_11] : memref<320000xi32, #tpu.memory_space<hbm>> -> memref<80xi32, #tpu.memory_space<hbm>>
    tpu.enqueue_dma source(%dma_start3A_13 : memref<80xi32, #tpu.memory_space<hbm>>) target(%arg12 : memref<80xi32, #tpu.memory_space<vmem>>) target_semaphore(%arg33 : memref<!tpu.dma_semaphore, #tpu.memory_space<semaphore_mem>>)
    %add3A_14 = arith.constant 80 : i32
    %add3A_15 = arith.addi %mul3A_2, %add3A_14 : i32
    %dma_start3A_16 = tpu.memref_slice %arg4[%add3A_15] : memref<320000xi32, #tpu.memory_space<hbm>> -> memref<80xi32, #tpu.memory_space<hbm>>
    %dma_start3A_17 = tpu.memref_slice %arg4[%add3A_15] : memref<320000xi32, #tpu.memory_space<hbm>> -> memref<80xi32, #tpu.memory_space<hbm>>
    tpu.enqueue_dma source(%dma_start3A_17 : memref<80xi32, #tpu.memory_space<hbm>>) target(%arg20 : memref<80xi32, #tpu.memory_space<vmem>>) target_semaphore(%arg33 : memref<!tpu.dma_semaphore, #tpu.memory_space<semaphore_mem>>)
    %add3A_18 = arith.constant 160 : i32
    %add3A_19 = arith.addi %mul3A_2, %add3A_18 : i32
    %dma_start3A_20 = tpu.memref_slice %arg3[%add3A_19] : memref<320000xi32, #tpu.memory_space<hbm>> -> memref<80xi32, #tpu.memory_space<hbm>>
    %dma_start3A_21 = tpu.memref_slice %arg3[%add3A_19] : memref<320000xi32, #tpu.memory_space<hbm>> -> memref<80xi32, #tpu.memory_space<hbm>>
    tpu.enqueue_dma source(%dma_start3A_21 : memref<80xi32, #tpu.memory_space<hbm>>) target(%arg13 : memref<80xi32, #tpu.memory_space<vmem>>) target_semaphore(%arg34 : memref<!tpu.dma_semaphore, #tpu.memory_space<semaphore_mem>>)
    %add3A_22 = arith.constant 160 : i32
    %add3A_23 = arith.addi %mul3A_2, %add3A_22 : i32
    %dma_start3A_24 = tpu.memref_slice %arg4[%add3A_23] : memref<320000xi32, #tpu.memory_space<hbm>> -> memref<80xi32, #tpu.memory_space<hbm>>
    %dma_start3A_25 = tpu.memref_slice %arg4[%add3A_23] : memref<320000xi32, #tpu.memory_space<hbm>> -> memref<80xi32, #tpu.memory_space<hbm>>
    tpu.enqueue_dma source(%dma_start3A_25 : memref<80xi32, #tpu.memory_space<hbm>>) target(%arg21 : memref<80xi32, #tpu.memory_space<vmem>>) target_semaphore(%arg34 : memref<!tpu.dma_semaphore, #tpu.memory_space<semaphore_mem>>)
    %add3A_26 = arith.constant 240 : i32
    %add3A_27 = arith.addi %mul3A_2, %add3A_26 : i32
    %dma_start3A_28 = tpu.memref_slice %arg3[%add3A_27] : memref<320000xi32, #tpu.memory_space<hbm>> -> memref<80xi32, #tpu.memory_space<hbm>>
    %dma_start3A_29 = tpu.memref_slice %arg3[%add3A_27] : memref<320000xi32, #tpu.memory_space<hbm>> -> memref<80xi32, #tpu.memory_space<hbm>>
    tpu.enqueue_dma source(%dma_start3A_29 : memref<80xi32, #tpu.memory_space<hbm>>) target(%arg14 : memref<80xi32, #tpu.memory_space<vmem>>) target_semaphore(%arg35 : memref<!tpu.dma_semaphore, #tpu.memory_space<semaphore_mem>>)
    %add3A_30 = arith.constant 240 : i32
    %add3A_31 = arith.addi %mul3A_2, %add3A_30 : i32
    %dma_start3A_32 = tpu.memref_slice %arg4[%add3A_31] : memref<320000xi32, #tpu.memory_space<hbm>> -> memref<80xi32, #tpu.memory_space<hbm>>
    %dma_start3A_33 = tpu.memref_slice %arg4[%add3A_31] : memref<320000xi32, #tpu.memory_space<hbm>> -> memref<80xi32, #tpu.memory_space<hbm>>
    tpu.enqueue_dma source(%dma_start3A_33 : memref<80xi32, #tpu.memory_space<hbm>>) target(%arg22 : memref<80xi32, #tpu.memory_space<vmem>>) target_semaphore(%arg35 : memref<!tpu.dma_semaphore, #tpu.memory_space<semaphore_mem>>)
    %add3A_34 = arith.constant 320 : i32
    %add3A_35 = arith.addi %mul3A_2, %add3A_34 : i32
    %dma_start3A_36 = tpu.memref_slice %arg3[%add3A_35] : memref<320000xi32, #tpu.memory_space<hbm>> -> memref<80xi32, #tpu.memory_space<hbm>>
    %dma_start3A_37 = tpu.memref_slice %arg3[%add3A_35] : memref<320000xi32, #tpu.memory_space<hbm>> -> memref<80xi32, #tpu.memory_space<hbm>>
    tpu.enqueue_dma source(%dma_start3A_37 : memref<80xi32, #tpu.memory_space<hbm>>) target(%arg15 : memref<80xi32, #tpu.memory_space<vmem>>) target_semaphore(%arg36 : memref<!tpu.dma_semaphore, #tpu.memory_space<semaphore_mem>>)
    %add3A_38 = arith.constant 320 : i32
    %add3A_39 = arith.addi %mul3A_2, %add3A_38 : i32
    %dma_start3A_40 = tpu.memref_slice %arg4[%add3A_39] : memref<320000xi32, #tpu.memory_space<hbm>> -> memref<80xi32, #tpu.memory_space<hbm>>
    %dma_start3A_41 = tpu.memref_slice %arg4[%add3A_39] : memref<320000xi32, #tpu.memory_space<hbm>> -> memref<80xi32, #tpu.memory_space<hbm>>
    tpu.enqueue_dma source(%dma_start3A_41 : memref<80xi32, #tpu.memory_space<hbm>>) target(%arg23 : memref<80xi32, #tpu.memory_space<vmem>>) target_semaphore(%arg36 : memref<!tpu.dma_semaphore, #tpu.memory_space<semaphore_mem>>)
    %add3A_42 = arith.constant 400 : i32
    %add3A_43 = arith.addi %mul3A_2, %add3A_42 : i32
    %dma_start3A_44 = tpu.memref_slice %arg3[%add3A_43] : memref<320000xi32, #tpu.memory_space<hbm>> -> memref<80xi32, #tpu.memory_space<hbm>>
    %dma_start3A_45 = tpu.memref_slice %arg3[%add3A_43] : memref<320000xi32, #tpu.memory_space<hbm>> -> memref<80xi32, #tpu.memory_space<hbm>>
    tpu.enqueue_dma source(%dma_start3A_45 : memref<80xi32, #tpu.memory_space<hbm>>) target(%arg16 : memref<80xi32, #tpu.memory_space<vmem>>) target_semaphore(%arg37 : memref<!tpu.dma_semaphore, #tpu.memory_space<semaphore_mem>>)
    %add3A_46 = arith.constant 400 : i32
    %add3A_47 = arith.addi %mul3A_2, %add3A_46 : i32
    %dma_start3A_48 = tpu.memref_slice %arg4[%add3A_47] : memref<320000xi32, #tpu.memory_space<hbm>> -> memref<80xi32, #tpu.memory_space<hbm>>
    %dma_start3A_49 = tpu.memref_slice %arg4[%add3A_47] : memref<320000xi32, #tpu.memory_space<hbm>> -> memref<80xi32, #tpu.memory_space<hbm>>
    tpu.enqueue_dma source(%dma_start3A_49 : memref<80xi32, #tpu.memory_space<hbm>>) target(%arg24 : memref<80xi32, #tpu.memory_space<vmem>>) target_semaphore(%arg37 : memref<!tpu.dma_semaphore, #tpu.memory_space<semaphore_mem>>)
    %add3A_50 = arith.constant 480 : i32
    %add3A_51 = arith.addi %mul3A_2, %add3A_50 : i32
    %dma_start3A_52 = tpu.memref_slice %arg3[%add3A_51] : memref<320000xi32, #tpu.memory_space<hbm>> -> memref<80xi32, #tpu.memory_space<hbm>>
    %dma_start3A_53 = tpu.memref_slice %arg3[%add3A_51] : memref<320000xi32, #tpu.memory_space<hbm>> -> memref<80xi32, #tpu.memory_space<hbm>>
    tpu.enqueue_dma source(%dma_start3A_53 : memref<80xi32, #tpu.memory_space<hbm>>) target(%arg17 : memref<80xi32, #tpu.memory_space<vmem>>) target_semaphore(%arg38 : memref<!tpu.dma_semaphore, #tpu.memory_space<semaphore_mem>>)
    %add3A_54 = arith.constant 480 : i32
    %add3A_55 = arith.addi %mul3A_2, %add3A_54 : i32
    %dma_start3A_56 = tpu.memref_slice %arg4[%add3A_55] : memref<320000xi32, #tpu.memory_space<hbm>> -> memref<80xi32, #tpu.memory_space<hbm>>
    %dma_start3A_57 = tpu.memref_slice %arg4[%add3A_55] : memref<320000xi32, #tpu.memory_space<hbm>> -> memref<80xi32, #tpu.memory_space<hbm>>
    tpu.enqueue_dma source(%dma_start3A_57 : memref<80xi32, #tpu.memory_space<hbm>>) target(%arg25 : memref<80xi32, #tpu.memory_space<vmem>>) target_semaphore(%arg38 : memref<!tpu.dma_semaphore, #tpu.memory_space<semaphore_mem>>)
    %add3A_58 = arith.constant 560 : i32
    %add3A_59 = arith.addi %mul3A_2, %add3A_58 : i32
    %dma_start3A_60 = tpu.memref_slice %arg3[%add3A_59] : memref<320000xi32, #tpu.memory_space<hbm>> -> memref<80xi32, #tpu.memory_space<hbm>>
    %dma_start3A_61 = tpu.memref_slice %arg3[%add3A_59] : memref<320000xi32, #tpu.memory_space<hbm>> -> memref<80xi32, #tpu.memory_space<hbm>>
    tpu.enqueue_dma source(%dma_start3A_61 : memref<80xi32, #tpu.memory_space<hbm>>) target(%arg18 : memref<80xi32, #tpu.memory_space<vmem>>) target_semaphore(%arg39 : memref<!tpu.dma_semaphore, #tpu.memory_space<semaphore_mem>>)
    %add3A_62 = arith.constant 560 : i32
    %add3A_63 = arith.addi %mul3A_2, %add3A_62 : i32
    %dma_start3A_64 = tpu.memref_slice %arg4[%add3A_63] : memref<320000xi32, #tpu.memory_space<hbm>> -> memref<80xi32, #tpu.memory_space<hbm>>
    %dma_start3A_65 = tpu.memref_slice %arg4[%add3A_63] : memref<320000xi32, #tpu.memory_space<hbm>> -> memref<80xi32, #tpu.memory_space<hbm>>
    tpu.enqueue_dma source(%dma_start3A_65 : memref<80xi32, #tpu.memory_space<hbm>>) target(%arg26 : memref<80xi32, #tpu.memory_space<vmem>>) target_semaphore(%arg39 : memref<!tpu.dma_semaphore, #tpu.memory_space<semaphore_mem>>)
    %mul3A_66 = arith.constant 640 : i32
    %mul3A_67 = arith.muli %arg1, %mul3A_66 : i32
    "tpu.region"() ({
      %run_scoped3A = tpu.sem_alloc : memref<!tpu.dma_semaphore, #tpu.memory_space<semaphore_mem>>
      %dma_start3A_147 = arith.constant 0 : i32
      %dma_start3A_148 = tpu.memref_slice %arg27[%mul3A_67, %dma_start3A_147] : memref<10240x128xf32, #tpu.memory_space<vmem_shared>> -> memref<640x128xf32, #tpu.memory_space<vmem_shared>>
      tpu.enqueue_dma source(%arg5 : memref<640x128xf32, #tpu.memory_space<hbm>>) target(%dma_start3A_148 : memref<640x128xf32, #tpu.memory_space<vmem_shared>>) target_semaphore(%run_scoped3A : memref<!tpu.dma_semaphore, #tpu.memory_space<semaphore_mem>>)
      %dma_wait3A_149 = arith.constant 0 : i32
      %dma_wait3A_150 = tpu.memref_slice %arg27[%mul3A_67, %dma_wait3A_149] : memref<10240x128xf32, #tpu.memory_space<vmem_shared>> -> memref<640x128xf32, #tpu.memory_space<vmem_shared>>
      tpu.wait_dma2 semaphore(%run_scoped3A : memref<!tpu.dma_semaphore, #tpu.memory_space<semaphore_mem>>) src(%arg5 : memref<640x128xf32, #tpu.memory_space<hbm>>) dst(%dma_wait3A_150 : memref<640x128xf32, #tpu.memory_space<vmem_shared>>)
      tpu.yield
    }) : () -> ()
    %barrier3A = arith.constant 0 : index
    tpu.barrier barrier_id(%barrier3A)
    %add3A_68 = arith.constant 0 : i32
    %add3A_69 = arith.addi %mul3A_2, %add3A_68 : i32
    %dma_wait3A = tpu.memref_slice %arg3[%add3A_69] : memref<320000xi32, #tpu.memory_space<hbm>> -> memref<80xi32, #tpu.memory_space<hbm>>
    %dma_wait3A_70 = tpu.memref_slice %arg3[%add3A_69] : memref<320000xi32, #tpu.memory_space<hbm>> -> memref<80xi32, #tpu.memory_space<hbm>>
    tpu.wait_dma2 semaphore(%arg32 : memref<!tpu.dma_semaphore, #tpu.memory_space<semaphore_mem>>) src(%dma_wait3A_70 : memref<80xi32, #tpu.memory_space<hbm>>) dst(%arg11 : memref<80xi32, #tpu.memory_space<vmem>>)
    %add3A_71 = arith.constant 0 : i32
    %add3A_72 = arith.addi %mul3A_2, %add3A_71 : i32
    %dma_wait3A_73 = tpu.memref_slice %arg4[%add3A_72] : memref<320000xi32, #tpu.memory_space<hbm>> -> memref<80xi32, #tpu.memory_space<hbm>>
    %dma_wait3A_74 = tpu.memref_slice %arg4[%add3A_72] : memref<320000xi32, #tpu.memory_space<hbm>> -> memref<80xi32, #tpu.memory_space<hbm>>
    tpu.wait_dma2 semaphore(%arg32 : memref<!tpu.dma_semaphore, #tpu.memory_space<semaphore_mem>>) src(%dma_wait3A_74 : memref<80xi32, #tpu.memory_space<hbm>>) dst(%arg19 : memref<80xi32, #tpu.memory_space<vmem>>)
    %dma_start3A_75 = arith.constant 0 : i32
    %dma_start3A_76 = arith.constant 0 : i32
    %dma_start3A_77 = tpu.memref_slice %arg2[%dma_start3A_75, %dma_start3A_76] : memref<10240x128xf32, #tpu.memory_space<hbm>> -> memref<10240x128xf32, #tpu.memory_space<hbm>>
    tpu.enqueue_indirect_dma source(%dma_start3A_77 : memref<10240x128xf32, #tpu.memory_space<hbm>>) target(%arg7 : memref<80x128xf32, #tpu.memory_space<vmem>>) offsets(%arg11 : memref<80xi32, #tpu.memory_space<vmem>>) semaphore(%arg28 : memref<!tpu.dma_semaphore, #tpu.memory_space<semaphore_mem>>)
    %add3A_78 = arith.constant 80 : i32
    %add3A_79 = arith.addi %mul3A_2, %add3A_78 : i32
    %dma_wait3A_80 = tpu.memref_slice %arg3[%add3A_79] : memref<320000xi32, #tpu.memory_space<hbm>> -> memref<80xi32, #tpu.memory_space<hbm>>
    %dma_wait3A_81 = tpu.memref_slice %arg3[%add3A_79] : memref<320000xi32, #tpu.memory_space<hbm>> -> memref<80xi32, #tpu.memory_space<hbm>>
    tpu.wait_dma2 semaphore(%arg33 : memref<!tpu.dma_semaphore, #tpu.memory_space<semaphore_mem>>) src(%dma_wait3A_81 : memref<80xi32, #tpu.memory_space<hbm>>) dst(%arg12 : memref<80xi32, #tpu.memory_space<vmem>>)
    %add3A_82 = arith.constant 80 : i32
    %add3A_83 = arith.addi %mul3A_2, %add3A_82 : i32
    %dma_wait3A_84 = tpu.memref_slice %arg4[%add3A_83] : memref<320000xi32, #tpu.memory_space<hbm>> -> memref<80xi32, #tpu.memory_space<hbm>>
    %dma_wait3A_85 = tpu.memref_slice %arg4[%add3A_83] : memref<320000xi32, #tpu.memory_space<hbm>> -> memref<80xi32, #tpu.memory_space<hbm>>
    tpu.wait_dma2 semaphore(%arg33 : memref<!tpu.dma_semaphore, #tpu.memory_space<semaphore_mem>>) src(%dma_wait3A_85 : memref<80xi32, #tpu.memory_space<hbm>>) dst(%arg20 : memref<80xi32, #tpu.memory_space<vmem>>)
    %dma_start3A_86 = arith.constant 0 : i32
    %dma_start3A_87 = arith.constant 0 : i32
    %dma_start3A_88 = tpu.memref_slice %arg2[%dma_start3A_86, %dma_start3A_87] : memref<10240x128xf32, #tpu.memory_space<hbm>> -> memref<10240x128xf32, #tpu.memory_space<hbm>>
    tpu.enqueue_indirect_dma source(%dma_start3A_88 : memref<10240x128xf32, #tpu.memory_space<hbm>>) target(%arg8 : memref<80x128xf32, #tpu.memory_space<vmem>>) offsets(%arg12 : memref<80xi32, #tpu.memory_space<vmem>>) semaphore(%arg29 : memref<!tpu.dma_semaphore, #tpu.memory_space<semaphore_mem>>)
    %add3A_89 = arith.constant 160 : i32
    %add3A_90 = arith.addi %mul3A_2, %add3A_89 : i32
    %dma_wait3A_91 = tpu.memref_slice %arg3[%add3A_90] : memref<320000xi32, #tpu.memory_space<hbm>> -> memref<80xi32, #tpu.memory_space<hbm>>
    %dma_wait3A_92 = tpu.memref_slice %arg3[%add3A_90] : memref<320000xi32, #tpu.memory_space<hbm>> -> memref<80xi32, #tpu.memory_space<hbm>>
    tpu.wait_dma2 semaphore(%arg34 : memref<!tpu.dma_semaphore, #tpu.memory_space<semaphore_mem>>) src(%dma_wait3A_92 : memref<80xi32, #tpu.memory_space<hbm>>) dst(%arg13 : memref<80xi32, #tpu.memory_space<vmem>>)
    %add3A_93 = arith.constant 160 : i32
    %add3A_94 = arith.addi %mul3A_2, %add3A_93 : i32
    %dma_wait3A_95 = tpu.memref_slice %arg4[%add3A_94] : memref<320000xi32, #tpu.memory_space<hbm>> -> memref<80xi32, #tpu.memory_space<hbm>>
    %dma_wait3A_96 = tpu.memref_slice %arg4[%add3A_94] : memref<320000xi32, #tpu.memory_space<hbm>> -> memref<80xi32, #tpu.memory_space<hbm>>
    tpu.wait_dma2 semaphore(%arg34 : memref<!tpu.dma_semaphore, #tpu.memory_space<semaphore_mem>>) src(%dma_wait3A_96 : memref<80xi32, #tpu.memory_space<hbm>>) dst(%arg21 : memref<80xi32, #tpu.memory_space<vmem>>)
    %dma_start3A_97 = arith.constant 0 : i32
    %dma_start3A_98 = arith.constant 0 : i32
    %dma_start3A_99 = tpu.memref_slice %arg2[%dma_start3A_97, %dma_start3A_98] : memref<10240x128xf32, #tpu.memory_space<hbm>> -> memref<10240x128xf32, #tpu.memory_space<hbm>>
    tpu.enqueue_indirect_dma source(%dma_start3A_99 : memref<10240x128xf32, #tpu.memory_space<hbm>>) target(%arg9 : memref<80x128xf32, #tpu.memory_space<vmem>>) offsets(%arg13 : memref<80xi32, #tpu.memory_space<vmem>>) semaphore(%arg30 : memref<!tpu.dma_semaphore, #tpu.memory_space<semaphore_mem>>)
    %add3A_100 = arith.constant 240 : i32
    %add3A_101 = arith.addi %mul3A_2, %add3A_100 : i32
    %dma_wait3A_102 = tpu.memref_slice %arg3[%add3A_101] : memref<320000xi32, #tpu.memory_space<hbm>> -> memref<80xi32, #tpu.memory_space<hbm>>
    %dma_wait3A_103 = tpu.memref_slice %arg3[%add3A_101] : memref<320000xi32, #tpu.memory_space<hbm>> -> memref<80xi32, #tpu.memory_space<hbm>>
    tpu.wait_dma2 semaphore(%arg35 : memref<!tpu.dma_semaphore, #tpu.memory_space<semaphore_mem>>) src(%dma_wait3A_103 : memref<80xi32, #tpu.memory_space<hbm>>) dst(%arg14 : memref<80xi32, #tpu.memory_space<vmem>>)
    %add3A_104 = arith.constant 240 : i32
    %add3A_105 = arith.addi %mul3A_2, %add3A_104 : i32
    %dma_wait3A_106 = tpu.memref_slice %arg4[%add3A_105] : memref<320000xi32, #tpu.memory_space<hbm>> -> memref<80xi32, #tpu.memory_space<hbm>>
    %dma_wait3A_107 = tpu.memref_slice %arg4[%add3A_105] : memref<320000xi32, #tpu.memory_space<hbm>> -> memref<80xi32, #tpu.memory_space<hbm>>
    tpu.wait_dma2 semaphore(%arg35 : memref<!tpu.dma_semaphore, #tpu.memory_space<semaphore_mem>>) src(%dma_wait3A_107 : memref<80xi32, #tpu.memory_space<hbm>>) dst(%arg22 : memref<80xi32, #tpu.memory_space<vmem>>)
    %dma_start3A_108 = arith.constant 0 : i32
    %dma_start3A_109 = arith.constant 0 : i32
    %dma_start3A_110 = tpu.memref_slice %arg2[%dma_start3A_108, %dma_start3A_109] : memref<10240x128xf32, #tpu.memory_space<hbm>> -> memref<10240x128xf32, #tpu.memory_space<hbm>>
    tpu.enqueue_indirect_dma source(%dma_start3A_110 : memref<10240x128xf32, #tpu.memory_space<hbm>>) target(%arg10 : memref<80x128xf32, #tpu.memory_space<vmem>>) offsets(%arg14 : memref<80xi32, #tpu.memory_space<vmem>>) semaphore(%arg31 : memref<!tpu.dma_semaphore, #tpu.memory_space<semaphore_mem>>)
    %scan3A = arith.constant 0 : i32
    %scan3A_111 = arith.constant 0 : i32
    %scan3A_112 = arith.constant 15 : i32
    %scan3A_113 = arith.addi %scan3A_111, %scan3A_112 : i32
    %scan3A_114 = arith.constant 1 : i32
    scf.for %scan3A_147 = %scan3A_111 to %scan3A_113 step %scan3A_114  : i32 {
      %mul3A_148 = arith.constant 8 : i32
      %mul3A_149 = arith.muli %scan3A_147, %mul3A_148 : i32
      %add3A_150 = arith.constant 0 : i32
      %add3A_151 = arith.addi %mul3A_149, %add3A_150 : i32
      %dma_wait3A_152 = arith.constant 0 : i32
      %dma_wait3A_153 = arith.constant 0 : i32
      %dma_wait3A_154 = tpu.memref_slice %arg2[%dma_wait3A_152, %dma_wait3A_153] : memref<10240x128xf32, #tpu.memory_space<hbm>> -> memref<10240x128xf32, #tpu.memory_space<hbm>>
      tpu.wait_indirect_dma semaphore(%arg28 : memref<!tpu.dma_semaphore, #tpu.memory_space<semaphore_mem>>) src(%dma_wait3A_154 : memref<10240x128xf32, #tpu.memory_space<hbm>>) dst(%arg7 : memref<80x128xf32, #tpu.memory_space<vmem>>)
      "tpu.region"() ({
        %run_scoped3A = tpu.sem_alloc : memref<!tpu.dma_semaphore, #tpu.memory_space<semaphore_mem>>
        %dma_start3A_377 = arith.constant 0 : i32
        %dma_start3A_378 = arith.constant 0 : i32
        %dma_start3A_379 = tpu.memref_slice %arg27[%dma_start3A_377, %dma_start3A_378] : memref<10240x128xf32, #tpu.memory_space<vmem_shared>> -> memref<10240x128xf32, #tpu.memory_space<vmem_shared>>
        tpu.enqueue_indirect_dma source(%arg7 : memref<80x128xf32, #tpu.memory_space<vmem>>) target(%dma_start3A_379 : memref<10240x128xf32, #tpu.memory_space<vmem_shared>>) offsets(%arg19 : memref<80xi32, #tpu.memory_space<vmem>>) semaphore(%run_scoped3A : memref<!tpu.dma_semaphore, #tpu.memory_space<semaphore_mem>>) {add = true}
        %dma_wait3A_380 = arith.constant 0 : i32
        %dma_wait3A_381 = arith.constant 0 : i32
        %dma_wait3A_382 = tpu.memref_slice %arg27[%dma_wait3A_380, %dma_wait3A_381] : memref<10240x128xf32, #tpu.memory_space<vmem_shared>> -> memref<10240x128xf32, #tpu.memory_space<vmem_shared>>
        tpu.wait_indirect_dma semaphore(%run_scoped3A : memref<!tpu.dma_semaphore, #tpu.memory_space<semaphore_mem>>) src(%arg7 : memref<80x128xf32, #tpu.memory_space<vmem>>) dst(%dma_wait3A_382 : memref<10240x128xf32, #tpu.memory_space<vmem_shared>>)
        tpu.yield
      }) : () -> ()
      %add3A_155 = arith.constant 4 : i32
      %add3A_156 = arith.addi %add3A_151, %add3A_155 : i32
      %mul3A_157 = arith.constant 80 : i32
      %mul3A_158 = arith.muli %add3A_156, %mul3A_157 : i32
      %add3A_159 = arith.addi %mul3A_2, %mul3A_158 : i32
      %dma_wait3A_160 = tpu.memref_slice %arg3[%add3A_159] : memref<320000xi32, #tpu.memory_space<hbm>> -> memref<80xi32, #tpu.memory_space<hbm>>
      %dma_wait3A_161 = tpu.memref_slice %arg3[%add3A_159] : memref<320000xi32, #tpu.memory_space<hbm>> -> memref<80xi32, #tpu.memory_space<hbm>>
      tpu.wait_dma2 semaphore(%arg36 : memref<!tpu.dma_semaphore, #tpu.memory_space<semaphore_mem>>) src(%dma_wait3A_161 : memref<80xi32, #tpu.memory_space<hbm>>) dst(%arg15 : memref<80xi32, #tpu.memory_space<vmem>>)
      %mul3A_162 = arith.constant 80 : i32
      %mul3A_163 = arith.muli %add3A_156, %mul3A_162 : i32
      %add3A_164 = arith.addi %mul3A_2, %mul3A_163 : i32
      %dma_wait3A_165 = tpu.memref_slice %arg4[%add3A_164] : memref<320000xi32, #tpu.memory_space<hbm>> -> memref<80xi32, #tpu.memory_space<hbm>>
      %dma_wait3A_166 = tpu.memref_slice %arg4[%add3A_164] : memref<320000xi32, #tpu.memory_space<hbm>> -> memref<80xi32, #tpu.memory_space<hbm>>
      tpu.wait_dma2 semaphore(%arg36 : memref<!tpu.dma_semaphore, #tpu.memory_space<semaphore_mem>>) src(%dma_wait3A_166 : memref<80xi32, #tpu.memory_space<hbm>>) dst(%arg23 : memref<80xi32, #tpu.memory_space<vmem>>)
      %dma_start3A_167 = arith.constant 0 : i32
      %dma_start3A_168 = arith.constant 0 : i32
      %dma_start3A_169 = tpu.memref_slice %arg2[%dma_start3A_167, %dma_start3A_168] : memref<10240x128xf32, #tpu.memory_space<hbm>> -> memref<10240x128xf32, #tpu.memory_space<hbm>>
      tpu.enqueue_indirect_dma source(%dma_start3A_169 : memref<10240x128xf32, #tpu.memory_space<hbm>>) target(%arg7 : memref<80x128xf32, #tpu.memory_space<vmem>>) offsets(%arg15 : memref<80xi32, #tpu.memory_space<vmem>>) semaphore(%arg28 : memref<!tpu.dma_semaphore, #tpu.memory_space<semaphore_mem>>)
      %add3A_170 = arith.constant 8 : i32
      %add3A_171 = arith.addi %add3A_151, %add3A_170 : i32
      %lt3A = arith.constant 125 : i32
      %lt3A_172 = arith.cmpi slt, %add3A_171, %lt3A : i32
      %convert_element_type3A = arith.extui %lt3A_172 : i1 to i32
      %cond3A = arith.constant 0 : i32
      %cond3A_173 = arith.cmpi ne, %convert_element_type3A, %cond3A : i32
      scf.if %cond3A_173 {
        %mul3A_377 = arith.constant 80 : i32
        %mul3A_378 = arith.muli %add3A_171, %mul3A_377 : i32
        %add3A_379 = arith.addi %mul3A_2, %mul3A_378 : i32
        %dma_start3A_380 = tpu.memref_slice %arg3[%add3A_379] : memref<320000xi32, #tpu.memory_space<hbm>> -> memref<80xi32, #tpu.memory_space<hbm>>
        %dma_start3A_381 = tpu.memref_slice %arg3[%add3A_379] : memref<320000xi32, #tpu.memory_space<hbm>> -> memref<80xi32, #tpu.memory_space<hbm>>
        tpu.enqueue_dma source(%dma_start3A_381 : memref<80xi32, #tpu.memory_space<hbm>>) target(%arg11 : memref<80xi32, #tpu.memory_space<vmem>>) target_semaphore(%arg32 : memref<!tpu.dma_semaphore, #tpu.memory_space<semaphore_mem>>)
        %mul3A_382 = arith.constant 80 : i32
        %mul3A_383 = arith.muli %add3A_171, %mul3A_382 : i32
        %add3A_384 = arith.addi %mul3A_2, %mul3A_383 : i32
        %dma_start3A_385 = tpu.memref_slice %arg4[%add3A_384] : memref<320000xi32, #tpu.memory_space<hbm>> -> memref<80xi32, #tpu.memory_space<hbm>>
        %dma_start3A_386 = tpu.memref_slice %arg4[%add3A_384] : memref<320000xi32, #tpu.memory_space<hbm>> -> memref<80xi32, #tpu.memory_space<hbm>>
        tpu.enqueue_dma source(%dma_start3A_386 : memref<80xi32, #tpu.memory_space<hbm>>) target(%arg19 : memref<80xi32, #tpu.memory_space<vmem>>) target_semaphore(%arg32 : memref<!tpu.dma_semaphore, #tpu.memory_space<semaphore_mem>>)
      } else {
      }
      %mul3A_174 = arith.constant 8 : i32
      %mul3A_175 = arith.muli %scan3A_147, %mul3A_174 : i32
      %add3A_176 = arith.constant 1 : i32
      %add3A_177 = arith.addi %mul3A_175, %add3A_176 : i32
      %dma_wait3A_178 = arith.constant 0 : i32
      %dma_wait3A_179 = arith.constant 0 : i32
      %dma_wait3A_180 = tpu.memref_slice %arg2[%dma_wait3A_178, %dma_wait3A_179] : memref<10240x128xf32, #tpu.memory_space<hbm>> -> memref<10240x128xf32, #tpu.memory_space<hbm>>
      tpu.wait_indirect_dma semaphore(%arg29 : memref<!tpu.dma_semaphore, #tpu.memory_space<semaphore_mem>>) src(%dma_wait3A_180 : memref<10240x128xf32, #tpu.memory_space<hbm>>) dst(%arg8 : memref<80x128xf32, #tpu.memory_space<vmem>>)
      "tpu.region"() ({
        %run_scoped3A = tpu.sem_alloc : memref<!tpu.dma_semaphore, #tpu.memory_space<semaphore_mem>>
        %dma_start3A_377 = arith.constant 0 : i32
        %dma_start3A_378 = arith.constant 0 : i32
        %dma_start3A_379 = tpu.memref_slice %arg27[%dma_start3A_377, %dma_start3A_378] : memref<10240x128xf32, #tpu.memory_space<vmem_shared>> -> memref<10240x128xf32, #tpu.memory_space<vmem_shared>>
        tpu.enqueue_indirect_dma source(%arg8 : memref<80x128xf32, #tpu.memory_space<vmem>>) target(%dma_start3A_379 : memref<10240x128xf32, #tpu.memory_space<vmem_shared>>) offsets(%arg20 : memref<80xi32, #tpu.memory_space<vmem>>) semaphore(%run_scoped3A : memref<!tpu.dma_semaphore, #tpu.memory_space<semaphore_mem>>) {add = true}
        %dma_wait3A_380 = arith.constant 0 : i32
        %dma_wait3A_381 = arith.constant 0 : i32
        %dma_wait3A_382 = tpu.memref_slice %arg27[%dma_wait3A_380, %dma_wait3A_381] : memref<10240x128xf32, #tpu.memory_space<vmem_shared>> -> memref<10240x128xf32, #tpu.memory_space<vmem_shared>>
        tpu.wait_indirect_dma semaphore(%run_scoped3A : memref<!tpu.dma_semaphore, #tpu.memory_space<semaphore_mem>>) src(%arg8 : memref<80x128xf32, #tpu.memory_space<vmem>>) dst(%dma_wait3A_382 : memref<10240x128xf32, #tpu.memory_space<vmem_shared>>)
        tpu.yield
      }) : () -> ()
      %add3A_181 = arith.constant 4 : i32
      %add3A_182 = arith.addi %add3A_177, %add3A_181 : i32
      %mul3A_183 = arith.constant 80 : i32
      %mul3A_184 = arith.muli %add3A_182, %mul3A_183 : i32
      %add3A_185 = arith.addi %mul3A_2, %mul3A_184 : i32
      %dma_wait3A_186 = tpu.memref_slice %arg3[%add3A_185] : memref<320000xi32, #tpu.memory_space<hbm>> -> memref<80xi32, #tpu.memory_space<hbm>>
      %dma_wait3A_187 = tpu.memref_slice %arg3[%add3A_185] : memref<320000xi32, #tpu.memory_space<hbm>> -> memref<80xi32, #tpu.memory_space<hbm>>
      tpu.wait_dma2 semaphore(%arg37 : memref<!tpu.dma_semaphore, #tpu.memory_space<semaphore_mem>>) src(%dma_wait3A_187 : memref<80xi32, #tpu.memory_space<hbm>>) dst(%arg16 : memref<80xi32, #tpu.memory_space<vmem>>)
      %mul3A_188 = arith.constant 80 : i32
      %mul3A_189 = arith.muli %add3A_182, %mul3A_188 : i32
      %add3A_190 = arith.addi %mul3A_2, %mul3A_189 : i32
      %dma_wait3A_191 = tpu.memref_slice %arg4[%add3A_190] : memref<320000xi32, #tpu.memory_space<hbm>> -> memref<80xi32, #tpu.memory_space<hbm>>
      %dma_wait3A_192 = tpu.memref_slice %arg4[%add3A_190] : memref<320000xi32, #tpu.memory_space<hbm>> -> memref<80xi32, #tpu.memory_space<hbm>>
      tpu.wait_dma2 semaphore(%arg37 : memref<!tpu.dma_semaphore, #tpu.memory_space<semaphore_mem>>) src(%dma_wait3A_192 : memref<80xi32, #tpu.memory_space<hbm>>) dst(%arg24 : memref<80xi32, #tpu.memory_space<vmem>>)
      %dma_start3A_193 = arith.constant 0 : i32
      %dma_start3A_194 = arith.constant 0 : i32
      %dma_start3A_195 = tpu.memref_slice %arg2[%dma_start3A_193, %dma_start3A_194] : memref<10240x128xf32, #tpu.memory_space<hbm>> -> memref<10240x128xf32, #tpu.memory_space<hbm>>
      tpu.enqueue_indirect_dma source(%dma_start3A_195 : memref<10240x128xf32, #tpu.memory_space<hbm>>) target(%arg8 : memref<80x128xf32, #tpu.memory_space<vmem>>) offsets(%arg16 : memref<80xi32, #tpu.memory_space<vmem>>) semaphore(%arg29 : memref<!tpu.dma_semaphore, #tpu.memory_space<semaphore_mem>>)
      %add3A_196 = arith.constant 8 : i32
      %add3A_197 = arith.addi %add3A_177, %add3A_196 : i32
      %lt3A_198 = arith.constant 125 : i32
      %lt3A_199 = arith.cmpi slt, %add3A_197, %lt3A_198 : i32
      %convert_element_type3A_200 = arith.extui %lt3A_199 : i1 to i32
      %cond3A_201 = arith.constant 0 : i32
      %cond3A_202 = arith.cmpi ne, %convert_element_type3A_200, %cond3A_201 : i32
      scf.if %cond3A_202 {
        %mul3A_377 = arith.constant 80 : i32
        %mul3A_378 = arith.muli %add3A_197, %mul3A_377 : i32
        %add3A_379 = arith.addi %mul3A_2, %mul3A_378 : i32
        %dma_start3A_380 = tpu.memref_slice %arg3[%add3A_379] : memref<320000xi32, #tpu.memory_space<hbm>> -> memref<80xi32, #tpu.memory_space<hbm>>
        %dma_start3A_381 = tpu.memref_slice %arg3[%add3A_379] : memref<320000xi32, #tpu.memory_space<hbm>> -> memref<80xi32, #tpu.memory_space<hbm>>
        tpu.enqueue_dma source(%dma_start3A_381 : memref<80xi32, #tpu.memory_space<hbm>>) target(%arg12 : memref<80xi32, #tpu.memory_space<vmem>>) target_semaphore(%arg33 : memref<!tpu.dma_semaphore, #tpu.memory_space<semaphore_mem>>)
        %mul3A_382 = arith.constant 80 : i32
        %mul3A_383 = arith.muli %add3A_197, %mul3A_382 : i32
        %add3A_384 = arith.addi %mul3A_2, %mul3A_383 : i32
        %dma_start3A_385 = tpu.memref_slice %arg4[%add3A_384] : memref<320000xi32, #tpu.memory_space<hbm>> -> memref<80xi32, #tpu.memory_space<hbm>>
        %dma_start3A_386 = tpu.memref_slice %arg4[%add3A_384] : memref<320000xi32, #tpu.memory_space<hbm>> -> memref<80xi32, #tpu.memory_space<hbm>>
        tpu.enqueue_dma source(%dma_start3A_386 : memref<80xi32, #tpu.memory_space<hbm>>) target(%arg20 : memref<80xi32, #tpu.memory_space<vmem>>) target_semaphore(%arg33 : memref<!tpu.dma_semaphore, #tpu.memory_space<semaphore_mem>>)
      } else {
      }
      %mul3A_203 = arith.constant 8 : i32
      %mul3A_204 = arith.muli %scan3A_147, %mul3A_203 : i32
      %add3A_205 = arith.constant 2 : i32
      %add3A_206 = arith.addi %mul3A_204, %add3A_205 : i32
      %dma_wait3A_207 = arith.constant 0 : i32
      %dma_wait3A_208 = arith.constant 0 : i32
      %dma_wait3A_209 = tpu.memref_slice %arg2[%dma_wait3A_207, %dma_wait3A_208] : memref<10240x128xf32, #tpu.memory_space<hbm>> -> memref<10240x128xf32, #tpu.memory_space<hbm>>
      tpu.wait_indirect_dma semaphore(%arg30 : memref<!tpu.dma_semaphore, #tpu.memory_space<semaphore_mem>>) src(%dma_wait3A_209 : memref<10240x128xf32, #tpu.memory_space<hbm>>) dst(%arg9 : memref<80x128xf32, #tpu.memory_space<vmem>>)
      "tpu.region"() ({
        %run_scoped3A = tpu.sem_alloc : memref<!tpu.dma_semaphore, #tpu.memory_space<semaphore_mem>>
        %dma_start3A_377 = arith.constant 0 : i32
        %dma_start3A_378 = arith.constant 0 : i32
        %dma_start3A_379 = tpu.memref_slice %arg27[%dma_start3A_377, %dma_start3A_378] : memref<10240x128xf32, #tpu.memory_space<vmem_shared>> -> memref<10240x128xf32, #tpu.memory_space<vmem_shared>>
        tpu.enqueue_indirect_dma source(%arg9 : memref<80x128xf32, #tpu.memory_space<vmem>>) target(%dma_start3A_379 : memref<10240x128xf32, #tpu.memory_space<vmem_shared>>) offsets(%arg21 : memref<80xi32, #tpu.memory_space<vmem>>) semaphore(%run_scoped3A : memref<!tpu.dma_semaphore, #tpu.memory_space<semaphore_mem>>) {add = true}
        %dma_wait3A_380 = arith.constant 0 : i32
        %dma_wait3A_381 = arith.constant 0 : i32
        %dma_wait3A_382 = tpu.memref_slice %arg27[%dma_wait3A_380, %dma_wait3A_381] : memref<10240x128xf32, #tpu.memory_space<vmem_shared>> -> memref<10240x128xf32, #tpu.memory_space<vmem_shared>>
        tpu.wait_indirect_dma semaphore(%run_scoped3A : memref<!tpu.dma_semaphore, #tpu.memory_space<semaphore_mem>>) src(%arg9 : memref<80x128xf32, #tpu.memory_space<vmem>>) dst(%dma_wait3A_382 : memref<10240x128xf32, #tpu.memory_space<vmem_shared>>)
        tpu.yield
      }) : () -> ()
      %add3A_210 = arith.constant 4 : i32
      %add3A_211 = arith.addi %add3A_206, %add3A_210 : i32
      %mul3A_212 = arith.constant 80 : i32
      %mul3A_213 = arith.muli %add3A_211, %mul3A_212 : i32
      %add3A_214 = arith.addi %mul3A_2, %mul3A_213 : i32
      %dma_wait3A_215 = tpu.memref_slice %arg3[%add3A_214] : memref<320000xi32, #tpu.memory_space<hbm>> -> memref<80xi32, #tpu.memory_space<hbm>>
      %dma_wait3A_216 = tpu.memref_slice %arg3[%add3A_214] : memref<320000xi32, #tpu.memory_space<hbm>> -> memref<80xi32, #tpu.memory_space<hbm>>
      tpu.wait_dma2 semaphore(%arg38 : memref<!tpu.dma_semaphore, #tpu.memory_space<semaphore_mem>>) src(%dma_wait3A_216 : memref<80xi32, #tpu.memory_space<hbm>>) dst(%arg17 : memref<80xi32, #tpu.memory_space<vmem>>)
      %mul3A_217 = arith.constant 80 : i32
      %mul3A_218 = arith.muli %add3A_211, %mul3A_217 : i32
      %add3A_219 = arith.addi %mul3A_2, %mul3A_218 : i32
      %dma_wait3A_220 = tpu.memref_slice %arg4[%add3A_219] : memref<320000xi32, #tpu.memory_space<hbm>> -> memref<80xi32, #tpu.memory_space<hbm>>
      %dma_wait3A_221 = tpu.memref_slice %arg4[%add3A_219] : memref<320000xi32, #tpu.memory_space<hbm>> -> memref<80xi32, #tpu.memory_space<hbm>>
      tpu.wait_dma2 semaphore(%arg38 : memref<!tpu.dma_semaphore, #tpu.memory_space<semaphore_mem>>) src(%dma_wait3A_221 : memref<80xi32, #tpu.memory_space<hbm>>) dst(%arg25 : memref<80xi32, #tpu.memory_space<vmem>>)
      %dma_start3A_222 = arith.constant 0 : i32
      %dma_start3A_223 = arith.constant 0 : i32
      %dma_start3A_224 = tpu.memref_slice %arg2[%dma_start3A_222, %dma_start3A_223] : memref<10240x128xf32, #tpu.memory_space<hbm>> -> memref<10240x128xf32, #tpu.memory_space<hbm>>
      tpu.enqueue_indirect_dma source(%dma_start3A_224 : memref<10240x128xf32, #tpu.memory_space<hbm>>) target(%arg9 : memref<80x128xf32, #tpu.memory_space<vmem>>) offsets(%arg17 : memref<80xi32, #tpu.memory_space<vmem>>) semaphore(%arg30 : memref<!tpu.dma_semaphore, #tpu.memory_space<semaphore_mem>>)
      %add3A_225 = arith.constant 8 : i32
      %add3A_226 = arith.addi %add3A_206, %add3A_225 : i32
      %lt3A_227 = arith.constant 125 : i32
      %lt3A_228 = arith.cmpi slt, %add3A_226, %lt3A_227 : i32
      %convert_element_type3A_229 = arith.extui %lt3A_228 : i1 to i32
      %cond3A_230 = arith.constant 0 : i32
      %cond3A_231 = arith.cmpi ne, %convert_element_type3A_229, %cond3A_230 : i32
      scf.if %cond3A_231 {
        %mul3A_377 = arith.constant 80 : i32
        %mul3A_378 = arith.muli %add3A_226, %mul3A_377 : i32
        %add3A_379 = arith.addi %mul3A_2, %mul3A_378 : i32
        %dma_start3A_380 = tpu.memref_slice %arg3[%add3A_379] : memref<320000xi32, #tpu.memory_space<hbm>> -> memref<80xi32, #tpu.memory_space<hbm>>
        %dma_start3A_381 = tpu.memref_slice %arg3[%add3A_379] : memref<320000xi32, #tpu.memory_space<hbm>> -> memref<80xi32, #tpu.memory_space<hbm>>
        tpu.enqueue_dma source(%dma_start3A_381 : memref<80xi32, #tpu.memory_space<hbm>>) target(%arg13 : memref<80xi32, #tpu.memory_space<vmem>>) target_semaphore(%arg34 : memref<!tpu.dma_semaphore, #tpu.memory_space<semaphore_mem>>)
        %mul3A_382 = arith.constant 80 : i32
        %mul3A_383 = arith.muli %add3A_226, %mul3A_382 : i32
        %add3A_384 = arith.addi %mul3A_2, %mul3A_383 : i32
        %dma_start3A_385 = tpu.memref_slice %arg4[%add3A_384] : memref<320000xi32, #tpu.memory_space<hbm>> -> memref<80xi32, #tpu.memory_space<hbm>>
        %dma_start3A_386 = tpu.memref_slice %arg4[%add3A_384] : memref<320000xi32, #tpu.memory_space<hbm>> -> memref<80xi32, #tpu.memory_space<hbm>>
        tpu.enqueue_dma source(%dma_start3A_386 : memref<80xi32, #tpu.memory_space<hbm>>) target(%arg21 : memref<80xi32, #tpu.memory_space<vmem>>) target_semaphore(%arg34 : memref<!tpu.dma_semaphore, #tpu.memory_space<semaphore_mem>>)
      } else {
      }
      %mul3A_232 = arith.constant 8 : i32
      %mul3A_233 = arith.muli %scan3A_147, %mul3A_232 : i32
      %add3A_234 = arith.constant 3 : i32
      %add3A_235 = arith.addi %mul3A_233, %add3A_234 : i32
      %dma_wait3A_236 = arith.constant 0 : i32
      %dma_wait3A_237 = arith.constant 0 : i32
      %dma_wait3A_238 = tpu.memref_slice %arg2[%dma_wait3A_236, %dma_wait3A_237] : memref<10240x128xf32, #tpu.memory_space<hbm>> -> memref<10240x128xf32, #tpu.memory_space<hbm>>
      tpu.wait_indirect_dma semaphore(%arg31 : memref<!tpu.dma_semaphore, #tpu.memory_space<semaphore_mem>>) src(%dma_wait3A_238 : memref<10240x128xf32, #tpu.memory_space<hbm>>) dst(%arg10 : memref<80x128xf32, #tpu.memory_space<vmem>>)
      "tpu.region"() ({
        %run_scoped3A = tpu.sem_alloc : memref<!tpu.dma_semaphore, #tpu.memory_space<semaphore_mem>>
        %dma_start3A_377 = arith.constant 0 : i32
        %dma_start3A_378 = arith.constant 0 : i32
        %dma_start3A_379 = tpu.memref_slice %arg27[%dma_start3A_377, %dma_start3A_378] : memref<10240x128xf32, #tpu.memory_space<vmem_shared>> -> memref<10240x128xf32, #tpu.memory_space<vmem_shared>>
        tpu.enqueue_indirect_dma source(%arg10 : memref<80x128xf32, #tpu.memory_space<vmem>>) target(%dma_start3A_379 : memref<10240x128xf32, #tpu.memory_space<vmem_shared>>) offsets(%arg22 : memref<80xi32, #tpu.memory_space<vmem>>) semaphore(%run_scoped3A : memref<!tpu.dma_semaphore, #tpu.memory_space<semaphore_mem>>) {add = true}
        %dma_wait3A_380 = arith.constant 0 : i32
        %dma_wait3A_381 = arith.constant 0 : i32
        %dma_wait3A_382 = tpu.memref_slice %arg27[%dma_wait3A_380, %dma_wait3A_381] : memref<10240x128xf32, #tpu.memory_space<vmem_shared>> -> memref<10240x128xf32, #tpu.memory_space<vmem_shared>>
        tpu.wait_indirect_dma semaphore(%run_scoped3A : memref<!tpu.dma_semaphore, #tpu.memory_space<semaphore_mem>>) src(%arg10 : memref<80x128xf32, #tpu.memory_space<vmem>>) dst(%dma_wait3A_382 : memref<10240x128xf32, #tpu.memory_space<vmem_shared>>)
        tpu.yield
      }) : () -> ()
      %add3A_239 = arith.constant 4 : i32
      %add3A_240 = arith.addi %add3A_235, %add3A_239 : i32
      %mul3A_241 = arith.constant 80 : i32
      %mul3A_242 = arith.muli %add3A_240, %mul3A_241 : i32
      %add3A_243 = arith.addi %mul3A_2, %mul3A_242 : i32
      %dma_wait3A_244 = tpu.memref_slice %arg3[%add3A_243] : memref<320000xi32, #tpu.memory_space<hbm>> -> memref<80xi32, #tpu.memory_space<hbm>>
      %dma_wait3A_245 = tpu.memref_slice %arg3[%add3A_243] : memref<320000xi32, #tpu.memory_space<hbm>> -> memref<80xi32, #tpu.memory_space<hbm>>
      tpu.wait_dma2 semaphore(%arg39 : memref<!tpu.dma_semaphore, #tpu.memory_space<semaphore_mem>>) src(%dma_wait3A_245 : memref<80xi32, #tpu.memory_space<hbm>>) dst(%arg18 : memref<80xi32, #tpu.memory_space<vmem>>)
      %mul3A_246 = arith.constant 80 : i32
      %mul3A_247 = arith.muli %add3A_240, %mul3A_246 : i32
      %add3A_248 = arith.addi %mul3A_2, %mul3A_247 : i32
      %dma_wait3A_249 = tpu.memref_slice %arg4[%add3A_248] : memref<320000xi32, #tpu.memory_space<hbm>> -> memref<80xi32, #tpu.memory_space<hbm>>
      %dma_wait3A_250 = tpu.memref_slice %arg4[%add3A_248] : memref<320000xi32, #tpu.memory_space<hbm>> -> memref<80xi32, #tpu.memory_space<hbm>>
      tpu.wait_dma2 semaphore(%arg39 : memref<!tpu.dma_semaphore, #tpu.memory_space<semaphore_mem>>) src(%dma_wait3A_250 : memref<80xi32, #tpu.memory_space<hbm>>) dst(%arg26 : memref<80xi32, #tpu.memory_space<vmem>>)
      %dma_start3A_251 = arith.constant 0 : i32
      %dma_start3A_252 = arith.constant 0 : i32
      %dma_start3A_253 = tpu.memref_slice %arg2[%dma_start3A_251, %dma_start3A_252] : memref<10240x128xf32, #tpu.memory_space<hbm>> -> memref<10240x128xf32, #tpu.memory_space<hbm>>
      tpu.enqueue_indirect_dma source(%dma_start3A_253 : memref<10240x128xf32, #tpu.memory_space<hbm>>) target(%arg10 : memref<80x128xf32, #tpu.memory_space<vmem>>) offsets(%arg18 : memref<80xi32, #tpu.memory_space<vmem>>) semaphore(%arg31 : memref<!tpu.dma_semaphore, #tpu.memory_space<semaphore_mem>>)
      %add3A_254 = arith.constant 8 : i32
      %add3A_255 = arith.addi %add3A_235, %add3A_254 : i32
      %lt3A_256 = arith.constant 125 : i32
      %lt3A_257 = arith.cmpi slt, %add3A_255, %lt3A_256 : i32
      %convert_element_type3A_258 = arith.extui %lt3A_257 : i1 to i32
      %cond3A_259 = arith.constant 0 : i32
      %cond3A_260 = arith.cmpi ne, %convert_element_type3A_258, %cond3A_259 : i32
      scf.if %cond3A_260 {
        %mul3A_377 = arith.constant 80 : i32
        %mul3A_378 = arith.muli %add3A_255, %mul3A_377 : i32
        %add3A_379 = arith.addi %mul3A_2, %mul3A_378 : i32
        %dma_start3A_380 = tpu.memref_slice %arg3[%add3A_379] : memref<320000xi32, #tpu.memory_space<hbm>> -> memref<80xi32, #tpu.memory_space<hbm>>
        %dma_start3A_381 = tpu.memref_slice %arg3[%add3A_379] : memref<320000xi32, #tpu.memory_space<hbm>> -> memref<80xi32, #tpu.memory_space<hbm>>
        tpu.enqueue_dma source(%dma_start3A_381 : memref<80xi32, #tpu.memory_space<hbm>>) target(%arg14 : memref<80xi32, #tpu.memory_space<vmem>>) target_semaphore(%arg35 : memref<!tpu.dma_semaphore, #tpu.memory_space<semaphore_mem>>)
        %mul3A_382 = arith.constant 80 : i32
        %mul3A_383 = arith.muli %add3A_255, %mul3A_382 : i32
        %add3A_384 = arith.addi %mul3A_2, %mul3A_383 : i32
        %dma_start3A_385 = tpu.memref_slice %arg4[%add3A_384] : memref<320000xi32, #tpu.memory_space<hbm>> -> memref<80xi32, #tpu.memory_space<hbm>>
        %dma_start3A_386 = tpu.memref_slice %arg4[%add3A_384] : memref<320000xi32, #tpu.memory_space<hbm>> -> memref<80xi32, #tpu.memory_space<hbm>>
        tpu.enqueue_dma source(%dma_start3A_386 : memref<80xi32, #tpu.memory_space<hbm>>) target(%arg22 : memref<80xi32, #tpu.memory_space<vmem>>) target_semaphore(%arg35 : memref<!tpu.dma_semaphore, #tpu.memory_space<semaphore_mem>>)
      } else {
      }
      %mul3A_261 = arith.constant 8 : i32
      %mul3A_262 = arith.muli %scan3A_147, %mul3A_261 : i32
      %add3A_263 = arith.constant 4 : i32
      %add3A_264 = arith.addi %mul3A_262, %add3A_263 : i32
      %dma_wait3A_265 = arith.constant 0 : i32
      %dma_wait3A_266 = arith.constant 0 : i32
      %dma_wait3A_267 = tpu.memref_slice %arg2[%dma_wait3A_265, %dma_wait3A_266] : memref<10240x128xf32, #tpu.memory_space<hbm>> -> memref<10240x128xf32, #tpu.memory_space<hbm>>
      tpu.wait_indirect_dma semaphore(%arg28 : memref<!tpu.dma_semaphore, #tpu.memory_space<semaphore_mem>>) src(%dma_wait3A_267 : memref<10240x128xf32, #tpu.memory_space<hbm>>) dst(%arg7 : memref<80x128xf32, #tpu.memory_space<vmem>>)
      "tpu.region"() ({
        %run_scoped3A = tpu.sem_alloc : memref<!tpu.dma_semaphore, #tpu.memory_space<semaphore_mem>>
        %dma_start3A_377 = arith.constant 0 : i32
        %dma_start3A_378 = arith.constant 0 : i32
        %dma_start3A_379 = tpu.memref_slice %arg27[%dma_start3A_377, %dma_start3A_378] : memref<10240x128xf32, #tpu.memory_space<vmem_shared>> -> memref<10240x128xf32, #tpu.memory_space<vmem_shared>>
        tpu.enqueue_indirect_dma source(%arg7 : memref<80x128xf32, #tpu.memory_space<vmem>>) target(%dma_start3A_379 : memref<10240x128xf32, #tpu.memory_space<vmem_shared>>) offsets(%arg23 : memref<80xi32, #tpu.memory_space<vmem>>) semaphore(%run_scoped3A : memref<!tpu.dma_semaphore, #tpu.memory_space<semaphore_mem>>) {add = true}
        %dma_wait3A_380 = arith.constant 0 : i32
        %dma_wait3A_381 = arith.constant 0 : i32
        %dma_wait3A_382 = tpu.memref_slice %arg27[%dma_wait3A_380, %dma_wait3A_381] : memref<10240x128xf32, #tpu.memory_space<vmem_shared>> -> memref<10240x128xf32, #tpu.memory_space<vmem_shared>>
        tpu.wait_indirect_dma semaphore(%run_scoped3A : memref<!tpu.dma_semaphore, #tpu.memory_space<semaphore_mem>>) src(%arg7 : memref<80x128xf32, #tpu.memory_space<vmem>>) dst(%dma_wait3A_382 : memref<10240x128xf32, #tpu.memory_space<vmem_shared>>)
        tpu.yield
      }) : () -> ()
      %add3A_268 = arith.constant 4 : i32
      %add3A_269 = arith.addi %add3A_264, %add3A_268 : i32
      %mul3A_270 = arith.constant 80 : i32
      %mul3A_271 = arith.muli %add3A_269, %mul3A_270 : i32
      %add3A_272 = arith.addi %mul3A_2, %mul3A_271 : i32
      %dma_wait3A_273 = tpu.memref_slice %arg3[%add3A_272] : memref<320000xi32, #tpu.memory_space<hbm>> -> memref<80xi32, #tpu.memory_space<hbm>>
      %dma_wait3A_274 = tpu.memref_slice %arg3[%add3A_272] : memref<320000xi32, #tpu.memory_space<hbm>> -> memref<80xi32, #tpu.memory_space<hbm>>
      tpu.wait_dma2 semaphore(%arg32 : memref<!tpu.dma_semaphore, #tpu.memory_space<semaphore_mem>>) src(%dma_wait3A_274 : memref<80xi32, #tpu.memory_space<hbm>>) dst(%arg11 : memref<80xi32, #tpu.memory_space<vmem>>)
      %mul3A_275 = arith.constant 80 : i32
      %mul3A_276 = arith.muli %add3A_269, %mul3A_275 : i32
      %add3A_277 = arith.addi %mul3A_2, %mul3A_276 : i32
      %dma_wait3A_278 = tpu.memref_slice %arg4[%add3A_277] : memref<320000xi32, #tpu.memory_space<hbm>> -> memref<80xi32, #tpu.memory_space<hbm>>
      %dma_wait3A_279 = tpu.memref_slice %arg4[%add3A_277] : memref<320000xi32, #tpu.memory_space<hbm>> -> memref<80xi32, #tpu.memory_space<hbm>>
      tpu.wait_dma2 semaphore(%arg32 : memref<!tpu.dma_semaphore, #tpu.memory_space<semaphore_mem>>) src(%dma_wait3A_279 : memref<80xi32, #tpu.memory_space<hbm>>) dst(%arg19 : memref<80xi32, #tpu.memory_space<vmem>>)
      %dma_start3A_280 = arith.constant 0 : i32
      %dma_start3A_281 = arith.constant 0 : i32
      %dma_start3A_282 = tpu.memref_slice %arg2[%dma_start3A_280, %dma_start3A_281] : memref<10240x128xf32, #tpu.memory_space<hbm>> -> memref<10240x128xf32, #tpu.memory_space<hbm>>
      tpu.enqueue_indirect_dma source(%dma_start3A_282 : memref<10240x128xf32, #tpu.memory_space<hbm>>) target(%arg7 : memref<80x128xf32, #tpu.memory_space<vmem>>) offsets(%arg11 : memref<80xi32, #tpu.memory_space<vmem>>) semaphore(%arg28 : memref<!tpu.dma_semaphore, #tpu.memory_space<semaphore_mem>>)
      %add3A_283 = arith.constant 8 : i32
      %add3A_284 = arith.addi %add3A_264, %add3A_283 : i32
      %lt3A_285 = arith.constant 125 : i32
      %lt3A_286 = arith.cmpi slt, %add3A_284, %lt3A_285 : i32
      %convert_element_type3A_287 = arith.extui %lt3A_286 : i1 to i32
      %cond3A_288 = arith.constant 0 : i32
      %cond3A_289 = arith.cmpi ne, %convert_element_type3A_287, %cond3A_288 : i32
      scf.if %cond3A_289 {
        %mul3A_377 = arith.constant 80 : i32
        %mul3A_378 = arith.muli %add3A_284, %mul3A_377 : i32
        %add3A_379 = arith.addi %mul3A_2, %mul3A_378 : i32
        %dma_start3A_380 = tpu.memref_slice %arg3[%add3A_379] : memref<320000xi32, #tpu.memory_space<hbm>> -> memref<80xi32, #tpu.memory_space<hbm>>
        %dma_start3A_381 = tpu.memref_slice %arg3[%add3A_379] : memref<320000xi32, #tpu.memory_space<hbm>> -> memref<80xi32, #tpu.memory_space<hbm>>
        tpu.enqueue_dma source(%dma_start3A_381 : memref<80xi32, #tpu.memory_space<hbm>>) target(%arg15 : memref<80xi32, #tpu.memory_space<vmem>>) target_semaphore(%arg36 : memref<!tpu.dma_semaphore, #tpu.memory_space<semaphore_mem>>)
        %mul3A_382 = arith.constant 80 : i32
        %mul3A_383 = arith.muli %add3A_284, %mul3A_382 : i32
        %add3A_384 = arith.addi %mul3A_2, %mul3A_383 : i32
        %dma_start3A_385 = tpu.memref_slice %arg4[%add3A_384] : memref<320000xi32, #tpu.memory_space<hbm>> -> memref<80xi32, #tpu.memory_space<hbm>>
        %dma_start3A_386 = tpu.memref_slice %arg4[%add3A_384] : memref<320000xi32, #tpu.memory_space<hbm>> -> memref<80xi32, #tpu.memory_space<hbm>>
        tpu.enqueue_dma source(%dma_start3A_386 : memref<80xi32, #tpu.memory_space<hbm>>) target(%arg23 : memref<80xi32, #tpu.memory_space<vmem>>) target_semaphore(%arg36 : memref<!tpu.dma_semaphore, #tpu.memory_space<semaphore_mem>>)
      } else {
      }
      %mul3A_290 = arith.constant 8 : i32
      %mul3A_291 = arith.muli %scan3A_147, %mul3A_290 : i32
      %add3A_292 = arith.constant 5 : i32
      %add3A_293 = arith.addi %mul3A_291, %add3A_292 : i32
      %dma_wait3A_294 = arith.constant 0 : i32
      %dma_wait3A_295 = arith.constant 0 : i32
      %dma_wait3A_296 = tpu.memref_slice %arg2[%dma_wait3A_294, %dma_wait3A_295] : memref<10240x128xf32, #tpu.memory_space<hbm>> -> memref<10240x128xf32, #tpu.memory_space<hbm>>
      tpu.wait_indirect_dma semaphore(%arg29 : memref<!tpu.dma_semaphore, #tpu.memory_space<semaphore_mem>>) src(%dma_wait3A_296 : memref<10240x128xf32, #tpu.memory_space<hbm>>) dst(%arg8 : memref<80x128xf32, #tpu.memory_space<vmem>>)
      "tpu.region"() ({
        %run_scoped3A = tpu.sem_alloc : memref<!tpu.dma_semaphore, #tpu.memory_space<semaphore_mem>>
        %dma_start3A_377 = arith.constant 0 : i32
        %dma_start3A_378 = arith.constant 0 : i32
        %dma_start3A_379 = tpu.memref_slice %arg27[%dma_start3A_377, %dma_start3A_378] : memref<10240x128xf32, #tpu.memory_space<vmem_shared>> -> memref<10240x128xf32, #tpu.memory_space<vmem_shared>>
        tpu.enqueue_indirect_dma source(%arg8 : memref<80x128xf32, #tpu.memory_space<vmem>>) target(%dma_start3A_379 : memref<10240x128xf32, #tpu.memory_space<vmem_shared>>) offsets(%arg24 : memref<80xi32, #tpu.memory_space<vmem>>) semaphore(%run_scoped3A : memref<!tpu.dma_semaphore, #tpu.memory_space<semaphore_mem>>) {add = true}
        %dma_wait3A_380 = arith.constant 0 : i32
        %dma_wait3A_381 = arith.constant 0 : i32
        %dma_wait3A_382 = tpu.memref_slice %arg27[%dma_wait3A_380, %dma_wait3A_381] : memref<10240x128xf32, #tpu.memory_space<vmem_shared>> -> memref<10240x128xf32, #tpu.memory_space<vmem_shared>>
        tpu.wait_indirect_dma semaphore(%run_scoped3A : memref<!tpu.dma_semaphore, #tpu.memory_space<semaphore_mem>>) src(%arg8 : memref<80x128xf32, #tpu.memory_space<vmem>>) dst(%dma_wait3A_382 : memref<10240x128xf32, #tpu.memory_space<vmem_shared>>)
        tpu.yield
      }) : () -> ()
      %add3A_297 = arith.constant 4 : i32
      %add3A_298 = arith.addi %add3A_293, %add3A_297 : i32
      %mul3A_299 = arith.constant 80 : i32
      %mul3A_300 = arith.muli %add3A_298, %mul3A_299 : i32
      %add3A_301 = arith.addi %mul3A_2, %mul3A_300 : i32
      %dma_wait3A_302 = tpu.memref_slice %arg3[%add3A_301] : memref<320000xi32, #tpu.memory_space<hbm>> -> memref<80xi32, #tpu.memory_space<hbm>>
      %dma_wait3A_303 = tpu.memref_slice %arg3[%add3A_301] : memref<320000xi32, #tpu.memory_space<hbm>> -> memref<80xi32, #tpu.memory_space<hbm>>
      tpu.wait_dma2 semaphore(%arg33 : memref<!tpu.dma_semaphore, #tpu.memory_space<semaphore_mem>>) src(%dma_wait3A_303 : memref<80xi32, #tpu.memory_space<hbm>>) dst(%arg12 : memref<80xi32, #tpu.memory_space<vmem>>)
      %mul3A_304 = arith.constant 80 : i32
      %mul3A_305 = arith.muli %add3A_298, %mul3A_304 : i32
      %add3A_306 = arith.addi %mul3A_2, %mul3A_305 : i32
      %dma_wait3A_307 = tpu.memref_slice %arg4[%add3A_306] : memref<320000xi32, #tpu.memory_space<hbm>> -> memref<80xi32, #tpu.memory_space<hbm>>
      %dma_wait3A_308 = tpu.memref_slice %arg4[%add3A_306] : memref<320000xi32, #tpu.memory_space<hbm>> -> memref<80xi32, #tpu.memory_space<hbm>>
      tpu.wait_dma2 semaphore(%arg33 : memref<!tpu.dma_semaphore, #tpu.memory_space<semaphore_mem>>) src(%dma_wait3A_308 : memref<80xi32, #tpu.memory_space<hbm>>) dst(%arg20 : memref<80xi32, #tpu.memory_space<vmem>>)
      %dma_start3A_309 = arith.constant 0 : i32
      %dma_start3A_310 = arith.constant 0 : i32
      %dma_start3A_311 = tpu.memref_slice %arg2[%dma_start3A_309, %dma_start3A_310] : memref<10240x128xf32, #tpu.memory_space<hbm>> -> memref<10240x128xf32, #tpu.memory_space<hbm>>
      tpu.enqueue_indirect_dma source(%dma_start3A_311 : memref<10240x128xf32, #tpu.memory_space<hbm>>) target(%arg8 : memref<80x128xf32, #tpu.memory_space<vmem>>) offsets(%arg12 : memref<80xi32, #tpu.memory_space<vmem>>) semaphore(%arg29 : memref<!tpu.dma_semaphore, #tpu.memory_space<semaphore_mem>>)
      %add3A_312 = arith.constant 8 : i32
      %add3A_313 = arith.addi %add3A_293, %add3A_312 : i32
      %lt3A_314 = arith.constant 125 : i32
      %lt3A_315 = arith.cmpi slt, %add3A_313, %lt3A_314 : i32
      %convert_element_type3A_316 = arith.extui %lt3A_315 : i1 to i32
      %cond3A_317 = arith.constant 0 : i32
      %cond3A_318 = arith.cmpi ne, %convert_element_type3A_316, %cond3A_317 : i32
      scf.if %cond3A_318 {
        %mul3A_377 = arith.constant 80 : i32
        %mul3A_378 = arith.muli %add3A_313, %mul3A_377 : i32
        %add3A_379 = arith.addi %mul3A_2, %mul3A_378 : i32
        %dma_start3A_380 = tpu.memref_slice %arg3[%add3A_379] : memref<320000xi32, #tpu.memory_space<hbm>> -> memref<80xi32, #tpu.memory_space<hbm>>
        %dma_start3A_381 = tpu.memref_slice %arg3[%add3A_379] : memref<320000xi32, #tpu.memory_space<hbm>> -> memref<80xi32, #tpu.memory_space<hbm>>
        tpu.enqueue_dma source(%dma_start3A_381 : memref<80xi32, #tpu.memory_space<hbm>>) target(%arg16 : memref<80xi32, #tpu.memory_space<vmem>>) target_semaphore(%arg37 : memref<!tpu.dma_semaphore, #tpu.memory_space<semaphore_mem>>)
        %mul3A_382 = arith.constant 80 : i32
        %mul3A_383 = arith.muli %add3A_313, %mul3A_382 : i32
        %add3A_384 = arith.addi %mul3A_2, %mul3A_383 : i32
        %dma_start3A_385 = tpu.memref_slice %arg4[%add3A_384] : memref<320000xi32, #tpu.memory_space<hbm>> -> memref<80xi32, #tpu.memory_space<hbm>>
        %dma_start3A_386 = tpu.memref_slice %arg4[%add3A_384] : memref<320000xi32, #tpu.memory_space<hbm>> -> memref<80xi32, #tpu.memory_space<hbm>>
        tpu.enqueue_dma source(%dma_start3A_386 : memref<80xi32, #tpu.memory_space<hbm>>) target(%arg24 : memref<80xi32, #tpu.memory_space<vmem>>) target_semaphore(%arg37 : memref<!tpu.dma_semaphore, #tpu.memory_space<semaphore_mem>>)
      } else {
      }
      %mul3A_319 = arith.constant 8 : i32
      %mul3A_320 = arith.muli %scan3A_147, %mul3A_319 : i32
      %add3A_321 = arith.constant 6 : i32
      %add3A_322 = arith.addi %mul3A_320, %add3A_321 : i32
      %dma_wait3A_323 = arith.constant 0 : i32
      %dma_wait3A_324 = arith.constant 0 : i32
      %dma_wait3A_325 = tpu.memref_slice %arg2[%dma_wait3A_323, %dma_wait3A_324] : memref<10240x128xf32, #tpu.memory_space<hbm>> -> memref<10240x128xf32, #tpu.memory_space<hbm>>
      tpu.wait_indirect_dma semaphore(%arg30 : memref<!tpu.dma_semaphore, #tpu.memory_space<semaphore_mem>>) src(%dma_wait3A_325 : memref<10240x128xf32, #tpu.memory_space<hbm>>) dst(%arg9 : memref<80x128xf32, #tpu.memory_space<vmem>>)
      "tpu.region"() ({
        %run_scoped3A = tpu.sem_alloc : memref<!tpu.dma_semaphore, #tpu.memory_space<semaphore_mem>>
        %dma_start3A_377 = arith.constant 0 : i32
        %dma_start3A_378 = arith.constant 0 : i32
        %dma_start3A_379 = tpu.memref_slice %arg27[%dma_start3A_377, %dma_start3A_378] : memref<10240x128xf32, #tpu.memory_space<vmem_shared>> -> memref<10240x128xf32, #tpu.memory_space<vmem_shared>>
        tpu.enqueue_indirect_dma source(%arg9 : memref<80x128xf32, #tpu.memory_space<vmem>>) target(%dma_start3A_379 : memref<10240x128xf32, #tpu.memory_space<vmem_shared>>) offsets(%arg25 : memref<80xi32, #tpu.memory_space<vmem>>) semaphore(%run_scoped3A : memref<!tpu.dma_semaphore, #tpu.memory_space<semaphore_mem>>) {add = true}
        %dma_wait3A_380 = arith.constant 0 : i32
        %dma_wait3A_381 = arith.constant 0 : i32
        %dma_wait3A_382 = tpu.memref_slice %arg27[%dma_wait3A_380, %dma_wait3A_381] : memref<10240x128xf32, #tpu.memory_space<vmem_shared>> -> memref<10240x128xf32, #tpu.memory_space<vmem_shared>>
        tpu.wait_indirect_dma semaphore(%run_scoped3A : memref<!tpu.dma_semaphore, #tpu.memory_space<semaphore_mem>>) src(%arg9 : memref<80x128xf32, #tpu.memory_space<vmem>>) dst(%dma_wait3A_382 : memref<10240x128xf32, #tpu.memory_space<vmem_shared>>)
        tpu.yield
      }) : () -> ()
      %add3A_326 = arith.constant 4 : i32
      %add3A_327 = arith.addi %add3A_322, %add3A_326 : i32
      %mul3A_328 = arith.constant 80 : i32
      %mul3A_329 = arith.muli %add3A_327, %mul3A_328 : i32
      %add3A_330 = arith.addi %mul3A_2, %mul3A_329 : i32
      %dma_wait3A_331 = tpu.memref_slice %arg3[%add3A_330] : memref<320000xi32, #tpu.memory_space<hbm>> -> memref<80xi32, #tpu.memory_space<hbm>>
      %dma_wait3A_332 = tpu.memref_slice %arg3[%add3A_330] : memref<320000xi32, #tpu.memory_space<hbm>> -> memref<80xi32, #tpu.memory_space<hbm>>
      tpu.wait_dma2 semaphore(%arg34 : memref<!tpu.dma_semaphore, #tpu.memory_space<semaphore_mem>>) src(%dma_wait3A_332 : memref<80xi32, #tpu.memory_space<hbm>>) dst(%arg13 : memref<80xi32, #tpu.memory_space<vmem>>)
      %mul3A_333 = arith.constant 80 : i32
      %mul3A_334 = arith.muli %add3A_327, %mul3A_333 : i32
      %add3A_335 = arith.addi %mul3A_2, %mul3A_334 : i32
      %dma_wait3A_336 = tpu.memref_slice %arg4[%add3A_335] : memref<320000xi32, #tpu.memory_space<hbm>> -> memref<80xi32, #tpu.memory_space<hbm>>
      %dma_wait3A_337 = tpu.memref_slice %arg4[%add3A_335] : memref<320000xi32, #tpu.memory_space<hbm>> -> memref<80xi32, #tpu.memory_space<hbm>>
      tpu.wait_dma2 semaphore(%arg34 : memref<!tpu.dma_semaphore, #tpu.memory_space<semaphore_mem>>) src(%dma_wait3A_337 : memref<80xi32, #tpu.memory_space<hbm>>) dst(%arg21 : memref<80xi32, #tpu.memory_space<vmem>>)
      %dma_start3A_338 = arith.constant 0 : i32
      %dma_start3A_339 = arith.constant 0 : i32
      %dma_start3A_340 = tpu.memref_slice %arg2[%dma_start3A_338, %dma_start3A_339] : memref<10240x128xf32, #tpu.memory_space<hbm>> -> memref<10240x128xf32, #tpu.memory_space<hbm>>
      tpu.enqueue_indirect_dma source(%dma_start3A_340 : memref<10240x128xf32, #tpu.memory_space<hbm>>) target(%arg9 : memref<80x128xf32, #tpu.memory_space<vmem>>) offsets(%arg13 : memref<80xi32, #tpu.memory_space<vmem>>) semaphore(%arg30 : memref<!tpu.dma_semaphore, #tpu.memory_space<semaphore_mem>>)
      %add3A_341 = arith.constant 8 : i32
      %add3A_342 = arith.addi %add3A_322, %add3A_341 : i32
      %lt3A_343 = arith.constant 125 : i32
      %lt3A_344 = arith.cmpi slt, %add3A_342, %lt3A_343 : i32
      %convert_element_type3A_345 = arith.extui %lt3A_344 : i1 to i32
      %cond3A_346 = arith.constant 0 : i32
      %cond3A_347 = arith.cmpi ne, %convert_element_type3A_345, %cond3A_346 : i32
      scf.if %cond3A_347 {
        %mul3A_377 = arith.constant 80 : i32
        %mul3A_378 = arith.muli %add3A_342, %mul3A_377 : i32
        %add3A_379 = arith.addi %mul3A_2, %mul3A_378 : i32
        %dma_start3A_380 = tpu.memref_slice %arg3[%add3A_379] : memref<320000xi32, #tpu.memory_space<hbm>> -> memref<80xi32, #tpu.memory_space<hbm>>
        %dma_start3A_381 = tpu.memref_slice %arg3[%add3A_379] : memref<320000xi32, #tpu.memory_space<hbm>> -> memref<80xi32, #tpu.memory_space<hbm>>
        tpu.enqueue_dma source(%dma_start3A_381 : memref<80xi32, #tpu.memory_space<hbm>>) target(%arg17 : memref<80xi32, #tpu.memory_space<vmem>>) target_semaphore(%arg38 : memref<!tpu.dma_semaphore, #tpu.memory_space<semaphore_mem>>)
        %mul3A_382 = arith.constant 80 : i32
        %mul3A_383 = arith.muli %add3A_342, %mul3A_382 : i32
        %add3A_384 = arith.addi %mul3A_2, %mul3A_383 : i32
        %dma_start3A_385 = tpu.memref_slice %arg4[%add3A_384] : memref<320000xi32, #tpu.memory_space<hbm>> -> memref<80xi32, #tpu.memory_space<hbm>>
        %dma_start3A_386 = tpu.memref_slice %arg4[%add3A_384] : memref<320000xi32, #tpu.memory_space<hbm>> -> memref<80xi32, #tpu.memory_space<hbm>>
        tpu.enqueue_dma source(%dma_start3A_386 : memref<80xi32, #tpu.memory_space<hbm>>) target(%arg25 : memref<80xi32, #tpu.memory_space<vmem>>) target_semaphore(%arg38 : memref<!tpu.dma_semaphore, #tpu.memory_space<semaphore_mem>>)
      } else {
      }
      %mul3A_348 = arith.constant 8 : i32
      %mul3A_349 = arith.muli %scan3A_147, %mul3A_348 : i32
      %add3A_350 = arith.constant 7 : i32
      %add3A_351 = arith.addi %mul3A_349, %add3A_350 : i32
      %dma_wait3A_352 = arith.constant 0 : i32
      %dma_wait3A_353 = arith.constant 0 : i32
      %dma_wait3A_354 = tpu.memref_slice %arg2[%dma_wait3A_352, %dma_wait3A_353] : memref<10240x128xf32, #tpu.memory_space<hbm>> -> memref<10240x128xf32, #tpu.memory_space<hbm>>
      tpu.wait_indirect_dma semaphore(%arg31 : memref<!tpu.dma_semaphore, #tpu.memory_space<semaphore_mem>>) src(%dma_wait3A_354 : memref<10240x128xf32, #tpu.memory_space<hbm>>) dst(%arg10 : memref<80x128xf32, #tpu.memory_space<vmem>>)
      "tpu.region"() ({
        %run_scoped3A = tpu.sem_alloc : memref<!tpu.dma_semaphore, #tpu.memory_space<semaphore_mem>>
        %dma_start3A_377 = arith.constant 0 : i32
        %dma_start3A_378 = arith.constant 0 : i32
        %dma_start3A_379 = tpu.memref_slice %arg27[%dma_start3A_377, %dma_start3A_378] : memref<10240x128xf32, #tpu.memory_space<vmem_shared>> -> memref<10240x128xf32, #tpu.memory_space<vmem_shared>>
        tpu.enqueue_indirect_dma source(%arg10 : memref<80x128xf32, #tpu.memory_space<vmem>>) target(%dma_start3A_379 : memref<10240x128xf32, #tpu.memory_space<vmem_shared>>) offsets(%arg26 : memref<80xi32, #tpu.memory_space<vmem>>) semaphore(%run_scoped3A : memref<!tpu.dma_semaphore, #tpu.memory_space<semaphore_mem>>) {add = true}
        %dma_wait3A_380 = arith.constant 0 : i32
        %dma_wait3A_381 = arith.constant 0 : i32
        %dma_wait3A_382 = tpu.memref_slice %arg27[%dma_wait3A_380, %dma_wait3A_381] : memref<10240x128xf32, #tpu.memory_space<vmem_shared>> -> memref<10240x128xf32, #tpu.memory_space<vmem_shared>>
        tpu.wait_indirect_dma semaphore(%run_scoped3A : memref<!tpu.dma_semaphore, #tpu.memory_space<semaphore_mem>>) src(%arg10 : memref<80x128xf32, #tpu.memory_space<vmem>>) dst(%dma_wait3A_382 : memref<10240x128xf32, #tpu.memory_space<vmem_shared>>)
        tpu.yield
      }) : () -> ()
      %add3A_355 = arith.constant 4 : i32
      %add3A_356 = arith.addi %add3A_351, %add3A_355 : i32
      %mul3A_357 = arith.constant 80 : i32
      %mul3A_358 = arith.muli %add3A_356, %mul3A_357 : i32
      %add3A_359 = arith.addi %mul3A_2, %mul3A_358 : i32
      %dma_wait3A_360 = tpu.memref_slice %arg3[%add3A_359] : memref<320000xi32, #tpu.memory_space<hbm>> -> memref<80xi32, #tpu.memory_space<hbm>>
      %dma_wait3A_361 = tpu.memref_slice %arg3[%add3A_359] : memref<320000xi32, #tpu.memory_space<hbm>> -> memref<80xi32, #tpu.memory_space<hbm>>
      tpu.wait_dma2 semaphore(%arg35 : memref<!tpu.dma_semaphore, #tpu.memory_space<semaphore_mem>>) src(%dma_wait3A_361 : memref<80xi32, #tpu.memory_space<hbm>>) dst(%arg14 : memref<80xi32, #tpu.memory_space<vmem>>)
      %mul3A_362 = arith.constant 80 : i32
      %mul3A_363 = arith.muli %add3A_356, %mul3A_362 : i32
      %add3A_364 = arith.addi %mul3A_2, %mul3A_363 : i32
      %dma_wait3A_365 = tpu.memref_slice %arg4[%add3A_364] : memref<320000xi32, #tpu.memory_space<hbm>> -> memref<80xi32, #tpu.memory_space<hbm>>
      %dma_wait3A_366 = tpu.memref_slice %arg4[%add3A_364] : memref<320000xi32, #tpu.memory_space<hbm>> -> memref<80xi32, #tpu.memory_space<hbm>>
      tpu.wait_dma2 semaphore(%arg35 : memref<!tpu.dma_semaphore, #tpu.memory_space<semaphore_mem>>) src(%dma_wait3A_366 : memref<80xi32, #tpu.memory_space<hbm>>) dst(%arg22 : memref<80xi32, #tpu.memory_space<vmem>>)
      %dma_start3A_367 = arith.constant 0 : i32
      %dma_start3A_368 = arith.constant 0 : i32
      %dma_start3A_369 = tpu.memref_slice %arg2[%dma_start3A_367, %dma_start3A_368] : memref<10240x128xf32, #tpu.memory_space<hbm>> -> memref<10240x128xf32, #tpu.memory_space<hbm>>
      tpu.enqueue_indirect_dma source(%dma_start3A_369 : memref<10240x128xf32, #tpu.memory_space<hbm>>) target(%arg10 : memref<80x128xf32, #tpu.memory_space<vmem>>) offsets(%arg14 : memref<80xi32, #tpu.memory_space<vmem>>) semaphore(%arg31 : memref<!tpu.dma_semaphore, #tpu.memory_space<semaphore_mem>>)
      %add3A_370 = arith.constant 8 : i32
      %add3A_371 = arith.addi %add3A_351, %add3A_370 : i32
      %lt3A_372 = arith.constant 125 : i32
      %lt3A_373 = arith.cmpi slt, %add3A_371, %lt3A_372 : i32
      %convert_element_type3A_374 = arith.extui %lt3A_373 : i1 to i32
      %cond3A_375 = arith.constant 0 : i32
      %cond3A_376 = arith.cmpi ne, %convert_element_type3A_374, %cond3A_375 : i32
      scf.if %cond3A_376 {
        %mul3A_377 = arith.constant 80 : i32
        %mul3A_378 = arith.muli %add3A_371, %mul3A_377 : i32
        %add3A_379 = arith.addi %mul3A_2, %mul3A_378 : i32
        %dma_start3A_380 = tpu.memref_slice %arg3[%add3A_379] : memref<320000xi32, #tpu.memory_space<hbm>> -> memref<80xi32, #tpu.memory_space<hbm>>
        %dma_start3A_381 = tpu.memref_slice %arg3[%add3A_379] : memref<320000xi32, #tpu.memory_space<hbm>> -> memref<80xi32, #tpu.memory_space<hbm>>
        tpu.enqueue_dma source(%dma_start3A_381 : memref<80xi32, #tpu.memory_space<hbm>>) target(%arg18 : memref<80xi32, #tpu.memory_space<vmem>>) target_semaphore(%arg39 : memref<!tpu.dma_semaphore, #tpu.memory_space<semaphore_mem>>)
        %mul3A_382 = arith.constant 80 : i32
        %mul3A_383 = arith.muli %add3A_371, %mul3A_382 : i32
        %add3A_384 = arith.addi %mul3A_2, %mul3A_383 : i32
        %dma_start3A_385 = tpu.memref_slice %arg4[%add3A_384] : memref<320000xi32, #tpu.memory_space<hbm>> -> memref<80xi32, #tpu.memory_space<hbm>>
        %dma_start3A_386 = tpu.memref_slice %arg4[%add3A_384] : memref<320000xi32, #tpu.memory_space<hbm>> -> memref<80xi32, #tpu.memory_space<hbm>>
        tpu.enqueue_dma source(%dma_start3A_386 : memref<80xi32, #tpu.memory_space<hbm>>) target(%arg26 : memref<80xi32, #tpu.memory_space<vmem>>) target_semaphore(%arg39 : memref<!tpu.dma_semaphore, #tpu.memory_space<semaphore_mem>>)
      } else {
      }
    }
    %scan3A_115 = arith.constant 15 : i32
    %dma_wait3A_116 = arith.constant 0 : i32
    %dma_wait3A_117 = arith.constant 0 : i32
    %dma_wait3A_118 = tpu.memref_slice %arg2[%dma_wait3A_116, %dma_wait3A_117] : memref<10240x128xf32, #tpu.memory_space<hbm>> -> memref<10240x128xf32, #tpu.memory_space<hbm>>
    tpu.wait_indirect_dma semaphore(%arg28 : memref<!tpu.dma_semaphore, #tpu.memory_space<semaphore_mem>>) src(%dma_wait3A_118 : memref<10240x128xf32, #tpu.memory_space<hbm>>) dst(%arg7 : memref<80x128xf32, #tpu.memory_space<vmem>>)
    "tpu.region"() ({
      %run_scoped3A = tpu.sem_alloc : memref<!tpu.dma_semaphore, #tpu.memory_space<semaphore_mem>>
      %dma_start3A_147 = arith.constant 0 : i32
      %dma_start3A_148 = arith.constant 0 : i32
      %dma_start3A_149 = tpu.memref_slice %arg27[%dma_start3A_147, %dma_start3A_148] : memref<10240x128xf32, #tpu.memory_space<vmem_shared>> -> memref<10240x128xf32, #tpu.memory_space<vmem_shared>>
      tpu.enqueue_indirect_dma source(%arg7 : memref<80x128xf32, #tpu.memory_space<vmem>>) target(%dma_start3A_149 : memref<10240x128xf32, #tpu.memory_space<vmem_shared>>) offsets(%arg19 : memref<80xi32, #tpu.memory_space<vmem>>) semaphore(%run_scoped3A : memref<!tpu.dma_semaphore, #tpu.memory_space<semaphore_mem>>) {add = true}
      %dma_wait3A_150 = arith.constant 0 : i32
      %dma_wait3A_151 = arith.constant 0 : i32
      %dma_wait3A_152 = tpu.memref_slice %arg27[%dma_wait3A_150, %dma_wait3A_151] : memref<10240x128xf32, #tpu.memory_space<vmem_shared>> -> memref<10240x128xf32, #tpu.memory_space<vmem_shared>>
      tpu.wait_indirect_dma semaphore(%run_scoped3A : memref<!tpu.dma_semaphore, #tpu.memory_space<semaphore_mem>>) src(%arg7 : memref<80x128xf32, #tpu.memory_space<vmem>>) dst(%dma_wait3A_152 : memref<10240x128xf32, #tpu.memory_space<vmem_shared>>)
      tpu.yield
    }) : () -> ()
    %add3A_119 = arith.constant 9920 : i32
    %add3A_120 = arith.addi %mul3A_2, %add3A_119 : i32
    %dma_wait3A_121 = tpu.memref_slice %arg3[%add3A_120] : memref<320000xi32, #tpu.memory_space<hbm>> -> memref<80xi32, #tpu.memory_space<hbm>>
    %dma_wait3A_122 = tpu.memref_slice %arg3[%add3A_120] : memref<320000xi32, #tpu.memory_space<hbm>> -> memref<80xi32, #tpu.memory_space<hbm>>
    tpu.wait_dma2 semaphore(%arg36 : memref<!tpu.dma_semaphore, #tpu.memory_space<semaphore_mem>>) src(%dma_wait3A_122 : memref<80xi32, #tpu.memory_space<hbm>>) dst(%arg15 : memref<80xi32, #tpu.memory_space<vmem>>)
    %add3A_123 = arith.constant 9920 : i32
    %add3A_124 = arith.addi %mul3A_2, %add3A_123 : i32
    %dma_wait3A_125 = tpu.memref_slice %arg4[%add3A_124] : memref<320000xi32, #tpu.memory_space<hbm>> -> memref<80xi32, #tpu.memory_space<hbm>>
    %dma_wait3A_126 = tpu.memref_slice %arg4[%add3A_124] : memref<320000xi32, #tpu.memory_space<hbm>> -> memref<80xi32, #tpu.memory_space<hbm>>
    tpu.wait_dma2 semaphore(%arg36 : memref<!tpu.dma_semaphore, #tpu.memory_space<semaphore_mem>>) src(%dma_wait3A_126 : memref<80xi32, #tpu.memory_space<hbm>>) dst(%arg23 : memref<80xi32, #tpu.memory_space<vmem>>)
    %dma_start3A_127 = arith.constant 0 : i32
    %dma_start3A_128 = arith.constant 0 : i32
    %dma_start3A_129 = tpu.memref_slice %arg2[%dma_start3A_127, %dma_start3A_128] : memref<10240x128xf32, #tpu.memory_space<hbm>> -> memref<10240x128xf32, #tpu.memory_space<hbm>>
    tpu.enqueue_indirect_dma source(%dma_start3A_129 : memref<10240x128xf32, #tpu.memory_space<hbm>>) target(%arg7 : memref<80x128xf32, #tpu.memory_space<vmem>>) offsets(%arg15 : memref<80xi32, #tpu.memory_space<vmem>>) semaphore(%arg28 : memref<!tpu.dma_semaphore, #tpu.memory_space<semaphore_mem>>)
    %dma_wait3A_130 = arith.constant 0 : i32
    %dma_wait3A_131 = arith.constant 0 : i32
    %dma_wait3A_132 = tpu.memref_slice %arg2[%dma_wait3A_130, %dma_wait3A_131] : memref<10240x128xf32, #tpu.memory_space<hbm>> -> memref<10240x128xf32, #tpu.memory_space<hbm>>
    tpu.wait_indirect_dma semaphore(%arg29 : memref<!tpu.dma_semaphore, #tpu.memory_space<semaphore_mem>>) src(%dma_wait3A_132 : memref<10240x128xf32, #tpu.memory_space<hbm>>) dst(%arg8 : memref<80x128xf32, #tpu.memory_space<vmem>>)
    "tpu.region"() ({
      %run_scoped3A = tpu.sem_alloc : memref<!tpu.dma_semaphore, #tpu.memory_space<semaphore_mem>>
      %dma_start3A_147 = arith.constant 0 : i32
      %dma_start3A_148 = arith.constant 0 : i32
      %dma_start3A_149 = tpu.memref_slice %arg27[%dma_start3A_147, %dma_start3A_148] : memref<10240x128xf32, #tpu.memory_space<vmem_shared>> -> memref<10240x128xf32, #tpu.memory_space<vmem_shared>>
      tpu.enqueue_indirect_dma source(%arg8 : memref<80x128xf32, #tpu.memory_space<vmem>>) target(%dma_start3A_149 : memref<10240x128xf32, #tpu.memory_space<vmem_shared>>) offsets(%arg20 : memref<80xi32, #tpu.memory_space<vmem>>) semaphore(%run_scoped3A : memref<!tpu.dma_semaphore, #tpu.memory_space<semaphore_mem>>) {add = true}
      %dma_wait3A_150 = arith.constant 0 : i32
      %dma_wait3A_151 = arith.constant 0 : i32
      %dma_wait3A_152 = tpu.memref_slice %arg27[%dma_wait3A_150, %dma_wait3A_151] : memref<10240x128xf32, #tpu.memory_space<vmem_shared>> -> memref<10240x128xf32, #tpu.memory_space<vmem_shared>>
      tpu.wait_indirect_dma semaphore(%run_scoped3A : memref<!tpu.dma_semaphore, #tpu.memory_space<semaphore_mem>>) src(%arg8 : memref<80x128xf32, #tpu.memory_space<vmem>>) dst(%dma_wait3A_152 : memref<10240x128xf32, #tpu.memory_space<vmem_shared>>)
      tpu.yield
    }) : () -> ()
    %dma_wait3A_133 = arith.constant 0 : i32
    %dma_wait3A_134 = arith.constant 0 : i32
    %dma_wait3A_135 = tpu.memref_slice %arg2[%dma_wait3A_133, %dma_wait3A_134] : memref<10240x128xf32, #tpu.memory_space<hbm>> -> memref<10240x128xf32, #tpu.memory_space<hbm>>
    tpu.wait_indirect_dma semaphore(%arg30 : memref<!tpu.dma_semaphore, #tpu.memory_space<semaphore_mem>>) src(%dma_wait3A_135 : memref<10240x128xf32, #tpu.memory_space<hbm>>) dst(%arg9 : memref<80x128xf32, #tpu.memory_space<vmem>>)
    "tpu.region"() ({
      %run_scoped3A = tpu.sem_alloc : memref<!tpu.dma_semaphore, #tpu.memory_space<semaphore_mem>>
      %dma_start3A_147 = arith.constant 0 : i32
      %dma_start3A_148 = arith.constant 0 : i32
      %dma_start3A_149 = tpu.memref_slice %arg27[%dma_start3A_147, %dma_start3A_148] : memref<10240x128xf32, #tpu.memory_space<vmem_shared>> -> memref<10240x128xf32, #tpu.memory_space<vmem_shared>>
      tpu.enqueue_indirect_dma source(%arg9 : memref<80x128xf32, #tpu.memory_space<vmem>>) target(%dma_start3A_149 : memref<10240x128xf32, #tpu.memory_space<vmem_shared>>) offsets(%arg21 : memref<80xi32, #tpu.memory_space<vmem>>) semaphore(%run_scoped3A : memref<!tpu.dma_semaphore, #tpu.memory_space<semaphore_mem>>) {add = true}
      %dma_wait3A_150 = arith.constant 0 : i32
      %dma_wait3A_151 = arith.constant 0 : i32
      %dma_wait3A_152 = tpu.memref_slice %arg27[%dma_wait3A_150, %dma_wait3A_151] : memref<10240x128xf32, #tpu.memory_space<vmem_shared>> -> memref<10240x128xf32, #tpu.memory_space<vmem_shared>>
      tpu.wait_indirect_dma semaphore(%run_scoped3A : memref<!tpu.dma_semaphore, #tpu.memory_space<semaphore_mem>>) src(%arg9 : memref<80x128xf32, #tpu.memory_space<vmem>>) dst(%dma_wait3A_152 : memref<10240x128xf32, #tpu.memory_space<vmem_shared>>)
      tpu.yield
    }) : () -> ()
    %dma_wait3A_136 = arith.constant 0 : i32
    %dma_wait3A_137 = arith.constant 0 : i32
    %dma_wait3A_138 = tpu.memref_slice %arg2[%dma_wait3A_136, %dma_wait3A_137] : memref<10240x128xf32, #tpu.memory_space<hbm>> -> memref<10240x128xf32, #tpu.memory_space<hbm>>
    tpu.wait_indirect_dma semaphore(%arg31 : memref<!tpu.dma_semaphore, #tpu.memory_space<semaphore_mem>>) src(%dma_wait3A_138 : memref<10240x128xf32, #tpu.memory_space<hbm>>) dst(%arg10 : memref<80x128xf32, #tpu.memory_space<vmem>>)
    "tpu.region"() ({
      %run_scoped3A = tpu.sem_alloc : memref<!tpu.dma_semaphore, #tpu.memory_space<semaphore_mem>>
      %dma_start3A_147 = arith.constant 0 : i32
      %dma_start3A_148 = arith.constant 0 : i32
      %dma_start3A_149 = tpu.memref_slice %arg27[%dma_start3A_147, %dma_start3A_148] : memref<10240x128xf32, #tpu.memory_space<vmem_shared>> -> memref<10240x128xf32, #tpu.memory_space<vmem_shared>>
      tpu.enqueue_indirect_dma source(%arg10 : memref<80x128xf32, #tpu.memory_space<vmem>>) target(%dma_start3A_149 : memref<10240x128xf32, #tpu.memory_space<vmem_shared>>) offsets(%arg22 : memref<80xi32, #tpu.memory_space<vmem>>) semaphore(%run_scoped3A : memref<!tpu.dma_semaphore, #tpu.memory_space<semaphore_mem>>) {add = true}
      %dma_wait3A_150 = arith.constant 0 : i32
      %dma_wait3A_151 = arith.constant 0 : i32
      %dma_wait3A_152 = tpu.memref_slice %arg27[%dma_wait3A_150, %dma_wait3A_151] : memref<10240x128xf32, #tpu.memory_space<vmem_shared>> -> memref<10240x128xf32, #tpu.memory_space<vmem_shared>>
      tpu.wait_indirect_dma semaphore(%run_scoped3A : memref<!tpu.dma_semaphore, #tpu.memory_space<semaphore_mem>>) src(%arg10 : memref<80x128xf32, #tpu.memory_space<vmem>>) dst(%dma_wait3A_152 : memref<10240x128xf32, #tpu.memory_space<vmem_shared>>)
      tpu.yield
    }) : () -> ()
    %dma_wait3A_139 = arith.constant 0 : i32
    %dma_wait3A_140 = arith.constant 0 : i32
    %dma_wait3A_141 = tpu.memref_slice %arg2[%dma_wait3A_139, %dma_wait3A_140] : memref<10240x128xf32, #tpu.memory_space<hbm>> -> memref<10240x128xf32, #tpu.memory_space<hbm>>
    tpu.wait_indirect_dma semaphore(%arg28 : memref<!tpu.dma_semaphore, #tpu.memory_space<semaphore_mem>>) src(%dma_wait3A_141 : memref<10240x128xf32, #tpu.memory_space<hbm>>) dst(%arg7 : memref<80x128xf32, #tpu.memory_space<vmem>>)
    "tpu.region"() ({
      %run_scoped3A = tpu.sem_alloc : memref<!tpu.dma_semaphore, #tpu.memory_space<semaphore_mem>>
      %dma_start3A_147 = arith.constant 0 : i32
      %dma_start3A_148 = arith.constant 0 : i32
      %dma_start3A_149 = tpu.memref_slice %arg27[%dma_start3A_147, %dma_start3A_148] : memref<10240x128xf32, #tpu.memory_space<vmem_shared>> -> memref<10240x128xf32, #tpu.memory_space<vmem_shared>>
      tpu.enqueue_indirect_dma source(%arg7 : memref<80x128xf32, #tpu.memory_space<vmem>>) target(%dma_start3A_149 : memref<10240x128xf32, #tpu.memory_space<vmem_shared>>) offsets(%arg23 : memref<80xi32, #tpu.memory_space<vmem>>) semaphore(%run_scoped3A : memref<!tpu.dma_semaphore, #tpu.memory_space<semaphore_mem>>) {add = true}
      %dma_wait3A_150 = arith.constant 0 : i32
      %dma_wait3A_151 = arith.constant 0 : i32
      %dma_wait3A_152 = tpu.memref_slice %arg27[%dma_wait3A_150, %dma_wait3A_151] : memref<10240x128xf32, #tpu.memory_space<vmem_shared>> -> memref<10240x128xf32, #tpu.memory_space<vmem_shared>>
      tpu.wait_indirect_dma semaphore(%run_scoped3A : memref<!tpu.dma_semaphore, #tpu.memory_space<semaphore_mem>>) src(%arg7 : memref<80x128xf32, #tpu.memory_space<vmem>>) dst(%dma_wait3A_152 : memref<10240x128xf32, #tpu.memory_space<vmem_shared>>)
      tpu.yield
    }) : () -> ()
    %barrier3A_142 = arith.constant 0 : index
    tpu.barrier barrier_id(%barrier3A_142)
    %mul3A_143 = arith.constant 640 : i32
    %mul3A_144 = arith.muli %arg1, %mul3A_143 : i32
    %mul3A_145 = arith.constant 640 : i32
    %mul3A_146 = arith.muli %arg1, %mul3A_145 : i32
    "tpu.region"() ({
      %run_scoped3A = tpu.sem_alloc : memref<!tpu.dma_semaphore, #tpu.memory_space<semaphore_mem>>
      %dma_start3A_147 = arith.constant 0 : i32
      %dma_start3A_148 = tpu.memref_slice %arg6[%arg0, %mul3A_146, %dma_start3A_147] : memref<2x10240x128xf32, #tpu.memory_space<hbm>> -> memref<1x640x128xf32, #tpu.memory_space<hbm>>
      %dma_start3A_149 = tpu.memref_squeeze %dma_start3A_148 : memref<1x640x128xf32, #tpu.memory_space<hbm>> -> memref<640x128xf32, #tpu.memory_space<hbm>>
      %dma_start3A_150 = arith.constant 0 : i32
      %dma_start3A_151 = tpu.memref_slice %arg27[%mul3A_144, %dma_start3A_150] : memref<10240x128xf32, #tpu.memory_space<vmem_shared>> -> memref<640x128xf32, #tpu.memory_space<vmem_shared>>
      tpu.enqueue_dma source(%dma_start3A_151 : memref<640x128xf32, #tpu.memory_space<vmem_shared>>) target(%dma_start3A_149 : memref<640x128xf32, #tpu.memory_space<hbm>>) target_semaphore(%run_scoped3A : memref<!tpu.dma_semaphore, #tpu.memory_space<semaphore_mem>>)
      %dma_wait3A_152 = arith.constant 0 : i32
      %dma_wait3A_153 = tpu.memref_slice %arg6[%arg0, %mul3A_146, %dma_wait3A_152] : memref<2x10240x128xf32, #tpu.memory_space<hbm>> -> memref<1x640x128xf32, #tpu.memory_space<hbm>>
      %dma_wait3A_154 = tpu.memref_squeeze %dma_wait3A_153 : memref<1x640x128xf32, #tpu.memory_space<hbm>> -> memref<640x128xf32, #tpu.memory_space<hbm>>
      %dma_wait3A_155 = arith.constant 0 : i32
      %dma_wait3A_156 = tpu.memref_slice %arg27[%mul3A_144, %dma_wait3A_155] : memref<10240x128xf32, #tpu.memory_space<vmem_shared>> -> memref<640x128xf32, #tpu.memory_space<vmem_shared>>
      tpu.wait_dma2 semaphore(%run_scoped3A : memref<!tpu.dma_semaphore, #tpu.memory_space<semaphore_mem>>) src(%dma_wait3A_156 : memref<640x128xf32, #tpu.memory_space<vmem_shared>>) dst(%dma_wait3A_154 : memref<640x128xf32, #tpu.memory_space<hbm>>)
      tpu.yield
    }) : () -> ()
    return
  }
}

#map = affine_map<(d0, d1) -> (0)>
#map1 = affine_map<(d0, d1) -> (0, 0)>
module attributes {stable_mosaic.version = 14 : i64} {
  func.func @_deg_kernel(%arg0: i32, %arg1: i32, %arg2: memref<320000xi32, #tpu.memory_space<hbm>>, %arg3: memref<2x10240xf32, #tpu.memory_space<hbm>>, %arg4: memref<10000xi32, #tpu.memory_space<vmem>>, %arg5: memref<80xf32, #tpu.memory_space<vmem>>, %arg6: memref<640xf32, #tpu.memory_space<vmem>>, %arg7: memref<10240xf32, #tpu.memory_space<vmem_shared>>) attributes {dimension_semantics = [#tpu.dimension_semantics<core_parallel>, #tpu.dimension_semantics<subcore_parallel>], iteration_bounds = array<i64: 2, 16>, scalar_prefetch = 0 : i64, scratch_operands = 4 : i64, tpu.core_type = #tpu.core_type<sc_vector_subcore>, window_params = [{transform_indices = #map}, {transform_indices = #map1}]} {
    %mul3A = arith.constant 16 : i32
    %mul3A_0 = arith.muli %arg0, %mul3A : i32
    %add3A = arith.addi %mul3A_0, %arg1 : i32
    %broadcast_in_dim3A = arith.constant 0.000000e+00 : f32
    %broadcast_in_dim3A_1 = vector.broadcast %broadcast_in_dim3A : f32 to vector<16xf32>
    %swap3A = arith.constant 0 : index
    %swap3A_2 = tpu.vector_load %arg6[%swap3A] {strides = array<i32>} : memref<640xf32, #tpu.memory_space<vmem>>, vector<16xf32>,
    %swap3A_3 = vector.shape_cast %swap3A_2 : vector<16xf32> to vector<16xf32>
    %swap3A_4 = vector.shape_cast %broadcast_in_dim3A_1 : vector<16xf32> to vector<16xf32>
    tpu.vector_store %arg6[%swap3A], %swap3A_4 {strides = array<i32>} : memref<640xf32, #tpu.memory_space<vmem>>, vector<16xf32>,
    %broadcast_in_dim3A_5 = arith.constant 0.000000e+00 : f32
    %broadcast_in_dim3A_6 = vector.broadcast %broadcast_in_dim3A_5 : f32 to vector<16xf32>
    %swap3A_7 = arith.constant 16 : index
    %swap3A_8 = tpu.vector_load %arg6[%swap3A_7] {strides = array<i32>} : memref<640xf32, #tpu.memory_space<vmem>>, vector<16xf32>,
    %swap3A_9 = vector.shape_cast %swap3A_8 : vector<16xf32> to vector<16xf32>
    %swap3A_10 = vector.shape_cast %broadcast_in_dim3A_6 : vector<16xf32> to vector<16xf32>
    tpu.vector_store %arg6[%swap3A_7], %swap3A_10 {strides = array<i32>} : memref<640xf32, #tpu.memory_space<vmem>>, vector<16xf32>,
    %broadcast_in_dim3A_11 = arith.constant 0.000000e+00 : f32
    %broadcast_in_dim3A_12 = vector.broadcast %broadcast_in_dim3A_11 : f32 to vector<16xf32>
    %swap3A_13 = arith.constant 32 : index
    %swap3A_14 = tpu.vector_load %arg6[%swap3A_13] {strides = array<i32>} : memref<640xf32, #tpu.memory_space<vmem>>, vector<16xf32>,
    %swap3A_15 = vector.shape_cast %swap3A_14 : vector<16xf32> to vector<16xf32>
    %swap3A_16 = vector.shape_cast %broadcast_in_dim3A_12 : vector<16xf32> to vector<16xf32>
    tpu.vector_store %arg6[%swap3A_13], %swap3A_16 {strides = array<i32>} : memref<640xf32, #tpu.memory_space<vmem>>, vector<16xf32>,
    %broadcast_in_dim3A_17 = arith.constant 0.000000e+00 : f32
    %broadcast_in_dim3A_18 = vector.broadcast %broadcast_in_dim3A_17 : f32 to vector<16xf32>
    %swap3A_19 = arith.constant 48 : index
    %swap3A_20 = tpu.vector_load %arg6[%swap3A_19] {strides = array<i32>} : memref<640xf32, #tpu.memory_space<vmem>>, vector<16xf32>,
    %swap3A_21 = vector.shape_cast %swap3A_20 : vector<16xf32> to vector<16xf32>
    %swap3A_22 = vector.shape_cast %broadcast_in_dim3A_18 : vector<16xf32> to vector<16xf32>
    tpu.vector_store %arg6[%swap3A_19], %swap3A_22 {strides = array<i32>} : memref<640xf32, #tpu.memory_space<vmem>>, vector<16xf32>,
    %broadcast_in_dim3A_23 = arith.constant 0.000000e+00 : f32
    %broadcast_in_dim3A_24 = vector.broadcast %broadcast_in_dim3A_23 : f32 to vector<16xf32>
    %swap3A_25 = arith.constant 64 : index
    %swap3A_26 = tpu.vector_load %arg6[%swap3A_25] {strides = array<i32>} : memref<640xf32, #tpu.memory_space<vmem>>, vector<16xf32>,
    %swap3A_27 = vector.shape_cast %swap3A_26 : vector<16xf32> to vector<16xf32>
    %swap3A_28 = vector.shape_cast %broadcast_in_dim3A_24 : vector<16xf32> to vector<16xf32>
    tpu.vector_store %arg6[%swap3A_25], %swap3A_28 {strides = array<i32>} : memref<640xf32, #tpu.memory_space<vmem>>, vector<16xf32>,
    %broadcast_in_dim3A_29 = arith.constant 0.000000e+00 : f32
    %broadcast_in_dim3A_30 = vector.broadcast %broadcast_in_dim3A_29 : f32 to vector<16xf32>
    %swap3A_31 = arith.constant 80 : index
    %swap3A_32 = tpu.vector_load %arg6[%swap3A_31] {strides = array<i32>} : memref<640xf32, #tpu.memory_space<vmem>>, vector<16xf32>,
    %swap3A_33 = vector.shape_cast %swap3A_32 : vector<16xf32> to vector<16xf32>
    %swap3A_34 = vector.shape_cast %broadcast_in_dim3A_30 : vector<16xf32> to vector<16xf32>
    tpu.vector_store %arg6[%swap3A_31], %swap3A_34 {strides = array<i32>} : memref<640xf32, #tpu.memory_space<vmem>>, vector<16xf32>,
    %broadcast_in_dim3A_35 = arith.constant 0.000000e+00 : f32
    %broadcast_in_dim3A_36 = vector.broadcast %broadcast_in_dim3A_35 : f32 to vector<16xf32>
    %swap3A_37 = arith.constant 96 : index
    %swap3A_38 = tpu.vector_load %arg6[%swap3A_37] {strides = array<i32>} : memref<640xf32, #tpu.memory_space<vmem>>, vector<16xf32>,
    %swap3A_39 = vector.shape_cast %swap3A_38 : vector<16xf32> to vector<16xf32>
    %swap3A_40 = vector.shape_cast %broadcast_in_dim3A_36 : vector<16xf32> to vector<16xf32>
    tpu.vector_store %arg6[%swap3A_37], %swap3A_40 {strides = array<i32>} : memref<640xf32, #tpu.memory_space<vmem>>, vector<16xf32>,
    %broadcast_in_dim3A_41 = arith.constant 0.000000e+00 : f32
    %broadcast_in_dim3A_42 = vector.broadcast %broadcast_in_dim3A_41 : f32 to vector<16xf32>
    %swap3A_43 = arith.constant 112 : index
    %swap3A_44 = tpu.vector_load %arg6[%swap3A_43] {strides = array<i32>} : memref<640xf32, #tpu.memory_space<vmem>>, vector<16xf32>,
    %swap3A_45 = vector.shape_cast %swap3A_44 : vector<16xf32> to vector<16xf32>
    %swap3A_46 = vector.shape_cast %broadcast_in_dim3A_42 : vector<16xf32> to vector<16xf32>
    tpu.vector_store %arg6[%swap3A_43], %swap3A_46 {strides = array<i32>} : memref<640xf32, #tpu.memory_space<vmem>>, vector<16xf32>,
    %broadcast_in_dim3A_47 = arith.constant 0.000000e+00 : f32
    %broadcast_in_dim3A_48 = vector.broadcast %broadcast_in_dim3A_47 : f32 to vector<16xf32>
    %swap3A_49 = arith.constant 128 : index
    %swap3A_50 = tpu.vector_load %arg6[%swap3A_49] {strides = array<i32>} : memref<640xf32, #tpu.memory_space<vmem>>, vector<16xf32>,
    %swap3A_51 = vector.shape_cast %swap3A_50 : vector<16xf32> to vector<16xf32>
    %swap3A_52 = vector.shape_cast %broadcast_in_dim3A_48 : vector<16xf32> to vector<16xf32>
    tpu.vector_store %arg6[%swap3A_49], %swap3A_52 {strides = array<i32>} : memref<640xf32, #tpu.memory_space<vmem>>, vector<16xf32>,
    %broadcast_in_dim3A_53 = arith.constant 0.000000e+00 : f32
    %broadcast_in_dim3A_54 = vector.broadcast %broadcast_in_dim3A_53 : f32 to vector<16xf32>
    %swap3A_55 = arith.constant 144 : index
    %swap3A_56 = tpu.vector_load %arg6[%swap3A_55] {strides = array<i32>} : memref<640xf32, #tpu.memory_space<vmem>>, vector<16xf32>,
    %swap3A_57 = vector.shape_cast %swap3A_56 : vector<16xf32> to vector<16xf32>
    %swap3A_58 = vector.shape_cast %broadcast_in_dim3A_54 : vector<16xf32> to vector<16xf32>
    tpu.vector_store %arg6[%swap3A_55], %swap3A_58 {strides = array<i32>} : memref<640xf32, #tpu.memory_space<vmem>>, vector<16xf32>,
    %broadcast_in_dim3A_59 = arith.constant 0.000000e+00 : f32
    %broadcast_in_dim3A_60 = vector.broadcast %broadcast_in_dim3A_59 : f32 to vector<16xf32>
    %swap3A_61 = arith.constant 160 : index
    %swap3A_62 = tpu.vector_load %arg6[%swap3A_61] {strides = array<i32>} : memref<640xf32, #tpu.memory_space<vmem>>, vector<16xf32>,
    %swap3A_63 = vector.shape_cast %swap3A_62 : vector<16xf32> to vector<16xf32>
    %swap3A_64 = vector.shape_cast %broadcast_in_dim3A_60 : vector<16xf32> to vector<16xf32>
    tpu.vector_store %arg6[%swap3A_61], %swap3A_64 {strides = array<i32>} : memref<640xf32, #tpu.memory_space<vmem>>, vector<16xf32>,
    %broadcast_in_dim3A_65 = arith.constant 0.000000e+00 : f32
    %broadcast_in_dim3A_66 = vector.broadcast %broadcast_in_dim3A_65 : f32 to vector<16xf32>
    %swap3A_67 = arith.constant 176 : index
    %swap3A_68 = tpu.vector_load %arg6[%swap3A_67] {strides = array<i32>} : memref<640xf32, #tpu.memory_space<vmem>>, vector<16xf32>,
    %swap3A_69 = vector.shape_cast %swap3A_68 : vector<16xf32> to vector<16xf32>
    %swap3A_70 = vector.shape_cast %broadcast_in_dim3A_66 : vector<16xf32> to vector<16xf32>
    tpu.vector_store %arg6[%swap3A_67], %swap3A_70 {strides = array<i32>} : memref<640xf32, #tpu.memory_space<vmem>>, vector<16xf32>,
    %broadcast_in_dim3A_71 = arith.constant 0.000000e+00 : f32
    %broadcast_in_dim3A_72 = vector.broadcast %broadcast_in_dim3A_71 : f32 to vector<16xf32>
    %swap3A_73 = arith.constant 192 : index
    %swap3A_74 = tpu.vector_load %arg6[%swap3A_73] {strides = array<i32>} : memref<640xf32, #tpu.memory_space<vmem>>, vector<16xf32>,
    %swap3A_75 = vector.shape_cast %swap3A_74 : vector<16xf32> to vector<16xf32>
    %swap3A_76 = vector.shape_cast %broadcast_in_dim3A_72 : vector<16xf32> to vector<16xf32>
    tpu.vector_store %arg6[%swap3A_73], %swap3A_76 {strides = array<i32>} : memref<640xf32, #tpu.memory_space<vmem>>, vector<16xf32>,
    %broadcast_in_dim3A_77 = arith.constant 0.000000e+00 : f32
    %broadcast_in_dim3A_78 = vector.broadcast %broadcast_in_dim3A_77 : f32 to vector<16xf32>
    %swap3A_79 = arith.constant 208 : index
    %swap3A_80 = tpu.vector_load %arg6[%swap3A_79] {strides = array<i32>} : memref<640xf32, #tpu.memory_space<vmem>>, vector<16xf32>,
    %swap3A_81 = vector.shape_cast %swap3A_80 : vector<16xf32> to vector<16xf32>
    %swap3A_82 = vector.shape_cast %broadcast_in_dim3A_78 : vector<16xf32> to vector<16xf32>
    tpu.vector_store %arg6[%swap3A_79], %swap3A_82 {strides = array<i32>} : memref<640xf32, #tpu.memory_space<vmem>>, vector<16xf32>,
    %broadcast_in_dim3A_83 = arith.constant 0.000000e+00 : f32
    %broadcast_in_dim3A_84 = vector.broadcast %broadcast_in_dim3A_83 : f32 to vector<16xf32>
    %swap3A_85 = arith.constant 224 : index
    %swap3A_86 = tpu.vector_load %arg6[%swap3A_85] {strides = array<i32>} : memref<640xf32, #tpu.memory_space<vmem>>, vector<16xf32>,
    %swap3A_87 = vector.shape_cast %swap3A_86 : vector<16xf32> to vector<16xf32>
    %swap3A_88 = vector.shape_cast %broadcast_in_dim3A_84 : vector<16xf32> to vector<16xf32>
    tpu.vector_store %arg6[%swap3A_85], %swap3A_88 {strides = array<i32>} : memref<640xf32, #tpu.memory_space<vmem>>, vector<16xf32>,
    %broadcast_in_dim3A_89 = arith.constant 0.000000e+00 : f32
    %broadcast_in_dim3A_90 = vector.broadcast %broadcast_in_dim3A_89 : f32 to vector<16xf32>
    %swap3A_91 = arith.constant 240 : index
    %swap3A_92 = tpu.vector_load %arg6[%swap3A_91] {strides = array<i32>} : memref<640xf32, #tpu.memory_space<vmem>>, vector<16xf32>,
    %swap3A_93 = vector.shape_cast %swap3A_92 : vector<16xf32> to vector<16xf32>
    %swap3A_94 = vector.shape_cast %broadcast_in_dim3A_90 : vector<16xf32> to vector<16xf32>
    tpu.vector_store %arg6[%swap3A_91], %swap3A_94 {strides = array<i32>} : memref<640xf32, #tpu.memory_space<vmem>>, vector<16xf32>,
    %broadcast_in_dim3A_95 = arith.constant 0.000000e+00 : f32
    %broadcast_in_dim3A_96 = vector.broadcast %broadcast_in_dim3A_95 : f32 to vector<16xf32>
    %swap3A_97 = arith.constant 256 : index
    %swap3A_98 = tpu.vector_load %arg6[%swap3A_97] {strides = array<i32>} : memref<640xf32, #tpu.memory_space<vmem>>, vector<16xf32>,
    %swap3A_99 = vector.shape_cast %swap3A_98 : vector<16xf32> to vector<16xf32>
    %swap3A_100 = vector.shape_cast %broadcast_in_dim3A_96 : vector<16xf32> to vector<16xf32>
    tpu.vector_store %arg6[%swap3A_97], %swap3A_100 {strides = array<i32>} : memref<640xf32, #tpu.memory_space<vmem>>, vector<16xf32>,
    %broadcast_in_dim3A_101 = arith.constant 0.000000e+00 : f32
    %broadcast_in_dim3A_102 = vector.broadcast %broadcast_in_dim3A_101 : f32 to vector<16xf32>
    %swap3A_103 = arith.constant 272 : index
    %swap3A_104 = tpu.vector_load %arg6[%swap3A_103] {strides = array<i32>} : memref<640xf32, #tpu.memory_space<vmem>>, vector<16xf32>,
    %swap3A_105 = vector.shape_cast %swap3A_104 : vector<16xf32> to vector<16xf32>
    %swap3A_106 = vector.shape_cast %broadcast_in_dim3A_102 : vector<16xf32> to vector<16xf32>
    tpu.vector_store %arg6[%swap3A_103], %swap3A_106 {strides = array<i32>} : memref<640xf32, #tpu.memory_space<vmem>>, vector<16xf32>,
    %broadcast_in_dim3A_107 = arith.constant 0.000000e+00 : f32
    %broadcast_in_dim3A_108 = vector.broadcast %broadcast_in_dim3A_107 : f32 to vector<16xf32>
    %swap3A_109 = arith.constant 288 : index
    %swap3A_110 = tpu.vector_load %arg6[%swap3A_109] {strides = array<i32>} : memref<640xf32, #tpu.memory_space<vmem>>, vector<16xf32>,
    %swap3A_111 = vector.shape_cast %swap3A_110 : vector<16xf32> to vector<16xf32>
    %swap3A_112 = vector.shape_cast %broadcast_in_dim3A_108 : vector<16xf32> to vector<16xf32>
    tpu.vector_store %arg6[%swap3A_109], %swap3A_112 {strides = array<i32>} : memref<640xf32, #tpu.memory_space<vmem>>, vector<16xf32>,
    %broadcast_in_dim3A_113 = arith.constant 0.000000e+00 : f32
    %broadcast_in_dim3A_114 = vector.broadcast %broadcast_in_dim3A_113 : f32 to vector<16xf32>
    %swap3A_115 = arith.constant 304 : index
    %swap3A_116 = tpu.vector_load %arg6[%swap3A_115] {strides = array<i32>} : memref<640xf32, #tpu.memory_space<vmem>>, vector<16xf32>,
    %swap3A_117 = vector.shape_cast %swap3A_116 : vector<16xf32> to vector<16xf32>
    %swap3A_118 = vector.shape_cast %broadcast_in_dim3A_114 : vector<16xf32> to vector<16xf32>
    tpu.vector_store %arg6[%swap3A_115], %swap3A_118 {strides = array<i32>} : memref<640xf32, #tpu.memory_space<vmem>>, vector<16xf32>,
    %broadcast_in_dim3A_119 = arith.constant 0.000000e+00 : f32
    %broadcast_in_dim3A_120 = vector.broadcast %broadcast_in_dim3A_119 : f32 to vector<16xf32>
    %swap3A_121 = arith.constant 320 : index
    %swap3A_122 = tpu.vector_load %arg6[%swap3A_121] {strides = array<i32>} : memref<640xf32, #tpu.memory_space<vmem>>, vector<16xf32>,
    %swap3A_123 = vector.shape_cast %swap3A_122 : vector<16xf32> to vector<16xf32>
    %swap3A_124 = vector.shape_cast %broadcast_in_dim3A_120 : vector<16xf32> to vector<16xf32>
    tpu.vector_store %arg6[%swap3A_121], %swap3A_124 {strides = array<i32>} : memref<640xf32, #tpu.memory_space<vmem>>, vector<16xf32>,
    %broadcast_in_dim3A_125 = arith.constant 0.000000e+00 : f32
    %broadcast_in_dim3A_126 = vector.broadcast %broadcast_in_dim3A_125 : f32 to vector<16xf32>
    %swap3A_127 = arith.constant 336 : index
    %swap3A_128 = tpu.vector_load %arg6[%swap3A_127] {strides = array<i32>} : memref<640xf32, #tpu.memory_space<vmem>>, vector<16xf32>,
    %swap3A_129 = vector.shape_cast %swap3A_128 : vector<16xf32> to vector<16xf32>
    %swap3A_130 = vector.shape_cast %broadcast_in_dim3A_126 : vector<16xf32> to vector<16xf32>
    tpu.vector_store %arg6[%swap3A_127], %swap3A_130 {strides = array<i32>} : memref<640xf32, #tpu.memory_space<vmem>>, vector<16xf32>,
    %broadcast_in_dim3A_131 = arith.constant 0.000000e+00 : f32
    %broadcast_in_dim3A_132 = vector.broadcast %broadcast_in_dim3A_131 : f32 to vector<16xf32>
    %swap3A_133 = arith.constant 352 : index
    %swap3A_134 = tpu.vector_load %arg6[%swap3A_133] {strides = array<i32>} : memref<640xf32, #tpu.memory_space<vmem>>, vector<16xf32>,
    %swap3A_135 = vector.shape_cast %swap3A_134 : vector<16xf32> to vector<16xf32>
    %swap3A_136 = vector.shape_cast %broadcast_in_dim3A_132 : vector<16xf32> to vector<16xf32>
    tpu.vector_store %arg6[%swap3A_133], %swap3A_136 {strides = array<i32>} : memref<640xf32, #tpu.memory_space<vmem>>, vector<16xf32>,
    %broadcast_in_dim3A_137 = arith.constant 0.000000e+00 : f32
    %broadcast_in_dim3A_138 = vector.broadcast %broadcast_in_dim3A_137 : f32 to vector<16xf32>
    %swap3A_139 = arith.constant 368 : index
    %swap3A_140 = tpu.vector_load %arg6[%swap3A_139] {strides = array<i32>} : memref<640xf32, #tpu.memory_space<vmem>>, vector<16xf32>,
    %swap3A_141 = vector.shape_cast %swap3A_140 : vector<16xf32> to vector<16xf32>
    %swap3A_142 = vector.shape_cast %broadcast_in_dim3A_138 : vector<16xf32> to vector<16xf32>
    tpu.vector_store %arg6[%swap3A_139], %swap3A_142 {strides = array<i32>} : memref<640xf32, #tpu.memory_space<vmem>>, vector<16xf32>,
    %broadcast_in_dim3A_143 = arith.constant 0.000000e+00 : f32
    %broadcast_in_dim3A_144 = vector.broadcast %broadcast_in_dim3A_143 : f32 to vector<16xf32>
    %swap3A_145 = arith.constant 384 : index
    %swap3A_146 = tpu.vector_load %arg6[%swap3A_145] {strides = array<i32>} : memref<640xf32, #tpu.memory_space<vmem>>, vector<16xf32>,
    %swap3A_147 = vector.shape_cast %swap3A_146 : vector<16xf32> to vector<16xf32>
    %swap3A_148 = vector.shape_cast %broadcast_in_dim3A_144 : vector<16xf32> to vector<16xf32>
    tpu.vector_store %arg6[%swap3A_145], %swap3A_148 {strides = array<i32>} : memref<640xf32, #tpu.memory_space<vmem>>, vector<16xf32>,
    %broadcast_in_dim3A_149 = arith.constant 0.000000e+00 : f32
    %broadcast_in_dim3A_150 = vector.broadcast %broadcast_in_dim3A_149 : f32 to vector<16xf32>
    %swap3A_151 = arith.constant 400 : index
    %swap3A_152 = tpu.vector_load %arg6[%swap3A_151] {strides = array<i32>} : memref<640xf32, #tpu.memory_space<vmem>>, vector<16xf32>,
    %swap3A_153 = vector.shape_cast %swap3A_152 : vector<16xf32> to vector<16xf32>
    %swap3A_154 = vector.shape_cast %broadcast_in_dim3A_150 : vector<16xf32> to vector<16xf32>
    tpu.vector_store %arg6[%swap3A_151], %swap3A_154 {strides = array<i32>} : memref<640xf32, #tpu.memory_space<vmem>>, vector<16xf32>,
    %broadcast_in_dim3A_155 = arith.constant 0.000000e+00 : f32
    %broadcast_in_dim3A_156 = vector.broadcast %broadcast_in_dim3A_155 : f32 to vector<16xf32>
    %swap3A_157 = arith.constant 416 : index
    %swap3A_158 = tpu.vector_load %arg6[%swap3A_157] {strides = array<i32>} : memref<640xf32, #tpu.memory_space<vmem>>, vector<16xf32>,
    %swap3A_159 = vector.shape_cast %swap3A_158 : vector<16xf32> to vector<16xf32>
    %swap3A_160 = vector.shape_cast %broadcast_in_dim3A_156 : vector<16xf32> to vector<16xf32>
    tpu.vector_store %arg6[%swap3A_157], %swap3A_160 {strides = array<i32>} : memref<640xf32, #tpu.memory_space<vmem>>, vector<16xf32>,
    %broadcast_in_dim3A_161 = arith.constant 0.000000e+00 : f32
    %broadcast_in_dim3A_162 = vector.broadcast %broadcast_in_dim3A_161 : f32 to vector<16xf32>
    %swap3A_163 = arith.constant 432 : index
    %swap3A_164 = tpu.vector_load %arg6[%swap3A_163] {strides = array<i32>} : memref<640xf32, #tpu.memory_space<vmem>>, vector<16xf32>,
    %swap3A_165 = vector.shape_cast %swap3A_164 : vector<16xf32> to vector<16xf32>
    %swap3A_166 = vector.shape_cast %broadcast_in_dim3A_162 : vector<16xf32> to vector<16xf32>
    tpu.vector_store %arg6[%swap3A_163], %swap3A_166 {strides = array<i32>} : memref<640xf32, #tpu.memory_space<vmem>>, vector<16xf32>,
    %broadcast_in_dim3A_167 = arith.constant 0.000000e+00 : f32
    %broadcast_in_dim3A_168 = vector.broadcast %broadcast_in_dim3A_167 : f32 to vector<16xf32>
    %swap3A_169 = arith.constant 448 : index
    %swap3A_170 = tpu.vector_load %arg6[%swap3A_169] {strides = array<i32>} : memref<640xf32, #tpu.memory_space<vmem>>, vector<16xf32>,
    %swap3A_171 = vector.shape_cast %swap3A_170 : vector<16xf32> to vector<16xf32>
    %swap3A_172 = vector.shape_cast %broadcast_in_dim3A_168 : vector<16xf32> to vector<16xf32>
    tpu.vector_store %arg6[%swap3A_169], %swap3A_172 {strides = array<i32>} : memref<640xf32, #tpu.memory_space<vmem>>, vector<16xf32>,
    %broadcast_in_dim3A_173 = arith.constant 0.000000e+00 : f32
    %broadcast_in_dim3A_174 = vector.broadcast %broadcast_in_dim3A_173 : f32 to vector<16xf32>
    %swap3A_175 = arith.constant 464 : index
    %swap3A_176 = tpu.vector_load %arg6[%swap3A_175] {strides = array<i32>} : memref<640xf32, #tpu.memory_space<vmem>>, vector<16xf32>,
    %swap3A_177 = vector.shape_cast %swap3A_176 : vector<16xf32> to vector<16xf32>
    %swap3A_178 = vector.shape_cast %broadcast_in_dim3A_174 : vector<16xf32> to vector<16xf32>
    tpu.vector_store %arg6[%swap3A_175], %swap3A_178 {strides = array<i32>} : memref<640xf32, #tpu.memory_space<vmem>>, vector<16xf32>,
    %broadcast_in_dim3A_179 = arith.constant 0.000000e+00 : f32
    %broadcast_in_dim3A_180 = vector.broadcast %broadcast_in_dim3A_179 : f32 to vector<16xf32>
    %swap3A_181 = arith.constant 480 : index
    %swap3A_182 = tpu.vector_load %arg6[%swap3A_181] {strides = array<i32>} : memref<640xf32, #tpu.memory_space<vmem>>, vector<16xf32>,
    %swap3A_183 = vector.shape_cast %swap3A_182 : vector<16xf32> to vector<16xf32>
    %swap3A_184 = vector.shape_cast %broadcast_in_dim3A_180 : vector<16xf32> to vector<16xf32>
    tpu.vector_store %arg6[%swap3A_181], %swap3A_184 {strides = array<i32>} : memref<640xf32, #tpu.memory_space<vmem>>, vector<16xf32>,
    %broadcast_in_dim3A_185 = arith.constant 0.000000e+00 : f32
    %broadcast_in_dim3A_186 = vector.broadcast %broadcast_in_dim3A_185 : f32 to vector<16xf32>
    %swap3A_187 = arith.constant 496 : index
    %swap3A_188 = tpu.vector_load %arg6[%swap3A_187] {strides = array<i32>} : memref<640xf32, #tpu.memory_space<vmem>>, vector<16xf32>,
    %swap3A_189 = vector.shape_cast %swap3A_188 : vector<16xf32> to vector<16xf32>
    %swap3A_190 = vector.shape_cast %broadcast_in_dim3A_186 : vector<16xf32> to vector<16xf32>
    tpu.vector_store %arg6[%swap3A_187], %swap3A_190 {strides = array<i32>} : memref<640xf32, #tpu.memory_space<vmem>>, vector<16xf32>,
    %broadcast_in_dim3A_191 = arith.constant 0.000000e+00 : f32
    %broadcast_in_dim3A_192 = vector.broadcast %broadcast_in_dim3A_191 : f32 to vector<16xf32>
    %swap3A_193 = arith.constant 512 : index
    %swap3A_194 = tpu.vector_load %arg6[%swap3A_193] {strides = array<i32>} : memref<640xf32, #tpu.memory_space<vmem>>, vector<16xf32>,
    %swap3A_195 = vector.shape_cast %swap3A_194 : vector<16xf32> to vector<16xf32>
    %swap3A_196 = vector.shape_cast %broadcast_in_dim3A_192 : vector<16xf32> to vector<16xf32>
    tpu.vector_store %arg6[%swap3A_193], %swap3A_196 {strides = array<i32>} : memref<640xf32, #tpu.memory_space<vmem>>, vector<16xf32>,
    %broadcast_in_dim3A_197 = arith.constant 0.000000e+00 : f32
    %broadcast_in_dim3A_198 = vector.broadcast %broadcast_in_dim3A_197 : f32 to vector<16xf32>
    %swap3A_199 = arith.constant 528 : index
    %swap3A_200 = tpu.vector_load %arg6[%swap3A_199] {strides = array<i32>} : memref<640xf32, #tpu.memory_space<vmem>>, vector<16xf32>,
    %swap3A_201 = vector.shape_cast %swap3A_200 : vector<16xf32> to vector<16xf32>
    %swap3A_202 = vector.shape_cast %broadcast_in_dim3A_198 : vector<16xf32> to vector<16xf32>
    tpu.vector_store %arg6[%swap3A_199], %swap3A_202 {strides = array<i32>} : memref<640xf32, #tpu.memory_space<vmem>>, vector<16xf32>,
    %broadcast_in_dim3A_203 = arith.constant 0.000000e+00 : f32
    %broadcast_in_dim3A_204 = vector.broadcast %broadcast_in_dim3A_203 : f32 to vector<16xf32>
    %swap3A_205 = arith.constant 544 : index
    %swap3A_206 = tpu.vector_load %arg6[%swap3A_205] {strides = array<i32>} : memref<640xf32, #tpu.memory_space<vmem>>, vector<16xf32>,
    %swap3A_207 = vector.shape_cast %swap3A_206 : vector<16xf32> to vector<16xf32>
    %swap3A_208 = vector.shape_cast %broadcast_in_dim3A_204 : vector<16xf32> to vector<16xf32>
    tpu.vector_store %arg6[%swap3A_205], %swap3A_208 {strides = array<i32>} : memref<640xf32, #tpu.memory_space<vmem>>, vector<16xf32>,
    %broadcast_in_dim3A_209 = arith.constant 0.000000e+00 : f32
    %broadcast_in_dim3A_210 = vector.broadcast %broadcast_in_dim3A_209 : f32 to vector<16xf32>
    %swap3A_211 = arith.constant 560 : index
    %swap3A_212 = tpu.vector_load %arg6[%swap3A_211] {strides = array<i32>} : memref<640xf32, #tpu.memory_space<vmem>>, vector<16xf32>,
    %swap3A_213 = vector.shape_cast %swap3A_212 : vector<16xf32> to vector<16xf32>
    %swap3A_214 = vector.shape_cast %broadcast_in_dim3A_210 : vector<16xf32> to vector<16xf32>
    tpu.vector_store %arg6[%swap3A_211], %swap3A_214 {strides = array<i32>} : memref<640xf32, #tpu.memory_space<vmem>>, vector<16xf32>,
    %broadcast_in_dim3A_215 = arith.constant 0.000000e+00 : f32
    %broadcast_in_dim3A_216 = vector.broadcast %broadcast_in_dim3A_215 : f32 to vector<16xf32>
    %swap3A_217 = arith.constant 576 : index
    %swap3A_218 = tpu.vector_load %arg6[%swap3A_217] {strides = array<i32>} : memref<640xf32, #tpu.memory_space<vmem>>, vector<16xf32>,
    %swap3A_219 = vector.shape_cast %swap3A_218 : vector<16xf32> to vector<16xf32>
    %swap3A_220 = vector.shape_cast %broadcast_in_dim3A_216 : vector<16xf32> to vector<16xf32>
    tpu.vector_store %arg6[%swap3A_217], %swap3A_220 {strides = array<i32>} : memref<640xf32, #tpu.memory_space<vmem>>, vector<16xf32>,
    %broadcast_in_dim3A_221 = arith.constant 0.000000e+00 : f32
    %broadcast_in_dim3A_222 = vector.broadcast %broadcast_in_dim3A_221 : f32 to vector<16xf32>
    %swap3A_223 = arith.constant 592 : index
    %swap3A_224 = tpu.vector_load %arg6[%swap3A_223] {strides = array<i32>} : memref<640xf32, #tpu.memory_space<vmem>>, vector<16xf32>,
    %swap3A_225 = vector.shape_cast %swap3A_224 : vector<16xf32> to vector<16xf32>
    %swap3A_226 = vector.shape_cast %broadcast_in_dim3A_222 : vector<16xf32> to vector<16xf32>
    tpu.vector_store %arg6[%swap3A_223], %swap3A_226 {strides = array<i32>} : memref<640xf32, #tpu.memory_space<vmem>>, vector<16xf32>,
    %broadcast_in_dim3A_227 = arith.constant 0.000000e+00 : f32
    %broadcast_in_dim3A_228 = vector.broadcast %broadcast_in_dim3A_227 : f32 to vector<16xf32>
    %swap3A_229 = arith.constant 608 : index
    %swap3A_230 = tpu.vector_load %arg6[%swap3A_229] {strides = array<i32>} : memref<640xf32, #tpu.memory_space<vmem>>, vector<16xf32>,
    %swap3A_231 = vector.shape_cast %swap3A_230 : vector<16xf32> to vector<16xf32>
    %swap3A_232 = vector.shape_cast %broadcast_in_dim3A_228 : vector<16xf32> to vector<16xf32>
    tpu.vector_store %arg6[%swap3A_229], %swap3A_232 {strides = array<i32>} : memref<640xf32, #tpu.memory_space<vmem>>, vector<16xf32>,
    %broadcast_in_dim3A_233 = arith.constant 0.000000e+00 : f32
    %broadcast_in_dim3A_234 = vector.broadcast %broadcast_in_dim3A_233 : f32 to vector<16xf32>
    %swap3A_235 = arith.constant 624 : index
    %swap3A_236 = tpu.vector_load %arg6[%swap3A_235] {strides = array<i32>} : memref<640xf32, #tpu.memory_space<vmem>>, vector<16xf32>,
    %swap3A_237 = vector.shape_cast %swap3A_236 : vector<16xf32> to vector<16xf32>
    %swap3A_238 = vector.shape_cast %broadcast_in_dim3A_234 : vector<16xf32> to vector<16xf32>
    tpu.vector_store %arg6[%swap3A_235], %swap3A_238 {strides = array<i32>} : memref<640xf32, #tpu.memory_space<vmem>>, vector<16xf32>,
    %broadcast_in_dim3A_239 = arith.constant 1.000000e+00 : f32
    %broadcast_in_dim3A_240 = vector.broadcast %broadcast_in_dim3A_239 : f32 to vector<16xf32>
    %swap3A_241 = arith.constant 0 : index
    %swap3A_242 = tpu.vector_load %arg5[%swap3A_241] {strides = array<i32>} : memref<80xf32, #tpu.memory_space<vmem>>, vector<16xf32>,
    %swap3A_243 = vector.shape_cast %swap3A_242 : vector<16xf32> to vector<16xf32>
    %swap3A_244 = vector.shape_cast %broadcast_in_dim3A_240 : vector<16xf32> to vector<16xf32>
    tpu.vector_store %arg5[%swap3A_241], %swap3A_244 {strides = array<i32>} : memref<80xf32, #tpu.memory_space<vmem>>, vector<16xf32>,
    %broadcast_in_dim3A_245 = arith.constant 1.000000e+00 : f32
    %broadcast_in_dim3A_246 = vector.broadcast %broadcast_in_dim3A_245 : f32 to vector<16xf32>
    %swap3A_247 = arith.constant 16 : index
    %swap3A_248 = tpu.vector_load %arg5[%swap3A_247] {strides = array<i32>} : memref<80xf32, #tpu.memory_space<vmem>>, vector<16xf32>,
    %swap3A_249 = vector.shape_cast %swap3A_248 : vector<16xf32> to vector<16xf32>
    %swap3A_250 = vector.shape_cast %broadcast_in_dim3A_246 : vector<16xf32> to vector<16xf32>
    tpu.vector_store %arg5[%swap3A_247], %swap3A_250 {strides = array<i32>} : memref<80xf32, #tpu.memory_space<vmem>>, vector<16xf32>,
    %broadcast_in_dim3A_251 = arith.constant 1.000000e+00 : f32
    %broadcast_in_dim3A_252 = vector.broadcast %broadcast_in_dim3A_251 : f32 to vector<16xf32>
    %swap3A_253 = arith.constant 32 : index
    %swap3A_254 = tpu.vector_load %arg5[%swap3A_253] {strides = array<i32>} : memref<80xf32, #tpu.memory_space<vmem>>, vector<16xf32>,
    %swap3A_255 = vector.shape_cast %swap3A_254 : vector<16xf32> to vector<16xf32>
    %swap3A_256 = vector.shape_cast %broadcast_in_dim3A_252 : vector<16xf32> to vector<16xf32>
    tpu.vector_store %arg5[%swap3A_253], %swap3A_256 {strides = array<i32>} : memref<80xf32, #tpu.memory_space<vmem>>, vector<16xf32>,
    %broadcast_in_dim3A_257 = arith.constant 1.000000e+00 : f32
    %broadcast_in_dim3A_258 = vector.broadcast %broadcast_in_dim3A_257 : f32 to vector<16xf32>
    %swap3A_259 = arith.constant 48 : index
    %swap3A_260 = tpu.vector_load %arg5[%swap3A_259] {strides = array<i32>} : memref<80xf32, #tpu.memory_space<vmem>>, vector<16xf32>,
    %swap3A_261 = vector.shape_cast %swap3A_260 : vector<16xf32> to vector<16xf32>
    %swap3A_262 = vector.shape_cast %broadcast_in_dim3A_258 : vector<16xf32> to vector<16xf32>
    tpu.vector_store %arg5[%swap3A_259], %swap3A_262 {strides = array<i32>} : memref<80xf32, #tpu.memory_space<vmem>>, vector<16xf32>,
    %broadcast_in_dim3A_263 = arith.constant 1.000000e+00 : f32
    %broadcast_in_dim3A_264 = vector.broadcast %broadcast_in_dim3A_263 : f32 to vector<16xf32>
    %swap3A_265 = arith.constant 64 : index
    %swap3A_266 = tpu.vector_load %arg5[%swap3A_265] {strides = array<i32>} : memref<80xf32, #tpu.memory_space<vmem>>, vector<16xf32>,
    %swap3A_267 = vector.shape_cast %swap3A_266 : vector<16xf32> to vector<16xf32>
    %swap3A_268 = vector.shape_cast %broadcast_in_dim3A_264 : vector<16xf32> to vector<16xf32>
    tpu.vector_store %arg5[%swap3A_265], %swap3A_268 {strides = array<i32>} : memref<80xf32, #tpu.memory_space<vmem>>, vector<16xf32>,
    %mul3A_269 = arith.constant 640 : i32
    %mul3A_270 = arith.muli %arg1, %mul3A_269 : i32
    "tpu.region"() ({
      %run_scoped3A = tpu.sem_alloc : memref<!tpu.dma_semaphore, #tpu.memory_space<semaphore_mem>>
      %dma_start3A = tpu.memref_slice %arg7[%mul3A_270] : memref<10240xf32, #tpu.memory_space<vmem_shared>> -> memref<640xf32, #tpu.memory_space<vmem_shared>>
      %dma_start3A_283 = tpu.memref_slice %arg7[%mul3A_270] : memref<10240xf32, #tpu.memory_space<vmem_shared>> -> memref<640xf32, #tpu.memory_space<vmem_shared>>
      tpu.enqueue_dma source(%arg6 : memref<640xf32, #tpu.memory_space<vmem>>) target(%dma_start3A_283 : memref<640xf32, #tpu.memory_space<vmem_shared>>) target_semaphore(%run_scoped3A : memref<!tpu.dma_semaphore, #tpu.memory_space<semaphore_mem>>)
      %dma_wait3A = tpu.memref_slice %arg7[%mul3A_270] : memref<10240xf32, #tpu.memory_space<vmem_shared>> -> memref<640xf32, #tpu.memory_space<vmem_shared>>
      %dma_wait3A_284 = tpu.memref_slice %arg7[%mul3A_270] : memref<10240xf32, #tpu.memory_space<vmem_shared>> -> memref<640xf32, #tpu.memory_space<vmem_shared>>
      tpu.wait_dma2 semaphore(%run_scoped3A : memref<!tpu.dma_semaphore, #tpu.memory_space<semaphore_mem>>) src(%arg6 : memref<640xf32, #tpu.memory_space<vmem>>) dst(%dma_wait3A_284 : memref<640xf32, #tpu.memory_space<vmem_shared>>)
      tpu.yield
    }) : () -> ()
    %mul3A_271 = arith.constant 10000 : i32
    %mul3A_272 = arith.muli %add3A, %mul3A_271 : i32
    "tpu.region"() ({
      %run_scoped3A = tpu.sem_alloc : memref<!tpu.dma_semaphore, #tpu.memory_space<semaphore_mem>>
      %dma_start3A = tpu.memref_slice %arg2[%mul3A_272] : memref<320000xi32, #tpu.memory_space<hbm>> -> memref<10000xi32, #tpu.memory_space<hbm>>
      %dma_start3A_283 = tpu.memref_slice %arg2[%mul3A_272] : memref<320000xi32, #tpu.memory_space<hbm>> -> memref<10000xi32, #tpu.memory_space<hbm>>
      tpu.enqueue_dma source(%dma_start3A_283 : memref<10000xi32, #tpu.memory_space<hbm>>) target(%arg4 : memref<10000xi32, #tpu.memory_space<vmem>>) target_semaphore(%run_scoped3A : memref<!tpu.dma_semaphore, #tpu.memory_space<semaphore_mem>>)
      %dma_wait3A = tpu.memref_slice %arg2[%mul3A_272] : memref<320000xi32, #tpu.memory_space<hbm>> -> memref<10000xi32, #tpu.memory_space<hbm>>
      %dma_wait3A_284 = tpu.memref_slice %arg2[%mul3A_272] : memref<320000xi32, #tpu.memory_space<hbm>> -> memref<10000xi32, #tpu.memory_space<hbm>>
      tpu.wait_dma2 semaphore(%run_scoped3A : memref<!tpu.dma_semaphore, #tpu.memory_space<semaphore_mem>>) src(%dma_wait3A_284 : memref<10000xi32, #tpu.memory_space<hbm>>) dst(%arg4 : memref<10000xi32, #tpu.memory_space<vmem>>)
      tpu.yield
    }) : () -> ()
    %barrier3A = arith.constant 0 : index
    tpu.barrier barrier_id(%barrier3A)
    %scan3A = arith.constant 0 : i32
    %scan3A_273 = arith.constant 0 : i32
    %scan3A_274 = arith.constant 125 : i32
    %scan3A_275 = arith.addi %scan3A_273, %scan3A_274 : i32
    %scan3A_276 = arith.constant 1 : i32
    scf.for %scan3A_283 = %scan3A_273 to %scan3A_275 step %scan3A_276  : i32 {
      %mul3A_284 = arith.constant 80 : i32
      %mul3A_285 = arith.muli %scan3A_283, %mul3A_284 : i32
      "tpu.region"() ({
        %run_scoped3A = tpu.sem_alloc : memref<!tpu.dma_semaphore, #tpu.memory_space<semaphore_mem>>
        %dma_start3A = tpu.memref_slice %arg4[%mul3A_285] : memref<10000xi32, #tpu.memory_space<vmem>> -> memref<80xi32, #tpu.memory_space<vmem>>
        %dma_start3A_286 = arith.constant 0 : i32
        %dma_start3A_287 = tpu.memref_slice %arg7[%dma_start3A_286] : memref<10240xf32, #tpu.memory_space<vmem_shared>> -> memref<10240xf32, #tpu.memory_space<vmem_shared>>
        tpu.enqueue_indirect_dma source(%arg5 : memref<80xf32, #tpu.memory_space<vmem>>) target(%dma_start3A_287 : memref<10240xf32, #tpu.memory_space<vmem_shared>>) offsets(%dma_start3A : memref<80xi32, #tpu.memory_space<vmem>>) semaphore(%run_scoped3A : memref<!tpu.dma_semaphore, #tpu.memory_space<semaphore_mem>>) {add = true}
        %dma_wait3A = tpu.memref_slice %arg4[%mul3A_285] : memref<10000xi32, #tpu.memory_space<vmem>> -> memref<80xi32, #tpu.memory_space<vmem>>
        %dma_wait3A_288 = arith.constant 0 : i32
        %dma_wait3A_289 = tpu.memref_slice %arg7[%dma_wait3A_288] : memref<10240xf32, #tpu.memory_space<vmem_shared>> -> memref<10240xf32, #tpu.memory_space<vmem_shared>>
        tpu.wait_indirect_dma semaphore(%run_scoped3A : memref<!tpu.dma_semaphore, #tpu.memory_space<semaphore_mem>>) src(%arg5 : memref<80xf32, #tpu.memory_space<vmem>>) dst(%dma_wait3A_289 : memref<10240xf32, #tpu.memory_space<vmem_shared>>)
        tpu.yield
      }) : () -> ()
    }
    %scan3A_277 = arith.constant 125 : i32
    %barrier3A_278 = arith.constant 0 : index
    tpu.barrier barrier_id(%barrier3A_278)
    %mul3A_279 = arith.constant 640 : i32
    %mul3A_280 = arith.muli %arg1, %mul3A_279 : i32
    %mul3A_281 = arith.constant 640 : i32
    %mul3A_282 = arith.muli %arg1, %mul3A_281 : i32
    "tpu.region"() ({
      %run_scoped3A = tpu.sem_alloc : memref<!tpu.dma_semaphore, #tpu.memory_space<semaphore_mem>>
      %dma_start3A = tpu.memref_slice %arg3[%arg0, %mul3A_282] : memref<2x10240xf32, #tpu.memory_space<hbm>> -> memref<1x640xf32, #tpu.memory_space<hbm>>
      %dma_start3A_283 = tpu.memref_squeeze %dma_start3A : memref<1x640xf32, #tpu.memory_space<hbm>> -> memref<640xf32, #tpu.memory_space<hbm>>
      %dma_start3A_284 = tpu.memref_slice %arg7[%mul3A_280] : memref<10240xf32, #tpu.memory_space<vmem_shared>> -> memref<640xf32, #tpu.memory_space<vmem_shared>>
      tpu.enqueue_dma source(%dma_start3A_284 : memref<640xf32, #tpu.memory_space<vmem_shared>>) target(%dma_start3A_283 : memref<640xf32, #tpu.memory_space<hbm>>) target_semaphore(%run_scoped3A : memref<!tpu.dma_semaphore, #tpu.memory_space<semaphore_mem>>)
      %dma_wait3A = tpu.memref_slice %arg3[%arg0, %mul3A_282] : memref<2x10240xf32, #tpu.memory_space<hbm>> -> memref<1x640xf32, #tpu.memory_space<hbm>>
      %dma_wait3A_285 = tpu.memref_squeeze %dma_wait3A : memref<1x640xf32, #tpu.memory_space<hbm>> -> memref<640xf32, #tpu.memory_space<hbm>>
      %dma_wait3A_286 = tpu.memref_slice %arg7[%mul3A_280] : memref<10240xf32, #tpu.memory_space<vmem_shared>> -> memref<640xf32, #tpu.memory_space<vmem_shared>>
      tpu.wait_dma2 semaphore(%run_scoped3A : memref<!tpu.dma_semaphore, #tpu.memory_space<semaphore_mem>>) src(%dma_wait3A_286 : memref<640xf32, #tpu.memory_space<vmem_shared>>) dst(%dma_wait3A_285 : memref<640xf32, #tpu.memory_space<hbm>>)
      tpu.yield
    }) : () -> ()
    return
  }
}

#map = affine_map<(d0, d1) -> (0, 0)>
#map1 = affine_map<(d0, d1) -> (0)>
#map2 = affine_map<(d0, d1) -> (0, 0, 0)>
module attributes {stable_mosaic.version = 14 : i64} {
  func.func @_agg_kernel(%arg0: i32, %arg1: i32, %arg2: memref<10240x128xf32, #tpu.memory_space<hbm>>, %arg3: memref<320000xi32, #tpu.memory_space<hbm>>, %arg4: memref<320000xi32, #tpu.memory_space<hbm>>, %arg5: memref<640x128xf32, #tpu.memory_space<hbm>>, %arg6: memref<2x10240x128xf32, #tpu.memory_space<hbm>>, %arg7: memref<80x128xf32, #tpu.memory_space<vmem>>, %arg8: memref<80x128xf32, #tpu.memory_space<vmem>>, %arg9: memref<80x128xf32, #tpu.memory_space<vmem>>, %arg10: memref<80x128xf32, #tpu.memory_space<vmem>>, %arg11: memref<80xi32, #tpu.memory_space<vmem>>, %arg12: memref<80xi32, #tpu.memory_space<vmem>>, %arg13: memref<80xi32, #tpu.memory_space<vmem>>, %arg14: memref<80xi32, #tpu.memory_space<vmem>>, %arg15: memref<80xi32, #tpu.memory_space<vmem>>, %arg16: memref<80xi32, #tpu.memory_space<vmem>>, %arg17: memref<80xi32, #tpu.memory_space<vmem>>, %arg18: memref<80xi32, #tpu.memory_space<vmem>>, %arg19: memref<80xi32, #tpu.memory_space<vmem>>, %arg20: memref<80xi32, #tpu.memory_space<vmem>>, %arg21: memref<80xi32, #tpu.memory_space<vmem>>, %arg22: memref<80xi32, #tpu.memory_space<vmem>>, %arg23: memref<80xi32, #tpu.memory_space<vmem>>, %arg24: memref<80xi32, #tpu.memory_space<vmem>>, %arg25: memref<80xi32, #tpu.memory_space<vmem>>, %arg26: memref<80xi32, #tpu.memory_space<vmem>>, %arg27: memref<10240x128xf32, #tpu.memory_space<vmem_shared>>, %arg28: memref<!tpu.dma_semaphore, #tpu.memory_space<semaphore_mem>>, %arg29: memref<!tpu.dma_semaphore, #tpu.memory_space<semaphore_mem>>, %arg30: memref<!tpu.dma_semaphore, #tpu.memory_space<semaphore_mem>>, %arg31: memref<!tpu.dma_semaphore, #tpu.memory_space<semaphore_mem>>, %arg32: memref<!tpu.dma_semaphore, #tpu.memory_space<semaphore_mem>>, %arg33: memref<!tpu.dma_semaphore, #tpu.memory_space<semaphore_mem>>, %arg34: memref<!tpu.dma_semaphore, #tpu.memory_space<semaphore_mem>>, %arg35: memref<!tpu.dma_semaphore, #tpu.memory_space<semaphore_mem>>, %arg36: memref<!tpu.dma_semaphore, #tpu.memory_space<semaphore_mem>>, %arg37: memref<!tpu.dma_semaphore, #tpu.memory_space<semaphore_mem>>, %arg38: memref<!tpu.dma_semaphore, #tpu.memory_space<semaphore_mem>>, %arg39: memref<!tpu.dma_semaphore, #tpu.memory_space<semaphore_mem>>) attributes {dimension_semantics = [#tpu.dimension_semantics<core_parallel>, #tpu.dimension_semantics<subcore_parallel>], iteration_bounds = array<i64: 2, 16>, scalar_prefetch = 0 : i64, scratch_operands = 33 : i64, tpu.core_type = #tpu.core_type<sc_vector_subcore>, window_params = [{transform_indices = #map}, {transform_indices = #map1}, {transform_indices = #map1}, {transform_indices = #map}, {transform_indices = #map2}]} {
    %mul3A = arith.constant 16 : i32
    %mul3A_0 = arith.muli %arg0, %mul3A : i32
    %add3A = arith.addi %mul3A_0, %arg1 : i32
    %mul3A_1 = arith.constant 10000 : i32
    %mul3A_2 = arith.muli %add3A, %mul3A_1 : i32
    %add3A_3 = arith.constant 0 : i32
    %add3A_4 = arith.addi %mul3A_2, %add3A_3 : i32
    %dma_start3A = tpu.memref_slice %arg3[%add3A_4] : memref<320000xi32, #tpu.memory_space<hbm>> -> memref<80xi32, #tpu.memory_space<hbm>>
    %dma_start3A_5 = tpu.memref_slice %arg3[%add3A_4] : memref<320000xi32, #tpu.memory_space<hbm>> -> memref<80xi32, #tpu.memory_space<hbm>>
    tpu.enqueue_dma source(%dma_start3A_5 : memref<80xi32, #tpu.memory_space<hbm>>) target(%arg11 : memref<80xi32, #tpu.memory_space<vmem>>) target_semaphore(%arg32 : memref<!tpu.dma_semaphore, #tpu.memory_space<semaphore_mem>>)
    %add3A_6 = arith.constant 0 : i32
    %add3A_7 = arith.addi %mul3A_2, %add3A_6 : i32
    %dma_start3A_8 = tpu.memref_slice %arg4[%add3A_7] : memref<320000xi32, #tpu.memory_space<hbm>> -> memref<80xi32, #tpu.memory_space<hbm>>
    %dma_start3A_9 = tpu.memref_slice %arg4[%add3A_7] : memref<320000xi32, #tpu.memory_space<hbm>> -> memref<80xi32, #tpu.memory_space<hbm>>
    tpu.enqueue_dma source(%dma_start3A_9 : memref<80xi32, #tpu.memory_space<hbm>>) target(%arg19 : memref<80xi32, #tpu.memory_space<vmem>>) target_semaphore(%arg32 : memref<!tpu.dma_semaphore, #tpu.memory_space<semaphore_mem>>)
    %add3A_10 = arith.constant 80 : i32
    %add3A_11 = arith.addi %mul3A_2, %add3A_10 : i32
    %dma_start3A_12 = tpu.memref_slice %arg3[%add3A_11] : memref<320000xi32, #tpu.memory_space<hbm>> -> memref<80xi32, #tpu.memory_space<hbm>>
    %dma_start3A_13 = tpu.memref_slice %arg3[%add3A_11] : memref<320000xi32, #tpu.memory_space<hbm>> -> memref<80xi32, #tpu.memory_space<hbm>>
    tpu.enqueue_dma source(%dma_start3A_13 : memref<80xi32, #tpu.memory_space<hbm>>) target(%arg12 : memref<80xi32, #tpu.memory_space<vmem>>) target_semaphore(%arg33 : memref<!tpu.dma_semaphore, #tpu.memory_space<semaphore_mem>>)
    %add3A_14 = arith.constant 80 : i32
    %add3A_15 = arith.addi %mul3A_2, %add3A_14 : i32
    %dma_start3A_16 = tpu.memref_slice %arg4[%add3A_15] : memref<320000xi32, #tpu.memory_space<hbm>> -> memref<80xi32, #tpu.memory_space<hbm>>
    %dma_start3A_17 = tpu.memref_slice %arg4[%add3A_15] : memref<320000xi32, #tpu.memory_space<hbm>> -> memref<80xi32, #tpu.memory_space<hbm>>
    tpu.enqueue_dma source(%dma_start3A_17 : memref<80xi32, #tpu.memory_space<hbm>>) target(%arg20 : memref<80xi32, #tpu.memory_space<vmem>>) target_semaphore(%arg33 : memref<!tpu.dma_semaphore, #tpu.memory_space<semaphore_mem>>)
    %add3A_18 = arith.constant 160 : i32
    %add3A_19 = arith.addi %mul3A_2, %add3A_18 : i32
    %dma_start3A_20 = tpu.memref_slice %arg3[%add3A_19] : memref<320000xi32, #tpu.memory_space<hbm>> -> memref<80xi32, #tpu.memory_space<hbm>>
    %dma_start3A_21 = tpu.memref_slice %arg3[%add3A_19] : memref<320000xi32, #tpu.memory_space<hbm>> -> memref<80xi32, #tpu.memory_space<hbm>>
    tpu.enqueue_dma source(%dma_start3A_21 : memref<80xi32, #tpu.memory_space<hbm>>) target(%arg13 : memref<80xi32, #tpu.memory_space<vmem>>) target_semaphore(%arg34 : memref<!tpu.dma_semaphore, #tpu.memory_space<semaphore_mem>>)
    %add3A_22 = arith.constant 160 : i32
    %add3A_23 = arith.addi %mul3A_2, %add3A_22 : i32
    %dma_start3A_24 = tpu.memref_slice %arg4[%add3A_23] : memref<320000xi32, #tpu.memory_space<hbm>> -> memref<80xi32, #tpu.memory_space<hbm>>
    %dma_start3A_25 = tpu.memref_slice %arg4[%add3A_23] : memref<320000xi32, #tpu.memory_space<hbm>> -> memref<80xi32, #tpu.memory_space<hbm>>
    tpu.enqueue_dma source(%dma_start3A_25 : memref<80xi32, #tpu.memory_space<hbm>>) target(%arg21 : memref<80xi32, #tpu.memory_space<vmem>>) target_semaphore(%arg34 : memref<!tpu.dma_semaphore, #tpu.memory_space<semaphore_mem>>)
    %add3A_26 = arith.constant 240 : i32
    %add3A_27 = arith.addi %mul3A_2, %add3A_26 : i32
    %dma_start3A_28 = tpu.memref_slice %arg3[%add3A_27] : memref<320000xi32, #tpu.memory_space<hbm>> -> memref<80xi32, #tpu.memory_space<hbm>>
    %dma_start3A_29 = tpu.memref_slice %arg3[%add3A_27] : memref<320000xi32, #tpu.memory_space<hbm>> -> memref<80xi32, #tpu.memory_space<hbm>>
    tpu.enqueue_dma source(%dma_start3A_29 : memref<80xi32, #tpu.memory_space<hbm>>) target(%arg14 : memref<80xi32, #tpu.memory_space<vmem>>) target_semaphore(%arg35 : memref<!tpu.dma_semaphore, #tpu.memory_space<semaphore_mem>>)
    %add3A_30 = arith.constant 240 : i32
    %add3A_31 = arith.addi %mul3A_2, %add3A_30 : i32
    %dma_start3A_32 = tpu.memref_slice %arg4[%add3A_31] : memref<320000xi32, #tpu.memory_space<hbm>> -> memref<80xi32, #tpu.memory_space<hbm>>
    %dma_start3A_33 = tpu.memref_slice %arg4[%add3A_31] : memref<320000xi32, #tpu.memory_space<hbm>> -> memref<80xi32, #tpu.memory_space<hbm>>
    tpu.enqueue_dma source(%dma_start3A_33 : memref<80xi32, #tpu.memory_space<hbm>>) target(%arg22 : memref<80xi32, #tpu.memory_space<vmem>>) target_semaphore(%arg35 : memref<!tpu.dma_semaphore, #tpu.memory_space<semaphore_mem>>)
    %add3A_34 = arith.constant 320 : i32
    %add3A_35 = arith.addi %mul3A_2, %add3A_34 : i32
    %dma_start3A_36 = tpu.memref_slice %arg3[%add3A_35] : memref<320000xi32, #tpu.memory_space<hbm>> -> memref<80xi32, #tpu.memory_space<hbm>>
    %dma_start3A_37 = tpu.memref_slice %arg3[%add3A_35] : memref<320000xi32, #tpu.memory_space<hbm>> -> memref<80xi32, #tpu.memory_space<hbm>>
    tpu.enqueue_dma source(%dma_start3A_37 : memref<80xi32, #tpu.memory_space<hbm>>) target(%arg15 : memref<80xi32, #tpu.memory_space<vmem>>) target_semaphore(%arg36 : memref<!tpu.dma_semaphore, #tpu.memory_space<semaphore_mem>>)
    %add3A_38 = arith.constant 320 : i32
    %add3A_39 = arith.addi %mul3A_2, %add3A_38 : i32
    %dma_start3A_40 = tpu.memref_slice %arg4[%add3A_39] : memref<320000xi32, #tpu.memory_space<hbm>> -> memref<80xi32, #tpu.memory_space<hbm>>
    %dma_start3A_41 = tpu.memref_slice %arg4[%add3A_39] : memref<320000xi32, #tpu.memory_space<hbm>> -> memref<80xi32, #tpu.memory_space<hbm>>
    tpu.enqueue_dma source(%dma_start3A_41 : memref<80xi32, #tpu.memory_space<hbm>>) target(%arg23 : memref<80xi32, #tpu.memory_space<vmem>>) target_semaphore(%arg36 : memref<!tpu.dma_semaphore, #tpu.memory_space<semaphore_mem>>)
    %add3A_42 = arith.constant 400 : i32
    %add3A_43 = arith.addi %mul3A_2, %add3A_42 : i32
    %dma_start3A_44 = tpu.memref_slice %arg3[%add3A_43] : memref<320000xi32, #tpu.memory_space<hbm>> -> memref<80xi32, #tpu.memory_space<hbm>>
    %dma_start3A_45 = tpu.memref_slice %arg3[%add3A_43] : memref<320000xi32, #tpu.memory_space<hbm>> -> memref<80xi32, #tpu.memory_space<hbm>>
    tpu.enqueue_dma source(%dma_start3A_45 : memref<80xi32, #tpu.memory_space<hbm>>) target(%arg16 : memref<80xi32, #tpu.memory_space<vmem>>) target_semaphore(%arg37 : memref<!tpu.dma_semaphore, #tpu.memory_space<semaphore_mem>>)
    %add3A_46 = arith.constant 400 : i32
    %add3A_47 = arith.addi %mul3A_2, %add3A_46 : i32
    %dma_start3A_48 = tpu.memref_slice %arg4[%add3A_47] : memref<320000xi32, #tpu.memory_space<hbm>> -> memref<80xi32, #tpu.memory_space<hbm>>
    %dma_start3A_49 = tpu.memref_slice %arg4[%add3A_47] : memref<320000xi32, #tpu.memory_space<hbm>> -> memref<80xi32, #tpu.memory_space<hbm>>
    tpu.enqueue_dma source(%dma_start3A_49 : memref<80xi32, #tpu.memory_space<hbm>>) target(%arg24 : memref<80xi32, #tpu.memory_space<vmem>>) target_semaphore(%arg37 : memref<!tpu.dma_semaphore, #tpu.memory_space<semaphore_mem>>)
    %add3A_50 = arith.constant 480 : i32
    %add3A_51 = arith.addi %mul3A_2, %add3A_50 : i32
    %dma_start3A_52 = tpu.memref_slice %arg3[%add3A_51] : memref<320000xi32, #tpu.memory_space<hbm>> -> memref<80xi32, #tpu.memory_space<hbm>>
    %dma_start3A_53 = tpu.memref_slice %arg3[%add3A_51] : memref<320000xi32, #tpu.memory_space<hbm>> -> memref<80xi32, #tpu.memory_space<hbm>>
    tpu.enqueue_dma source(%dma_start3A_53 : memref<80xi32, #tpu.memory_space<hbm>>) target(%arg17 : memref<80xi32, #tpu.memory_space<vmem>>) target_semaphore(%arg38 : memref<!tpu.dma_semaphore, #tpu.memory_space<semaphore_mem>>)
    %add3A_54 = arith.constant 480 : i32
    %add3A_55 = arith.addi %mul3A_2, %add3A_54 : i32
    %dma_start3A_56 = tpu.memref_slice %arg4[%add3A_55] : memref<320000xi32, #tpu.memory_space<hbm>> -> memref<80xi32, #tpu.memory_space<hbm>>
    %dma_start3A_57 = tpu.memref_slice %arg4[%add3A_55] : memref<320000xi32, #tpu.memory_space<hbm>> -> memref<80xi32, #tpu.memory_space<hbm>>
    tpu.enqueue_dma source(%dma_start3A_57 : memref<80xi32, #tpu.memory_space<hbm>>) target(%arg25 : memref<80xi32, #tpu.memory_space<vmem>>) target_semaphore(%arg38 : memref<!tpu.dma_semaphore, #tpu.memory_space<semaphore_mem>>)
    %add3A_58 = arith.constant 560 : i32
    %add3A_59 = arith.addi %mul3A_2, %add3A_58 : i32
    %dma_start3A_60 = tpu.memref_slice %arg3[%add3A_59] : memref<320000xi32, #tpu.memory_space<hbm>> -> memref<80xi32, #tpu.memory_space<hbm>>
    %dma_start3A_61 = tpu.memref_slice %arg3[%add3A_59] : memref<320000xi32, #tpu.memory_space<hbm>> -> memref<80xi32, #tpu.memory_space<hbm>>
    tpu.enqueue_dma source(%dma_start3A_61 : memref<80xi32, #tpu.memory_space<hbm>>) target(%arg18 : memref<80xi32, #tpu.memory_space<vmem>>) target_semaphore(%arg39 : memref<!tpu.dma_semaphore, #tpu.memory_space<semaphore_mem>>)
    %add3A_62 = arith.constant 560 : i32
    %add3A_63 = arith.addi %mul3A_2, %add3A_62 : i32
    %dma_start3A_64 = tpu.memref_slice %arg4[%add3A_63] : memref<320000xi32, #tpu.memory_space<hbm>> -> memref<80xi32, #tpu.memory_space<hbm>>
    %dma_start3A_65 = tpu.memref_slice %arg4[%add3A_63] : memref<320000xi32, #tpu.memory_space<hbm>> -> memref<80xi32, #tpu.memory_space<hbm>>
    tpu.enqueue_dma source(%dma_start3A_65 : memref<80xi32, #tpu.memory_space<hbm>>) target(%arg26 : memref<80xi32, #tpu.memory_space<vmem>>) target_semaphore(%arg39 : memref<!tpu.dma_semaphore, #tpu.memory_space<semaphore_mem>>)
    %mul3A_66 = arith.constant 640 : i32
    %mul3A_67 = arith.muli %arg1, %mul3A_66 : i32
    "tpu.region"() ({
      %run_scoped3A = tpu.sem_alloc : memref<!tpu.dma_semaphore, #tpu.memory_space<semaphore_mem>>
      %dma_start3A_147 = arith.constant 0 : i32
      %dma_start3A_148 = tpu.memref_slice %arg27[%mul3A_67, %dma_start3A_147] : memref<10240x128xf32, #tpu.memory_space<vmem_shared>> -> memref<640x128xf32, #tpu.memory_space<vmem_shared>>
      tpu.enqueue_dma source(%arg5 : memref<640x128xf32, #tpu.memory_space<hbm>>) target(%dma_start3A_148 : memref<640x128xf32, #tpu.memory_space<vmem_shared>>) target_semaphore(%run_scoped3A : memref<!tpu.dma_semaphore, #tpu.memory_space<semaphore_mem>>)
      %dma_wait3A_149 = arith.constant 0 : i32
      %dma_wait3A_150 = tpu.memref_slice %arg27[%mul3A_67, %dma_wait3A_149] : memref<10240x128xf32, #tpu.memory_space<vmem_shared>> -> memref<640x128xf32, #tpu.memory_space<vmem_shared>>
      tpu.wait_dma2 semaphore(%run_scoped3A : memref<!tpu.dma_semaphore, #tpu.memory_space<semaphore_mem>>) src(%arg5 : memref<640x128xf32, #tpu.memory_space<hbm>>) dst(%dma_wait3A_150 : memref<640x128xf32, #tpu.memory_space<vmem_shared>>)
      tpu.yield
    }) : () -> ()
    %barrier3A = arith.constant 0 : index
    tpu.barrier barrier_id(%barrier3A)
    %add3A_68 = arith.constant 0 : i32
    %add3A_69 = arith.addi %mul3A_2, %add3A_68 : i32
    %dma_wait3A = tpu.memref_slice %arg3[%add3A_69] : memref<320000xi32, #tpu.memory_space<hbm>> -> memref<80xi32, #tpu.memory_space<hbm>>
    %dma_wait3A_70 = tpu.memref_slice %arg3[%add3A_69] : memref<320000xi32, #tpu.memory_space<hbm>> -> memref<80xi32, #tpu.memory_space<hbm>>
    tpu.wait_dma2 semaphore(%arg32 : memref<!tpu.dma_semaphore, #tpu.memory_space<semaphore_mem>>) src(%dma_wait3A_70 : memref<80xi32, #tpu.memory_space<hbm>>) dst(%arg11 : memref<80xi32, #tpu.memory_space<vmem>>)
    %add3A_71 = arith.constant 0 : i32
    %add3A_72 = arith.addi %mul3A_2, %add3A_71 : i32
    %dma_wait3A_73 = tpu.memref_slice %arg4[%add3A_72] : memref<320000xi32, #tpu.memory_space<hbm>> -> memref<80xi32, #tpu.memory_space<hbm>>
    %dma_wait3A_74 = tpu.memref_slice %arg4[%add3A_72] : memref<320000xi32, #tpu.memory_space<hbm>> -> memref<80xi32, #tpu.memory_space<hbm>>
    tpu.wait_dma2 semaphore(%arg32 : memref<!tpu.dma_semaphore, #tpu.memory_space<semaphore_mem>>) src(%dma_wait3A_74 : memref<80xi32, #tpu.memory_space<hbm>>) dst(%arg19 : memref<80xi32, #tpu.memory_space<vmem>>)
    %dma_start3A_75 = arith.constant 0 : i32
    %dma_start3A_76 = arith.constant 0 : i32
    %dma_start3A_77 = tpu.memref_slice %arg2[%dma_start3A_75, %dma_start3A_76] : memref<10240x128xf32, #tpu.memory_space<hbm>> -> memref<10240x128xf32, #tpu.memory_space<hbm>>
    tpu.enqueue_indirect_dma source(%dma_start3A_77 : memref<10240x128xf32, #tpu.memory_space<hbm>>) target(%arg7 : memref<80x128xf32, #tpu.memory_space<vmem>>) offsets(%arg11 : memref<80xi32, #tpu.memory_space<vmem>>) semaphore(%arg28 : memref<!tpu.dma_semaphore, #tpu.memory_space<semaphore_mem>>)
    %add3A_78 = arith.constant 80 : i32
    %add3A_79 = arith.addi %mul3A_2, %add3A_78 : i32
    %dma_wait3A_80 = tpu.memref_slice %arg3[%add3A_79] : memref<320000xi32, #tpu.memory_space<hbm>> -> memref<80xi32, #tpu.memory_space<hbm>>
    %dma_wait3A_81 = tpu.memref_slice %arg3[%add3A_79] : memref<320000xi32, #tpu.memory_space<hbm>> -> memref<80xi32, #tpu.memory_space<hbm>>
    tpu.wait_dma2 semaphore(%arg33 : memref<!tpu.dma_semaphore, #tpu.memory_space<semaphore_mem>>) src(%dma_wait3A_81 : memref<80xi32, #tpu.memory_space<hbm>>) dst(%arg12 : memref<80xi32, #tpu.memory_space<vmem>>)
    %add3A_82 = arith.constant 80 : i32
    %add3A_83 = arith.addi %mul3A_2, %add3A_82 : i32
    %dma_wait3A_84 = tpu.memref_slice %arg4[%add3A_83] : memref<320000xi32, #tpu.memory_space<hbm>> -> memref<80xi32, #tpu.memory_space<hbm>>
    %dma_wait3A_85 = tpu.memref_slice %arg4[%add3A_83] : memref<320000xi32, #tpu.memory_space<hbm>> -> memref<80xi32, #tpu.memory_space<hbm>>
    tpu.wait_dma2 semaphore(%arg33 : memref<!tpu.dma_semaphore, #tpu.memory_space<semaphore_mem>>) src(%dma_wait3A_85 : memref<80xi32, #tpu.memory_space<hbm>>) dst(%arg20 : memref<80xi32, #tpu.memory_space<vmem>>)
    %dma_start3A_86 = arith.constant 0 : i32
    %dma_start3A_87 = arith.constant 0 : i32
    %dma_start3A_88 = tpu.memref_slice %arg2[%dma_start3A_86, %dma_start3A_87] : memref<10240x128xf32, #tpu.memory_space<hbm>> -> memref<10240x128xf32, #tpu.memory_space<hbm>>
    tpu.enqueue_indirect_dma source(%dma_start3A_88 : memref<10240x128xf32, #tpu.memory_space<hbm>>) target(%arg8 : memref<80x128xf32, #tpu.memory_space<vmem>>) offsets(%arg12 : memref<80xi32, #tpu.memory_space<vmem>>) semaphore(%arg29 : memref<!tpu.dma_semaphore, #tpu.memory_space<semaphore_mem>>)
    %add3A_89 = arith.constant 160 : i32
    %add3A_90 = arith.addi %mul3A_2, %add3A_89 : i32
    %dma_wait3A_91 = tpu.memref_slice %arg3[%add3A_90] : memref<320000xi32, #tpu.memory_space<hbm>> -> memref<80xi32, #tpu.memory_space<hbm>>
    %dma_wait3A_92 = tpu.memref_slice %arg3[%add3A_90] : memref<320000xi32, #tpu.memory_space<hbm>> -> memref<80xi32, #tpu.memory_space<hbm>>
    tpu.wait_dma2 semaphore(%arg34 : memref<!tpu.dma_semaphore, #tpu.memory_space<semaphore_mem>>) src(%dma_wait3A_92 : memref<80xi32, #tpu.memory_space<hbm>>) dst(%arg13 : memref<80xi32, #tpu.memory_space<vmem>>)
    %add3A_93 = arith.constant 160 : i32
    %add3A_94 = arith.addi %mul3A_2, %add3A_93 : i32
    %dma_wait3A_95 = tpu.memref_slice %arg4[%add3A_94] : memref<320000xi32, #tpu.memory_space<hbm>> -> memref<80xi32, #tpu.memory_space<hbm>>
    %dma_wait3A_96 = tpu.memref_slice %arg4[%add3A_94] : memref<320000xi32, #tpu.memory_space<hbm>> -> memref<80xi32, #tpu.memory_space<hbm>>
    tpu.wait_dma2 semaphore(%arg34 : memref<!tpu.dma_semaphore, #tpu.memory_space<semaphore_mem>>) src(%dma_wait3A_96 : memref<80xi32, #tpu.memory_space<hbm>>) dst(%arg21 : memref<80xi32, #tpu.memory_space<vmem>>)
    %dma_start3A_97 = arith.constant 0 : i32
    %dma_start3A_98 = arith.constant 0 : i32
    %dma_start3A_99 = tpu.memref_slice %arg2[%dma_start3A_97, %dma_start3A_98] : memref<10240x128xf32, #tpu.memory_space<hbm>> -> memref<10240x128xf32, #tpu.memory_space<hbm>>
    tpu.enqueue_indirect_dma source(%dma_start3A_99 : memref<10240x128xf32, #tpu.memory_space<hbm>>) target(%arg9 : memref<80x128xf32, #tpu.memory_space<vmem>>) offsets(%arg13 : memref<80xi32, #tpu.memory_space<vmem>>) semaphore(%arg30 : memref<!tpu.dma_semaphore, #tpu.memory_space<semaphore_mem>>)
    %add3A_100 = arith.constant 240 : i32
    %add3A_101 = arith.addi %mul3A_2, %add3A_100 : i32
    %dma_wait3A_102 = tpu.memref_slice %arg3[%add3A_101] : memref<320000xi32, #tpu.memory_space<hbm>> -> memref<80xi32, #tpu.memory_space<hbm>>
    %dma_wait3A_103 = tpu.memref_slice %arg3[%add3A_101] : memref<320000xi32, #tpu.memory_space<hbm>> -> memref<80xi32, #tpu.memory_space<hbm>>
    tpu.wait_dma2 semaphore(%arg35 : memref<!tpu.dma_semaphore, #tpu.memory_space<semaphore_mem>>) src(%dma_wait3A_103 : memref<80xi32, #tpu.memory_space<hbm>>) dst(%arg14 : memref<80xi32, #tpu.memory_space<vmem>>)
    %add3A_104 = arith.constant 240 : i32
    %add3A_105 = arith.addi %mul3A_2, %add3A_104 : i32
    %dma_wait3A_106 = tpu.memref_slice %arg4[%add3A_105] : memref<320000xi32, #tpu.memory_space<hbm>> -> memref<80xi32, #tpu.memory_space<hbm>>
    %dma_wait3A_107 = tpu.memref_slice %arg4[%add3A_105] : memref<320000xi32, #tpu.memory_space<hbm>> -> memref<80xi32, #tpu.memory_space<hbm>>
    tpu.wait_dma2 semaphore(%arg35 : memref<!tpu.dma_semaphore, #tpu.memory_space<semaphore_mem>>) src(%dma_wait3A_107 : memref<80xi32, #tpu.memory_space<hbm>>) dst(%arg22 : memref<80xi32, #tpu.memory_space<vmem>>)
    %dma_start3A_108 = arith.constant 0 : i32
    %dma_start3A_109 = arith.constant 0 : i32
    %dma_start3A_110 = tpu.memref_slice %arg2[%dma_start3A_108, %dma_start3A_109] : memref<10240x128xf32, #tpu.memory_space<hbm>> -> memref<10240x128xf32, #tpu.memory_space<hbm>>
    tpu.enqueue_indirect_dma source(%dma_start3A_110 : memref<10240x128xf32, #tpu.memory_space<hbm>>) target(%arg10 : memref<80x128xf32, #tpu.memory_space<vmem>>) offsets(%arg14 : memref<80xi32, #tpu.memory_space<vmem>>) semaphore(%arg31 : memref<!tpu.dma_semaphore, #tpu.memory_space<semaphore_mem>>)
    %scan3A = arith.constant 0 : i32
    %scan3A_111 = arith.constant 0 : i32
    %scan3A_112 = arith.constant 15 : i32
    %scan3A_113 = arith.addi %scan3A_111, %scan3A_112 : i32
    %scan3A_114 = arith.constant 1 : i32
    scf.for %scan3A_147 = %scan3A_111 to %scan3A_113 step %scan3A_114  : i32 {
      %mul3A_148 = arith.constant 8 : i32
      %mul3A_149 = arith.muli %scan3A_147, %mul3A_148 : i32
      %add3A_150 = arith.constant 0 : i32
      %add3A_151 = arith.addi %mul3A_149, %add3A_150 : i32
      %dma_wait3A_152 = arith.constant 0 : i32
      %dma_wait3A_153 = arith.constant 0 : i32
      %dma_wait3A_154 = tpu.memref_slice %arg2[%dma_wait3A_152, %dma_wait3A_153] : memref<10240x128xf32, #tpu.memory_space<hbm>> -> memref<10240x128xf32, #tpu.memory_space<hbm>>
      tpu.wait_indirect_dma semaphore(%arg28 : memref<!tpu.dma_semaphore, #tpu.memory_space<semaphore_mem>>) src(%dma_wait3A_154 : memref<10240x128xf32, #tpu.memory_space<hbm>>) dst(%arg7 : memref<80x128xf32, #tpu.memory_space<vmem>>)
      "tpu.region"() ({
        %run_scoped3A = tpu.sem_alloc : memref<!tpu.dma_semaphore, #tpu.memory_space<semaphore_mem>>
        %dma_start3A_377 = arith.constant 0 : i32
        %dma_start3A_378 = arith.constant 0 : i32
        %dma_start3A_379 = tpu.memref_slice %arg27[%dma_start3A_377, %dma_start3A_378] : memref<10240x128xf32, #tpu.memory_space<vmem_shared>> -> memref<10240x128xf32, #tpu.memory_space<vmem_shared>>
        tpu.enqueue_indirect_dma source(%arg7 : memref<80x128xf32, #tpu.memory_space<vmem>>) target(%dma_start3A_379 : memref<10240x128xf32, #tpu.memory_space<vmem_shared>>) offsets(%arg19 : memref<80xi32, #tpu.memory_space<vmem>>) semaphore(%run_scoped3A : memref<!tpu.dma_semaphore, #tpu.memory_space<semaphore_mem>>) {add = true}
        %dma_wait3A_380 = arith.constant 0 : i32
        %dma_wait3A_381 = arith.constant 0 : i32
        %dma_wait3A_382 = tpu.memref_slice %arg27[%dma_wait3A_380, %dma_wait3A_381] : memref<10240x128xf32, #tpu.memory_space<vmem_shared>> -> memref<10240x128xf32, #tpu.memory_space<vmem_shared>>
        tpu.wait_indirect_dma semaphore(%run_scoped3A : memref<!tpu.dma_semaphore, #tpu.memory_space<semaphore_mem>>) src(%arg7 : memref<80x128xf32, #tpu.memory_space<vmem>>) dst(%dma_wait3A_382 : memref<10240x128xf32, #tpu.memory_space<vmem_shared>>)
        tpu.yield
      }) : () -> ()
      %add3A_155 = arith.constant 4 : i32
      %add3A_156 = arith.addi %add3A_151, %add3A_155 : i32
      %mul3A_157 = arith.constant 80 : i32
      %mul3A_158 = arith.muli %add3A_156, %mul3A_157 : i32
      %add3A_159 = arith.addi %mul3A_2, %mul3A_158 : i32
      %dma_wait3A_160 = tpu.memref_slice %arg3[%add3A_159] : memref<320000xi32, #tpu.memory_space<hbm>> -> memref<80xi32, #tpu.memory_space<hbm>>
      %dma_wait3A_161 = tpu.memref_slice %arg3[%add3A_159] : memref<320000xi32, #tpu.memory_space<hbm>> -> memref<80xi32, #tpu.memory_space<hbm>>
      tpu.wait_dma2 semaphore(%arg36 : memref<!tpu.dma_semaphore, #tpu.memory_space<semaphore_mem>>) src(%dma_wait3A_161 : memref<80xi32, #tpu.memory_space<hbm>>) dst(%arg15 : memref<80xi32, #tpu.memory_space<vmem>>)
      %mul3A_162 = arith.constant 80 : i32
      %mul3A_163 = arith.muli %add3A_156, %mul3A_162 : i32
      %add3A_164 = arith.addi %mul3A_2, %mul3A_163 : i32
      %dma_wait3A_165 = tpu.memref_slice %arg4[%add3A_164] : memref<320000xi32, #tpu.memory_space<hbm>> -> memref<80xi32, #tpu.memory_space<hbm>>
      %dma_wait3A_166 = tpu.memref_slice %arg4[%add3A_164] : memref<320000xi32, #tpu.memory_space<hbm>> -> memref<80xi32, #tpu.memory_space<hbm>>
      tpu.wait_dma2 semaphore(%arg36 : memref<!tpu.dma_semaphore, #tpu.memory_space<semaphore_mem>>) src(%dma_wait3A_166 : memref<80xi32, #tpu.memory_space<hbm>>) dst(%arg23 : memref<80xi32, #tpu.memory_space<vmem>>)
      %dma_start3A_167 = arith.constant 0 : i32
      %dma_start3A_168 = arith.constant 0 : i32
      %dma_start3A_169 = tpu.memref_slice %arg2[%dma_start3A_167, %dma_start3A_168] : memref<10240x128xf32, #tpu.memory_space<hbm>> -> memref<10240x128xf32, #tpu.memory_space<hbm>>
      tpu.enqueue_indirect_dma source(%dma_start3A_169 : memref<10240x128xf32, #tpu.memory_space<hbm>>) target(%arg7 : memref<80x128xf32, #tpu.memory_space<vmem>>) offsets(%arg15 : memref<80xi32, #tpu.memory_space<vmem>>) semaphore(%arg28 : memref<!tpu.dma_semaphore, #tpu.memory_space<semaphore_mem>>)
      %add3A_170 = arith.constant 8 : i32
      %add3A_171 = arith.addi %add3A_151, %add3A_170 : i32
      %lt3A = arith.constant 125 : i32
      %lt3A_172 = arith.cmpi slt, %add3A_171, %lt3A : i32
      %convert_element_type3A = arith.extui %lt3A_172 : i1 to i32
      %cond3A = arith.constant 0 : i32
      %cond3A_173 = arith.cmpi ne, %convert_element_type3A, %cond3A : i32
      scf.if %cond3A_173 {
        %mul3A_377 = arith.constant 80 : i32
        %mul3A_378 = arith.muli %add3A_171, %mul3A_377 : i32
        %add3A_379 = arith.addi %mul3A_2, %mul3A_378 : i32
        %dma_start3A_380 = tpu.memref_slice %arg3[%add3A_379] : memref<320000xi32, #tpu.memory_space<hbm>> -> memref<80xi32, #tpu.memory_space<hbm>>
        %dma_start3A_381 = tpu.memref_slice %arg3[%add3A_379] : memref<320000xi32, #tpu.memory_space<hbm>> -> memref<80xi32, #tpu.memory_space<hbm>>
        tpu.enqueue_dma source(%dma_start3A_381 : memref<80xi32, #tpu.memory_space<hbm>>) target(%arg11 : memref<80xi32, #tpu.memory_space<vmem>>) target_semaphore(%arg32 : memref<!tpu.dma_semaphore, #tpu.memory_space<semaphore_mem>>)
        %mul3A_382 = arith.constant 80 : i32
        %mul3A_383 = arith.muli %add3A_171, %mul3A_382 : i32
        %add3A_384 = arith.addi %mul3A_2, %mul3A_383 : i32
        %dma_start3A_385 = tpu.memref_slice %arg4[%add3A_384] : memref<320000xi32, #tpu.memory_space<hbm>> -> memref<80xi32, #tpu.memory_space<hbm>>
        %dma_start3A_386 = tpu.memref_slice %arg4[%add3A_384] : memref<320000xi32, #tpu.memory_space<hbm>> -> memref<80xi32, #tpu.memory_space<hbm>>
        tpu.enqueue_dma source(%dma_start3A_386 : memref<80xi32, #tpu.memory_space<hbm>>) target(%arg19 : memref<80xi32, #tpu.memory_space<vmem>>) target_semaphore(%arg32 : memref<!tpu.dma_semaphore, #tpu.memory_space<semaphore_mem>>)
      } else {
      }
      %mul3A_174 = arith.constant 8 : i32
      %mul3A_175 = arith.muli %scan3A_147, %mul3A_174 : i32
      %add3A_176 = arith.constant 1 : i32
      %add3A_177 = arith.addi %mul3A_175, %add3A_176 : i32
      %dma_wait3A_178 = arith.constant 0 : i32
      %dma_wait3A_179 = arith.constant 0 : i32
      %dma_wait3A_180 = tpu.memref_slice %arg2[%dma_wait3A_178, %dma_wait3A_179] : memref<10240x128xf32, #tpu.memory_space<hbm>> -> memref<10240x128xf32, #tpu.memory_space<hbm>>
      tpu.wait_indirect_dma semaphore(%arg29 : memref<!tpu.dma_semaphore, #tpu.memory_space<semaphore_mem>>) src(%dma_wait3A_180 : memref<10240x128xf32, #tpu.memory_space<hbm>>) dst(%arg8 : memref<80x128xf32, #tpu.memory_space<vmem>>)
      "tpu.region"() ({
        %run_scoped3A = tpu.sem_alloc : memref<!tpu.dma_semaphore, #tpu.memory_space<semaphore_mem>>
        %dma_start3A_377 = arith.constant 0 : i32
        %dma_start3A_378 = arith.constant 0 : i32
        %dma_start3A_379 = tpu.memref_slice %arg27[%dma_start3A_377, %dma_start3A_378] : memref<10240x128xf32, #tpu.memory_space<vmem_shared>> -> memref<10240x128xf32, #tpu.memory_space<vmem_shared>>
        tpu.enqueue_indirect_dma source(%arg8 : memref<80x128xf32, #tpu.memory_space<vmem>>) target(%dma_start3A_379 : memref<10240x128xf32, #tpu.memory_space<vmem_shared>>) offsets(%arg20 : memref<80xi32, #tpu.memory_space<vmem>>) semaphore(%run_scoped3A : memref<!tpu.dma_semaphore, #tpu.memory_space<semaphore_mem>>) {add = true}
        %dma_wait3A_380 = arith.constant 0 : i32
        %dma_wait3A_381 = arith.constant 0 : i32
        %dma_wait3A_382 = tpu.memref_slice %arg27[%dma_wait3A_380, %dma_wait3A_381] : memref<10240x128xf32, #tpu.memory_space<vmem_shared>> -> memref<10240x128xf32, #tpu.memory_space<vmem_shared>>
        tpu.wait_indirect_dma semaphore(%run_scoped3A : memref<!tpu.dma_semaphore, #tpu.memory_space<semaphore_mem>>) src(%arg8 : memref<80x128xf32, #tpu.memory_space<vmem>>) dst(%dma_wait3A_382 : memref<10240x128xf32, #tpu.memory_space<vmem_shared>>)
        tpu.yield
      }) : () -> ()
      %add3A_181 = arith.constant 4 : i32
      %add3A_182 = arith.addi %add3A_177, %add3A_181 : i32
      %mul3A_183 = arith.constant 80 : i32
      %mul3A_184 = arith.muli %add3A_182, %mul3A_183 : i32
      %add3A_185 = arith.addi %mul3A_2, %mul3A_184 : i32
      %dma_wait3A_186 = tpu.memref_slice %arg3[%add3A_185] : memref<320000xi32, #tpu.memory_space<hbm>> -> memref<80xi32, #tpu.memory_space<hbm>>
      %dma_wait3A_187 = tpu.memref_slice %arg3[%add3A_185] : memref<320000xi32, #tpu.memory_space<hbm>> -> memref<80xi32, #tpu.memory_space<hbm>>
      tpu.wait_dma2 semaphore(%arg37 : memref<!tpu.dma_semaphore, #tpu.memory_space<semaphore_mem>>) src(%dma_wait3A_187 : memref<80xi32, #tpu.memory_space<hbm>>) dst(%arg16 : memref<80xi32, #tpu.memory_space<vmem>>)
      %mul3A_188 = arith.constant 80 : i32
      %mul3A_189 = arith.muli %add3A_182, %mul3A_188 : i32
      %add3A_190 = arith.addi %mul3A_2, %mul3A_189 : i32
      %dma_wait3A_191 = tpu.memref_slice %arg4[%add3A_190] : memref<320000xi32, #tpu.memory_space<hbm>> -> memref<80xi32, #tpu.memory_space<hbm>>
      %dma_wait3A_192 = tpu.memref_slice %arg4[%add3A_190] : memref<320000xi32, #tpu.memory_space<hbm>> -> memref<80xi32, #tpu.memory_space<hbm>>
      tpu.wait_dma2 semaphore(%arg37 : memref<!tpu.dma_semaphore, #tpu.memory_space<semaphore_mem>>) src(%dma_wait3A_192 : memref<80xi32, #tpu.memory_space<hbm>>) dst(%arg24 : memref<80xi32, #tpu.memory_space<vmem>>)
      %dma_start3A_193 = arith.constant 0 : i32
      %dma_start3A_194 = arith.constant 0 : i32
      %dma_start3A_195 = tpu.memref_slice %arg2[%dma_start3A_193, %dma_start3A_194] : memref<10240x128xf32, #tpu.memory_space<hbm>> -> memref<10240x128xf32, #tpu.memory_space<hbm>>
      tpu.enqueue_indirect_dma source(%dma_start3A_195 : memref<10240x128xf32, #tpu.memory_space<hbm>>) target(%arg8 : memref<80x128xf32, #tpu.memory_space<vmem>>) offsets(%arg16 : memref<80xi32, #tpu.memory_space<vmem>>) semaphore(%arg29 : memref<!tpu.dma_semaphore, #tpu.memory_space<semaphore_mem>>)
      %add3A_196 = arith.constant 8 : i32
      %add3A_197 = arith.addi %add3A_177, %add3A_196 : i32
      %lt3A_198 = arith.constant 125 : i32
      %lt3A_199 = arith.cmpi slt, %add3A_197, %lt3A_198 : i32
      %convert_element_type3A_200 = arith.extui %lt3A_199 : i1 to i32
      %cond3A_201 = arith.constant 0 : i32
      %cond3A_202 = arith.cmpi ne, %convert_element_type3A_200, %cond3A_201 : i32
      scf.if %cond3A_202 {
        %mul3A_377 = arith.constant 80 : i32
        %mul3A_378 = arith.muli %add3A_197, %mul3A_377 : i32
        %add3A_379 = arith.addi %mul3A_2, %mul3A_378 : i32
        %dma_start3A_380 = tpu.memref_slice %arg3[%add3A_379] : memref<320000xi32, #tpu.memory_space<hbm>> -> memref<80xi32, #tpu.memory_space<hbm>>
        %dma_start3A_381 = tpu.memref_slice %arg3[%add3A_379] : memref<320000xi32, #tpu.memory_space<hbm>> -> memref<80xi32, #tpu.memory_space<hbm>>
        tpu.enqueue_dma source(%dma_start3A_381 : memref<80xi32, #tpu.memory_space<hbm>>) target(%arg12 : memref<80xi32, #tpu.memory_space<vmem>>) target_semaphore(%arg33 : memref<!tpu.dma_semaphore, #tpu.memory_space<semaphore_mem>>)
        %mul3A_382 = arith.constant 80 : i32
        %mul3A_383 = arith.muli %add3A_197, %mul3A_382 : i32
        %add3A_384 = arith.addi %mul3A_2, %mul3A_383 : i32
        %dma_start3A_385 = tpu.memref_slice %arg4[%add3A_384] : memref<320000xi32, #tpu.memory_space<hbm>> -> memref<80xi32, #tpu.memory_space<hbm>>
        %dma_start3A_386 = tpu.memref_slice %arg4[%add3A_384] : memref<320000xi32, #tpu.memory_space<hbm>> -> memref<80xi32, #tpu.memory_space<hbm>>
        tpu.enqueue_dma source(%dma_start3A_386 : memref<80xi32, #tpu.memory_space<hbm>>) target(%arg20 : memref<80xi32, #tpu.memory_space<vmem>>) target_semaphore(%arg33 : memref<!tpu.dma_semaphore, #tpu.memory_space<semaphore_mem>>)
      } else {
      }
      %mul3A_203 = arith.constant 8 : i32
      %mul3A_204 = arith.muli %scan3A_147, %mul3A_203 : i32
      %add3A_205 = arith.constant 2 : i32
      %add3A_206 = arith.addi %mul3A_204, %add3A_205 : i32
      %dma_wait3A_207 = arith.constant 0 : i32
      %dma_wait3A_208 = arith.constant 0 : i32
      %dma_wait3A_209 = tpu.memref_slice %arg2[%dma_wait3A_207, %dma_wait3A_208] : memref<10240x128xf32, #tpu.memory_space<hbm>> -> memref<10240x128xf32, #tpu.memory_space<hbm>>
      tpu.wait_indirect_dma semaphore(%arg30 : memref<!tpu.dma_semaphore, #tpu.memory_space<semaphore_mem>>) src(%dma_wait3A_209 : memref<10240x128xf32, #tpu.memory_space<hbm>>) dst(%arg9 : memref<80x128xf32, #tpu.memory_space<vmem>>)
      "tpu.region"() ({
        %run_scoped3A = tpu.sem_alloc : memref<!tpu.dma_semaphore, #tpu.memory_space<semaphore_mem>>
        %dma_start3A_377 = arith.constant 0 : i32
        %dma_start3A_378 = arith.constant 0 : i32
        %dma_start3A_379 = tpu.memref_slice %arg27[%dma_start3A_377, %dma_start3A_378] : memref<10240x128xf32, #tpu.memory_space<vmem_shared>> -> memref<10240x128xf32, #tpu.memory_space<vmem_shared>>
        tpu.enqueue_indirect_dma source(%arg9 : memref<80x128xf32, #tpu.memory_space<vmem>>) target(%dma_start3A_379 : memref<10240x128xf32, #tpu.memory_space<vmem_shared>>) offsets(%arg21 : memref<80xi32, #tpu.memory_space<vmem>>) semaphore(%run_scoped3A : memref<!tpu.dma_semaphore, #tpu.memory_space<semaphore_mem>>) {add = true}
        %dma_wait3A_380 = arith.constant 0 : i32
        %dma_wait3A_381 = arith.constant 0 : i32
        %dma_wait3A_382 = tpu.memref_slice %arg27[%dma_wait3A_380, %dma_wait3A_381] : memref<10240x128xf32, #tpu.memory_space<vmem_shared>> -> memref<10240x128xf32, #tpu.memory_space<vmem_shared>>
        tpu.wait_indirect_dma semaphore(%run_scoped3A : memref<!tpu.dma_semaphore, #tpu.memory_space<semaphore_mem>>) src(%arg9 : memref<80x128xf32, #tpu.memory_space<vmem>>) dst(%dma_wait3A_382 : memref<10240x128xf32, #tpu.memory_space<vmem_shared>>)
        tpu.yield
      }) : () -> ()
      %add3A_210 = arith.constant 4 : i32
      %add3A_211 = arith.addi %add3A_206, %add3A_210 : i32
      %mul3A_212 = arith.constant 80 : i32
      %mul3A_213 = arith.muli %add3A_211, %mul3A_212 : i32
      %add3A_214 = arith.addi %mul3A_2, %mul3A_213 : i32
      %dma_wait3A_215 = tpu.memref_slice %arg3[%add3A_214] : memref<320000xi32, #tpu.memory_space<hbm>> -> memref<80xi32, #tpu.memory_space<hbm>>
      %dma_wait3A_216 = tpu.memref_slice %arg3[%add3A_214] : memref<320000xi32, #tpu.memory_space<hbm>> -> memref<80xi32, #tpu.memory_space<hbm>>
      tpu.wait_dma2 semaphore(%arg38 : memref<!tpu.dma_semaphore, #tpu.memory_space<semaphore_mem>>) src(%dma_wait3A_216 : memref<80xi32, #tpu.memory_space<hbm>>) dst(%arg17 : memref<80xi32, #tpu.memory_space<vmem>>)
      %mul3A_217 = arith.constant 80 : i32
      %mul3A_218 = arith.muli %add3A_211, %mul3A_217 : i32
      %add3A_219 = arith.addi %mul3A_2, %mul3A_218 : i32
      %dma_wait3A_220 = tpu.memref_slice %arg4[%add3A_219] : memref<320000xi32, #tpu.memory_space<hbm>> -> memref<80xi32, #tpu.memory_space<hbm>>
      %dma_wait3A_221 = tpu.memref_slice %arg4[%add3A_219] : memref<320000xi32, #tpu.memory_space<hbm>> -> memref<80xi32, #tpu.memory_space<hbm>>
      tpu.wait_dma2 semaphore(%arg38 : memref<!tpu.dma_semaphore, #tpu.memory_space<semaphore_mem>>) src(%dma_wait3A_221 : memref<80xi32, #tpu.memory_space<hbm>>) dst(%arg25 : memref<80xi32, #tpu.memory_space<vmem>>)
      %dma_start3A_222 = arith.constant 0 : i32
      %dma_start3A_223 = arith.constant 0 : i32
      %dma_start3A_224 = tpu.memref_slice %arg2[%dma_start3A_222, %dma_start3A_223] : memref<10240x128xf32, #tpu.memory_space<hbm>> -> memref<10240x128xf32, #tpu.memory_space<hbm>>
      tpu.enqueue_indirect_dma source(%dma_start3A_224 : memref<10240x128xf32, #tpu.memory_space<hbm>>) target(%arg9 : memref<80x128xf32, #tpu.memory_space<vmem>>) offsets(%arg17 : memref<80xi32, #tpu.memory_space<vmem>>) semaphore(%arg30 : memref<!tpu.dma_semaphore, #tpu.memory_space<semaphore_mem>>)
      %add3A_225 = arith.constant 8 : i32
      %add3A_226 = arith.addi %add3A_206, %add3A_225 : i32
      %lt3A_227 = arith.constant 125 : i32
      %lt3A_228 = arith.cmpi slt, %add3A_226, %lt3A_227 : i32
      %convert_element_type3A_229 = arith.extui %lt3A_228 : i1 to i32
      %cond3A_230 = arith.constant 0 : i32
      %cond3A_231 = arith.cmpi ne, %convert_element_type3A_229, %cond3A_230 : i32
      scf.if %cond3A_231 {
        %mul3A_377 = arith.constant 80 : i32
        %mul3A_378 = arith.muli %add3A_226, %mul3A_377 : i32
        %add3A_379 = arith.addi %mul3A_2, %mul3A_378 : i32
        %dma_start3A_380 = tpu.memref_slice %arg3[%add3A_379] : memref<320000xi32, #tpu.memory_space<hbm>> -> memref<80xi32, #tpu.memory_space<hbm>>
        %dma_start3A_381 = tpu.memref_slice %arg3[%add3A_379] : memref<320000xi32, #tpu.memory_space<hbm>> -> memref<80xi32, #tpu.memory_space<hbm>>
        tpu.enqueue_dma source(%dma_start3A_381 : memref<80xi32, #tpu.memory_space<hbm>>) target(%arg13 : memref<80xi32, #tpu.memory_space<vmem>>) target_semaphore(%arg34 : memref<!tpu.dma_semaphore, #tpu.memory_space<semaphore_mem>>)
        %mul3A_382 = arith.constant 80 : i32
        %mul3A_383 = arith.muli %add3A_226, %mul3A_382 : i32
        %add3A_384 = arith.addi %mul3A_2, %mul3A_383 : i32
        %dma_start3A_385 = tpu.memref_slice %arg4[%add3A_384] : memref<320000xi32, #tpu.memory_space<hbm>> -> memref<80xi32, #tpu.memory_space<hbm>>
        %dma_start3A_386 = tpu.memref_slice %arg4[%add3A_384] : memref<320000xi32, #tpu.memory_space<hbm>> -> memref<80xi32, #tpu.memory_space<hbm>>
        tpu.enqueue_dma source(%dma_start3A_386 : memref<80xi32, #tpu.memory_space<hbm>>) target(%arg21 : memref<80xi32, #tpu.memory_space<vmem>>) target_semaphore(%arg34 : memref<!tpu.dma_semaphore, #tpu.memory_space<semaphore_mem>>)
      } else {
      }
      %mul3A_232 = arith.constant 8 : i32
      %mul3A_233 = arith.muli %scan3A_147, %mul3A_232 : i32
      %add3A_234 = arith.constant 3 : i32
      %add3A_235 = arith.addi %mul3A_233, %add3A_234 : i32
      %dma_wait3A_236 = arith.constant 0 : i32
      %dma_wait3A_237 = arith.constant 0 : i32
      %dma_wait3A_238 = tpu.memref_slice %arg2[%dma_wait3A_236, %dma_wait3A_237] : memref<10240x128xf32, #tpu.memory_space<hbm>> -> memref<10240x128xf32, #tpu.memory_space<hbm>>
      tpu.wait_indirect_dma semaphore(%arg31 : memref<!tpu.dma_semaphore, #tpu.memory_space<semaphore_mem>>) src(%dma_wait3A_238 : memref<10240x128xf32, #tpu.memory_space<hbm>>) dst(%arg10 : memref<80x128xf32, #tpu.memory_space<vmem>>)
      "tpu.region"() ({
        %run_scoped3A = tpu.sem_alloc : memref<!tpu.dma_semaphore, #tpu.memory_space<semaphore_mem>>
        %dma_start3A_377 = arith.constant 0 : i32
        %dma_start3A_378 = arith.constant 0 : i32
        %dma_start3A_379 = tpu.memref_slice %arg27[%dma_start3A_377, %dma_start3A_378] : memref<10240x128xf32, #tpu.memory_space<vmem_shared>> -> memref<10240x128xf32, #tpu.memory_space<vmem_shared>>
        tpu.enqueue_indirect_dma source(%arg10 : memref<80x128xf32, #tpu.memory_space<vmem>>) target(%dma_start3A_379 : memref<10240x128xf32, #tpu.memory_space<vmem_shared>>) offsets(%arg22 : memref<80xi32, #tpu.memory_space<vmem>>) semaphore(%run_scoped3A : memref<!tpu.dma_semaphore, #tpu.memory_space<semaphore_mem>>) {add = true}
        %dma_wait3A_380 = arith.constant 0 : i32
        %dma_wait3A_381 = arith.constant 0 : i32
        %dma_wait3A_382 = tpu.memref_slice %arg27[%dma_wait3A_380, %dma_wait3A_381] : memref<10240x128xf32, #tpu.memory_space<vmem_shared>> -> memref<10240x128xf32, #tpu.memory_space<vmem_shared>>
        tpu.wait_indirect_dma semaphore(%run_scoped3A : memref<!tpu.dma_semaphore, #tpu.memory_space<semaphore_mem>>) src(%arg10 : memref<80x128xf32, #tpu.memory_space<vmem>>) dst(%dma_wait3A_382 : memref<10240x128xf32, #tpu.memory_space<vmem_shared>>)
        tpu.yield
      }) : () -> ()
      %add3A_239 = arith.constant 4 : i32
      %add3A_240 = arith.addi %add3A_235, %add3A_239 : i32
      %mul3A_241 = arith.constant 80 : i32
      %mul3A_242 = arith.muli %add3A_240, %mul3A_241 : i32
      %add3A_243 = arith.addi %mul3A_2, %mul3A_242 : i32
      %dma_wait3A_244 = tpu.memref_slice %arg3[%add3A_243] : memref<320000xi32, #tpu.memory_space<hbm>> -> memref<80xi32, #tpu.memory_space<hbm>>
      %dma_wait3A_245 = tpu.memref_slice %arg3[%add3A_243] : memref<320000xi32, #tpu.memory_space<hbm>> -> memref<80xi32, #tpu.memory_space<hbm>>
      tpu.wait_dma2 semaphore(%arg39 : memref<!tpu.dma_semaphore, #tpu.memory_space<semaphore_mem>>) src(%dma_wait3A_245 : memref<80xi32, #tpu.memory_space<hbm>>) dst(%arg18 : memref<80xi32, #tpu.memory_space<vmem>>)
      %mul3A_246 = arith.constant 80 : i32
      %mul3A_247 = arith.muli %add3A_240, %mul3A_246 : i32
      %add3A_248 = arith.addi %mul3A_2, %mul3A_247 : i32
      %dma_wait3A_249 = tpu.memref_slice %arg4[%add3A_248] : memref<320000xi32, #tpu.memory_space<hbm>> -> memref<80xi32, #tpu.memory_space<hbm>>
      %dma_wait3A_250 = tpu.memref_slice %arg4[%add3A_248] : memref<320000xi32, #tpu.memory_space<hbm>> -> memref<80xi32, #tpu.memory_space<hbm>>
      tpu.wait_dma2 semaphore(%arg39 : memref<!tpu.dma_semaphore, #tpu.memory_space<semaphore_mem>>) src(%dma_wait3A_250 : memref<80xi32, #tpu.memory_space<hbm>>) dst(%arg26 : memref<80xi32, #tpu.memory_space<vmem>>)
      %dma_start3A_251 = arith.constant 0 : i32
      %dma_start3A_252 = arith.constant 0 : i32
      %dma_start3A_253 = tpu.memref_slice %arg2[%dma_start3A_251, %dma_start3A_252] : memref<10240x128xf32, #tpu.memory_space<hbm>> -> memref<10240x128xf32, #tpu.memory_space<hbm>>
      tpu.enqueue_indirect_dma source(%dma_start3A_253 : memref<10240x128xf32, #tpu.memory_space<hbm>>) target(%arg10 : memref<80x128xf32, #tpu.memory_space<vmem>>) offsets(%arg18 : memref<80xi32, #tpu.memory_space<vmem>>) semaphore(%arg31 : memref<!tpu.dma_semaphore, #tpu.memory_space<semaphore_mem>>)
      %add3A_254 = arith.constant 8 : i32
      %add3A_255 = arith.addi %add3A_235, %add3A_254 : i32
      %lt3A_256 = arith.constant 125 : i32
      %lt3A_257 = arith.cmpi slt, %add3A_255, %lt3A_256 : i32
      %convert_element_type3A_258 = arith.extui %lt3A_257 : i1 to i32
      %cond3A_259 = arith.constant 0 : i32
      %cond3A_260 = arith.cmpi ne, %convert_element_type3A_258, %cond3A_259 : i32
      scf.if %cond3A_260 {
        %mul3A_377 = arith.constant 80 : i32
        %mul3A_378 = arith.muli %add3A_255, %mul3A_377 : i32
        %add3A_379 = arith.addi %mul3A_2, %mul3A_378 : i32
        %dma_start3A_380 = tpu.memref_slice %arg3[%add3A_379] : memref<320000xi32, #tpu.memory_space<hbm>> -> memref<80xi32, #tpu.memory_space<hbm>>
        %dma_start3A_381 = tpu.memref_slice %arg3[%add3A_379] : memref<320000xi32, #tpu.memory_space<hbm>> -> memref<80xi32, #tpu.memory_space<hbm>>
        tpu.enqueue_dma source(%dma_start3A_381 : memref<80xi32, #tpu.memory_space<hbm>>) target(%arg14 : memref<80xi32, #tpu.memory_space<vmem>>) target_semaphore(%arg35 : memref<!tpu.dma_semaphore, #tpu.memory_space<semaphore_mem>>)
        %mul3A_382 = arith.constant 80 : i32
        %mul3A_383 = arith.muli %add3A_255, %mul3A_382 : i32
        %add3A_384 = arith.addi %mul3A_2, %mul3A_383 : i32
        %dma_start3A_385 = tpu.memref_slice %arg4[%add3A_384] : memref<320000xi32, #tpu.memory_space<hbm>> -> memref<80xi32, #tpu.memory_space<hbm>>
        %dma_start3A_386 = tpu.memref_slice %arg4[%add3A_384] : memref<320000xi32, #tpu.memory_space<hbm>> -> memref<80xi32, #tpu.memory_space<hbm>>
        tpu.enqueue_dma source(%dma_start3A_386 : memref<80xi32, #tpu.memory_space<hbm>>) target(%arg22 : memref<80xi32, #tpu.memory_space<vmem>>) target_semaphore(%arg35 : memref<!tpu.dma_semaphore, #tpu.memory_space<semaphore_mem>>)
      } else {
      }
      %mul3A_261 = arith.constant 8 : i32
      %mul3A_262 = arith.muli %scan3A_147, %mul3A_261 : i32
      %add3A_263 = arith.constant 4 : i32
      %add3A_264 = arith.addi %mul3A_262, %add3A_263 : i32
      %dma_wait3A_265 = arith.constant 0 : i32
      %dma_wait3A_266 = arith.constant 0 : i32
      %dma_wait3A_267 = tpu.memref_slice %arg2[%dma_wait3A_265, %dma_wait3A_266] : memref<10240x128xf32, #tpu.memory_space<hbm>> -> memref<10240x128xf32, #tpu.memory_space<hbm>>
      tpu.wait_indirect_dma semaphore(%arg28 : memref<!tpu.dma_semaphore, #tpu.memory_space<semaphore_mem>>) src(%dma_wait3A_267 : memref<10240x128xf32, #tpu.memory_space<hbm>>) dst(%arg7 : memref<80x128xf32, #tpu.memory_space<vmem>>)
      "tpu.region"() ({
        %run_scoped3A = tpu.sem_alloc : memref<!tpu.dma_semaphore, #tpu.memory_space<semaphore_mem>>
        %dma_start3A_377 = arith.constant 0 : i32
        %dma_start3A_378 = arith.constant 0 : i32
        %dma_start3A_379 = tpu.memref_slice %arg27[%dma_start3A_377, %dma_start3A_378] : memref<10240x128xf32, #tpu.memory_space<vmem_shared>> -> memref<10240x128xf32, #tpu.memory_space<vmem_shared>>
        tpu.enqueue_indirect_dma source(%arg7 : memref<80x128xf32, #tpu.memory_space<vmem>>) target(%dma_start3A_379 : memref<10240x128xf32, #tpu.memory_space<vmem_shared>>) offsets(%arg23 : memref<80xi32, #tpu.memory_space<vmem>>) semaphore(%run_scoped3A : memref<!tpu.dma_semaphore, #tpu.memory_space<semaphore_mem>>) {add = true}
        %dma_wait3A_380 = arith.constant 0 : i32
        %dma_wait3A_381 = arith.constant 0 : i32
        %dma_wait3A_382 = tpu.memref_slice %arg27[%dma_wait3A_380, %dma_wait3A_381] : memref<10240x128xf32, #tpu.memory_space<vmem_shared>> -> memref<10240x128xf32, #tpu.memory_space<vmem_shared>>
        tpu.wait_indirect_dma semaphore(%run_scoped3A : memref<!tpu.dma_semaphore, #tpu.memory_space<semaphore_mem>>) src(%arg7 : memref<80x128xf32, #tpu.memory_space<vmem>>) dst(%dma_wait3A_382 : memref<10240x128xf32, #tpu.memory_space<vmem_shared>>)
        tpu.yield
      }) : () -> ()
      %add3A_268 = arith.constant 4 : i32
      %add3A_269 = arith.addi %add3A_264, %add3A_268 : i32
      %mul3A_270 = arith.constant 80 : i32
      %mul3A_271 = arith.muli %add3A_269, %mul3A_270 : i32
      %add3A_272 = arith.addi %mul3A_2, %mul3A_271 : i32
      %dma_wait3A_273 = tpu.memref_slice %arg3[%add3A_272] : memref<320000xi32, #tpu.memory_space<hbm>> -> memref<80xi32, #tpu.memory_space<hbm>>
      %dma_wait3A_274 = tpu.memref_slice %arg3[%add3A_272] : memref<320000xi32, #tpu.memory_space<hbm>> -> memref<80xi32, #tpu.memory_space<hbm>>
      tpu.wait_dma2 semaphore(%arg32 : memref<!tpu.dma_semaphore, #tpu.memory_space<semaphore_mem>>) src(%dma_wait3A_274 : memref<80xi32, #tpu.memory_space<hbm>>) dst(%arg11 : memref<80xi32, #tpu.memory_space<vmem>>)
      %mul3A_275 = arith.constant 80 : i32
      %mul3A_276 = arith.muli %add3A_269, %mul3A_275 : i32
      %add3A_277 = arith.addi %mul3A_2, %mul3A_276 : i32
      %dma_wait3A_278 = tpu.memref_slice %arg4[%add3A_277] : memref<320000xi32, #tpu.memory_space<hbm>> -> memref<80xi32, #tpu.memory_space<hbm>>
      %dma_wait3A_279 = tpu.memref_slice %arg4[%add3A_277] : memref<320000xi32, #tpu.memory_space<hbm>> -> memref<80xi32, #tpu.memory_space<hbm>>
      tpu.wait_dma2 semaphore(%arg32 : memref<!tpu.dma_semaphore, #tpu.memory_space<semaphore_mem>>) src(%dma_wait3A_279 : memref<80xi32, #tpu.memory_space<hbm>>) dst(%arg19 : memref<80xi32, #tpu.memory_space<vmem>>)
      %dma_start3A_280 = arith.constant 0 : i32
      %dma_start3A_281 = arith.constant 0 : i32
      %dma_start3A_282 = tpu.memref_slice %arg2[%dma_start3A_280, %dma_start3A_281] : memref<10240x128xf32, #tpu.memory_space<hbm>> -> memref<10240x128xf32, #tpu.memory_space<hbm>>
      tpu.enqueue_indirect_dma source(%dma_start3A_282 : memref<10240x128xf32, #tpu.memory_space<hbm>>) target(%arg7 : memref<80x128xf32, #tpu.memory_space<vmem>>) offsets(%arg11 : memref<80xi32, #tpu.memory_space<vmem>>) semaphore(%arg28 : memref<!tpu.dma_semaphore, #tpu.memory_space<semaphore_mem>>)
      %add3A_283 = arith.constant 8 : i32
      %add3A_284 = arith.addi %add3A_264, %add3A_283 : i32
      %lt3A_285 = arith.constant 125 : i32
      %lt3A_286 = arith.cmpi slt, %add3A_284, %lt3A_285 : i32
      %convert_element_type3A_287 = arith.extui %lt3A_286 : i1 to i32
      %cond3A_288 = arith.constant 0 : i32
      %cond3A_289 = arith.cmpi ne, %convert_element_type3A_287, %cond3A_288 : i32
      scf.if %cond3A_289 {
        %mul3A_377 = arith.constant 80 : i32
        %mul3A_378 = arith.muli %add3A_284, %mul3A_377 : i32
        %add3A_379 = arith.addi %mul3A_2, %mul3A_378 : i32
        %dma_start3A_380 = tpu.memref_slice %arg3[%add3A_379] : memref<320000xi32, #tpu.memory_space<hbm>> -> memref<80xi32, #tpu.memory_space<hbm>>
        %dma_start3A_381 = tpu.memref_slice %arg3[%add3A_379] : memref<320000xi32, #tpu.memory_space<hbm>> -> memref<80xi32, #tpu.memory_space<hbm>>
        tpu.enqueue_dma source(%dma_start3A_381 : memref<80xi32, #tpu.memory_space<hbm>>) target(%arg15 : memref<80xi32, #tpu.memory_space<vmem>>) target_semaphore(%arg36 : memref<!tpu.dma_semaphore, #tpu.memory_space<semaphore_mem>>)
        %mul3A_382 = arith.constant 80 : i32
        %mul3A_383 = arith.muli %add3A_284, %mul3A_382 : i32
        %add3A_384 = arith.addi %mul3A_2, %mul3A_383 : i32
        %dma_start3A_385 = tpu.memref_slice %arg4[%add3A_384] : memref<320000xi32, #tpu.memory_space<hbm>> -> memref<80xi32, #tpu.memory_space<hbm>>
        %dma_start3A_386 = tpu.memref_slice %arg4[%add3A_384] : memref<320000xi32, #tpu.memory_space<hbm>> -> memref<80xi32, #tpu.memory_space<hbm>>
        tpu.enqueue_dma source(%dma_start3A_386 : memref<80xi32, #tpu.memory_space<hbm>>) target(%arg23 : memref<80xi32, #tpu.memory_space<vmem>>) target_semaphore(%arg36 : memref<!tpu.dma_semaphore, #tpu.memory_space<semaphore_mem>>)
      } else {
      }
      %mul3A_290 = arith.constant 8 : i32
      %mul3A_291 = arith.muli %scan3A_147, %mul3A_290 : i32
      %add3A_292 = arith.constant 5 : i32
      %add3A_293 = arith.addi %mul3A_291, %add3A_292 : i32
      %dma_wait3A_294 = arith.constant 0 : i32
      %dma_wait3A_295 = arith.constant 0 : i32
      %dma_wait3A_296 = tpu.memref_slice %arg2[%dma_wait3A_294, %dma_wait3A_295] : memref<10240x128xf32, #tpu.memory_space<hbm>> -> memref<10240x128xf32, #tpu.memory_space<hbm>>
      tpu.wait_indirect_dma semaphore(%arg29 : memref<!tpu.dma_semaphore, #tpu.memory_space<semaphore_mem>>) src(%dma_wait3A_296 : memref<10240x128xf32, #tpu.memory_space<hbm>>) dst(%arg8 : memref<80x128xf32, #tpu.memory_space<vmem>>)
      "tpu.region"() ({
        %run_scoped3A = tpu.sem_alloc : memref<!tpu.dma_semaphore, #tpu.memory_space<semaphore_mem>>
        %dma_start3A_377 = arith.constant 0 : i32
        %dma_start3A_378 = arith.constant 0 : i32
        %dma_start3A_379 = tpu.memref_slice %arg27[%dma_start3A_377, %dma_start3A_378] : memref<10240x128xf32, #tpu.memory_space<vmem_shared>> -> memref<10240x128xf32, #tpu.memory_space<vmem_shared>>
        tpu.enqueue_indirect_dma source(%arg8 : memref<80x128xf32, #tpu.memory_space<vmem>>) target(%dma_start3A_379 : memref<10240x128xf32, #tpu.memory_space<vmem_shared>>) offsets(%arg24 : memref<80xi32, #tpu.memory_space<vmem>>) semaphore(%run_scoped3A : memref<!tpu.dma_semaphore, #tpu.memory_space<semaphore_mem>>) {add = true}
        %dma_wait3A_380 = arith.constant 0 : i32
        %dma_wait3A_381 = arith.constant 0 : i32
        %dma_wait3A_382 = tpu.memref_slice %arg27[%dma_wait3A_380, %dma_wait3A_381] : memref<10240x128xf32, #tpu.memory_space<vmem_shared>> -> memref<10240x128xf32, #tpu.memory_space<vmem_shared>>
        tpu.wait_indirect_dma semaphore(%run_scoped3A : memref<!tpu.dma_semaphore, #tpu.memory_space<semaphore_mem>>) src(%arg8 : memref<80x128xf32, #tpu.memory_space<vmem>>) dst(%dma_wait3A_382 : memref<10240x128xf32, #tpu.memory_space<vmem_shared>>)
        tpu.yield
      }) : () -> ()
      %add3A_297 = arith.constant 4 : i32
      %add3A_298 = arith.addi %add3A_293, %add3A_297 : i32
      %mul3A_299 = arith.constant 80 : i32
      %mul3A_300 = arith.muli %add3A_298, %mul3A_299 : i32
      %add3A_301 = arith.addi %mul3A_2, %mul3A_300 : i32
      %dma_wait3A_302 = tpu.memref_slice %arg3[%add3A_301] : memref<320000xi32, #tpu.memory_space<hbm>> -> memref<80xi32, #tpu.memory_space<hbm>>
      %dma_wait3A_303 = tpu.memref_slice %arg3[%add3A_301] : memref<320000xi32, #tpu.memory_space<hbm>> -> memref<80xi32, #tpu.memory_space<hbm>>
      tpu.wait_dma2 semaphore(%arg33 : memref<!tpu.dma_semaphore, #tpu.memory_space<semaphore_mem>>) src(%dma_wait3A_303 : memref<80xi32, #tpu.memory_space<hbm>>) dst(%arg12 : memref<80xi32, #tpu.memory_space<vmem>>)
      %mul3A_304 = arith.constant 80 : i32
      %mul3A_305 = arith.muli %add3A_298, %mul3A_304 : i32
      %add3A_306 = arith.addi %mul3A_2, %mul3A_305 : i32
      %dma_wait3A_307 = tpu.memref_slice %arg4[%add3A_306] : memref<320000xi32, #tpu.memory_space<hbm>> -> memref<80xi32, #tpu.memory_space<hbm>>
      %dma_wait3A_308 = tpu.memref_slice %arg4[%add3A_306] : memref<320000xi32, #tpu.memory_space<hbm>> -> memref<80xi32, #tpu.memory_space<hbm>>
      tpu.wait_dma2 semaphore(%arg33 : memref<!tpu.dma_semaphore, #tpu.memory_space<semaphore_mem>>) src(%dma_wait3A_308 : memref<80xi32, #tpu.memory_space<hbm>>) dst(%arg20 : memref<80xi32, #tpu.memory_space<vmem>>)
      %dma_start3A_309 = arith.constant 0 : i32
      %dma_start3A_310 = arith.constant 0 : i32
      %dma_start3A_311 = tpu.memref_slice %arg2[%dma_start3A_309, %dma_start3A_310] : memref<10240x128xf32, #tpu.memory_space<hbm>> -> memref<10240x128xf32, #tpu.memory_space<hbm>>
      tpu.enqueue_indirect_dma source(%dma_start3A_311 : memref<10240x128xf32, #tpu.memory_space<hbm>>) target(%arg8 : memref<80x128xf32, #tpu.memory_space<vmem>>) offsets(%arg12 : memref<80xi32, #tpu.memory_space<vmem>>) semaphore(%arg29 : memref<!tpu.dma_semaphore, #tpu.memory_space<semaphore_mem>>)
      %add3A_312 = arith.constant 8 : i32
      %add3A_313 = arith.addi %add3A_293, %add3A_312 : i32
      %lt3A_314 = arith.constant 125 : i32
      %lt3A_315 = arith.cmpi slt, %add3A_313, %lt3A_314 : i32
      %convert_element_type3A_316 = arith.extui %lt3A_315 : i1 to i32
      %cond3A_317 = arith.constant 0 : i32
      %cond3A_318 = arith.cmpi ne, %convert_element_type3A_316, %cond3A_317 : i32
      scf.if %cond3A_318 {
        %mul3A_377 = arith.constant 80 : i32
        %mul3A_378 = arith.muli %add3A_313, %mul3A_377 : i32
        %add3A_379 = arith.addi %mul3A_2, %mul3A_378 : i32
        %dma_start3A_380 = tpu.memref_slice %arg3[%add3A_379] : memref<320000xi32, #tpu.memory_space<hbm>> -> memref<80xi32, #tpu.memory_space<hbm>>
        %dma_start3A_381 = tpu.memref_slice %arg3[%add3A_379] : memref<320000xi32, #tpu.memory_space<hbm>> -> memref<80xi32, #tpu.memory_space<hbm>>
        tpu.enqueue_dma source(%dma_start3A_381 : memref<80xi32, #tpu.memory_space<hbm>>) target(%arg16 : memref<80xi32, #tpu.memory_space<vmem>>) target_semaphore(%arg37 : memref<!tpu.dma_semaphore, #tpu.memory_space<semaphore_mem>>)
        %mul3A_382 = arith.constant 80 : i32
        %mul3A_383 = arith.muli %add3A_313, %mul3A_382 : i32
        %add3A_384 = arith.addi %mul3A_2, %mul3A_383 : i32
        %dma_start3A_385 = tpu.memref_slice %arg4[%add3A_384] : memref<320000xi32, #tpu.memory_space<hbm>> -> memref<80xi32, #tpu.memory_space<hbm>>
        %dma_start3A_386 = tpu.memref_slice %arg4[%add3A_384] : memref<320000xi32, #tpu.memory_space<hbm>> -> memref<80xi32, #tpu.memory_space<hbm>>
        tpu.enqueue_dma source(%dma_start3A_386 : memref<80xi32, #tpu.memory_space<hbm>>) target(%arg24 : memref<80xi32, #tpu.memory_space<vmem>>) target_semaphore(%arg37 : memref<!tpu.dma_semaphore, #tpu.memory_space<semaphore_mem>>)
      } else {
      }
      %mul3A_319 = arith.constant 8 : i32
      %mul3A_320 = arith.muli %scan3A_147, %mul3A_319 : i32
      %add3A_321 = arith.constant 6 : i32
      %add3A_322 = arith.addi %mul3A_320, %add3A_321 : i32
      %dma_wait3A_323 = arith.constant 0 : i32
      %dma_wait3A_324 = arith.constant 0 : i32
      %dma_wait3A_325 = tpu.memref_slice %arg2[%dma_wait3A_323, %dma_wait3A_324] : memref<10240x128xf32, #tpu.memory_space<hbm>> -> memref<10240x128xf32, #tpu.memory_space<hbm>>
      tpu.wait_indirect_dma semaphore(%arg30 : memref<!tpu.dma_semaphore, #tpu.memory_space<semaphore_mem>>) src(%dma_wait3A_325 : memref<10240x128xf32, #tpu.memory_space<hbm>>) dst(%arg9 : memref<80x128xf32, #tpu.memory_space<vmem>>)
      "tpu.region"() ({
        %run_scoped3A = tpu.sem_alloc : memref<!tpu.dma_semaphore, #tpu.memory_space<semaphore_mem>>
        %dma_start3A_377 = arith.constant 0 : i32
        %dma_start3A_378 = arith.constant 0 : i32
        %dma_start3A_379 = tpu.memref_slice %arg27[%dma_start3A_377, %dma_start3A_378] : memref<10240x128xf32, #tpu.memory_space<vmem_shared>> -> memref<10240x128xf32, #tpu.memory_space<vmem_shared>>
        tpu.enqueue_indirect_dma source(%arg9 : memref<80x128xf32, #tpu.memory_space<vmem>>) target(%dma_start3A_379 : memref<10240x128xf32, #tpu.memory_space<vmem_shared>>) offsets(%arg25 : memref<80xi32, #tpu.memory_space<vmem>>) semaphore(%run_scoped3A : memref<!tpu.dma_semaphore, #tpu.memory_space<semaphore_mem>>) {add = true}
        %dma_wait3A_380 = arith.constant 0 : i32
        %dma_wait3A_381 = arith.constant 0 : i32
        %dma_wait3A_382 = tpu.memref_slice %arg27[%dma_wait3A_380, %dma_wait3A_381] : memref<10240x128xf32, #tpu.memory_space<vmem_shared>> -> memref<10240x128xf32, #tpu.memory_space<vmem_shared>>
        tpu.wait_indirect_dma semaphore(%run_scoped3A : memref<!tpu.dma_semaphore, #tpu.memory_space<semaphore_mem>>) src(%arg9 : memref<80x128xf32, #tpu.memory_space<vmem>>) dst(%dma_wait3A_382 : memref<10240x128xf32, #tpu.memory_space<vmem_shared>>)
        tpu.yield
      }) : () -> ()
      %add3A_326 = arith.constant 4 : i32
      %add3A_327 = arith.addi %add3A_322, %add3A_326 : i32
      %mul3A_328 = arith.constant 80 : i32
      %mul3A_329 = arith.muli %add3A_327, %mul3A_328 : i32
      %add3A_330 = arith.addi %mul3A_2, %mul3A_329 : i32
      %dma_wait3A_331 = tpu.memref_slice %arg3[%add3A_330] : memref<320000xi32, #tpu.memory_space<hbm>> -> memref<80xi32, #tpu.memory_space<hbm>>
      %dma_wait3A_332 = tpu.memref_slice %arg3[%add3A_330] : memref<320000xi32, #tpu.memory_space<hbm>> -> memref<80xi32, #tpu.memory_space<hbm>>
      tpu.wait_dma2 semaphore(%arg34 : memref<!tpu.dma_semaphore, #tpu.memory_space<semaphore_mem>>) src(%dma_wait3A_332 : memref<80xi32, #tpu.memory_space<hbm>>) dst(%arg13 : memref<80xi32, #tpu.memory_space<vmem>>)
      %mul3A_333 = arith.constant 80 : i32
      %mul3A_334 = arith.muli %add3A_327, %mul3A_333 : i32
      %add3A_335 = arith.addi %mul3A_2, %mul3A_334 : i32
      %dma_wait3A_336 = tpu.memref_slice %arg4[%add3A_335] : memref<320000xi32, #tpu.memory_space<hbm>> -> memref<80xi32, #tpu.memory_space<hbm>>
      %dma_wait3A_337 = tpu.memref_slice %arg4[%add3A_335] : memref<320000xi32, #tpu.memory_space<hbm>> -> memref<80xi32, #tpu.memory_space<hbm>>
      tpu.wait_dma2 semaphore(%arg34 : memref<!tpu.dma_semaphore, #tpu.memory_space<semaphore_mem>>) src(%dma_wait3A_337 : memref<80xi32, #tpu.memory_space<hbm>>) dst(%arg21 : memref<80xi32, #tpu.memory_space<vmem>>)
      %dma_start3A_338 = arith.constant 0 : i32
      %dma_start3A_339 = arith.constant 0 : i32
      %dma_start3A_340 = tpu.memref_slice %arg2[%dma_start3A_338, %dma_start3A_339] : memref<10240x128xf32, #tpu.memory_space<hbm>> -> memref<10240x128xf32, #tpu.memory_space<hbm>>
      tpu.enqueue_indirect_dma source(%dma_start3A_340 : memref<10240x128xf32, #tpu.memory_space<hbm>>) target(%arg9 : memref<80x128xf32, #tpu.memory_space<vmem>>) offsets(%arg13 : memref<80xi32, #tpu.memory_space<vmem>>) semaphore(%arg30 : memref<!tpu.dma_semaphore, #tpu.memory_space<semaphore_mem>>)
      %add3A_341 = arith.constant 8 : i32
      %add3A_342 = arith.addi %add3A_322, %add3A_341 : i32
      %lt3A_343 = arith.constant 125 : i32
      %lt3A_344 = arith.cmpi slt, %add3A_342, %lt3A_343 : i32
      %convert_element_type3A_345 = arith.extui %lt3A_344 : i1 to i32
      %cond3A_346 = arith.constant 0 : i32
      %cond3A_347 = arith.cmpi ne, %convert_element_type3A_345, %cond3A_346 : i32
      scf.if %cond3A_347 {
        %mul3A_377 = arith.constant 80 : i32
        %mul3A_378 = arith.muli %add3A_342, %mul3A_377 : i32
        %add3A_379 = arith.addi %mul3A_2, %mul3A_378 : i32
        %dma_start3A_380 = tpu.memref_slice %arg3[%add3A_379] : memref<320000xi32, #tpu.memory_space<hbm>> -> memref<80xi32, #tpu.memory_space<hbm>>
        %dma_start3A_381 = tpu.memref_slice %arg3[%add3A_379] : memref<320000xi32, #tpu.memory_space<hbm>> -> memref<80xi32, #tpu.memory_space<hbm>>
        tpu.enqueue_dma source(%dma_start3A_381 : memref<80xi32, #tpu.memory_space<hbm>>) target(%arg17 : memref<80xi32, #tpu.memory_space<vmem>>) target_semaphore(%arg38 : memref<!tpu.dma_semaphore, #tpu.memory_space<semaphore_mem>>)
        %mul3A_382 = arith.constant 80 : i32
        %mul3A_383 = arith.muli %add3A_342, %mul3A_382 : i32
        %add3A_384 = arith.addi %mul3A_2, %mul3A_383 : i32
        %dma_start3A_385 = tpu.memref_slice %arg4[%add3A_384] : memref<320000xi32, #tpu.memory_space<hbm>> -> memref<80xi32, #tpu.memory_space<hbm>>
        %dma_start3A_386 = tpu.memref_slice %arg4[%add3A_384] : memref<320000xi32, #tpu.memory_space<hbm>> -> memref<80xi32, #tpu.memory_space<hbm>>
        tpu.enqueue_dma source(%dma_start3A_386 : memref<80xi32, #tpu.memory_space<hbm>>) target(%arg25 : memref<80xi32, #tpu.memory_space<vmem>>) target_semaphore(%arg38 : memref<!tpu.dma_semaphore, #tpu.memory_space<semaphore_mem>>)
      } else {
      }
      %mul3A_348 = arith.constant 8 : i32
      %mul3A_349 = arith.muli %scan3A_147, %mul3A_348 : i32
      %add3A_350 = arith.constant 7 : i32
      %add3A_351 = arith.addi %mul3A_349, %add3A_350 : i32
      %dma_wait3A_352 = arith.constant 0 : i32
      %dma_wait3A_353 = arith.constant 0 : i32
      %dma_wait3A_354 = tpu.memref_slice %arg2[%dma_wait3A_352, %dma_wait3A_353] : memref<10240x128xf32, #tpu.memory_space<hbm>> -> memref<10240x128xf32, #tpu.memory_space<hbm>>
      tpu.wait_indirect_dma semaphore(%arg31 : memref<!tpu.dma_semaphore, #tpu.memory_space<semaphore_mem>>) src(%dma_wait3A_354 : memref<10240x128xf32, #tpu.memory_space<hbm>>) dst(%arg10 : memref<80x128xf32, #tpu.memory_space<vmem>>)
      "tpu.region"() ({
        %run_scoped3A = tpu.sem_alloc : memref<!tpu.dma_semaphore, #tpu.memory_space<semaphore_mem>>
        %dma_start3A_377 = arith.constant 0 : i32
        %dma_start3A_378 = arith.constant 0 : i32
        %dma_start3A_379 = tpu.memref_slice %arg27[%dma_start3A_377, %dma_start3A_378] : memref<10240x128xf32, #tpu.memory_space<vmem_shared>> -> memref<10240x128xf32, #tpu.memory_space<vmem_shared>>
        tpu.enqueue_indirect_dma source(%arg10 : memref<80x128xf32, #tpu.memory_space<vmem>>) target(%dma_start3A_379 : memref<10240x128xf32, #tpu.memory_space<vmem_shared>>) offsets(%arg26 : memref<80xi32, #tpu.memory_space<vmem>>) semaphore(%run_scoped3A : memref<!tpu.dma_semaphore, #tpu.memory_space<semaphore_mem>>) {add = true}
        %dma_wait3A_380 = arith.constant 0 : i32
        %dma_wait3A_381 = arith.constant 0 : i32
        %dma_wait3A_382 = tpu.memref_slice %arg27[%dma_wait3A_380, %dma_wait3A_381] : memref<10240x128xf32, #tpu.memory_space<vmem_shared>> -> memref<10240x128xf32, #tpu.memory_space<vmem_shared>>
        tpu.wait_indirect_dma semaphore(%run_scoped3A : memref<!tpu.dma_semaphore, #tpu.memory_space<semaphore_mem>>) src(%arg10 : memref<80x128xf32, #tpu.memory_space<vmem>>) dst(%dma_wait3A_382 : memref<10240x128xf32, #tpu.memory_space<vmem_shared>>)
        tpu.yield
      }) : () -> ()
      %add3A_355 = arith.constant 4 : i32
      %add3A_356 = arith.addi %add3A_351, %add3A_355 : i32
      %mul3A_357 = arith.constant 80 : i32
      %mul3A_358 = arith.muli %add3A_356, %mul3A_357 : i32
      %add3A_359 = arith.addi %mul3A_2, %mul3A_358 : i32
      %dma_wait3A_360 = tpu.memref_slice %arg3[%add3A_359] : memref<320000xi32, #tpu.memory_space<hbm>> -> memref<80xi32, #tpu.memory_space<hbm>>
      %dma_wait3A_361 = tpu.memref_slice %arg3[%add3A_359] : memref<320000xi32, #tpu.memory_space<hbm>> -> memref<80xi32, #tpu.memory_space<hbm>>
      tpu.wait_dma2 semaphore(%arg35 : memref<!tpu.dma_semaphore, #tpu.memory_space<semaphore_mem>>) src(%dma_wait3A_361 : memref<80xi32, #tpu.memory_space<hbm>>) dst(%arg14 : memref<80xi32, #tpu.memory_space<vmem>>)
      %mul3A_362 = arith.constant 80 : i32
      %mul3A_363 = arith.muli %add3A_356, %mul3A_362 : i32
      %add3A_364 = arith.addi %mul3A_2, %mul3A_363 : i32
      %dma_wait3A_365 = tpu.memref_slice %arg4[%add3A_364] : memref<320000xi32, #tpu.memory_space<hbm>> -> memref<80xi32, #tpu.memory_space<hbm>>
      %dma_wait3A_366 = tpu.memref_slice %arg4[%add3A_364] : memref<320000xi32, #tpu.memory_space<hbm>> -> memref<80xi32, #tpu.memory_space<hbm>>
      tpu.wait_dma2 semaphore(%arg35 : memref<!tpu.dma_semaphore, #tpu.memory_space<semaphore_mem>>) src(%dma_wait3A_366 : memref<80xi32, #tpu.memory_space<hbm>>) dst(%arg22 : memref<80xi32, #tpu.memory_space<vmem>>)
      %dma_start3A_367 = arith.constant 0 : i32
      %dma_start3A_368 = arith.constant 0 : i32
      %dma_start3A_369 = tpu.memref_slice %arg2[%dma_start3A_367, %dma_start3A_368] : memref<10240x128xf32, #tpu.memory_space<hbm>> -> memref<10240x128xf32, #tpu.memory_space<hbm>>
      tpu.enqueue_indirect_dma source(%dma_start3A_369 : memref<10240x128xf32, #tpu.memory_space<hbm>>) target(%arg10 : memref<80x128xf32, #tpu.memory_space<vmem>>) offsets(%arg14 : memref<80xi32, #tpu.memory_space<vmem>>) semaphore(%arg31 : memref<!tpu.dma_semaphore, #tpu.memory_space<semaphore_mem>>)
      %add3A_370 = arith.constant 8 : i32
      %add3A_371 = arith.addi %add3A_351, %add3A_370 : i32
      %lt3A_372 = arith.constant 125 : i32
      %lt3A_373 = arith.cmpi slt, %add3A_371, %lt3A_372 : i32
      %convert_element_type3A_374 = arith.extui %lt3A_373 : i1 to i32
      %cond3A_375 = arith.constant 0 : i32
      %cond3A_376 = arith.cmpi ne, %convert_element_type3A_374, %cond3A_375 : i32
      scf.if %cond3A_376 {
        %mul3A_377 = arith.constant 80 : i32
        %mul3A_378 = arith.muli %add3A_371, %mul3A_377 : i32
        %add3A_379 = arith.addi %mul3A_2, %mul3A_378 : i32
        %dma_start3A_380 = tpu.memref_slice %arg3[%add3A_379] : memref<320000xi32, #tpu.memory_space<hbm>> -> memref<80xi32, #tpu.memory_space<hbm>>
        %dma_start3A_381 = tpu.memref_slice %arg3[%add3A_379] : memref<320000xi32, #tpu.memory_space<hbm>> -> memref<80xi32, #tpu.memory_space<hbm>>
        tpu.enqueue_dma source(%dma_start3A_381 : memref<80xi32, #tpu.memory_space<hbm>>) target(%arg18 : memref<80xi32, #tpu.memory_space<vmem>>) target_semaphore(%arg39 : memref<!tpu.dma_semaphore, #tpu.memory_space<semaphore_mem>>)
        %mul3A_382 = arith.constant 80 : i32
        %mul3A_383 = arith.muli %add3A_371, %mul3A_382 : i32
        %add3A_384 = arith.addi %mul3A_2, %mul3A_383 : i32
        %dma_start3A_385 = tpu.memref_slice %arg4[%add3A_384] : memref<320000xi32, #tpu.memory_space<hbm>> -> memref<80xi32, #tpu.memory_space<hbm>>
        %dma_start3A_386 = tpu.memref_slice %arg4[%add3A_384] : memref<320000xi32, #tpu.memory_space<hbm>> -> memref<80xi32, #tpu.memory_space<hbm>>
        tpu.enqueue_dma source(%dma_start3A_386 : memref<80xi32, #tpu.memory_space<hbm>>) target(%arg26 : memref<80xi32, #tpu.memory_space<vmem>>) target_semaphore(%arg39 : memref<!tpu.dma_semaphore, #tpu.memory_space<semaphore_mem>>)
      } else {
      }
    }
    %scan3A_115 = arith.constant 15 : i32
    %dma_wait3A_116 = arith.constant 0 : i32
    %dma_wait3A_117 = arith.constant 0 : i32
    %dma_wait3A_118 = tpu.memref_slice %arg2[%dma_wait3A_116, %dma_wait3A_117] : memref<10240x128xf32, #tpu.memory_space<hbm>> -> memref<10240x128xf32, #tpu.memory_space<hbm>>
    tpu.wait_indirect_dma semaphore(%arg28 : memref<!tpu.dma_semaphore, #tpu.memory_space<semaphore_mem>>) src(%dma_wait3A_118 : memref<10240x128xf32, #tpu.memory_space<hbm>>) dst(%arg7 : memref<80x128xf32, #tpu.memory_space<vmem>>)
    "tpu.region"() ({
      %run_scoped3A = tpu.sem_alloc : memref<!tpu.dma_semaphore, #tpu.memory_space<semaphore_mem>>
      %dma_start3A_147 = arith.constant 0 : i32
      %dma_start3A_148 = arith.constant 0 : i32
      %dma_start3A_149 = tpu.memref_slice %arg27[%dma_start3A_147, %dma_start3A_148] : memref<10240x128xf32, #tpu.memory_space<vmem_shared>> -> memref<10240x128xf32, #tpu.memory_space<vmem_shared>>
      tpu.enqueue_indirect_dma source(%arg7 : memref<80x128xf32, #tpu.memory_space<vmem>>) target(%dma_start3A_149 : memref<10240x128xf32, #tpu.memory_space<vmem_shared>>) offsets(%arg19 : memref<80xi32, #tpu.memory_space<vmem>>) semaphore(%run_scoped3A : memref<!tpu.dma_semaphore, #tpu.memory_space<semaphore_mem>>) {add = true}
      %dma_wait3A_150 = arith.constant 0 : i32
      %dma_wait3A_151 = arith.constant 0 : i32
      %dma_wait3A_152 = tpu.memref_slice %arg27[%dma_wait3A_150, %dma_wait3A_151] : memref<10240x128xf32, #tpu.memory_space<vmem_shared>> -> memref<10240x128xf32, #tpu.memory_space<vmem_shared>>
      tpu.wait_indirect_dma semaphore(%run_scoped3A : memref<!tpu.dma_semaphore, #tpu.memory_space<semaphore_mem>>) src(%arg7 : memref<80x128xf32, #tpu.memory_space<vmem>>) dst(%dma_wait3A_152 : memref<10240x128xf32, #tpu.memory_space<vmem_shared>>)
      tpu.yield
    }) : () -> ()
    %add3A_119 = arith.constant 9920 : i32
    %add3A_120 = arith.addi %mul3A_2, %add3A_119 : i32
    %dma_wait3A_121 = tpu.memref_slice %arg3[%add3A_120] : memref<320000xi32, #tpu.memory_space<hbm>> -> memref<80xi32, #tpu.memory_space<hbm>>
    %dma_wait3A_122 = tpu.memref_slice %arg3[%add3A_120] : memref<320000xi32, #tpu.memory_space<hbm>> -> memref<80xi32, #tpu.memory_space<hbm>>
    tpu.wait_dma2 semaphore(%arg36 : memref<!tpu.dma_semaphore, #tpu.memory_space<semaphore_mem>>) src(%dma_wait3A_122 : memref<80xi32, #tpu.memory_space<hbm>>) dst(%arg15 : memref<80xi32, #tpu.memory_space<vmem>>)
    %add3A_123 = arith.constant 9920 : i32
    %add3A_124 = arith.addi %mul3A_2, %add3A_123 : i32
    %dma_wait3A_125 = tpu.memref_slice %arg4[%add3A_124] : memref<320000xi32, #tpu.memory_space<hbm>> -> memref<80xi32, #tpu.memory_space<hbm>>
    %dma_wait3A_126 = tpu.memref_slice %arg4[%add3A_124] : memref<320000xi32, #tpu.memory_space<hbm>> -> memref<80xi32, #tpu.memory_space<hbm>>
    tpu.wait_dma2 semaphore(%arg36 : memref<!tpu.dma_semaphore, #tpu.memory_space<semaphore_mem>>) src(%dma_wait3A_126 : memref<80xi32, #tpu.memory_space<hbm>>) dst(%arg23 : memref<80xi32, #tpu.memory_space<vmem>>)
    %dma_start3A_127 = arith.constant 0 : i32
    %dma_start3A_128 = arith.constant 0 : i32
    %dma_start3A_129 = tpu.memref_slice %arg2[%dma_start3A_127, %dma_start3A_128] : memref<10240x128xf32, #tpu.memory_space<hbm>> -> memref<10240x128xf32, #tpu.memory_space<hbm>>
    tpu.enqueue_indirect_dma source(%dma_start3A_129 : memref<10240x128xf32, #tpu.memory_space<hbm>>) target(%arg7 : memref<80x128xf32, #tpu.memory_space<vmem>>) offsets(%arg15 : memref<80xi32, #tpu.memory_space<vmem>>) semaphore(%arg28 : memref<!tpu.dma_semaphore, #tpu.memory_space<semaphore_mem>>)
    %dma_wait3A_130 = arith.constant 0 : i32
    %dma_wait3A_131 = arith.constant 0 : i32
    %dma_wait3A_132 = tpu.memref_slice %arg2[%dma_wait3A_130, %dma_wait3A_131] : memref<10240x128xf32, #tpu.memory_space<hbm>> -> memref<10240x128xf32, #tpu.memory_space<hbm>>
    tpu.wait_indirect_dma semaphore(%arg29 : memref<!tpu.dma_semaphore, #tpu.memory_space<semaphore_mem>>) src(%dma_wait3A_132 : memref<10240x128xf32, #tpu.memory_space<hbm>>) dst(%arg8 : memref<80x128xf32, #tpu.memory_space<vmem>>)
    "tpu.region"() ({
      %run_scoped3A = tpu.sem_alloc : memref<!tpu.dma_semaphore, #tpu.memory_space<semaphore_mem>>
      %dma_start3A_147 = arith.constant 0 : i32
      %dma_start3A_148 = arith.constant 0 : i32
      %dma_start3A_149 = tpu.memref_slice %arg27[%dma_start3A_147, %dma_start3A_148] : memref<10240x128xf32, #tpu.memory_space<vmem_shared>> -> memref<10240x128xf32, #tpu.memory_space<vmem_shared>>
      tpu.enqueue_indirect_dma source(%arg8 : memref<80x128xf32, #tpu.memory_space<vmem>>) target(%dma_start3A_149 : memref<10240x128xf32, #tpu.memory_space<vmem_shared>>) offsets(%arg20 : memref<80xi32, #tpu.memory_space<vmem>>) semaphore(%run_scoped3A : memref<!tpu.dma_semaphore, #tpu.memory_space<semaphore_mem>>) {add = true}
      %dma_wait3A_150 = arith.constant 0 : i32
      %dma_wait3A_151 = arith.constant 0 : i32
      %dma_wait3A_152 = tpu.memref_slice %arg27[%dma_wait3A_150, %dma_wait3A_151] : memref<10240x128xf32, #tpu.memory_space<vmem_shared>> -> memref<10240x128xf32, #tpu.memory_space<vmem_shared>>
      tpu.wait_indirect_dma semaphore(%run_scoped3A : memref<!tpu.dma_semaphore, #tpu.memory_space<semaphore_mem>>) src(%arg8 : memref<80x128xf32, #tpu.memory_space<vmem>>) dst(%dma_wait3A_152 : memref<10240x128xf32, #tpu.memory_space<vmem_shared>>)
      tpu.yield
    }) : () -> ()
    %dma_wait3A_133 = arith.constant 0 : i32
    %dma_wait3A_134 = arith.constant 0 : i32
    %dma_wait3A_135 = tpu.memref_slice %arg2[%dma_wait3A_133, %dma_wait3A_134] : memref<10240x128xf32, #tpu.memory_space<hbm>> -> memref<10240x128xf32, #tpu.memory_space<hbm>>
    tpu.wait_indirect_dma semaphore(%arg30 : memref<!tpu.dma_semaphore, #tpu.memory_space<semaphore_mem>>) src(%dma_wait3A_135 : memref<10240x128xf32, #tpu.memory_space<hbm>>) dst(%arg9 : memref<80x128xf32, #tpu.memory_space<vmem>>)
    "tpu.region"() ({
      %run_scoped3A = tpu.sem_alloc : memref<!tpu.dma_semaphore, #tpu.memory_space<semaphore_mem>>
      %dma_start3A_147 = arith.constant 0 : i32
      %dma_start3A_148 = arith.constant 0 : i32
      %dma_start3A_149 = tpu.memref_slice %arg27[%dma_start3A_147, %dma_start3A_148] : memref<10240x128xf32, #tpu.memory_space<vmem_shared>> -> memref<10240x128xf32, #tpu.memory_space<vmem_shared>>
      tpu.enqueue_indirect_dma source(%arg9 : memref<80x128xf32, #tpu.memory_space<vmem>>) target(%dma_start3A_149 : memref<10240x128xf32, #tpu.memory_space<vmem_shared>>) offsets(%arg21 : memref<80xi32, #tpu.memory_space<vmem>>) semaphore(%run_scoped3A : memref<!tpu.dma_semaphore, #tpu.memory_space<semaphore_mem>>) {add = true}
      %dma_wait3A_150 = arith.constant 0 : i32
      %dma_wait3A_151 = arith.constant 0 : i32
      %dma_wait3A_152 = tpu.memref_slice %arg27[%dma_wait3A_150, %dma_wait3A_151] : memref<10240x128xf32, #tpu.memory_space<vmem_shared>> -> memref<10240x128xf32, #tpu.memory_space<vmem_shared>>
      tpu.wait_indirect_dma semaphore(%run_scoped3A : memref<!tpu.dma_semaphore, #tpu.memory_space<semaphore_mem>>) src(%arg9 : memref<80x128xf32, #tpu.memory_space<vmem>>) dst(%dma_wait3A_152 : memref<10240x128xf32, #tpu.memory_space<vmem_shared>>)
      tpu.yield
    }) : () -> ()
    %dma_wait3A_136 = arith.constant 0 : i32
    %dma_wait3A_137 = arith.constant 0 : i32
    %dma_wait3A_138 = tpu.memref_slice %arg2[%dma_wait3A_136, %dma_wait3A_137] : memref<10240x128xf32, #tpu.memory_space<hbm>> -> memref<10240x128xf32, #tpu.memory_space<hbm>>
    tpu.wait_indirect_dma semaphore(%arg31 : memref<!tpu.dma_semaphore, #tpu.memory_space<semaphore_mem>>) src(%dma_wait3A_138 : memref<10240x128xf32, #tpu.memory_space<hbm>>) dst(%arg10 : memref<80x128xf32, #tpu.memory_space<vmem>>)
    "tpu.region"() ({
      %run_scoped3A = tpu.sem_alloc : memref<!tpu.dma_semaphore, #tpu.memory_space<semaphore_mem>>
      %dma_start3A_147 = arith.constant 0 : i32
      %dma_start3A_148 = arith.constant 0 : i32
      %dma_start3A_149 = tpu.memref_slice %arg27[%dma_start3A_147, %dma_start3A_148] : memref<10240x128xf32, #tpu.memory_space<vmem_shared>> -> memref<10240x128xf32, #tpu.memory_space<vmem_shared>>
      tpu.enqueue_indirect_dma source(%arg10 : memref<80x128xf32, #tpu.memory_space<vmem>>) target(%dma_start3A_149 : memref<10240x128xf32, #tpu.memory_space<vmem_shared>>) offsets(%arg22 : memref<80xi32, #tpu.memory_space<vmem>>) semaphore(%run_scoped3A : memref<!tpu.dma_semaphore, #tpu.memory_space<semaphore_mem>>) {add = true}
      %dma_wait3A_150 = arith.constant 0 : i32
      %dma_wait3A_151 = arith.constant 0 : i32
      %dma_wait3A_152 = tpu.memref_slice %arg27[%dma_wait3A_150, %dma_wait3A_151] : memref<10240x128xf32, #tpu.memory_space<vmem_shared>> -> memref<10240x128xf32, #tpu.memory_space<vmem_shared>>
      tpu.wait_indirect_dma semaphore(%run_scoped3A : memref<!tpu.dma_semaphore, #tpu.memory_space<semaphore_mem>>) src(%arg10 : memref<80x128xf32, #tpu.memory_space<vmem>>) dst(%dma_wait3A_152 : memref<10240x128xf32, #tpu.memory_space<vmem_shared>>)
      tpu.yield
    }) : () -> ()
    %dma_wait3A_139 = arith.constant 0 : i32
    %dma_wait3A_140 = arith.constant 0 : i32
    %dma_wait3A_141 = tpu.memref_slice %arg2[%dma_wait3A_139, %dma_wait3A_140] : memref<10240x128xf32, #tpu.memory_space<hbm>> -> memref<10240x128xf32, #tpu.memory_space<hbm>>
    tpu.wait_indirect_dma semaphore(%arg28 : memref<!tpu.dma_semaphore, #tpu.memory_space<semaphore_mem>>) src(%dma_wait3A_141 : memref<10240x128xf32, #tpu.memory_space<hbm>>) dst(%arg7 : memref<80x128xf32, #tpu.memory_space<vmem>>)
    "tpu.region"() ({
      %run_scoped3A = tpu.sem_alloc : memref<!tpu.dma_semaphore, #tpu.memory_space<semaphore_mem>>
      %dma_start3A_147 = arith.constant 0 : i32
      %dma_start3A_148 = arith.constant 0 : i32
      %dma_start3A_149 = tpu.memref_slice %arg27[%dma_start3A_147, %dma_start3A_148] : memref<10240x128xf32, #tpu.memory_space<vmem_shared>> -> memref<10240x128xf32, #tpu.memory_space<vmem_shared>>
      tpu.enqueue_indirect_dma source(%arg7 : memref<80x128xf32, #tpu.memory_space<vmem>>) target(%dma_start3A_149 : memref<10240x128xf32, #tpu.memory_space<vmem_shared>>) offsets(%arg23 : memref<80xi32, #tpu.memory_space<vmem>>) semaphore(%run_scoped3A : memref<!tpu.dma_semaphore, #tpu.memory_space<semaphore_mem>>) {add = true}
      %dma_wait3A_150 = arith.constant 0 : i32
      %dma_wait3A_151 = arith.constant 0 : i32
      %dma_wait3A_152 = tpu.memref_slice %arg27[%dma_wait3A_150, %dma_wait3A_151] : memref<10240x128xf32, #tpu.memory_space<vmem_shared>> -> memref<10240x128xf32, #tpu.memory_space<vmem_shared>>
      tpu.wait_indirect_dma semaphore(%run_scoped3A : memref<!tpu.dma_semaphore, #tpu.memory_space<semaphore_mem>>) src(%arg7 : memref<80x128xf32, #tpu.memory_space<vmem>>) dst(%dma_wait3A_152 : memref<10240x128xf32, #tpu.memory_space<vmem_shared>>)
      tpu.yield
    }) : () -> ()
    %barrier3A_142 = arith.constant 0 : index
    tpu.barrier barrier_id(%barrier3A_142)
    %mul3A_143 = arith.constant 640 : i32
    %mul3A_144 = arith.muli %arg1, %mul3A_143 : i32
    %mul3A_145 = arith.constant 640 : i32
    %mul3A_146 = arith.muli %arg1, %mul3A_145 : i32
    "tpu.region"() ({
      %run_scoped3A = tpu.sem_alloc : memref<!tpu.dma_semaphore, #tpu.memory_space<semaphore_mem>>
      %dma_start3A_147 = arith.constant 0 : i32
      %dma_start3A_148 = tpu.memref_slice %arg6[%arg0, %mul3A_146, %dma_start3A_147] : memref<2x10240x128xf32, #tpu.memory_space<hbm>> -> memref<1x640x128xf32, #tpu.memory_space<hbm>>
      %dma_start3A_149 = tpu.memref_squeeze %dma_start3A_148 : memref<1x640x128xf32, #tpu.memory_space<hbm>> -> memref<640x128xf32, #tpu.memory_space<hbm>>
      %dma_start3A_150 = arith.constant 0 : i32
      %dma_start3A_151 = tpu.memref_slice %arg27[%mul3A_144, %dma_start3A_150] : memref<10240x128xf32, #tpu.memory_space<vmem_shared>> -> memref<640x128xf32, #tpu.memory_space<vmem_shared>>
      tpu.enqueue_dma source(%dma_start3A_151 : memref<640x128xf32, #tpu.memory_space<vmem_shared>>) target(%dma_start3A_149 : memref<640x128xf32, #tpu.memory_space<hbm>>) target_semaphore(%run_scoped3A : memref<!tpu.dma_semaphore, #tpu.memory_space<semaphore_mem>>)
      %dma_wait3A_152 = arith.constant 0 : i32
      %dma_wait3A_153 = tpu.memref_slice %arg6[%arg0, %mul3A_146, %dma_wait3A_152] : memref<2x10240x128xf32, #tpu.memory_space<hbm>> -> memref<1x640x128xf32, #tpu.memory_space<hbm>>
      %dma_wait3A_154 = tpu.memref_squeeze %dma_wait3A_153 : memref<1x640x128xf32, #tpu.memory_space<hbm>> -> memref<640x128xf32, #tpu.memory_space<hbm>>
      %dma_wait3A_155 = arith.constant 0 : i32
      %dma_wait3A_156 = tpu.memref_slice %arg27[%mul3A_144, %dma_wait3A_155] : memref<10240x128xf32, #tpu.memory_space<vmem_shared>> -> memref<640x128xf32, #tpu.memory_space<vmem_shared>>
      tpu.wait_dma2 semaphore(%run_scoped3A : memref<!tpu.dma_semaphore, #tpu.memory_space<semaphore_mem>>) src(%dma_wait3A_156 : memref<640x128xf32, #tpu.memory_space<vmem_shared>>) dst(%dma_wait3A_154 : memref<640x128xf32, #tpu.memory_space<hbm>>)
      tpu.yield
    }) : () -> ()
    return
  }
}

module attributes {stable_mosaic.version = 14 : i64} {
  func.func @_split_body(%arg0: memref<2x320000xi32, #tpu.memory_space<vmem>>, %arg1: memref<320000xi32, #tpu.memory_space<vmem>>, %arg2: memref<320000xi32, #tpu.memory_space<vmem>>) attributes {dimension_semantics = [], scalar_prefetch = 0 : i64, scratch_operands = 0 : i64, tpu.core_type = #tpu.core_type<tc>} {
    %get3A = arith.constant 0 : index
    %get3A_0 = arith.constant 0 : index
    %get3A_1 = vector.load %arg0[%get3A, %get3A_0] : memref<2x320000xi32, #tpu.memory_space<vmem>>, vector<1x320000xi32>
    %get3A_2 = vector.shape_cast %get3A_1 : vector<1x320000xi32> to vector<320000xi32>
    %swap3A = arith.constant 0 : index
    %swap3A_3 = vector.load %arg1[%swap3A] : memref<320000xi32, #tpu.memory_space<vmem>>, vector<320000xi32>
    tpu.vector_store %arg1[%swap3A], %get3A_2 {strides = array<i32>} : memref<320000xi32, #tpu.memory_space<vmem>>, vector<320000xi32>,
    %get3A_4 = arith.constant 1 : index
    %get3A_5 = arith.constant 0 : index
    %get3A_6 = vector.load %arg0[%get3A_4, %get3A_5] : memref<2x320000xi32, #tpu.memory_space<vmem>>, vector<1x320000xi32>
    %get3A_7 = vector.shape_cast %get3A_6 : vector<1x320000xi32> to vector<320000xi32>
    %swap3A_8 = arith.constant 0 : index
    %swap3A_9 = vector.load %arg2[%swap3A_8] : memref<320000xi32, #tpu.memory_space<vmem>>, vector<320000xi32>
    tpu.vector_store %arg2[%swap3A_8], %get3A_7 {strides = array<i32>} : memref<320000xi32, #tpu.memory_space<vmem>>, vector<320000xi32>,
    return
  }
}

module attributes {stable_mosaic.version = 14 : i64} {
  func.func @_mm1_body(%arg0: i32, %arg1: memref<2048x128xf32, #tpu.memory_space<vmem>>, %arg2: memref<128x128xf32, #tpu.memory_space<vmem>>, %arg3: memref<2048x128xf32, #tpu.memory_space<vmem>>) attributes {dimension_semantics = [#tpu.dimension_semantics<arbitrary>], iteration_bounds = array<i64: 5>, scalar_prefetch = 0 : i64, scratch_operands = 0 : i64, tpu.core_type = #tpu.core_type<tc>, window_params = [{transform_indices = @transform_0, window_bounds = array<i64: 2048, 128>}, {pipeline_mode = #tpu.pipeline_mode<synchronous>, transform_indices = @transform_1, window_bounds = array<i64: 128, 128>}, {transform_indices = @transform_2, window_bounds = array<i64: 2048, 128>}]} {
    %get3A = arith.constant 0 : index
    %get3A_0 = arith.constant 0 : index
    %get3A_1 = vector.load %arg1[%get3A, %get3A_0] : memref<2048x128xf32, #tpu.memory_space<vmem>>, vector<2048x128xf32>
    %get3A_2 = arith.constant 0 : index
    %get3A_3 = arith.constant 0 : index
    %get3A_4 = vector.load %arg2[%get3A_2, %get3A_3] : memref<128x128xf32, #tpu.memory_space<vmem>>, vector<128x128xf32>
    %dot_general3A = arith.constant dense<0.000000e+00> : vector<2048x128xf32>
    %dot_general3A_5 = tpu.matmul %get3A_1, %get3A_4, %dot_general3A {dimension_numbers = #tpu.dot_dimension_numbers<[1], [0], [0], [1], [0, 0, 1, 1], [], []>, transpose_lhs_hint = false} : vector<2048x128xf32>, vector<128x128xf32>, vector<2048x128xf32> -> vector<2048x128xf32>
    %swap3A = arith.constant 0 : index
    %swap3A_6 = arith.constant 0 : index
    %swap3A_7 = vector.load %arg3[%swap3A, %swap3A_6] : memref<2048x128xf32, #tpu.memory_space<vmem>>, vector<2048x128xf32>
    tpu.vector_store %arg3[%swap3A, %swap3A_6], %dot_general3A_5 {strides = array<i32>} : memref<2048x128xf32, #tpu.memory_space<vmem>>, vector<2048x128xf32>,
    return
  }
  func.func @transform_0(%arg0: i32) -> (i32, i32) {
    %c0_i32 = arith.constant 0 : i32
    %c0_i32_0 = arith.constant 0 : i32
    return %arg0, %c0_i32 : i32, i32
  }
  func.func @transform_1(%arg0: i32) -> (i32, i32) {
    %c0_i32 = arith.constant 0 : i32
    %c0_i32_0 = arith.constant 0 : i32
    %c0_i32_1 = arith.constant 0 : i32
    return %c0_i32, %c0_i32_0 : i32, i32
  }
  func.func @transform_2(%arg0: i32) -> (i32, i32) {
    %c0_i32 = arith.constant 0 : i32
    %c0_i32_0 = arith.constant 0 : i32
    return %arg0, %c0_i32 : i32, i32
  }
}

module attributes {stable_mosaic.version = 14 : i64} {
  func.func @_scale_body(%arg0: i32, %arg1: memref<2048x128xf32, #tpu.memory_space<vmem>>, %arg2: memref<2x2048xf32, #tpu.memory_space<vmem>>, %arg3: memref<2048x128xf32, #tpu.memory_space<vmem>>, %arg4: memref<2048x1xf32, #tpu.memory_space<vmem>>) attributes {dimension_semantics = [#tpu.dimension_semantics<arbitrary>], iteration_bounds = array<i64: 5>, scalar_prefetch = 0 : i64, scratch_operands = 0 : i64, tpu.core_type = #tpu.core_type<tc>, window_params = [{transform_indices = @transform_0, window_bounds = array<i64: 2048, 128>}, {transform_indices = @transform_1, window_bounds = array<i64: 2, 2048>}, {transform_indices = @transform_2, window_bounds = array<i64: 2048, 128>}, {transform_indices = @transform_3, window_bounds = array<i64: 2048, 1>}]} {
    %get3A = arith.constant 0 : index
    %get3A_0 = arith.constant 0 : index
    %get3A_1 = vector.load %arg2[%get3A, %get3A_0] : memref<2x2048xf32, #tpu.memory_space<vmem>>, vector<1x2048xf32>
    %get3A_2 = vector.shape_cast %get3A_1 : vector<1x2048xf32> to vector<2048xf32>
    %get3A_3 = arith.constant 1 : index
    %get3A_4 = arith.constant 0 : index
    %get3A_5 = vector.load %arg2[%get3A_3, %get3A_4] : memref<2x2048xf32, #tpu.memory_space<vmem>>, vector<1x2048xf32>
    %get3A_6 = vector.shape_cast %get3A_5 : vector<1x2048xf32> to vector<2048xf32>
    %add3A = arith.addf %get3A_2, %get3A_6 : vector<2048xf32>
    %add3A_7 = arith.constant 1.000000e+00 : f32
    %add3A_8 = vector.broadcast %add3A_7 : f32 to vector<2048xf32>
    %add3A_9 = arith.addf %add3A, %add3A_8 : vector<2048xf32>
    %rsqrt3A = math.rsqrt %add3A_9 : vector<2048xf32>
    %iota3A = tpu.iota {dimensions = array<i32: 0>} : vector<256x256xi32>
    %iota3A_10 = tpu.iota {dimensions = array<i32: 1>} : vector<256x256xi32>
    %eq3A = arith.cmpi eq, %iota3A, %iota3A_10 : vector<256x256xi32>
    %slice3A = vector.extract_strided_slice %rsqrt3A {offsets = [0], sizes = [256], strides = [1]} : vector<2048xf32> to vector<256xf32>
    %broadcast_in_dim3A = vector.shape_cast %slice3A : vector<256xf32> to vector<1x256xf32>
    %jit3A = arith.constant 0.000000e+00 : f32
    %broadcast_in_dim3A_11 = vector.shape_cast %broadcast_in_dim3A : vector<1x256xf32> to vector<1x256xf32>
    %broadcast_in_dim3A_12 = vector.broadcast %broadcast_in_dim3A_11 : vector<1x256xf32> to vector<256x256xf32>
    %broadcast_in_dim3A_13 = vector.broadcast %jit3A : f32 to vector<256x256xf32>
    %select_n3A = arith.select %eq3A, %broadcast_in_dim3A_12, %broadcast_in_dim3A_13 : vector<256x256xi1>, vector<256x256xf32>
    %reduce_sum3A = arith.constant dense<0.000000e+00> : vector<256xf32>
    %reduce_sum3A_14 = vector.multi_reduction <add>, %select_n3A, %reduce_sum3A [1] : vector<256x256xf32> to vector<256xf32>
    %broadcast_in_dim3A_15 = vector.shape_cast %reduce_sum3A_14 : vector<256xf32> to vector<256x1xf32>
    %slice3A_16 = vector.extract_strided_slice %rsqrt3A {offsets = [256], sizes = [256], strides = [1]} : vector<2048xf32> to vector<256xf32>
    %broadcast_in_dim3A_17 = vector.shape_cast %slice3A_16 : vector<256xf32> to vector<1x256xf32>
    %jit3A_18 = arith.constant 0.000000e+00 : f32
    %broadcast_in_dim3A_19 = vector.shape_cast %broadcast_in_dim3A_17 : vector<1x256xf32> to vector<1x256xf32>
    %broadcast_in_dim3A_20 = vector.broadcast %broadcast_in_dim3A_19 : vector<1x256xf32> to vector<256x256xf32>
    %broadcast_in_dim3A_21 = vector.broadcast %jit3A_18 : f32 to vector<256x256xf32>
    %select_n3A_22 = arith.select %eq3A, %broadcast_in_dim3A_20, %broadcast_in_dim3A_21 : vector<256x256xi1>, vector<256x256xf32>
    %reduce_sum3A_23 = arith.constant dense<0.000000e+00> : vector<256xf32>
    %reduce_sum3A_24 = vector.multi_reduction <add>, %select_n3A_22, %reduce_sum3A_23 [1] : vector<256x256xf32> to vector<256xf32>
    %broadcast_in_dim3A_25 = vector.shape_cast %reduce_sum3A_24 : vector<256xf32> to vector<256x1xf32>
    %slice3A_26 = vector.extract_strided_slice %rsqrt3A {offsets = [512], sizes = [256], strides = [1]} : vector<2048xf32> to vector<256xf32>
    %broadcast_in_dim3A_27 = vector.shape_cast %slice3A_26 : vector<256xf32> to vector<1x256xf32>
    %jit3A_28 = arith.constant 0.000000e+00 : f32
    %broadcast_in_dim3A_29 = vector.shape_cast %broadcast_in_dim3A_27 : vector<1x256xf32> to vector<1x256xf32>
    %broadcast_in_dim3A_30 = vector.broadcast %broadcast_in_dim3A_29 : vector<1x256xf32> to vector<256x256xf32>
    %broadcast_in_dim3A_31 = vector.broadcast %jit3A_28 : f32 to vector<256x256xf32>
    %select_n3A_32 = arith.select %eq3A, %broadcast_in_dim3A_30, %broadcast_in_dim3A_31 : vector<256x256xi1>, vector<256x256xf32>
    %reduce_sum3A_33 = arith.constant dense<0.000000e+00> : vector<256xf32>
    %reduce_sum3A_34 = vector.multi_reduction <add>, %select_n3A_32, %reduce_sum3A_33 [1] : vector<256x256xf32> to vector<256xf32>
    %broadcast_in_dim3A_35 = vector.shape_cast %reduce_sum3A_34 : vector<256xf32> to vector<256x1xf32>
    %slice3A_36 = vector.extract_strided_slice %rsqrt3A {offsets = [768], sizes = [256], strides = [1]} : vector<2048xf32> to vector<256xf32>
    %broadcast_in_dim3A_37 = vector.shape_cast %slice3A_36 : vector<256xf32> to vector<1x256xf32>
    %jit3A_38 = arith.constant 0.000000e+00 : f32
    %broadcast_in_dim3A_39 = vector.shape_cast %broadcast_in_dim3A_37 : vector<1x256xf32> to vector<1x256xf32>
    %broadcast_in_dim3A_40 = vector.broadcast %broadcast_in_dim3A_39 : vector<1x256xf32> to vector<256x256xf32>
    %broadcast_in_dim3A_41 = vector.broadcast %jit3A_38 : f32 to vector<256x256xf32>
    %select_n3A_42 = arith.select %eq3A, %broadcast_in_dim3A_40, %broadcast_in_dim3A_41 : vector<256x256xi1>, vector<256x256xf32>
    %reduce_sum3A_43 = arith.constant dense<0.000000e+00> : vector<256xf32>
    %reduce_sum3A_44 = vector.multi_reduction <add>, %select_n3A_42, %reduce_sum3A_43 [1] : vector<256x256xf32> to vector<256xf32>
    %broadcast_in_dim3A_45 = vector.shape_cast %reduce_sum3A_44 : vector<256xf32> to vector<256x1xf32>
    %slice3A_46 = vector.extract_strided_slice %rsqrt3A {offsets = [1024], sizes = [256], strides = [1]} : vector<2048xf32> to vector<256xf32>
    %broadcast_in_dim3A_47 = vector.shape_cast %slice3A_46 : vector<256xf32> to vector<1x256xf32>
    %jit3A_48 = arith.constant 0.000000e+00 : f32
    %broadcast_in_dim3A_49 = vector.shape_cast %broadcast_in_dim3A_47 : vector<1x256xf32> to vector<1x256xf32>
    %broadcast_in_dim3A_50 = vector.broadcast %broadcast_in_dim3A_49 : vector<1x256xf32> to vector<256x256xf32>
    %broadcast_in_dim3A_51 = vector.broadcast %jit3A_48 : f32 to vector<256x256xf32>
    %select_n3A_52 = arith.select %eq3A, %broadcast_in_dim3A_50, %broadcast_in_dim3A_51 : vector<256x256xi1>, vector<256x256xf32>
    %reduce_sum3A_53 = arith.constant dense<0.000000e+00> : vector<256xf32>
    %reduce_sum3A_54 = vector.multi_reduction <add>, %select_n3A_52, %reduce_sum3A_53 [1] : vector<256x256xf32> to vector<256xf32>
    %broadcast_in_dim3A_55 = vector.shape_cast %reduce_sum3A_54 : vector<256xf32> to vector<256x1xf32>
    %slice3A_56 = vector.extract_strided_slice %rsqrt3A {offsets = [1280], sizes = [256], strides = [1]} : vector<2048xf32> to vector<256xf32>
    %broadcast_in_dim3A_57 = vector.shape_cast %slice3A_56 : vector<256xf32> to vector<1x256xf32>
    %jit3A_58 = arith.constant 0.000000e+00 : f32
    %broadcast_in_dim3A_59 = vector.shape_cast %broadcast_in_dim3A_57 : vector<1x256xf32> to vector<1x256xf32>
    %broadcast_in_dim3A_60 = vector.broadcast %broadcast_in_dim3A_59 : vector<1x256xf32> to vector<256x256xf32>
    %broadcast_in_dim3A_61 = vector.broadcast %jit3A_58 : f32 to vector<256x256xf32>
    %select_n3A_62 = arith.select %eq3A, %broadcast_in_dim3A_60, %broadcast_in_dim3A_61 : vector<256x256xi1>, vector<256x256xf32>
    %reduce_sum3A_63 = arith.constant dense<0.000000e+00> : vector<256xf32>
    %reduce_sum3A_64 = vector.multi_reduction <add>, %select_n3A_62, %reduce_sum3A_63 [1] : vector<256x256xf32> to vector<256xf32>
    %broadcast_in_dim3A_65 = vector.shape_cast %reduce_sum3A_64 : vector<256xf32> to vector<256x1xf32>
    %slice3A_66 = vector.extract_strided_slice %rsqrt3A {offsets = [1536], sizes = [256], strides = [1]} : vector<2048xf32> to vector<256xf32>
    %broadcast_in_dim3A_67 = vector.shape_cast %slice3A_66 : vector<256xf32> to vector<1x256xf32>
    %jit3A_68 = arith.constant 0.000000e+00 : f32
    %broadcast_in_dim3A_69 = vector.shape_cast %broadcast_in_dim3A_67 : vector<1x256xf32> to vector<1x256xf32>
    %broadcast_in_dim3A_70 = vector.broadcast %broadcast_in_dim3A_69 : vector<1x256xf32> to vector<256x256xf32>
    %broadcast_in_dim3A_71 = vector.broadcast %jit3A_68 : f32 to vector<256x256xf32>
    %select_n3A_72 = arith.select %eq3A, %broadcast_in_dim3A_70, %broadcast_in_dim3A_71 : vector<256x256xi1>, vector<256x256xf32>
    %reduce_sum3A_73 = arith.constant dense<0.000000e+00> : vector<256xf32>
    %reduce_sum3A_74 = vector.multi_reduction <add>, %select_n3A_72, %reduce_sum3A_73 [1] : vector<256x256xf32> to vector<256xf32>
    %broadcast_in_dim3A_75 = vector.shape_cast %reduce_sum3A_74 : vector<256xf32> to vector<256x1xf32>
    %slice3A_76 = vector.extract_strided_slice %rsqrt3A {offsets = [1792], sizes = [256], strides = [1]} : vector<2048xf32> to vector<256xf32>
    %broadcast_in_dim3A_77 = vector.shape_cast %slice3A_76 : vector<256xf32> to vector<1x256xf32>
    %jit3A_78 = arith.constant 0.000000e+00 : f32
    %broadcast_in_dim3A_79 = vector.shape_cast %broadcast_in_dim3A_77 : vector<1x256xf32> to vector<1x256xf32>
    %broadcast_in_dim3A_80 = vector.broadcast %broadcast_in_dim3A_79 : vector<1x256xf32> to vector<256x256xf32>
    %broadcast_in_dim3A_81 = vector.broadcast %jit3A_78 : f32 to vector<256x256xf32>
    %select_n3A_82 = arith.select %eq3A, %broadcast_in_dim3A_80, %broadcast_in_dim3A_81 : vector<256x256xi1>, vector<256x256xf32>
    %reduce_sum3A_83 = arith.constant dense<0.000000e+00> : vector<256xf32>
    %reduce_sum3A_84 = vector.multi_reduction <add>, %select_n3A_82, %reduce_sum3A_83 [1] : vector<256x256xf32> to vector<256xf32>
    %broadcast_in_dim3A_85 = vector.shape_cast %reduce_sum3A_84 : vector<256xf32> to vector<256x1xf32>
    %concatenate3A = tpu.concatenate %broadcast_in_dim3A_15, %broadcast_in_dim3A_25, %broadcast_in_dim3A_35, %broadcast_in_dim3A_45, %broadcast_in_dim3A_55, %broadcast_in_dim3A_65, %broadcast_in_dim3A_75, %broadcast_in_dim3A_85 in 0 : vector<256x1xf32>, vector<256x1xf32>, vector<256x1xf32>, vector<256x1xf32>, vector<256x1xf32>, vector<256x1xf32>, vector<256x1xf32>, vector<256x1xf32> -> vector<2048x1xf32>
    %get3A_86 = arith.constant 0 : index
    %get3A_87 = arith.constant 0 : index
    %get3A_88 = vector.load %arg1[%get3A_86, %get3A_87] : memref<2048x128xf32, #tpu.memory_space<vmem>>, vector<2048x128xf32>
    %mul3A = vector.broadcast %concatenate3A : vector<2048x1xf32> to vector<2048x128xf32>
    %mul3A_89 = arith.mulf %get3A_88, %mul3A : vector<2048x128xf32>
    %swap3A = arith.constant 0 : index
    %swap3A_90 = arith.constant 0 : index
    %swap3A_91 = vector.load %arg3[%swap3A, %swap3A_90] : memref<2048x128xf32, #tpu.memory_space<vmem>>, vector<2048x128xf32>
    tpu.vector_store %arg3[%swap3A, %swap3A_90], %mul3A_89 {strides = array<i32>} : memref<2048x128xf32, #tpu.memory_space<vmem>>, vector<2048x128xf32>,
    %swap3A_92 = arith.constant 0 : index
    %swap3A_93 = arith.constant 0 : index
    %swap3A_94 = vector.load %arg4[%swap3A_92, %swap3A_93] : memref<2048x1xf32, #tpu.memory_space<vmem>>, vector<2048x1xf32>
    tpu.vector_store %arg4[%swap3A_92, %swap3A_93], %concatenate3A {strides = array<i32>} : memref<2048x1xf32, #tpu.memory_space<vmem>>, vector<2048x1xf32>,
    return
  }
  func.func @transform_0(%arg0: i32) -> (i32, i32) {
    %c0_i32 = arith.constant 0 : i32
    %c0_i32_0 = arith.constant 0 : i32
    return %arg0, %c0_i32 : i32, i32
  }
  func.func @transform_1(%arg0: i32) -> (i32, i32) {
    %c0_i32 = arith.constant 0 : i32
    %c0_i32_0 = arith.constant 0 : i32
    return %c0_i32, %arg0 : i32, i32
  }
  func.func @transform_2(%arg0: i32) -> (i32, i32) {
    %c0_i32 = arith.constant 0 : i32
    %c0_i32_0 = arith.constant 0 : i32
    return %arg0, %c0_i32 : i32, i32
  }
  func.func @transform_3(%arg0: i32) -> (i32, i32) {
    %c0_i32 = arith.constant 0 : i32
    %c0_i32_0 = arith.constant 0 : i32
    return %arg0, %c0_i32 : i32, i32
  }
}

module attributes {stable_mosaic.version = 14 : i64} {
  func.func @_mm2_body(%arg0: i32, %arg1: memref<2x2048x128xf32, #tpu.memory_space<vmem>>, %arg2: memref<2048x128xf32, #tpu.memory_space<vmem>>, %arg3: memref<2048x1xf32, #tpu.memory_space<vmem>>, %arg4: memref<1x128xf32, #tpu.memory_space<vmem>>, %arg5: memref<128x64xf32, #tpu.memory_space<vmem>>, %arg6: memref<2048x128xf32, #tpu.memory_space<vmem>>) attributes {dimension_semantics = [#tpu.dimension_semantics<arbitrary>], iteration_bounds = array<i64: 5>, scalar_prefetch = 0 : i64, scratch_operands = 0 : i64, tpu.core_type = #tpu.core_type<tc>, window_params = [{transform_indices = @transform_0, window_bounds = array<i64: 2, 2048, 128>}, {transform_indices = @transform_1, window_bounds = array<i64: 2048, 128>}, {transform_indices = @transform_2, window_bounds = array<i64: 2048, 1>}, {pipeline_mode = #tpu.pipeline_mode<synchronous>, transform_indices = @transform_3, window_bounds = array<i64: 1, 128>}, {pipeline_mode = #tpu.pipeline_mode<synchronous>, transform_indices = @transform_4, window_bounds = array<i64: 128, 64>}, {transform_indices = @transform_5, window_bounds = array<i64: 2048, 128>}]} {
    %get3A = arith.constant 0 : index
    %get3A_0 = arith.constant 0 : index
    %get3A_1 = arith.constant 0 : index
    %get3A_2 = vector.load %arg1[%get3A, %get3A_0, %get3A_1] : memref<2x2048x128xf32, #tpu.memory_space<vmem>>, vector<1x2048x128xf32>
    %get3A_3 = vector.shape_cast %get3A_2 : vector<1x2048x128xf32> to vector<2048x128xf32>
    %get3A_4 = arith.constant 1 : index
    %get3A_5 = arith.constant 0 : index
    %get3A_6 = arith.constant 0 : index
    %get3A_7 = vector.load %arg1[%get3A_4, %get3A_5, %get3A_6] : memref<2x2048x128xf32, #tpu.memory_space<vmem>>, vector<1x2048x128xf32>
    %get3A_8 = vector.shape_cast %get3A_7 : vector<1x2048x128xf32> to vector<2048x128xf32>
    %add3A = arith.addf %get3A_3, %get3A_8 : vector<2048x128xf32>
    %get3A_9 = arith.constant 0 : index
    %get3A_10 = arith.constant 0 : index
    %get3A_11 = vector.load %arg3[%get3A_9, %get3A_10] : memref<2048x1xf32, #tpu.memory_space<vmem>>, vector<2048x1xf32>
    %get3A_12 = arith.constant 0 : index
    %get3A_13 = arith.constant 0 : index
    %get3A_14 = vector.load %arg2[%get3A_12, %get3A_13] : memref<2048x128xf32, #tpu.memory_space<vmem>>, vector<2048x128xf32>
    %add3A_15 = arith.addf %add3A, %get3A_14 : vector<2048x128xf32>
    %mul3A = vector.broadcast %get3A_11 : vector<2048x1xf32> to vector<2048x128xf32>
    %mul3A_16 = arith.mulf %mul3A, %add3A_15 : vector<2048x128xf32>
    %get3A_17 = arith.constant 0 : index
    %get3A_18 = arith.constant 0 : index
    %get3A_19 = vector.load %arg4[%get3A_17, %get3A_18] : memref<1x128xf32, #tpu.memory_space<vmem>>, vector<1x128xf32>
    %add3A_20 = vector.broadcast %get3A_19 : vector<1x128xf32> to vector<2048x128xf32>
    %add3A_21 = arith.addf %mul3A_16, %add3A_20 : vector<2048x128xf32>
    %max3A = arith.constant 0.000000e+00 : f32
    %max3A_22 = vector.broadcast %max3A : f32 to vector<2048x128xf32>
    %max3A_23 = arith.maximumf %add3A_21, %max3A_22 : vector<2048x128xf32>
    %get3A_24 = arith.constant 0 : index
    %get3A_25 = arith.constant 0 : index
    %get3A_26 = vector.load %arg5[%get3A_24, %get3A_25] : memref<128x64xf32, #tpu.memory_space<vmem>>, vector<128x64xf32>
    %dot_general3A = arith.constant dense<0.000000e+00> : vector<2048x64xf32>
    %dot_general3A_27 = tpu.matmul %max3A_23, %get3A_26, %dot_general3A {dimension_numbers = #tpu.dot_dimension_numbers<[1], [0], [0], [1], [0, 0, 1, 1], [], []>, transpose_lhs_hint = false} : vector<2048x128xf32>, vector<128x64xf32>, vector<2048x64xf32> -> vector<2048x64xf32>
    %get3A_28 = arith.constant 0 : index
    %get3A_29 = arith.constant 0 : index
    %get3A_30 = vector.load %arg3[%get3A_28, %get3A_29] : memref<2048x1xf32, #tpu.memory_space<vmem>>, vector<2048x1xf32>
    %mul3A_31 = vector.broadcast %get3A_30 : vector<2048x1xf32> to vector<2048x64xf32>
    %mul3A_32 = arith.mulf %dot_general3A_27, %mul3A_31 : vector<2048x64xf32>
    %broadcast_in_dim3A = arith.constant 0.000000e+00 : f32
    %broadcast_in_dim3A_33 = vector.broadcast %broadcast_in_dim3A : f32 to vector<2048x64xf32>
    %concatenate3A = tpu.concatenate %mul3A_32, %broadcast_in_dim3A_33 in 1 : vector<2048x64xf32>, vector<2048x64xf32> -> vector<2048x128xf32>
    %swap3A = arith.constant 0 : index
    %swap3A_34 = arith.constant 0 : index
    %swap3A_35 = vector.load %arg6[%swap3A, %swap3A_34] : memref<2048x128xf32, #tpu.memory_space<vmem>>, vector<2048x128xf32>
    tpu.vector_store %arg6[%swap3A, %swap3A_34], %concatenate3A {strides = array<i32>} : memref<2048x128xf32, #tpu.memory_space<vmem>>, vector<2048x128xf32>,
    return
  }
  func.func @transform_0(%arg0: i32) -> (i32, i32, i32) {
    %c0_i32 = arith.constant 0 : i32
    %c0_i32_0 = arith.constant 0 : i32
    %c0_i32_1 = arith.constant 0 : i32
    return %c0_i32, %arg0, %c0_i32_0 : i32, i32, i32
  }
  func.func @transform_1(%arg0: i32) -> (i32, i32) {
    %c0_i32 = arith.constant 0 : i32
    %c0_i32_0 = arith.constant 0 : i32
    return %arg0, %c0_i32 : i32, i32
  }
  func.func @transform_2(%arg0: i32) -> (i32, i32) {
    %c0_i32 = arith.constant 0 : i32
    %c0_i32_0 = arith.constant 0 : i32
    return %arg0, %c0_i32 : i32, i32
  }
  func.func @transform_3(%arg0: i32) -> (i32, i32) {
    %c0_i32 = arith.constant 0 : i32
    %c0_i32_0 = arith.constant 0 : i32
    %c0_i32_1 = arith.constant 0 : i32
    return %c0_i32, %c0_i32_0 : i32, i32
  }
  func.func @transform_4(%arg0: i32) -> (i32, i32) {
    %c0_i32 = arith.constant 0 : i32
    %c0_i32_0 = arith.constant 0 : i32
    %c0_i32_1 = arith.constant 0 : i32
    return %c0_i32, %c0_i32_0 : i32, i32
  }
  func.func @transform_5(%arg0: i32) -> (i32, i32) {
    %c0_i32 = arith.constant 0 : i32
    %c0_i32_0 = arith.constant 0 : i32
    return %arg0, %c0_i32 : i32, i32
  }
}

module attributes {stable_mosaic.version = 14 : i64} {
  func.func @_out_body(%arg0: i32, %arg1: memref<2x2000x128xf32, #tpu.memory_space<vmem>>, %arg2: memref<2000x128xf32, #tpu.memory_space<vmem>>, %arg3: memref<2000x1xf32, #tpu.memory_space<vmem>>, %arg4: memref<1x64xf32, #tpu.memory_space<vmem>>, %arg5: memref<2000x64xf32, #tpu.memory_space<vmem>>) attributes {dimension_semantics = [#tpu.dimension_semantics<arbitrary>], iteration_bounds = array<i64: 5>, scalar_prefetch = 0 : i64, scratch_operands = 0 : i64, tpu.core_type = #tpu.core_type<tc>, window_params = [{transform_indices = @transform_0, window_bounds = array<i64: 2, 2000, 128>}, {transform_indices = @transform_1, window_bounds = array<i64: 2000, 128>}, {transform_indices = @transform_2, window_bounds = array<i64: 2000, 1>}, {pipeline_mode = #tpu.pipeline_mode<synchronous>, transform_indices = @transform_3, window_bounds = array<i64: 1, 64>}, {transform_indices = @transform_4, window_bounds = array<i64: 2000, 64>}]} {
    %get3A = arith.constant 0 : index
    %get3A_0 = arith.constant 0 : index
    %get3A_1 = arith.constant 0 : index
    %get3A_2 = vector.load %arg1[%get3A, %get3A_0, %get3A_1] : memref<2x2000x128xf32, #tpu.memory_space<vmem>>, vector<1x2000x128xf32>
    %get3A_3 = vector.shape_cast %get3A_2 : vector<1x2000x128xf32> to vector<2000x128xf32>
    %get3A_4 = arith.constant 1 : index
    %get3A_5 = arith.constant 0 : index
    %get3A_6 = arith.constant 0 : index
    %get3A_7 = vector.load %arg1[%get3A_4, %get3A_5, %get3A_6] : memref<2x2000x128xf32, #tpu.memory_space<vmem>>, vector<1x2000x128xf32>
    %get3A_8 = vector.shape_cast %get3A_7 : vector<1x2000x128xf32> to vector<2000x128xf32>
    %add3A = arith.addf %get3A_3, %get3A_8 : vector<2000x128xf32>
    %get3A_9 = arith.constant 0 : index
    %get3A_10 = arith.constant 0 : index
    %get3A_11 = vector.load %arg2[%get3A_9, %get3A_10] : memref<2000x128xf32, #tpu.memory_space<vmem>>, vector<2000x128xf32>
    %add3A_12 = arith.addf %add3A, %get3A_11 : vector<2000x128xf32>
    %get3A_13 = arith.constant 0 : index
    %get3A_14 = arith.constant 0 : index
    %get3A_15 = vector.load %arg3[%get3A_13, %get3A_14] : memref<2000x1xf32, #tpu.memory_space<vmem>>, vector<2000x1xf32>
    %slice3A = vector.extract_strided_slice %add3A_12 {offsets = [0, 0], sizes = [2000, 64], strides = [1, 1]} : vector<2000x128xf32> to vector<2000x64xf32>
    %mul3A = vector.broadcast %get3A_15 : vector<2000x1xf32> to vector<2000x64xf32>
    %mul3A_16 = arith.mulf %mul3A, %slice3A : vector<2000x64xf32>
    %get3A_17 = arith.constant 0 : index
    %get3A_18 = arith.constant 0 : index
    %get3A_19 = vector.load %arg4[%get3A_17, %get3A_18] : memref<1x64xf32, #tpu.memory_space<vmem>>, vector<1x64xf32>
    %add3A_20 = vector.broadcast %get3A_19 : vector<1x64xf32> to vector<2000x64xf32>
    %add3A_21 = arith.addf %mul3A_16, %add3A_20 : vector<2000x64xf32>
    %reduce_max3A = arith.constant dense<0xFF800000> : vector<2000xf32>
    %reduce_max3A_22 = vector.multi_reduction <maximumf>, %add3A_21, %reduce_max3A [1] : vector<2000x64xf32> to vector<2000xf32>
    %broadcast_in_dim3A = vector.shape_cast %reduce_max3A_22 : vector<2000xf32> to vector<2000x1xf32>
    %sub3A = vector.broadcast %broadcast_in_dim3A : vector<2000x1xf32> to vector<2000x64xf32>
    %sub3A_23 = arith.subf %add3A_21, %sub3A : vector<2000x64xf32>
    %exp3A = math.exp %sub3A_23 : vector<2000x64xf32>
    %reduce_sum3A = arith.constant dense<0.000000e+00> : vector<2000xf32>
    %reduce_sum3A_24 = vector.multi_reduction <add>, %exp3A, %reduce_sum3A [1] : vector<2000x64xf32> to vector<2000xf32>
    %broadcast_in_dim3A_25 = vector.shape_cast %reduce_sum3A_24 : vector<2000xf32> to vector<2000x1xf32>
    %log3A = math.log %broadcast_in_dim3A_25 : vector<2000x1xf32>
    %sub3A_26 = vector.broadcast %broadcast_in_dim3A : vector<2000x1xf32> to vector<2000x64xf32>
    %sub3A_27 = arith.subf %add3A_21, %sub3A_26 : vector<2000x64xf32>
    %sub3A_28 = vector.broadcast %log3A : vector<2000x1xf32> to vector<2000x64xf32>
    %sub3A_29 = arith.subf %sub3A_27, %sub3A_28 : vector<2000x64xf32>
    %swap3A = arith.constant 0 : index
    %swap3A_30 = arith.constant 0 : index
    %swap3A_31 = vector.load %arg5[%swap3A, %swap3A_30] : memref<2000x64xf32, #tpu.memory_space<vmem>>, vector<2000x64xf32>
    tpu.vector_store %arg5[%swap3A, %swap3A_30], %sub3A_29 {strides = array<i32>} : memref<2000x64xf32, #tpu.memory_space<vmem>>, vector<2000x64xf32>,
    return
  }
  func.func @transform_0(%arg0: i32) -> (i32, i32, i32) {
    %c0_i32 = arith.constant 0 : i32
    %c0_i32_0 = arith.constant 0 : i32
    %c0_i32_1 = arith.constant 0 : i32
    return %c0_i32, %arg0, %c0_i32_0 : i32, i32, i32
  }
  func.func @transform_1(%arg0: i32) -> (i32, i32) {
    %c0_i32 = arith.constant 0 : i32
    %c0_i32_0 = arith.constant 0 : i32
    return %arg0, %c0_i32 : i32, i32
  }
  func.func @transform_2(%arg0: i32) -> (i32, i32) {
    %c0_i32 = arith.constant 0 : i32
    %c0_i32_0 = arith.constant 0 : i32
    return %arg0, %c0_i32 : i32, i32
  }
  func.func @transform_3(%arg0: i32) -> (i32, i32) {
    %c0_i32 = arith.constant 0 : i32
    %c0_i32_0 = arith.constant 0 : i32
    %c0_i32_1 = arith.constant 0 : i32
    return %c0_i32, %c0_i32_0 : i32, i32
  }
  func.func @transform_4(%arg0: i32) -> (i32, i32) {
    %c0_i32 = arith.constant 0 : i32
    %c0_i32_0 = arith.constant 0 : i32
    return %arg0, %c0_i32 : i32, i32
  }
}

</mosaic_0001>

<sc_bundles>
// kernel: kernel.10.cloned.1.call-start
scs
__scs_entry_jumppad:
0x0: {  	(pc) =	sbr.rel $0x88, $3  }
0x1: {  	(tag) =	ssettag $0x0;
	lr =	simm.s32 $0x1  }
0x2: {  	[smem:$0x3F9B] =	sst lr;
	_ =	strace $0xD0000000  }
0x3: {  	_ = 	snop  }
0x4: {  	_ = 	snop  }
0x5: {  	_ = 	snop  }
0x6: {  	_ = 	snop  }
0x7: {  	_ = 	snop  }
__scs_overlays_trampoline_lowered:
0x8: {  	[smem:$0x3FAA] =	sst s0  }
0x9: {  	[smem:$0x3FAB] =	sst s1  }
0xa: {  	[smem:$0x3FAC] =	sst s2  }
0xb: {  	[smem:$0x3FAD] =	sst s3  }
0xc: {  	[smem:$0x3FAE] =	sst s4  }
0xd: {  	[smem:$0x3FAF] =	sst s5  }
0xe: {  	[smem:$0x3FB0] =	sst s6  }
0xf: {  	[smem:$0x3FB1] =	sst s7  }
0x10: {  	[smem:$0x3FB2] =	sst s8  }
0x11: {  	[smem:$0x3FB3] =	sst s9;
	s0 =	simm.s32 @!p0 $0x0  }
0x12: {  	s1 =	sld [smem:$0x3F99];
	s0 =	simm.s32 @p0 $0x1  }
0x13: {  	[smem:$0x3FB4] =	sst s0;
	s0 =	simm.s32 @!p1 $0x0  }
0x14: {  	s2 =	sld [smem:$0x3F98];
	s0 =	simm.s32 @p1 $0x1  }
0x15: {  	[smem:$0x3FB5] =	sst s0;
	s0 =	simm.s32 @!p2 $0x0  }
0x16: {  	s3 =	sld [smem:$0x3FDB];
	s0 =	simm.s32 @p2 $0x1  }
0x17: {  	s4 =	simm.s32 $0x1BF5;
	[smem:$0x3FB7] =	sst s0  }
0x18: {  	s0 =	sld [smem:$0x3F9A];
	_ =	swait.ge [sflag:s4], $0x0  }
0x19: {  	s7 =	sld [smem:$0x3F9B]  }
0x1a: {  	s8 =	sadd.s32 $0xFFFFE003, lr  }
0x1b: {  	s9 =	sadd.s32 $0xFFFFFEF7, lr;
	s5 =	simm.s32 $0xFFFFFFFF;
	p2 =	slt.u32 s8, $0xFFFFF086  }
0x1c: {  	p1 =	slt.u32 s9, $0xF7A;
	s5 =	simm.s32 @!p2 $0x0  }
0x1d: {  	s5 =	simm.s32 @p1 $0x1;
	p0 =	seq.s32 s7, s2  }
0x1e: {  	s7 =	smul.u32 @!p0 $0xF7A, s2;
	p2 =	seq.s32 @!p0 s5, $0x0  }
0x1f: {  	s9 =	smul.u32 $0xF7A, s1;
	s8 =	simm.s32 @!p0 $0x1BF5;
	p2 =	por !p2, p0  }
0x20: {  	[sflag:s8] =	ssyncset.s32 @!p0 $0xFFFFF086;
	s6 =	sadd.s32 @!p0 s3, s7;
	s7 =	simm.s32 @!p0 $0x108  }
0x21: {  	s3 =	sadd.s32 s3, s9;
	s6 =	sadd.s32 @!p0 $0x88, s6;
	s7 =	simm.s32 @p2 $0x1082  }
0x22: {  	[simem:s7], [sflag:s8] =	dma.local @!p0 [hbm:s6], $0xF7A  }
0x23: {  	s9 =	sor.u32 $0xD0000000, s2;
	s6 =	simm.s32 $0x108;
	_ =	swait.ge @!p0 [sflag:s8], $0x0  }
0x24: {  	s3 =	sadd.s32 $0x88, s3;
	s6 =	simm.s32 @!p1 $0x1082;
	[sflag:s4] =	ssyncset.s32 $0xFFFFF086  }
0x25: {  	[simem:s6], [sflag:s4] =	dma.local [hbm:s3], $0xF7A  }
0x26: {  	[smem:$0x3F9B] =	sst s1;
	(tag) =	ssettag s2;
	_ =	strace s9  }
0x27: {  	s1 =	sld [smem:$0x3FAB]  }
0x28: {  	s2 =	sld [smem:$0x3FAC]  }
0x29: {  	s4 =	sld [smem:$0x3FAE]  }
0x2a: {  	p0 =	seq.s32 s5, $0x0;
	s5 =	sld [smem:$0x3FAF]  }
0x2b: {  	s6 =	sld [smem:$0x3FB0]  }
0x2c: {  	s7 =	sld [smem:$0x3FB1]  }
0x2d: {  	s3 =	simm.s32 $0x108;
	s8 =	sld [smem:$0x3FB2]  }
0x2e: {  	s3 =	simm.s32 @!p0 $0x1082;
	s9 =	sld [smem:$0x3FB3]  }
0x2f: {  	lr =	sadd.s32 s0, s3;
	s0 =	sld [smem:$0x3FAA]  }
0x30: {  	s3 =	sld [smem:$0x3FAD]  }
0x31: {  	[smem:$0x3FB6] =	sst s10  }
0x32: {  	s10 =	sld [smem:$0x3FB4];
	_ =	sdelay $0x3  }
0x33: {  	p0 =	seq.s32 s10, $0x1;
	s10 =	sld [smem:$0x3FB6];
	_ =	sdelay $0x3  }
0x34: {  	[smem:$0x3FB6] =	sst s10  }
0x35: {  	s10 =	sld [smem:$0x3FB5];
	_ =	sdelay $0x3  }
0x36: {  	p1 =	seq.s32 s10, $0x1;
	s10 =	sld [smem:$0x3FB6];
	_ =	sdelay $0x3  }
0x37: {  	[smem:$0x3FB6] =	sst s10  }
0x38: {  	s10 =	sld [smem:$0x3FB7]  }
0x39: {  	_ = 	snop;
	(pc) =	sbr.ind lr, $3  }
0x3a: {  	_ = 	snop  }
0x3b: {  	_ = 	snop  }
0x3c: {  	p2 =	seq.s32 s10, $0x1;
	s10 =	sld [smem:$0x3FB6]  }
0x3d: {  	_ =	shalt  }
0x3e: {  	_ =	shalt  }
0x3f: {  	_ =	shalt  }
0x40: {  	_ =	shalt  }
0x41: {  	_ =	shalt  }
0x42: {  	_ =	shalt  }
0x43: {  	_ =	shalt  }
0x44: {  	_ =	shalt  }
0x45: {  	_ =	shalt  }
0x46: {  	_ =	shalt  }
0x47: {  	_ =	shalt  }
0x48: {  	_ =	shalt  }
0x49: {  	_ =	shalt  }
0x4a: {  	_ =	shalt  }
0x4b: {  	_ =	shalt  }
0x4c: {  	_ =	shalt  }
0x4d: {  	_ =	shalt  }
0x4e: {  	_ =	shalt  }
0x4f: {  	_ =	shalt  }
0x50: {  	_ =	shalt  }
0x51: {  	_ =	shalt  }
0x52: {  	_ =	shalt  }
0x53: {  	_ =	shalt  }
0x54: {  	_ =	shalt  }
0x55: {  	_ =	shalt  }
0x56: {  	_ =	shalt  }
0x57: {  	_ =	shalt  }
0x58: {  	_ =	shalt  }
0x59: {  	_ =	shalt  }
0x5a: {  	_ =	shalt  }
0x5b: {  	_ =	shalt  }
0x5c: {  	_ =	shalt  }
0x5d: {  	_ =	shalt  }
0x5e: {  	_ =	shalt  }
0x5f: {  	_ =	shalt  }
0x60: {  	_ =	shalt  }
0x61: {  	_ =	shalt  }
0x62: {  	_ =	shalt  }
0x63: {  	_ =	shalt  }
0x64: {  	_ =	shalt  }
0x65: {  	_ =	shalt  }
0x66: {  	_ =	shalt  }
0x67: {  	_ =	shalt  }
0x68: {  	_ =	shalt  }
0x69: {  	_ =	shalt  }
0x6a: {  	_ =	shalt  }
0x6b: {  	_ =	shalt  }
0x6c: {  	_ =	shalt  }
0x6d: {  	_ =	shalt  }
0x6e: {  	_ =	shalt  }
0x6f: {  	_ =	shalt  }
0x70: {  	_ =	shalt  }
0x71: {  	_ =	shalt  }
0x72: {  	_ =	shalt  }
0x73: {  	_ =	shalt  }
0x74: {  	_ =	shalt  }
0x75: {  	_ =	shalt  }
0x76: {  	_ =	shalt  }
0x77: {  	_ =	shalt  }
0x78: {  	_ =	shalt  }
0x79: {  	_ =	shalt  }
0x7a: {  	_ =	shalt  }
0x7b: {  	_ =	shalt  }
0x7c: {  	_ =	shalt  }
0x7d: {  	_ =	shalt  }
0x7e: {  	_ =	shalt  }
0x7f: {  	_ =	shalt  }
0x80: {  	_ =	shalt  }
0x81: {  	_ =	shalt  }
0x82: {  	_ =	shalt  }
0x83: {  	_ =	shalt  }
0x84: {  	_ =	shalt  }
0x85: {  	_ =	shalt  }
0x86: {  	_ =	shalt  }
0x87: {  	_ =	shalt  }
.Lfunc_end0:
.L_simem_size_0:
called_computation_lowered:
.L_overlay_start_0:
0x88: {  	s2 =	sld [smem:$0x3FD9]  }
0x89: {  	s3 =	sld [smem:$0x3FFE];
	_ =	sdelay $0x1  }
0x8a: {  	s1 =	srdreg.scid  }
0x8b: {  	s0 =	sand.u32 $0x1, s1  }
0x8c: {  	s17 =	sshll.u32 s0, $0xA;
	s2 =	sadd.s32 s3, s2  }
0x8d: {  	s2 =	sadd.s32 s2, s17  }
0x8e: {  	[smem:$0x3FC2] =	sst s2  }
0x8f: {  	_ = 	snop  }
0x90: {  	s2 =	sld [smem:$0x3FD0];
	(tm) =	ssettm $0x1  }
0x91: {  	s18 =	sld [smem:$0x3FFB];
	_ =	sdelay $0x3  }
0x92: {  	_ =	strace s18  }
0x93: {  	s3 =	sld [smem:$0x3FFC];
	_ =	sdelay $0x3  }
0x94: {  	_ =	strace s3  }
0x95: {  	s3 =	sld [smem:$0x3FFD];
	_ =	sdelay $0x3  }
0x96: {  	_ =	strace s3  }
0x97: {  	_ =	strace $0x8FFFFFFF  }
0x98: {  	s19 =	sld [smem:$0x3FDB];
	_ =	sdelay $0x1  }
0x99: {  	s4 =	simm.s32 $_scs_section_size  }
0x9a: {  	s5 =	simm.s32 $_size__tile_overlayer_lowered;
	s6 =	simm.s32 $_tile_overlayer_lowered  }
0x9b: {  	s22 =	simm.s32 $0x1BFF;
	s21 =	sshll.u32 s6, $0x1;
	s3 =	sadd.s32 s4, s19  }
0x9c: {  	s7 =	simm.s32 $0x0;
	s20 =	sshll.u32 s5, $0x1;
	s5 =	sadd.s32 s21, s3  }
0x9d: {  	[timem:s7], [sflag:s22] =	dma.local [hbm:s5], s20  }
0x9e: {  	_ =	swait.ge [sflag:s22], s20  }
0x9f: {  	s4 =	ssub.s32 $0x0, s20;
	[sflag:s22] =	ssyncset.done $0x0  }
0xa0: {  	[sflag:s22] =	ssyncadd.s32 s4;
	_ =	sdelay $0x1  }
0xa1: {  	s23 =	simm.s32 $0x1B8B  }
0xa2: {  	_ =	swait.ge [sflag:s23], $0x1  }
0xa3: {  	[sflag:s23] =	ssyncset.done $0x0  }
0xa4: {  	s25 =	simm.s32 $0x1B8E;
	s24 =	sld [smem:$0x3FFE];
	[sflag:s23] =	ssyncadd.s32 $0xFFFFFFFF  }
0xa5: {  	s26 =	simm.s32 $execute0_lowered;
	[smem:$0x3FD2] =	sst s25  }
0xa6: {  	s5 =	sshll.u32 s26, $0x1;
	_ =	strace $0x80000046;
	[dreg:$0x1] =	wrdreg $0xFFFFFFFF  }
0xa7: {  	s28 =	simm.s32 $_size_execute0_lowered;
	s3 =	sadd.s32 s3, s5;
	[dreg:$0x0] =	wrdreg $0x0  }
0xa8: {  	s5 =	sshll.u32 s28, $0x1;
	[dreg:$0x2] =	wrdreg s3  }
0xa9: {  	[dreg:$0x3] =	wrdreg s5  }
0xaa: {  	[dreg:$0x4] =	wrdreg $0xC0  }
0xab: {  	_ =	task [dreg:s7], $0x5FFFF  }
0xac: {  	[dreg:$0x1] =	wrdreg $0xFFFFFFFF  }
0xad: {  	[dreg:$0x0] =	wrdreg $0x60  }
0xae: {  	[dreg:$0x2] =	wrdreg s2  }
0xaf: {  	[dreg:$0x3] =	wrdreg s24  }
0xb0: {  	[dreg:$0x4] =	wrdreg $0x2A800  }
0xb1: {  	[dreg:$0x5] =	wrdreg $0x9  }
0xb2: {  	_ =	task.clear_ibuf [dreg:s7], $0x6FFFF;
	_ =	strace $0x90000046  }
0xb3: {  	s29 =	simm.s32 $0x9;
	_ =	strace $0x80000048  }
0xb4: {  	_ =	swait.ge [sflag:s29], $0x1  }
0xb5: {  	[sflag:s29] =	ssyncadd.s32 $0xFFFFFFFF  }
0xb6: {  	_ =	strace $0x90000048  }
0xb7: {  	_ =	sfence  }
0xb8: {  	s30 =	sld [smem:$0x0];
	_ =	sdelay $0x2  }
0xb9: {  	s31 =	sshll.u32 s1, $0xD;
	s1 =	sshrl.u32 s1, $0x2  }
0xba: {  	s3 =	sand.u32 $0x4000, s31;
	s1 =	sadd.s32 s1, s30  }
0xbb: {  	s0 =	sor.u32 s3, s0;
	s1 =	sshll.u32 s1, $0x11  }
0xbc: {  	s0 =	sor.u32 s1, s0  }
0xbd: {  	s0 =	sadd.s32 $0x8F2B, s0  }
0xbe: {  	[sflag:s0] =	ssyncadd.remote.s32 $0x1  }
0xbf: {  	_ =	sfence.sel $0xFFFF  }
0xc0: {  	[dreg:$0x0] =	wrdreg $0xFFFFFFFF;
	(pc) =	sbr.abs _section_cstart, $3  }
0xc1: {  	[dreg:$0x1] =	wrdreg $0xFFFFFFFF  }
0xc2: {  	_ =	task.clear_ibuf [dreg:s7], $0x2FFFF;
	_ =	strace $0x9FFFFFFF  }
0xc3: {  	(tm) =	ssettm $0x7FFFFFFF  }
tec
execute0_lowered:
.L_overlay_start_1:
0x0: {  	(tag) =	ssettag $0x1  }
0x1: {  	s5 =	rddreg [dreg:$0x0]  }
0x2: {  	s4 =	rddreg [dreg:$0x1]  }
0x3: {  	s2 =	rddreg [dreg:$0x2]  }
0x4: {  	s0 =	rddreg [dreg:$0x3]  }
0x5: {  	s3 =	simm.s32 $0x0;
	s6 =	srdreg.scid;
	s1 =	stileid.u32  }
0x6: {  	s11 =	simm.s32 $0x2780;
	s14 =	simm.s32 $0x20;
	s15 =	simm.s32 $0x10  }
0x7: {  	s16 =	simm.s32 $0x0;
	[smem:$0x7FF] =	sst s3;
	s7 =	smul.u32 $0x500, s1  }
0x8: {  	s6 =	sand.u32 $0x1, s6;
	s30 =	smul.u32 $0xA00, s1;
	s12 =	sshll.u32 s1, $0x6  }
0x9: {  	_ =	strace $0x80000047;
	s8 =	sshll.u32 s6, $0x7;
	s9 =	sshll.u32 s6, $0x4  }
0xa: {  	s6 =	ssub.s32 $0x2, s6;
	s12 =	sor.u32 $0x1C01, s12;
	s7 =	sor.u32 s8, s7  }
0xb: {  	s9 =	sor.u32 s1, s9;
	s31 =	sshrl.u32 s6, $0x1;
	s8 =	sshrl.u32 s30, $0x2  }
0xc: {  	s7 =	sshrl.u32 s7, $0x3;
	s9 =	smul.u32 $0x4E2, s9;
	s10 =	ssub.s32 s6, s31  }
0xd: {  	s7 =	sadd.s32 s7, s4;
	s4 =	sadd.s32 s8, s2;
	s8 =	simm.s32 $0x2800  }
0xe: {  	s5 =	sadd.s32 s5, s9;
	s6 =	sadd.s32 $0xC800, s7;
	s7 =	smax.u32 s10, $0x1  }
0xf: {  	v0 =	vimm.f32 $0.0e+00;
	v1 =	vimm.f32 $1.000000000e+00;
	s9 =	simm.s32 $0x1;
	s10 =	simm.s32 $0x50;
	s13 =	sshrl.u32 s4, $0x3  }
.LBB2_1:
0x10: {  	[tilespmem:$0x2800] =	vst v0  }
0x11: {  	[tilespmem:$0x2810] =	vst v0  }
0x12: {  	[tilespmem:$0x2820] =	vst v0  }
0x13: {  	[tilespmem:$0x2830] =	vst v0  }
0x14: {  	[tilespmem:$0x2840] =	vst v0  }
0x15: {  	[tilespmem:$0x2850] =	vst v0  }
0x16: {  	[tilespmem:$0x2860] =	vst v0  }
0x17: {  	[tilespmem:$0x2870] =	vst v0  }
0x18: {  	[tilespmem:$0x2880] =	vst v0  }
0x19: {  	[tilespmem:$0x2890] =	vst v0  }
0x1a: {  	[tilespmem:$0x28A0] =	vst v0  }
0x1b: {  	[tilespmem:$0x28B0] =	vst v0  }
0x1c: {  	[tilespmem:$0x28C0] =	vst v0  }
0x1d: {  	[tilespmem:$0x28D0] =	vst v0  }
0x1e: {  	[tilespmem:$0x28E0] =	vst v0  }
0x1f: {  	[tilespmem:$0x28F0] =	vst v0  }
0x20: {  	[tilespmem:$0x2900] =	vst v0  }
0x21: {  	[tilespmem:$0x2910] =	vst v0  }
0x22: {  	[tilespmem:$0x2920] =	vst v0  }
0x23: {  	[tilespmem:$0x2930] =	vst v0  }
0x24: {  	[tilespmem:$0x2940] =	vst v0  }
0x25: {  	[tilespmem:$0x2950] =	vst v0  }
0x26: {  	[tilespmem:$0x2960] =	vst v0  }
0x27: {  	[tilespmem:$0x2970] =	vst v0  }
0x28: {  	[tilespmem:$0x2980] =	vst v0  }
0x29: {  	[tilespmem:$0x2990] =	vst v0  }
0x2a: {  	[tilespmem:$0x29A0] =	vst v0  }
0x2b: {  	[tilespmem:$0x29B0] =	vst v0  }
0x2c: {  	[tilespmem:$0x29C0] =	vst v0  }
0x2d: {  	[tilespmem:$0x29D0] =	vst v0  }
0x2e: {  	[tilespmem:$0x29E0] =	vst v0  }
0x2f: {  	[tilespmem:$0x29F0] =	vst v0  }
0x30: {  	[tilespmem:$0x2A00] =	vst v0  }
0x31: {  	[tilespmem:$0x2A10] =	vst v0  }
0x32: {  	[tilespmem:$0x2A20] =	vst v0  }
0x33: {  	[tilespmem:$0x2A30] =	vst v0  }
0x34: {  	[tilespmem:$0x2A40] =	vst v0  }
0x35: {  	[tilespmem:$0x2A50] =	vst v0  }
0x36: {  	[tilespmem:$0x2A60] =	vst v0  }
0x37: {  	[tilespmem:$0x2A70] =	vst v0  }
0x38: {  	[tilespmem:$0x2780] =	vst v1  }
0x39: {  	[tilespmem:$0x2790] =	vst v1  }
0x3a: {  	[tilespmem:$0x27A0] =	vst v1  }
0x3b: {  	[tilespmem:$0x27B0] =	vst v1  }
0x3c: {  	[tilespmem:$0x27C0] =	vst v1  }
0x3d: {  	[spmem:s4] =	stream.linear.scatter [tilespmem:s8], [sflag:$0x1], $0x280, $0x38;
	[tilespmem:$0x2D00] =	vst v63  }
0x3e: {  	_ =	swait.ge [sflag:s9], $0x280  }
0x3f: {  	[sflag:s9] =	ssyncset.done $0x0  }
0x40: {  	[sflag:s9] =	ssyncadd.s32 $0xFFFFFD80  }
0x41: {  	[tilespmem:s3], [sflag:$0x1] =	stream.linear.gather [hbm4b:s5+s3], $0x2710, $0x38;
	[tilespmem:$0x2D00] =	vst v63  }
0x42: {  	_ =	swait.ge [sflag:s9], $0x2710  }
0x43: {  	[sflag:s9] =	ssyncset.done $0x0  }
0x44: {  	[sflag:s9] =	ssyncadd.s32 $0xFFFFD8F0  }
0x45: {  	s17 =	simm.s32 $0x0;
	[bflag:$0x0] =	sbarrier.arrive $0xFFFF  }
0x46: {  	[spmem:s2] =	stream.indirect.scatter.add.f32 [tilespmem:s11], [sflag:$0x1], $0x1, s17, s10, $0xb8;
	[tilespmem:$0x2D00] =	vst v63  }
0x47: {  	_ =	swait.ge [sflag:s9], $0x50  }
0x48: {  	s17 =	simm.s32 $0x140;
	[sflag:s9] =	ssyncset.done $0x0  }
.LBB2_2:
0x49: {  	s18 =	sshra.s32 s17, $0x2;
	[sflag:s9] =	ssyncadd.s32 $0xFFFFFFB0;
	p0 =	sne.s32 s17, $0x9B00  }
0x4a: {  	[spmem:s2] =	stream.indirect.scatter.add.f32 [tilespmem:s11], [sflag:$0x1], $0x1, s18, s10, $0xb8;
	[tilespmem:$0x2D00] =	vst v63  }
.Ltmp0:
0x4b: {  	_ = 	snop;
	(pc) =	sbr.rel @p0 .LBB2_2-.Ltmp0, $4  }
0x4c: {  	_ = 	snop  }
0x4d: {  	s17 =	sadd.s32 $0x140, s17  }
0x4e: {  	_ =	swait.ge [sflag:s9], $0x50  }
0x4f: {  	[sflag:s9] =	ssyncset.done $0x0  }
0x50: {  	s16 =	sadd.s32 $0x1, s16  }
0x51: {  	[sflag:s9] =	ssyncadd.s32 $0xFFFFFFB0;
	p0 =	sne.s32 s16, s7  }
.Ltmp1:
0x52: {  	[bflag:$0x0] =	sbarrier.arrive $0xFFFF;
	(pc) =	sbr.rel @p0 .LBB2_1-.Ltmp1, $4  }
0x53: {  	[hbm:s6@s14], [sflag:s12] =	dma.strided [spmem:s13@s15], $0x50, s9, $0x10   }
0x54: {  	_ =	swait.ge [sflag:s9], $0x50  }
0x55: {  	[sflag:s9] =	ssyncset.done $0x0  }
0x56: {  	[sflag:s9] =	ssyncadd.s32 $0xFFFFFFB0  }
0x57: {  	_ =	sfence.sel $0x180000  }
0x58: {  	[bflag:$0x0] =	sbarrier.arrive $0xFFFF  }
0x59: {  	p0 =	sne.s32 s1, $0x0;
	_ =	strace $0x90000047  }
0x5a: {  	s0 =	sadd.s32 @!p0 $0x100000, s0;
	[bflag:$0x2] =	sbarrier.arrive $0xFFFF  }
0x5b: {  	[sflag:s0] =	ssyncadd.tile.s32 @!p0 $0x1;
	_ =	shalt  }
.Lfunc_end2:
_tile_overlayer_lowered:
.L_overlay_start_2:
0x5c: {  	(tag) =	ssettag $0x2  }
0x5d: {  	s0 =	rddreg [dreg:$0x0];
	s2 =	stileid.u32  }
0x5e: {  	s1 =	rddreg [dreg:$0x1];
	p0 =	sne.s32 s2, $0x0  }
0x5f: {  	s3 =	rddreg [dreg:$0x2];
	[bflag:$0x3] =	sbarrier.arrive $0xFFFF;
	s2 =	simm.s32 @!p0 $0x1C01  }
0x60: {  	[timem:s3], [sflag:s2] =	dma.local @!p0 [hbm:s0], s1  }
0x61: {  	s0 =	simm.s32 @!p0 $0x1  }
0x62: {  	_ =	swait.ge @!p0 [sflag:s0], s1  }
0x63: {  	s1 =	ssub.s32 @!p0 $0x0, s1;
	[sflag:s0] =	ssyncset.done @!p0 $0x0  }
0x64: {  	[sflag:s0] =	ssyncadd.s32 @!p0 s1  }
0x65: {  	[bflag:$0x3] =	sbarrier.arrive $0xFFFF  }
0x66: {  	_ =	shalt  }

// kernel: kernel.13.cloned.1.call-start
scs
__scs_entry_jumppad:
0x0: {  	(pc) =	sbr.rel $0x88, $3  }
0x1: {  	(tag) =	ssettag $0x0;
	lr =	simm.s32 $0x1  }
0x2: {  	[smem:$0x3F9B] =	sst lr;
	_ =	strace $0xD0000000  }
0x3: {  	_ = 	snop  }
0x4: {  	_ = 	snop  }
0x5: {  	_ = 	snop  }
0x6: {  	_ = 	snop  }
0x7: {  	_ = 	snop  }
__scs_overlays_trampoline_lowered:
0x8: {  	[smem:$0x3FAA] =	sst s0  }
0x9: {  	[smem:$0x3FAB] =	sst s1  }
0xa: {  	[smem:$0x3FAC] =	sst s2  }
0xb: {  	[smem:$0x3FAD] =	sst s3  }
0xc: {  	[smem:$0x3FAE] =	sst s4  }
0xd: {  	[smem:$0x3FAF] =	sst s5  }
0xe: {  	[smem:$0x3FB0] =	sst s6  }
0xf: {  	[smem:$0x3FB1] =	sst s7  }
0x10: {  	[smem:$0x3FB2] =	sst s8  }
0x11: {  	[smem:$0x3FB3] =	sst s9;
	s0 =	simm.s32 @!p0 $0x0  }
0x12: {  	s1 =	sld [smem:$0x3F99];
	s0 =	simm.s32 @p0 $0x1  }
0x13: {  	[smem:$0x3FB4] =	sst s0;
	s0 =	simm.s32 @!p1 $0x0  }
0x14: {  	s2 =	sld [smem:$0x3F98];
	s0 =	simm.s32 @p1 $0x1  }
0x15: {  	[smem:$0x3FB5] =	sst s0;
	s0 =	simm.s32 @!p2 $0x0  }
0x16: {  	s3 =	sld [smem:$0x3FDB];
	s0 =	simm.s32 @p2 $0x1  }
0x17: {  	s4 =	simm.s32 $0x1BF5;
	[smem:$0x3FB7] =	sst s0  }
0x18: {  	s0 =	sld [smem:$0x3F9A];
	_ =	swait.ge [sflag:s4], $0x0  }
0x19: {  	s7 =	sld [smem:$0x3F9B]  }
0x1a: {  	s8 =	sadd.s32 $0xFFFFE003, lr  }
0x1b: {  	s9 =	sadd.s32 $0xFFFFFEF7, lr;
	s5 =	simm.s32 $0xFFFFFFFF;
	p2 =	slt.u32 s8, $0xFFFFF086  }
0x1c: {  	p1 =	slt.u32 s9, $0xF7A;
	s5 =	simm.s32 @!p2 $0x0  }
0x1d: {  	s5 =	simm.s32 @p1 $0x1;
	p0 =	seq.s32 s7, s2  }
0x1e: {  	s7 =	smul.u32 @!p0 $0xF7A, s2;
	p2 =	seq.s32 @!p0 s5, $0x0  }
0x1f: {  	s9 =	smul.u32 $0xF7A, s1;
	s8 =	simm.s32 @!p0 $0x1BF5;
	p2 =	por !p2, p0  }
0x20: {  	[sflag:s8] =	ssyncset.s32 @!p0 $0xFFFFF086;
	s6 =	sadd.s32 @!p0 s3, s7;
	s7 =	simm.s32 @!p0 $0x108  }
0x21: {  	s3 =	sadd.s32 s3, s9;
	s6 =	sadd.s32 @!p0 $0x88, s6;
	s7 =	simm.s32 @p2 $0x1082  }
0x22: {  	[simem:s7], [sflag:s8] =	dma.local @!p0 [hbm:s6], $0xF7A  }
0x23: {  	s9 =	sor.u32 $0xD0000000, s2;
	s6 =	simm.s32 $0x108;
	_ =	swait.ge @!p0 [sflag:s8], $0x0  }
0x24: {  	s3 =	sadd.s32 $0x88, s3;
	s6 =	simm.s32 @!p1 $0x1082;
	[sflag:s4] =	ssyncset.s32 $0xFFFFF086  }
0x25: {  	[simem:s6], [sflag:s4] =	dma.local [hbm:s3], $0xF7A  }
0x26: {  	[smem:$0x3F9B] =	sst s1;
	(tag) =	ssettag s2;
	_ =	strace s9  }
0x27: {  	s1 =	sld [smem:$0x3FAB]  }
0x28: {  	s2 =	sld [smem:$0x3FAC]  }
0x29: {  	s4 =	sld [smem:$0x3FAE]  }
0x2a: {  	p0 =	seq.s32 s5, $0x0;
	s5 =	sld [smem:$0x3FAF]  }
0x2b: {  	s6 =	sld [smem:$0x3FB0]  }
0x2c: {  	s7 =	sld [smem:$0x3FB1]  }
0x2d: {  	s3 =	simm.s32 $0x108;
	s8 =	sld [smem:$0x3FB2]  }
0x2e: {  	s3 =	simm.s32 @!p0 $0x1082;
	s9 =	sld [smem:$0x3FB3]  }
0x2f: {  	lr =	sadd.s32 s0, s3;
	s0 =	sld [smem:$0x3FAA]  }
0x30: {  	s3 =	sld [smem:$0x3FAD]  }
0x31: {  	[smem:$0x3FB6] =	sst s10  }
0x32: {  	s10 =	sld [smem:$0x3FB4];
	_ =	sdelay $0x3  }
0x33: {  	p0 =	seq.s32 s10, $0x1;
	s10 =	sld [smem:$0x3FB6];
	_ =	sdelay $0x3  }
0x34: {  	[smem:$0x3FB6] =	sst s10  }
0x35: {  	s10 =	sld [smem:$0x3FB5];
	_ =	sdelay $0x3  }
0x36: {  	p1 =	seq.s32 s10, $0x1;
	s10 =	sld [smem:$0x3FB6];
	_ =	sdelay $0x3  }
0x37: {  	[smem:$0x3FB6] =	sst s10  }
0x38: {  	s10 =	sld [smem:$0x3FB7]  }
0x39: {  	_ = 	snop;
	(pc) =	sbr.ind lr, $3  }
0x3a: {  	_ = 	snop  }
0x3b: {  	_ = 	snop  }
0x3c: {  	p2 =	seq.s32 s10, $0x1;
	s10 =	sld [smem:$0x3FB6]  }
0x3d: {  	_ =	shalt  }
0x3e: {  	_ =	shalt  }
0x3f: {  	_ =	shalt  }
0x40: {  	_ =	shalt  }
0x41: {  	_ =	shalt  }
0x42: {  	_ =	shalt  }
0x43: {  	_ =	shalt  }
0x44: {  	_ =	shalt  }
0x45: {  	_ =	shalt  }
0x46: {  	_ =	shalt  }
0x47: {  	_ =	shalt  }
0x48: {  	_ =	shalt  }
0x49: {  	_ =	shalt  }
0x4a: {  	_ =	shalt  }
0x4b: {  	_ =	shalt  }
0x4c: {  	_ =	shalt  }
0x4d: {  	_ =	shalt  }
0x4e: {  	_ =	shalt  }
0x4f: {  	_ =	shalt  }
0x50: {  	_ =	shalt  }
0x51: {  	_ =	shalt  }
0x52: {  	_ =	shalt  }
0x53: {  	_ =	shalt  }
0x54: {  	_ =	shalt  }
0x55: {  	_ =	shalt  }
0x56: {  	_ =	shalt  }
0x57: {  	_ =	shalt  }
0x58: {  	_ =	shalt  }
0x59: {  	_ =	shalt  }
0x5a: {  	_ =	shalt  }
0x5b: {  	_ =	shalt  }
0x5c: {  	_ =	shalt  }
0x5d: {  	_ =	shalt  }
0x5e: {  	_ =	shalt  }
0x5f: {  	_ =	shalt  }
0x60: {  	_ =	shalt  }
0x61: {  	_ =	shalt  }
0x62: {  	_ =	shalt  }
0x63: {  	_ =	shalt  }
0x64: {  	_ =	shalt  }
0x65: {  	_ =	shalt  }
0x66: {  	_ =	shalt  }
0x67: {  	_ =	shalt  }
0x68: {  	_ =	shalt  }
0x69: {  	_ =	shalt  }
0x6a: {  	_ =	shalt  }
0x6b: {  	_ =	shalt  }
0x6c: {  	_ =	shalt  }
0x6d: {  	_ =	shalt  }
0x6e: {  	_ =	shalt  }
0x6f: {  	_ =	shalt  }
0x70: {  	_ =	shalt  }
0x71: {  	_ =	shalt  }
0x72: {  	_ =	shalt  }
0x73: {  	_ =	shalt  }
0x74: {  	_ =	shalt  }
0x75: {  	_ =	shalt  }
0x76: {  	_ =	shalt  }
0x77: {  	_ =	shalt  }
0x78: {  	_ =	shalt  }
0x79: {  	_ =	shalt  }
0x7a: {  	_ =	shalt  }
0x7b: {  	_ =	shalt  }
0x7c: {  	_ =	shalt  }
0x7d: {  	_ =	shalt  }
0x7e: {  	_ =	shalt  }
0x7f: {  	_ =	shalt  }
0x80: {  	_ =	shalt  }
0x81: {  	_ =	shalt  }
0x82: {  	_ =	shalt  }
0x83: {  	_ =	shalt  }
0x84: {  	_ =	shalt  }
0x85: {  	_ =	shalt  }
0x86: {  	_ =	shalt  }
0x87: {  	_ =	shalt  }
.Lfunc_end0:
.L_simem_size_0:
called_computation.1_lowered:
.L_overlay_start_0:
0x88: {  	s2 =	sld [smem:$0x3FD9]  }
0x89: {  	s3 =	sld [smem:$0x3FFE];
	_ =	sdelay $0x1  }
0x8a: {  	s1 =	srdreg.scid  }
0x8b: {  	s0 =	sand.u32 $0x1, s1  }
0x8c: {  	s17 =	sshll.u32 s0, $0xA;
	s2 =	sadd.s32 s3, s2  }
0x8d: {  	s2 =	sadd.s32 s2, s17  }
0x8e: {  	[smem:$0x3FC2] =	sst s2  }
0x8f: {  	_ = 	snop  }
0x90: {  	s2 =	sld [smem:$0x3FD0];
	(tm) =	ssettm $0x1  }
0x91: {  	s18 =	sld [smem:$0x3FFB];
	_ =	sdelay $0x3  }
0x92: {  	_ =	strace s18  }
0x93: {  	s3 =	sld [smem:$0x3FFC];
	_ =	sdelay $0x3  }
0x94: {  	_ =	strace s3  }
0x95: {  	s3 =	sld [smem:$0x3FFD];
	_ =	sdelay $0x3  }
0x96: {  	_ =	strace s3  }
0x97: {  	_ =	strace $0x8FFFFFFF  }
0x98: {  	s19 =	sld [smem:$0x3FDB];
	_ =	sdelay $0x1  }
0x99: {  	s4 =	simm.s32 $_scs_section_size  }
0x9a: {  	s5 =	simm.s32 $_size__tile_overlayer_lowered;
	s6 =	simm.s32 $_tile_overlayer_lowered  }
0x9b: {  	s22 =	simm.s32 $0x1BFF;
	s21 =	sshll.u32 s6, $0x1;
	s3 =	sadd.s32 s4, s19  }
0x9c: {  	s7 =	simm.s32 $0x0;
	s20 =	sshll.u32 s5, $0x1;
	s5 =	sadd.s32 s21, s3  }
0x9d: {  	[timem:s7], [sflag:s22] =	dma.local [hbm:s5], s20  }
0x9e: {  	_ =	swait.ge [sflag:s22], s20  }
0x9f: {  	s4 =	ssub.s32 $0x0, s20;
	[sflag:s22] =	ssyncset.done $0x0  }
0xa0: {  	[sflag:s22] =	ssyncadd.s32 s4;
	_ =	sdelay $0x1  }
0xa1: {  	s23 =	simm.s32 $0x1B8B  }
0xa2: {  	_ =	swait.ge [sflag:s23], $0x1  }
0xa3: {  	[sflag:s23] =	ssyncset.done $0x0  }
0xa4: {  	s25 =	simm.s32 $0x1B8E;
	s24 =	sld [smem:$0x3FFE];
	[sflag:s23] =	ssyncadd.s32 $0xFFFFFFFF  }
0xa5: {  	s26 =	simm.s32 $execute0_lowered;
	[smem:$0x3FD2] =	sst s25  }
0xa6: {  	s5 =	sshll.u32 s26, $0x1;
	_ =	strace $0x80000049;
	[dreg:$0x1] =	wrdreg $0xFFFFFFFF  }
0xa7: {  	s28 =	simm.s32 $_size_execute0_lowered;
	s3 =	sadd.s32 s3, s5;
	[dreg:$0x0] =	wrdreg $0x0  }
0xa8: {  	s5 =	sshll.u32 s28, $0x1;
	[dreg:$0x2] =	wrdreg s3  }
0xa9: {  	[dreg:$0x3] =	wrdreg s5  }
0xaa: {  	[dreg:$0x4] =	wrdreg $0xC0  }
0xab: {  	_ =	task [dreg:s7], $0x5FFFF  }
0xac: {  	[dreg:$0x1] =	wrdreg $0xFFFFFFFF  }
0xad: {  	[dreg:$0x0] =	wrdreg $0x60  }
0xae: {  	[dreg:$0x2] =	wrdreg s24  }
0xaf: {  	[dreg:$0x3] =	wrdreg s2  }
0xb0: {  	[dreg:$0x4] =	wrdreg $0xA8000  }
0xb1: {  	[dreg:$0x5] =	wrdreg $0x9  }
0xb2: {  	_ =	task.clear_ibuf [dreg:s7], $0x6FFFF;
	_ =	strace $0x90000049  }
0xb3: {  	s29 =	simm.s32 $0x9;
	_ =	strace $0x8000004B  }
0xb4: {  	_ =	swait.ge [sflag:s29], $0x1  }
0xb5: {  	[sflag:s29] =	ssyncadd.s32 $0xFFFFFFFF  }
0xb6: {  	_ =	strace $0x9000004B  }
0xb7: {  	_ =	sfence  }
0xb8: {  	s30 =	sld [smem:$0x0];
	_ =	sdelay $0x2  }
0xb9: {  	s31 =	sshll.u32 s1, $0xD;
	s1 =	sshrl.u32 s1, $0x2  }
0xba: {  	s3 =	sand.u32 $0x4000, s31;
	s1 =	sadd.s32 s1, s30  }
0xbb: {  	s0 =	sor.u32 s3, s0;
	s1 =	sshll.u32 s1, $0x11  }
0xbc: {  	s0 =	sor.u32 s1, s0  }
0xbd: {  	s0 =	sadd.s32 $0x8F2B, s0  }
0xbe: {  	[sflag:s0] =	ssyncadd.remote.s32 $0x1  }
0xbf: {  	_ =	sfence.sel $0xFFFF  }
0xc0: {  	[dreg:$0x0] =	wrdreg $0xFFFFFFFF;
	(pc) =	sbr.abs _section_cstart, $3  }
0xc1: {  	[dreg:$0x1] =	wrdreg $0xFFFFFFFF  }
0xc2: {  	_ =	task.clear_ibuf [dreg:s7], $0x2FFFF;
	_ =	strace $0x9FFFFFFF  }
0xc3: {  	(tm) =	ssettm $0x7FFFFFFF  }
tec
execute0_lowered:
.L_overlay_start_1:
0x0: {  	(tag) =	ssettag $0x1  }
0x1: {  	s0 =	rddreg [dreg:$0x0]  }
0x2: {  	s10 =	rddreg [dreg:$0x1]  }
0x3: {  	s2 =	rddreg [dreg:$0x2];
	s4 =	simm.s32 $0x0;
	s1 =	srdreg.scid  }
0x4: {  	s11 =	stileid.u32;
	[smem:$0x7FF] =	sst s4  }
0x5: {  	s1 =	sand.u32 $0x1, s1;
	s6 =	smul.u32 $0x14000, s11;
	s5 =	sadd.s32 $0xC800, s0  }
0x6: {  	s12 =	sadd.s32 $0x2A00, s0;
	s8 =	sadd.s32 $0x34800, s0;
	s3 =	smul.u32 $0x140000, s1  }
0x7: {  	s21 =	smul.u32 $0x50000, s11;
	_ =	strace $0x8000004A;
	s7 =	sshll.u32 s1, $0x4  }
0x8: {  	s23 =	ssub.s32 $0x2, s1;
	s7 =	sor.u32 s11, s7;
	s3 =	sadd.s32 s6, s3  }
0x9: {  	[dreg:$0x5] =	wrdreg s8;
	s7 =	smul.u32 $0x2710, s7;
	s3 =	sshrl.u32 s3, $0x3  }
0xa: {  	[dreg:$0x4] =	wrdreg s12;
	s24 =	sshrl.u32 s23, $0x1;
	s0 =	sadd.s32 s3, s0  }
0xb: {  	s3 =	ssub.s32 s23, s24;
	s25 =	sshrl.u32 s7, $0x3;
	s23 =	sshrl.u32 s21, $0x2  }
0xc: {  	s7 =	sadd.s32 s12, s25;
	s26 =	sadd.s32 s10, s25;
	s28 =	sadd.s32 $0xA, s25  }
0xd: {  	s13 =	sadd.s32 $0x14, s25;
	s15 =	sadd.s32 $0x1E, s25;
	s17 =	sadd.s32 $0x28, s25  }
0xe: {  	s18 =	sadd.s32 $0x32, s25;
	s20 =	sadd.s32 $0x3C, s25;
	[dreg:$0x6] =	wrdreg s7  }
0xf: {  	s6 =	sadd.s32 $0x46, s25;
	s25 =	sadd.s32 s23, s2;
	[dreg:$0x7] =	wrdreg s26  }
0x10: {  	s0 =	sadd.s32 $0x37000, s0;
	[dreg:$0x16] =	wrdreg s25  }
0x11: {  	s3 =	smax.u32 s3, $0x1;
	[dreg:$0x18] =	wrdreg s0  }
0x12: {  	s9 =	sadd.s32 s12, s28;
	[dreg:$0x19] =	wrdreg s3  }
0x13: {  	s7 =	sadd.s32 s10, s28;
	[dreg:$0x8] =	wrdreg s9  }
0x14: {  	s14 =	sadd.s32 s12, s13;
	[dreg:$0x9] =	wrdreg s7  }
0x15: {  	s16 =	sadd.s32 s12, s15;
	[dreg:$0xa] =	wrdreg s14  }
0x16: {  	s19 =	sadd.s32 s12, s18;
	[dreg:$0xc] =	wrdreg s16  }
0x17: {  	s8 =	sadd.s32 s10, s18;
	[dreg:$0x10] =	wrdreg s19  }
0x18: {  	s22 =	sadd.s32 s12, s20;
	[dreg:$0x11] =	wrdreg s8  }
0x19: {  	s24 =	sadd.s32 s12, s6;
	[dreg:$0x12] =	wrdreg s22  }
0x1a: {  	s6 =	sadd.s32 s10, s6;
	[dreg:$0x14] =	wrdreg s24  }
0x1b: {  	s29 =	simm.s32 $0x50;
	s7 =	sadd.s32 s10, s13;
	[dreg:$0x15] =	wrdreg s6  }
0x1c: {  	s26 =	sshll.u32 s11, $0x6;
	s13 =	sadd.s32 s12, s17;
	[dreg:$0xb] =	wrdreg s7  }
0x1d: {  	s1 =	smul.u32 $0x27100, s1;
	s19 =	sor.u32 $0x1C0D, s26;
	[dreg:$0xe] =	wrdreg s13  }
0x1e: {  	s9 =	smul.u32 $0x2710, s11;
	s7 =	sadd.s32 s10, s15;
	[dreg:$0x17] =	wrdreg s19  }
0x1f: {  	s30 =	simm.s32 $0x6;
	[dreg:$0xd] =	wrdreg s7;
	s7 =	sadd.s32 s10, s17  }
0x20: {  	s31 =	simm.s32 $0x2800;
	s1 =	sadd.s32 s9, s1;
	[dreg:$0xf] =	wrdreg s7  }
0x21: {  	s7 =	sadd.s32 s10, s20;
	s28 =	sadd.s32 $0x4B0, s1;
	s6 =	sadd.s32 $0x460, s1  }
0x22: {  	s8 =	sadd.s32 $0x410, s1;
	s14 =	sadd.s32 $0x3C0, s1;
	s16 =	sadd.s32 $0x370, s1  }
0x23: {  	s20 =	sadd.s32 $0x320, s1;
	s21 =	sadd.s32 $0x2D0, s1;
	[dreg:$0x13] =	wrdreg s7  }
0x24: {  	s0 =	sshrl.u32 s28, $0x3;
	s3 =	sshrl.u32 s6, $0x3;
	s9 =	sshrl.u32 s8, $0x3  }
0x25: {  	s15 =	sshrl.u32 s14, $0x3;
	s18 =	sshrl.u32 s16, $0x3;
	s28 =	sadd.s32 $0x280, s1  }
0x26: {  	s22 =	sshrl.u32 s20, $0x3;
	s7 =	sadd.s32 s0, s10;
	[smem:$0x7FD] =	sst s28  }
0x27: {  	s23 =	sshrl.u32 s21, $0x3;
	s0 =	sadd.s32 s0, s12;
	[dreg:$0x1a] =	wrdreg s7  }
0x28: {  	s21 =	simm.s32 $0xA400;
	s11 =	sadd.s32 s3, s10;
	[dreg:$0x1b] =	wrdreg s0  }
0x29: {  	s16 =	simm.s32 $0xD;
	s3 =	sadd.s32 s3, s12;
	[dreg:$0x1c] =	wrdreg s11  }
0x2a: {  	s6 =	simm.s32 $0x5;
	s13 =	sadd.s32 s9, s10;
	[dreg:$0x1d] =	wrdreg s3  }
0x2b: {  	s8 =	simm.s32 $0x7800;
	s17 =	sadd.s32 s15, s10;
	[dreg:$0x1e] =	wrdreg s13  }
0x2c: {  	s14 =	simm.s32 $0xB;
	s24 =	sadd.s32 s22, s10;
	[smem:$0x7F5] =	sst s17  }
0x2d: {  	s1 =	simm.s32 $0x0;
	s25 =	sadd.s32 s23, s10;
	[smem:$0x7F9] =	sst s24  }
0x2e: {  	s26 =	sadd.s32 s23, s12;
	s23 =	simm.s32 $0xA580;
	[smem:$0x7FB] =	sst s25  }
0x2f: {  	s0 =	sadd.s32 s9, s12;
	s3 =	sadd.s32 s18, s10;
	[smem:$0x7FC] =	sst s26  }
0x30: {  	s26 =	simm.s32 $0xA200;
	s24 =	simm.s32 $0xA600;
	s7 =	simm.s32 $0x8  }
0x31: {  	s9 =	simm.s32 $0x1;
	s10 =	simm.s32 $0x9;
	s11 =	simm.s32 $0x2  }
.Ltmp0:
0x32: {  	s13 =	simm.s32 $0x3;
	[dreg:$0x1f] =	wrdreg s0;
	(pc) =	sbr.rel .LBB2_1-.Ltmp0, $4  }
0x33: {  	s17 =	simm.s32 $0xC;
	s0 =	sadd.s32 s15, s12;
	[smem:$0x7F7] =	sst s3  }
0x34: {  	s3 =	simm.s32 $0x5000;
	[smem:$0x7F6] =	sst s0;
	s0 =	sadd.s32 s18, s12  }
0x35: {  	s15 =	simm.s32 $0x4;
	[smem:$0x7F8] =	sst s0;
	s0 =	sadd.s32 s22, s12  }
0x36: {  	s12 =	simm.s32 $0xA;
	[smem:$0x7FA] =	sst s0;
	s0 =	simm.s32 $0x7  }
.LBB2_4:
0x37: {  	_ =	swait.ge [sflag:s9], $0x2800  }
0x38: {  	[sflag:s9] =	ssyncset.done $0x0  }
0x39: {  	s21 =	simm.s32 $0xA400;
	[sflag:s9] =	ssyncadd.s32 $0xFFFFD800  }
0x3a: {  	[spmem:s2] =	stream.indirect.scatter.add.f32 [tilespmem:s4], [sflag:$0xD], $0x80, s21, s29, $0xb8;
	[tilespmem:$0x1E800] =	vst v63  }
0x3b: {  	_ =	swait.ge [sflag:s16], $0x2800  }
0x3c: {  	[sflag:s16] =	ssyncset.done $0x0  }
0x3d: {  	[sflag:s16] =	ssyncadd.s32 $0xFFFFD800  }
0x3e: {  	_ =	swait.ge [sflag:s10], $0x50  }
0x3f: {  	[sflag:s10] =	ssyncset.done $0x0  }
0x40: {  	[sflag:s10] =	ssyncadd.s32 $0xFFFFFFB0  }
0x41: {  	_ =	swait.ge [sflag:s10], $0x50  }
0x42: {  	[sflag:s10] =	ssyncset.done $0x0  }
0x43: {  	[sflag:s10] =	ssyncadd.s32 $0xFFFFFFB0  }
0x44: {  	[tilespmem:s4], [sflag:$0x1] =	stream.indirect.gather [hbm4b:s5+s29], $0x80, s26, s29, $0xb8;
	[tilespmem:$0x1E800] =	vst v63  }
0x45: {  	_ =	swait.ge [sflag:s11], $0x2800  }
0x46: {  	[sflag:s11] =	ssyncset.done $0x0  }
0x47: {  	[sflag:s11] =	ssyncadd.s32 $0xFFFFD800  }
0x48: {  	[spmem:s2] =	stream.indirect.scatter.add.f32 [tilespmem:s31], [sflag:$0xD], $0x80, s22, s29, $0xb8;
	[tilespmem:$0x1E800] =	vst v63  }
0x49: {  	_ =	swait.ge [sflag:s16], $0x2800  }
0x4a: {  	[sflag:s16] =	ssyncset.done $0x0  }
0x4b: {  	[sflag:s16] =	ssyncadd.s32 $0xFFFFD800  }
0x4c: {  	_ =	swait.ge [sflag:s13], $0x2800  }
0x4d: {  	[sflag:s13] =	ssyncset.done $0x0  }
0x4e: {  	s1 =	simm.s32 $0xA500;
	[sflag:s13] =	ssyncadd.s32 $0xFFFFD800  }
0x4f: {  	[spmem:s2] =	stream.indirect.scatter.add.f32 [tilespmem:s3], [sflag:$0xD], $0x80, s1, s29, $0xb8;
	[tilespmem:$0x1E800] =	vst v63  }
0x50: {  	_ =	swait.ge [sflag:s16], $0x2800  }
0x51: {  	[sflag:s16] =	ssyncset.done $0x0  }
0x52: {  	[sflag:s16] =	ssyncadd.s32 $0xFFFFD800  }
0x53: {  	_ =	swait.ge [sflag:s15], $0x2800  }
0x54: {  	[sflag:s15] =	ssyncset.done $0x0  }
0x55: {  	s23 =	simm.s32 $0xA580;
	[sflag:s15] =	ssyncadd.s32 $0xFFFFD800  }
0x56: {  	[spmem:s2] =	stream.indirect.scatter.add.f32 [tilespmem:s8], [sflag:$0xD], $0x80, s23, s29, $0xb8;
	[tilespmem:$0x1E800] =	vst v63  }
0x57: {  	_ =	swait.ge [sflag:s16], $0x2800  }
0x58: {  	[sflag:s16] =	ssyncset.done $0x0  }
0x59: {  	[sflag:s16] =	ssyncadd.s32 $0xFFFFD800  }
0x5a: {  	_ =	swait.ge [sflag:s9], $0x2800  }
0x5b: {  	[sflag:s9] =	ssyncset.done $0x0  }
0x5c: {  	s24 =	simm.s32 $0xA600;
	[sflag:s9] =	ssyncadd.s32 $0xFFFFD800  }
0x5d: {  	[spmem:s2] =	stream.indirect.scatter.add.f32 [tilespmem:s4], [sflag:$0xD], $0x80, s24, s29, $0xb8;
	[tilespmem:$0x1E800] =	vst v63  }
0x5e: {  	_ =	swait.ge [sflag:s16], $0x2800  }
0x5f: {  	[sflag:s16] =	ssyncset.done $0x0  }
0x60: {  	[sflag:s16] =	ssyncadd.s32 $0xFFFFD800  }
0x61: {  	[bflag:$0x0] =	sbarrier.arrive $0xFFFF  }
0x62: {  	s22 =	sld [smem:$0x7F4]  }
0x63: {  	s19 =	rddreg [dreg:$0x17]  }
0x64: {  	s18 =	rddreg [dreg:$0x18]  }
0x65: {  	[hbm:s18], [sflag:s19] =	dma.local [spmem:s22], $0x2800  }
0x66: {  	_ =	swait.ge [sflag:s16], $0x2800  }
0x67: {  	s25 =	sld [smem:$0x7F3];
	_ =	sdelay $0x2  }
0x68: {  	s28 =	rddreg [dreg:$0x19];
	s1 =	sadd.s32 $0x1, s25  }
0x69: {  	p0 =	sne.s32 s1, s28  }
.Ltmp1:
0x6a: {  	_ = 	snop;
	(pc) =	sbr.rel @!p0 .LBB2_5-.Ltmp1, $3  }
0x6b: {  	_ =	sdelay $0x1  }
0x6c: {  	[sflag:s16] =	ssyncset.done $0x0  }
0x6d: {  	[sflag:s16] =	ssyncadd.s32 $0xFFFFD800  }
.LBB2_1:
0x6e: {  	[smem:$0x7F3] =	sst s1  }
0x6f: {  	s18 =	rddreg [dreg:$0x6];
	s20 =	simm.s32 $0xA000  }
0x70: {  	[tilespmem:s20], [sflag:$0x5] =	stream.linear.gather [hbm4b:s18+s4], $0x50, $0x38;
	[tilespmem:$0x1E800] =	vst v63  }
0x71: {  	s22 =	rddreg [dreg:$0x7]  }
0x72: {  	[tilespmem:s21], [sflag:$0x5] =	stream.linear.gather [hbm4b:s22+s4], $0x50, $0x38;
	[tilespmem:$0x1E800] =	vst v63  }
0x73: {  	s18 =	rddreg [dreg:$0x8];
	s22 =	simm.s32 $0xA080  }
0x74: {  	[tilespmem:s22], [sflag:$0x6] =	stream.linear.gather [hbm4b:s18+s4], $0x50, $0x38;
	[tilespmem:$0x1E800] =	vst v63  }
0x75: {  	s25 =	simm.s32 $0xA480;
	s18 =	rddreg [dreg:$0x9]  }
0x76: {  	[tilespmem:s25], [sflag:$0x6] =	stream.linear.gather [hbm4b:s18+s4], $0x50, $0x38;
	[tilespmem:$0x1E800] =	vst v63  }
0x77: {  	s18 =	rddreg [dreg:$0xa];
	s25 =	simm.s32 $0xA100  }
0x78: {  	[tilespmem:s25], [sflag:$0x7] =	stream.linear.gather [hbm4b:s18+s4], $0x50, $0x38;
	[tilespmem:$0x1E800] =	vst v63  }
0x79: {  	s1 =	simm.s32 $0xA500;
	s18 =	rddreg [dreg:$0xb]  }
0x7a: {  	[tilespmem:s1], [sflag:$0x7] =	stream.linear.gather [hbm4b:s18+s4], $0x50, $0x38;
	[tilespmem:$0x1E800] =	vst v63  }
0x7b: {  	s18 =	rddreg [dreg:$0xc];
	s1 =	simm.s32 $0xA180  }
0x7c: {  	[tilespmem:s1], [sflag:$0x8] =	stream.linear.gather [hbm4b:s18+s4], $0x50, $0x38;
	[tilespmem:$0x1E800] =	vst v63  }
0x7d: {  	s18 =	rddreg [dreg:$0xd]  }
0x7e: {  	[tilespmem:s23], [sflag:$0x8] =	stream.linear.gather [hbm4b:s18+s4], $0x50, $0x38;
	[tilespmem:$0x1E800] =	vst v63  }
0x7f: {  	s23 =	rddreg [dreg:$0xe]  }
0x80: {  	[tilespmem:s26], [sflag:$0x9] =	stream.linear.gather [hbm4b:s23+s4], $0x50, $0x38;
	[tilespmem:$0x1E800] =	vst v63  }
0x81: {  	s23 =	rddreg [dreg:$0xf]  }
0x82: {  	[tilespmem:s24], [sflag:$0x9] =	stream.linear.gather [hbm4b:s23+s4], $0x50, $0x38;
	[tilespmem:$0x1E800] =	vst v63  }
0x83: {  	s23 =	rddreg [dreg:$0x10];
	s24 =	simm.s32 $0xA280  }
0x84: {  	[tilespmem:s24], [sflag:$0xA] =	stream.linear.gather [hbm4b:s23+s4], $0x50, $0x38;
	[tilespmem:$0x1E800] =	vst v63  }
0x85: {  	s23 =	rddreg [dreg:$0x11];
	s24 =	simm.s32 $0xA680  }
0x86: {  	[tilespmem:s24], [sflag:$0xA] =	stream.linear.gather [hbm4b:s23+s4], $0x50, $0x38;
	[tilespmem:$0x1E800] =	vst v63  }
0x87: {  	s23 =	rddreg [dreg:$0x12];
	s24 =	simm.s32 $0xA300  }
0x88: {  	[tilespmem:s24], [sflag:$0xB] =	stream.linear.gather [hbm4b:s23+s4], $0x50, $0x38;
	[tilespmem:$0x1E800] =	vst v63  }
0x89: {  	s23 =	rddreg [dreg:$0x13];
	s24 =	simm.s32 $0xA700  }
0x8a: {  	[tilespmem:s24], [sflag:$0xB] =	stream.linear.gather [hbm4b:s23+s4], $0x50, $0x38;
	[tilespmem:$0x1E800] =	vst v63  }
0x8b: {  	s23 =	rddreg [dreg:$0x14];
	s24 =	simm.s32 $0xA380  }
0x8c: {  	[tilespmem:s24], [sflag:$0xC] =	stream.linear.gather [hbm4b:s23+s4], $0x50, $0x38;
	[tilespmem:$0x1E800] =	vst v63  }
0x8d: {  	s28 =	simm.s32 $0xA780;
	s23 =	rddreg [dreg:$0x15]  }
0x8e: {  	[tilespmem:s28], [sflag:$0xC] =	stream.linear.gather [hbm4b:s23+s4], $0x50, $0x38;
	[tilespmem:$0x1E800] =	vst v63  }
0x8f: {  	s23 =	rddreg [dreg:$0x16]  }
0x90: {  	s18 =	rddreg [dreg:$0x5];
	s23 =	sshrl.u32 s23, $0x3  }
0x91: {  	[smem:$0x7F4] =	sst s23  }
0x92: {  	[spmem:s23], [sflag:s19] =	dma.local [hbm:s18], $0x2800  }
0x93: {  	_ =	swait.ge [sflag:s16], $0x2800  }
0x94: {  	[sflag:s16] =	ssyncset.done $0x0  }
0x95: {  	[sflag:s16] =	ssyncadd.s32 $0xFFFFD800  }
0x96: {  	[bflag:$0x0] =	sbarrier.arrive $0xFFFF  }
0x97: {  	_ =	swait.ge [sflag:s6], $0x50  }
0x98: {  	[sflag:s6] =	ssyncset.done $0x0  }
0x99: {  	[sflag:s6] =	ssyncadd.s32 $0xFFFFFFB0  }
0x9a: {  	_ =	swait.ge [sflag:s6], $0x50  }
0x9b: {  	[sflag:s6] =	ssyncset.done $0x0  }
0x9c: {  	[sflag:s6] =	ssyncadd.s32 $0xFFFFFFB0  }
0x9d: {  	[tilespmem:s4], [sflag:$0x1] =	stream.indirect.gather [hbm4b:s5+s29], $0x80, s20, s29, $0xb8;
	[tilespmem:$0x1E800] =	vst v63  }
0x9e: {  	_ =	swait.ge [sflag:s30], $0x50  }
0x9f: {  	[sflag:s30] =	ssyncset.done $0x0  }
0xa0: {  	[sflag:s30] =	ssyncadd.s32 $0xFFFFFFB0  }
0xa1: {  	_ =	swait.ge [sflag:s30], $0x50  }
0xa2: {  	[sflag:s30] =	ssyncset.done $0x0  }
0xa3: {  	[sflag:s30] =	ssyncadd.s32 $0xFFFFFFB0  }
0xa4: {  	[tilespmem:s31], [sflag:$0x2] =	stream.indirect.gather [hbm4b:s5+s29], $0x80, s22, s29, $0xb8;
	[tilespmem:$0x1E800] =	vst v63  }
0xa5: {  	_ =	swait.ge [sflag:s0], $0x50  }
0xa6: {  	[sflag:s0] =	ssyncset.done $0x0  }
0xa7: {  	[sflag:s0] =	ssyncadd.s32 $0xFFFFFFB0  }
0xa8: {  	_ =	swait.ge [sflag:s0], $0x50  }
0xa9: {  	[sflag:s0] =	ssyncset.done $0x0  }
0xaa: {  	[sflag:s0] =	ssyncadd.s32 $0xFFFFFFB0  }
0xab: {  	[tilespmem:s3], [sflag:$0x3] =	stream.indirect.gather [hbm4b:s5+s29], $0x80, s25, s29, $0xb8;
	[tilespmem:$0x1E800] =	vst v63  }
0xac: {  	_ =	swait.ge [sflag:s7], $0x50  }
0xad: {  	[sflag:s7] =	ssyncset.done $0x0  }
0xae: {  	[sflag:s7] =	ssyncadd.s32 $0xFFFFFFB0  }
0xaf: {  	_ =	swait.ge [sflag:s7], $0x50  }
0xb0: {  	[sflag:s7] =	ssyncset.done $0x0  }
0xb1: {  	s19 =	simm.s32 $0x0;
	s18 =	sld [smem:$0x7FD];
	[sflag:s7] =	ssyncadd.s32 $0xFFFFFFB0  }
0xb2: {  	[tilespmem:s8], [sflag:$0x4] =	stream.indirect.gather [hbm4b:s5+s29], $0x80, s1, s29, $0xb8;
	[tilespmem:$0x1E800] =	vst v63  }
.LBB2_2:
0xb3: {  	_ =	swait.ge [sflag:s9], $0x2800  }
0xb4: {  	[sflag:s9] =	ssyncset.done $0x0  }
0xb5: {  	[sflag:s9] =	ssyncadd.s32 $0xFFFFD800  }
0xb6: {  	[spmem:s2] =	stream.indirect.scatter.add.f32 [tilespmem:s4], [sflag:$0xD], $0x80, s21, s29, $0xb8;
	[tilespmem:$0x1E800] =	vst v63  }
0xb7: {  	_ =	swait.ge [sflag:s16], $0x2800  }
0xb8: {  	[sflag:s16] =	ssyncset.done $0x0  }
0xb9: {  	[sflag:s16] =	ssyncadd.s32 $0xFFFFD800  }
0xba: {  	_ =	swait.ge [sflag:s10], $0x50  }
0xbb: {  	[sflag:s10] =	ssyncset.done $0x0  }
0xbc: {  	[sflag:s10] =	ssyncadd.s32 $0xFFFFFFB0  }
0xbd: {  	_ =	swait.ge [sflag:s10], $0x50  }
0xbe: {  	[sflag:s10] =	ssyncset.done $0x0  }
0xbf: {  	[sflag:s10] =	ssyncadd.s32 $0xFFFFFFB0  }
0xc0: {  	[tilespmem:s4], [sflag:$0x1] =	stream.indirect.gather [hbm4b:s5+s29], $0x80, s26, s29, $0xb8;
	[tilespmem:$0x1E800] =	vst v63  }
0xc1: {  	s20 =	sshrl.u32 s18, $0x3;
	s26 =	rddreg [dreg:$0x4]  }
0xc2: {  	s25 =	simm.s32 $0xA000;
	s1 =	rddreg [dreg:$0x1];
	s21 =	sadd.s32 s26, s20  }
0xc3: {  	[tilespmem:s25], [sflag:$0x5] =	stream.linear.gather [hbm4b:s21+s4], $0x50, $0x38;
	[tilespmem:$0x1E800] =	vst v63  }
0xc4: {  	s22 =	simm.s32 $0xA400;
	s20 =	sadd.s32 s1, s20  }
0xc5: {  	[tilespmem:s22], [sflag:$0x5] =	stream.linear.gather [hbm4b:s20+s4], $0x50, $0x38;
	[tilespmem:$0x1E800] =	vst v63  }
0xc6: {  	_ =	swait.ge [sflag:s11], $0x2800  }
0xc7: {  	[sflag:s11] =	ssyncset.done $0x0  }
0xc8: {  	s22 =	simm.s32 $0xA480;
	[sflag:s11] =	ssyncadd.s32 $0xFFFFD800  }
0xc9: {  	[spmem:s2] =	stream.indirect.scatter.add.f32 [tilespmem:s31], [sflag:$0xD], $0x80, s22, s29, $0xb8;
	[tilespmem:$0x1E800] =	vst v63  }
0xca: {  	_ =	swait.ge [sflag:s16], $0x2800  }
0xcb: {  	[sflag:s16] =	ssyncset.done $0x0  }
0xcc: {  	[sflag:s16] =	ssyncadd.s32 $0xFFFFD800  }
0xcd: {  	_ =	swait.ge [sflag:s12], $0x50  }
0xce: {  	[sflag:s12] =	ssyncset.done $0x0  }
0xcf: {  	[sflag:s12] =	ssyncadd.s32 $0xFFFFFFB0  }
0xd0: {  	_ =	swait.ge [sflag:s12], $0x50  }
0xd1: {  	[sflag:s12] =	ssyncset.done $0x0;
	s21 =	sld [smem:$0x7FC]  }
0xd2: {  	s1 =	simm.s32 $0xA280;
	s23 =	sld [smem:$0x7FB];
	[sflag:s12] =	ssyncadd.s32 $0xFFFFFFB0  }
0xd3: {  	[tilespmem:s31], [sflag:$0x2] =	stream.indirect.gather [hbm4b:s5+s29], $0x80, s1, s29, $0xb8;
	[tilespmem:$0x1E800] =	vst v63  }
0xd4: {  	s20 =	sadd.s32 s19, s21;
	s21 =	simm.s32 $0xA080  }
0xd5: {  	[tilespmem:s21], [sflag:$0x6] =	stream.linear.gather [hbm4b:s20+s4], $0x50, $0x38;
	[tilespmem:$0x1E800] =	vst v63  }
0xd6: {  	s20 =	sadd.s32 s19, s23  }
0xd7: {  	[tilespmem:s22], [sflag:$0x6] =	stream.linear.gather [hbm4b:s20+s4], $0x50, $0x38;
	[tilespmem:$0x1E800] =	vst v63  }
0xd8: {  	_ =	swait.ge [sflag:s13], $0x2800  }
0xd9: {  	[sflag:s13] =	ssyncset.done $0x0  }
0xda: {  	s23 =	simm.s32 $0xA500;
	[sflag:s13] =	ssyncadd.s32 $0xFFFFD800  }
0xdb: {  	[spmem:s2] =	stream.indirect.scatter.add.f32 [tilespmem:s3], [sflag:$0xD], $0x80, s23, s29, $0xb8;
	[tilespmem:$0x1E800] =	vst v63  }
0xdc: {  	_ =	swait.ge [sflag:s16], $0x2800  }
0xdd: {  	[sflag:s16] =	ssyncset.done $0x0  }
0xde: {  	[sflag:s16] =	ssyncadd.s32 $0xFFFFD800  }
0xdf: {  	_ =	swait.ge [sflag:s14], $0x50  }
0xe0: {  	[sflag:s14] =	ssyncset.done $0x0  }
0xe1: {  	[sflag:s14] =	ssyncadd.s32 $0xFFFFFFB0  }
0xe2: {  	_ =	swait.ge [sflag:s14], $0x50  }
0xe3: {  	[sflag:s14] =	ssyncset.done $0x0  }
0xe4: {  	s26 =	simm.s32 $0xA300;
	s1 =	sld [smem:$0x7FA];
	[sflag:s14] =	ssyncadd.s32 $0xFFFFFFB0  }
0xe5: {  	[tilespmem:s3], [sflag:$0x3] =	stream.indirect.gather [hbm4b:s5+s29], $0x80, s26, s29, $0xb8;
	[tilespmem:$0x1E800] =	vst v63  }
0xe6: {  	s26 =	sld [smem:$0x7F9]  }
0xe7: {  	s20 =	sadd.s32 s19, s1;
	s1 =	simm.s32 $0xA100  }
0xe8: {  	[tilespmem:s1], [sflag:$0x7] =	stream.linear.gather [hbm4b:s20+s4], $0x50, $0x38;
	[tilespmem:$0x1E800] =	vst v63  }
0xe9: {  	s20 =	sadd.s32 s19, s26  }
0xea: {  	[tilespmem:s23], [sflag:$0x7] =	stream.linear.gather [hbm4b:s20+s4], $0x50, $0x38;
	[tilespmem:$0x1E800] =	vst v63  }
0xeb: {  	_ =	swait.ge [sflag:s15], $0x2800  }
0xec: {  	[sflag:s15] =	ssyncset.done $0x0  }
0xed: {  	s26 =	simm.s32 $0xA580;
	[sflag:s15] =	ssyncadd.s32 $0xFFFFD800  }
0xee: {  	[spmem:s2] =	stream.indirect.scatter.add.f32 [tilespmem:s8], [sflag:$0xD], $0x80, s26, s29, $0xb8;
	[tilespmem:$0x1E800] =	vst v63  }
0xef: {  	_ =	swait.ge [sflag:s16], $0x2800  }
0xf0: {  	[sflag:s16] =	ssyncset.done $0x0  }
0xf1: {  	[sflag:s16] =	ssyncadd.s32 $0xFFFFD800  }
0xf2: {  	_ =	swait.ge [sflag:s17], $0x50  }
0xf3: {  	[sflag:s17] =	ssyncset.done $0x0  }
0xf4: {  	[sflag:s17] =	ssyncadd.s32 $0xFFFFFFB0  }
0xf5: {  	_ =	swait.ge [sflag:s17], $0x50  }
0xf6: {  	[sflag:s17] =	ssyncset.done $0x0  }
0xf7: {  	s23 =	sld [smem:$0x7F8];
	[sflag:s17] =	ssyncadd.s32 $0xFFFFFFB0  }
0xf8: {  	[tilespmem:s8], [sflag:$0x4] =	stream.indirect.gather [hbm4b:s5+s29], $0x80, s24, s29, $0xb8;
	[tilespmem:$0x1E800] =	vst v63  }
0xf9: {  	s24 =	sld [smem:$0x7F7]  }
0xfa: {  	s20 =	sadd.s32 s19, s23;
	s23 =	simm.s32 $0xA180  }
0xfb: {  	[tilespmem:s23], [sflag:$0x8] =	stream.linear.gather [hbm4b:s20+s4], $0x50, $0x38;
	[tilespmem:$0x1E800] =	vst v63  }
0xfc: {  	s20 =	sadd.s32 s19, s24  }
0xfd: {  	[tilespmem:s26], [sflag:$0x8] =	stream.linear.gather [hbm4b:s20+s4], $0x50, $0x38;
	[tilespmem:$0x1E800] =	vst v63  }
0xfe: {  	_ =	swait.ge [sflag:s9], $0x2800  }
0xff: {  	[sflag:s9] =	ssyncset.done $0x0  }
0x100: {  	s24 =	simm.s32 $0xA600;
	[sflag:s9] =	ssyncadd.s32 $0xFFFFD800  }
0x101: {  	[spmem:s2] =	stream.indirect.scatter.add.f32 [tilespmem:s4], [sflag:$0xD], $0x80, s24, s29, $0xb8;
	[tilespmem:$0x1E800] =	vst v63  }
0x102: {  	_ =	swait.ge [sflag:s16], $0x2800  }
0x103: {  	[sflag:s16] =	ssyncset.done $0x0  }
0x104: {  	[sflag:s16] =	ssyncadd.s32 $0xFFFFD800  }
0x105: {  	_ =	swait.ge [sflag:s6], $0x50  }
0x106: {  	[sflag:s6] =	ssyncset.done $0x0  }
0x107: {  	[sflag:s6] =	ssyncadd.s32 $0xFFFFFFB0  }
0x108: {  	_ =	swait.ge [sflag:s6], $0x50  }
0x109: {  	[sflag:s6] =	ssyncset.done $0x0  }
0x10a: {  	[sflag:s6] =	ssyncadd.s32 $0xFFFFFFB0  }
0x10b: {  	[tilespmem:s4], [sflag:$0x1] =	stream.indirect.gather [hbm4b:s5+s29], $0x80, s25, s29, $0xb8;
	[tilespmem:$0x1E800] =	vst v63  }
0x10c: {  	s25 =	sld [smem:$0x7F6];
	_ =	sdelay $0x2  }
0x10d: {  	s20 =	sadd.s32 s19, s25;
	s25 =	sld [smem:$0x7F5]  }
0x10e: {  	s26 =	simm.s32 $0xA200  }
0x10f: {  	[tilespmem:s26], [sflag:$0x9] =	stream.linear.gather [hbm4b:s20+s4], $0x50, $0x38;
	[tilespmem:$0x1E800] =	vst v63  }
0x110: {  	s20 =	sadd.s32 s19, s25  }
0x111: {  	[tilespmem:s24], [sflag:$0x9] =	stream.linear.gather [hbm4b:s20+s4], $0x50, $0x38;
	[tilespmem:$0x1E800] =	vst v63  }
0x112: {  	_ =	swait.ge [sflag:s11], $0x2800  }
0x113: {  	[sflag:s11] =	ssyncset.done $0x0  }
0x114: {  	s24 =	simm.s32 $0xA680;
	[sflag:s11] =	ssyncadd.s32 $0xFFFFD800  }
0x115: {  	[spmem:s2] =	stream.indirect.scatter.add.f32 [tilespmem:s31], [sflag:$0xD], $0x80, s24, s29, $0xb8;
	[tilespmem:$0x1E800] =	vst v63  }
0x116: {  	_ =	swait.ge [sflag:s16], $0x2800  }
0x117: {  	[sflag:s16] =	ssyncset.done $0x0  }
0x118: {  	[sflag:s16] =	ssyncadd.s32 $0xFFFFD800  }
0x119: {  	_ =	swait.ge [sflag:s30], $0x50  }
0x11a: {  	[sflag:s30] =	ssyncset.done $0x0  }
0x11b: {  	[sflag:s30] =	ssyncadd.s32 $0xFFFFFFB0  }
0x11c: {  	_ =	swait.ge [sflag:s30], $0x50  }
0x11d: {  	[sflag:s30] =	ssyncset.done $0x0  }
0x11e: {  	p0 =	seq.s32 s19, $0x460;
	s20 =	rddreg [dreg:$0x1f];
	[sflag:s30] =	ssyncadd.s32 $0xFFFFFFB0  }
0x11f: {  	[tilespmem:s31], [sflag:$0x2] =	stream.indirect.gather [hbm4b:s5+s29], $0x80, s21, s29, $0xb8;
	[tilespmem:$0x1E800] =	vst v63  }
0x120: {  	s25 =	simm.s32 @!p0 $0xA280;
	s20 =	sadd.s32 @!p0 s19, s20;
	s21 =	simm.s32 @!p0 $0x0  }
0x121: {  	[tilespmem:s25], [sflag:$0xA] =	stream.linear.gather @!p0 [hbm4b:s20+s21], $0x50, $0x38;
	[tilespmem:$0x1E800] =	vst v63  }
0x122: {  	s20 =	rddreg [dreg:$0x1e]  }
0x123: {  	s25 =	simm.s32 @!p0 $0xA680;
	s20 =	sadd.s32 @!p0 s19, s20  }
0x124: {  	[tilespmem:s25], [sflag:$0xA] =	stream.linear.gather @!p0 [hbm4b:s20+s21], $0x50, $0x38;
	[tilespmem:$0x1E800] =	vst v63  }
0x125: {  	_ =	swait.ge [sflag:s13], $0x2800  }
0x126: {  	[sflag:s13] =	ssyncset.done $0x0  }
0x127: {  	s25 =	simm.s32 $0xA700;
	[sflag:s13] =	ssyncadd.s32 $0xFFFFD800  }
0x128: {  	[spmem:s2] =	stream.indirect.scatter.add.f32 [tilespmem:s3], [sflag:$0xD], $0x80, s25, s29, $0xb8;
	[tilespmem:$0x1E800] =	vst v63  }
0x129: {  	_ =	swait.ge [sflag:s16], $0x2800  }
0x12a: {  	[sflag:s16] =	ssyncset.done $0x0  }
0x12b: {  	[sflag:s16] =	ssyncadd.s32 $0xFFFFD800  }
0x12c: {  	_ =	swait.ge [sflag:s0], $0x50  }
0x12d: {  	[sflag:s0] =	ssyncset.done $0x0  }
0x12e: {  	[sflag:s0] =	ssyncadd.s32 $0xFFFFFFB0  }
0x12f: {  	_ =	swait.ge [sflag:s0], $0x50  }
0x130: {  	[sflag:s0] =	ssyncset.done $0x0  }
0x131: {  	s20 =	rddreg [dreg:$0x1d];
	[sflag:s0] =	ssyncadd.s32 $0xFFFFFFB0  }
0x132: {  	[tilespmem:s3], [sflag:$0x3] =	stream.indirect.gather [hbm4b:s5+s29], $0x80, s1, s29, $0xb8;
	[tilespmem:$0x1E800] =	vst v63  }
0x133: {  	s25 =	simm.s32 @!p0 $0xA300;
	s20 =	sadd.s32 @!p0 s19, s20  }
0x134: {  	[tilespmem:s25], [sflag:$0xB] =	stream.linear.gather @!p0 [hbm4b:s20+s21], $0x50, $0x38;
	[tilespmem:$0x1E800] =	vst v63  }
0x135: {  	s20 =	rddreg [dreg:$0x1c]  }
0x136: {  	s25 =	simm.s32 @!p0 $0xA700;
	s20 =	sadd.s32 @!p0 s19, s20  }
0x137: {  	[tilespmem:s25], [sflag:$0xB] =	stream.linear.gather @!p0 [hbm4b:s20+s21], $0x50, $0x38;
	[tilespmem:$0x1E800] =	vst v63  }
0x138: {  	_ =	swait.ge [sflag:s15], $0x2800  }
0x139: {  	[sflag:s15] =	ssyncset.done $0x0  }
0x13a: {  	[sflag:s15] =	ssyncadd.s32 $0xFFFFD800  }
0x13b: {  	[spmem:s2] =	stream.indirect.scatter.add.f32 [tilespmem:s8], [sflag:$0xD], $0x80, s28, s29, $0xb8;
	[tilespmem:$0x1E800] =	vst v63  }
0x13c: {  	_ =	swait.ge [sflag:s16], $0x2800  }
0x13d: {  	[sflag:s16] =	ssyncset.done $0x0  }
0x13e: {  	[sflag:s16] =	ssyncadd.s32 $0xFFFFD800  }
0x13f: {  	_ =	swait.ge [sflag:s7], $0x50  }
0x140: {  	[sflag:s7] =	ssyncset.done $0x0  }
.Ltmp2:
0x141: {  	[sflag:s7] =	ssyncadd.s32 $0xFFFFFFB0;
	(pc) =	sbr.rel @p0 .LBB2_4-.Ltmp2, $4  }
0x142: {  	_ =	swait.ge [sflag:s7], $0x50  }
0x143: {  	[sflag:s7] =	ssyncset.done $0x0  }
0x144: {  	s1 =	simm.s32 $0xA780;
	[sflag:s7] =	ssyncadd.s32 $0xFFFFFFB0  }
0x145: {  	[tilespmem:s8], [sflag:$0x4] =	stream.indirect.gather [hbm4b:s5+s29], $0x80, s23, s29, $0xb8;
	[tilespmem:$0x1E800] =	vst v63  }
0x146: {  	s20 =	rddreg [dreg:$0x1b]  }
.Ltmp3:
0x147: {  	s24 =	simm.s32 $0xA380;
	s25 =	rddreg [dreg:$0x1a];
	(pc) =	sbr.rel .LBB2_2-.Ltmp3, $4  }
0x148: {  	s18 =	sadd.s32 $0x280, s18;
	s21 =	simm.s32 $0xA400;
	s20 =	sadd.s32 s19, s20  }
0x149: {  	[tilespmem:s24], [sflag:$0xC] =	stream.linear.gather [hbm4b:s20+s4], $0x50, $0x38;
	[tilespmem:$0x1E800] =	vst v63  }
0x14a: {  	s28 =	simm.s32 $0xA780;
	s20 =	sadd.s32 s19, s25;
	s19 =	sadd.s32 $0x50, s19  }
0x14b: {  	[tilespmem:s1], [sflag:$0xC] =	stream.linear.gather [hbm4b:s20+s4], $0x50, $0x38;
	[tilespmem:$0x1E800] =	vst v63  }
.LBB2_5:
0x14c: {  	_ =	sfence.sel $0x180000  }
0x14d: {  	[bflag:$0x0] =	sbarrier.arrive $0xFFFF  }
0x14e: {  	_ =	strace $0x9000004A  }
0x14f: {  	s0 =	stileid.u32;
	[bflag:$0x2] =	sbarrier.arrive $0xFFFF  }
0x150: {  	p0 =	sne.s32 s0, $0x0;
	s0 =	rddreg [dreg:$0x3]  }
0x151: {  	s0 =	sadd.s32 @!p0 $0x100000, s0  }
0x152: {  	[sflag:s0] =	ssyncadd.tile.s32 @!p0 $0x1;
	_ =	shalt  }
.Lfunc_end2:
_tile_overlayer_lowered:
.L_overlay_start_2:
0x153: {  	(tag) =	ssettag $0x2  }
0x154: {  	s0 =	rddreg [dreg:$0x0];
	s2 =	stileid.u32  }
0x155: {  	s1 =	rddreg [dreg:$0x1];
	p0 =	sne.s32 s2, $0x0  }
0x156: {  	s3 =	rddreg [dreg:$0x2];
	[bflag:$0x3] =	sbarrier.arrive $0xFFFF;
	s2 =	simm.s32 @!p0 $0x1C0D  }
0x157: {  	[timem:s3], [sflag:s2] =	dma.local @!p0 [hbm:s0], s1  }
0x158: {  	s0 =	simm.s32 @!p0 $0xD  }
0x159: {  	_ =	swait.ge @!p0 [sflag:s0], s1  }
0x15a: {  	s1 =	ssub.s32 @!p0 $0x0, s1;
	[sflag:s0] =	ssyncset.done @!p0 $0x0  }
0x15b: {  	[sflag:s0] =	ssyncadd.s32 @!p0 s1  }
0x15c: {  	[bflag:$0x3] =	sbarrier.arrive $0xFFFF  }
0x15d: {  	_ =	shalt  }

// kernel: kernel.16.cloned.1.call-start
scs
__scs_entry_jumppad:
0x0: {  	(pc) =	sbr.rel $0x88, $3  }
0x1: {  	(tag) =	ssettag $0x0;
	lr =	simm.s32 $0x1  }
0x2: {  	[smem:$0x3F9B] =	sst lr;
	_ =	strace $0xD0000000  }
0x3: {  	_ = 	snop  }
0x4: {  	_ = 	snop  }
0x5: {  	_ = 	snop  }
0x6: {  	_ = 	snop  }
0x7: {  	_ = 	snop  }
__scs_overlays_trampoline_lowered:
0x8: {  	[smem:$0x3FAA] =	sst s0  }
0x9: {  	[smem:$0x3FAB] =	sst s1  }
0xa: {  	[smem:$0x3FAC] =	sst s2  }
0xb: {  	[smem:$0x3FAD] =	sst s3  }
0xc: {  	[smem:$0x3FAE] =	sst s4  }
0xd: {  	[smem:$0x3FAF] =	sst s5  }
0xe: {  	[smem:$0x3FB0] =	sst s6  }
0xf: {  	[smem:$0x3FB1] =	sst s7  }
0x10: {  	[smem:$0x3FB2] =	sst s8  }
0x11: {  	[smem:$0x3FB3] =	sst s9;
	s0 =	simm.s32 @!p0 $0x0  }
0x12: {  	s1 =	sld [smem:$0x3F99];
	s0 =	simm.s32 @p0 $0x1  }
0x13: {  	[smem:$0x3FB4] =	sst s0;
	s0 =	simm.s32 @!p1 $0x0  }
0x14: {  	s2 =	sld [smem:$0x3F98];
	s0 =	simm.s32 @p1 $0x1  }
0x15: {  	[smem:$0x3FB5] =	sst s0;
	s0 =	simm.s32 @!p2 $0x0  }
0x16: {  	s3 =	sld [smem:$0x3FDB];
	s0 =	simm.s32 @p2 $0x1  }
0x17: {  	s4 =	simm.s32 $0x1BF5;
	[smem:$0x3FB7] =	sst s0  }
0x18: {  	s0 =	sld [smem:$0x3F9A];
	_ =	swait.ge [sflag:s4], $0x0  }
0x19: {  	s7 =	sld [smem:$0x3F9B]  }
0x1a: {  	s8 =	sadd.s32 $0xFFFFE003, lr  }
0x1b: {  	s9 =	sadd.s32 $0xFFFFFEF7, lr;
	s5 =	simm.s32 $0xFFFFFFFF;
	p2 =	slt.u32 s8, $0xFFFFF086  }
0x1c: {  	p1 =	slt.u32 s9, $0xF7A;
	s5 =	simm.s32 @!p2 $0x0  }
0x1d: {  	s5 =	simm.s32 @p1 $0x1;
	p0 =	seq.s32 s7, s2  }
0x1e: {  	s7 =	smul.u32 @!p0 $0xF7A, s2;
	p2 =	seq.s32 @!p0 s5, $0x0  }
0x1f: {  	s9 =	smul.u32 $0xF7A, s1;
	s8 =	simm.s32 @!p0 $0x1BF5;
	p2 =	por !p2, p0  }
0x20: {  	[sflag:s8] =	ssyncset.s32 @!p0 $0xFFFFF086;
	s6 =	sadd.s32 @!p0 s3, s7;
	s7 =	simm.s32 @!p0 $0x108  }
0x21: {  	s3 =	sadd.s32 s3, s9;
	s6 =	sadd.s32 @!p0 $0x88, s6;
	s7 =	simm.s32 @p2 $0x1082  }
0x22: {  	[simem:s7], [sflag:s8] =	dma.local @!p0 [hbm:s6], $0xF7A  }
0x23: {  	s9 =	sor.u32 $0xD0000000, s2;
	s6 =	simm.s32 $0x108;
	_ =	swait.ge @!p0 [sflag:s8], $0x0  }
0x24: {  	s3 =	sadd.s32 $0x88, s3;
	s6 =	simm.s32 @!p1 $0x1082;
	[sflag:s4] =	ssyncset.s32 $0xFFFFF086  }
0x25: {  	[simem:s6], [sflag:s4] =	dma.local [hbm:s3], $0xF7A  }
0x26: {  	[smem:$0x3F9B] =	sst s1;
	(tag) =	ssettag s2;
	_ =	strace s9  }
0x27: {  	s1 =	sld [smem:$0x3FAB]  }
0x28: {  	s2 =	sld [smem:$0x3FAC]  }
0x29: {  	s4 =	sld [smem:$0x3FAE]  }
0x2a: {  	p0 =	seq.s32 s5, $0x0;
	s5 =	sld [smem:$0x3FAF]  }
0x2b: {  	s6 =	sld [smem:$0x3FB0]  }
0x2c: {  	s7 =	sld [smem:$0x3FB1]  }
0x2d: {  	s3 =	simm.s32 $0x108;
	s8 =	sld [smem:$0x3FB2]  }
0x2e: {  	s3 =	simm.s32 @!p0 $0x1082;
	s9 =	sld [smem:$0x3FB3]  }
0x2f: {  	lr =	sadd.s32 s0, s3;
	s0 =	sld [smem:$0x3FAA]  }
0x30: {  	s3 =	sld [smem:$0x3FAD]  }
0x31: {  	[smem:$0x3FB6] =	sst s10  }
0x32: {  	s10 =	sld [smem:$0x3FB4];
	_ =	sdelay $0x3  }
0x33: {  	p0 =	seq.s32 s10, $0x1;
	s10 =	sld [smem:$0x3FB6];
	_ =	sdelay $0x3  }
0x34: {  	[smem:$0x3FB6] =	sst s10  }
0x35: {  	s10 =	sld [smem:$0x3FB5];
	_ =	sdelay $0x3  }
0x36: {  	p1 =	seq.s32 s10, $0x1;
	s10 =	sld [smem:$0x3FB6];
	_ =	sdelay $0x3  }
0x37: {  	[smem:$0x3FB6] =	sst s10  }
0x38: {  	s10 =	sld [smem:$0x3FB7]  }
0x39: {  	_ = 	snop;
	(pc) =	sbr.ind lr, $3  }
0x3a: {  	_ = 	snop  }
0x3b: {  	_ = 	snop  }
0x3c: {  	p2 =	seq.s32 s10, $0x1;
	s10 =	sld [smem:$0x3FB6]  }
0x3d: {  	_ =	shalt  }
0x3e: {  	_ =	shalt  }
0x3f: {  	_ =	shalt  }
0x40: {  	_ =	shalt  }
0x41: {  	_ =	shalt  }
0x42: {  	_ =	shalt  }
0x43: {  	_ =	shalt  }
0x44: {  	_ =	shalt  }
0x45: {  	_ =	shalt  }
0x46: {  	_ =	shalt  }
0x47: {  	_ =	shalt  }
0x48: {  	_ =	shalt  }
0x49: {  	_ =	shalt  }
0x4a: {  	_ =	shalt  }
0x4b: {  	_ =	shalt  }
0x4c: {  	_ =	shalt  }
0x4d: {  	_ =	shalt  }
0x4e: {  	_ =	shalt  }
0x4f: {  	_ =	shalt  }
0x50: {  	_ =	shalt  }
0x51: {  	_ =	shalt  }
0x52: {  	_ =	shalt  }
0x53: {  	_ =	shalt  }
0x54: {  	_ =	shalt  }
0x55: {  	_ =	shalt  }
0x56: {  	_ =	shalt  }
0x57: {  	_ =	shalt  }
0x58: {  	_ =	shalt  }
0x59: {  	_ =	shalt  }
0x5a: {  	_ =	shalt  }
0x5b: {  	_ =	shalt  }
0x5c: {  	_ =	shalt  }
0x5d: {  	_ =	shalt  }
0x5e: {  	_ =	shalt  }
0x5f: {  	_ =	shalt  }
0x60: {  	_ =	shalt  }
0x61: {  	_ =	shalt  }
0x62: {  	_ =	shalt  }
0x63: {  	_ =	shalt  }
0x64: {  	_ =	shalt  }
0x65: {  	_ =	shalt  }
0x66: {  	_ =	shalt  }
0x67: {  	_ =	shalt  }
0x68: {  	_ =	shalt  }
0x69: {  	_ =	shalt  }
0x6a: {  	_ =	shalt  }
0x6b: {  	_ =	shalt  }
0x6c: {  	_ =	shalt  }
0x6d: {  	_ =	shalt  }
0x6e: {  	_ =	shalt  }
0x6f: {  	_ =	shalt  }
0x70: {  	_ =	shalt  }
0x71: {  	_ =	shalt  }
0x72: {  	_ =	shalt  }
0x73: {  	_ =	shalt  }
0x74: {  	_ =	shalt  }
0x75: {  	_ =	shalt  }
0x76: {  	_ =	shalt  }
0x77: {  	_ =	shalt  }
0x78: {  	_ =	shalt  }
0x79: {  	_ =	shalt  }
0x7a: {  	_ =	shalt  }
0x7b: {  	_ =	shalt  }
0x7c: {  	_ =	shalt  }
0x7d: {  	_ =	shalt  }
0x7e: {  	_ =	shalt  }
0x7f: {  	_ =	shalt  }
0x80: {  	_ =	shalt  }
0x81: {  	_ =	shalt  }
0x82: {  	_ =	shalt  }
0x83: {  	_ =	shalt  }
0x84: {  	_ =	shalt  }
0x85: {  	_ =	shalt  }
0x86: {  	_ =	shalt  }
0x87: {  	_ =	shalt  }
.Lfunc_end0:
.L_simem_size_0:
called_computation.2_lowered:
.L_overlay_start_0:
0x88: {  	s2 =	sld [smem:$0x3FD9]  }
0x89: {  	s3 =	sld [smem:$0x3FFE];
	_ =	sdelay $0x1  }
0x8a: {  	s1 =	srdreg.scid  }
0x8b: {  	s0 =	sand.u32 $0x1, s1  }
0x8c: {  	s17 =	sshll.u32 s0, $0xA;
	s2 =	sadd.s32 s3, s2  }
0x8d: {  	s2 =	sadd.s32 s2, s17  }
0x8e: {  	[smem:$0x3FC2] =	sst s2  }
0x8f: {  	_ = 	snop  }
0x90: {  	s2 =	sld [smem:$0x3FD0];
	(tm) =	ssettm $0x1  }
0x91: {  	s18 =	sld [smem:$0x3FFB];
	_ =	sdelay $0x3  }
0x92: {  	_ =	strace s18  }
0x93: {  	s3 =	sld [smem:$0x3FFC];
	_ =	sdelay $0x3  }
0x94: {  	_ =	strace s3  }
0x95: {  	s3 =	sld [smem:$0x3FFD];
	_ =	sdelay $0x3  }
0x96: {  	_ =	strace s3  }
0x97: {  	_ =	strace $0x8FFFFFFF  }
0x98: {  	s19 =	sld [smem:$0x3FDB];
	_ =	sdelay $0x1  }
0x99: {  	s4 =	simm.s32 $_scs_section_size  }
0x9a: {  	s5 =	simm.s32 $_size__tile_overlayer_lowered;
	s6 =	simm.s32 $_tile_overlayer_lowered  }
0x9b: {  	s22 =	simm.s32 $0x1BFF;
	s21 =	sshll.u32 s6, $0x1;
	s3 =	sadd.s32 s4, s19  }
0x9c: {  	s7 =	simm.s32 $0x0;
	s20 =	sshll.u32 s5, $0x1;
	s5 =	sadd.s32 s21, s3  }
0x9d: {  	[timem:s7], [sflag:s22] =	dma.local [hbm:s5], s20  }
0x9e: {  	_ =	swait.ge [sflag:s22], s20  }
0x9f: {  	s4 =	ssub.s32 $0x0, s20;
	[sflag:s22] =	ssyncset.done $0x0  }
0xa0: {  	[sflag:s22] =	ssyncadd.s32 s4;
	_ =	sdelay $0x1  }
0xa1: {  	s23 =	simm.s32 $0x1B8B  }
0xa2: {  	_ =	swait.ge [sflag:s23], $0x1  }
0xa3: {  	[sflag:s23] =	ssyncset.done $0x0  }
0xa4: {  	s25 =	simm.s32 $0x1B8E;
	s24 =	sld [smem:$0x3FFE];
	[sflag:s23] =	ssyncadd.s32 $0xFFFFFFFF  }
0xa5: {  	s26 =	simm.s32 $execute0_lowered;
	[smem:$0x3FD2] =	sst s25  }
0xa6: {  	s5 =	sshll.u32 s26, $0x1;
	_ =	strace $0x8000004C;
	[dreg:$0x1] =	wrdreg $0xFFFFFFFF  }
0xa7: {  	s28 =	simm.s32 $_size_execute0_lowered;
	s3 =	sadd.s32 s3, s5;
	[dreg:$0x0] =	wrdreg $0x0  }
0xa8: {  	s5 =	sshll.u32 s28, $0x1;
	[dreg:$0x2] =	wrdreg s3  }
0xa9: {  	[dreg:$0x3] =	wrdreg s5  }
0xaa: {  	[dreg:$0x4] =	wrdreg $0xC0  }
0xab: {  	_ =	task [dreg:s7], $0x5FFFF  }
0xac: {  	[dreg:$0x1] =	wrdreg $0xFFFFFFFF  }
0xad: {  	[dreg:$0x0] =	wrdreg $0x60  }
0xae: {  	[dreg:$0x2] =	wrdreg s24  }
0xaf: {  	[dreg:$0x3] =	wrdreg s2  }
0xb0: {  	[dreg:$0x4] =	wrdreg $0xA8000  }
0xb1: {  	[dreg:$0x5] =	wrdreg $0x9  }
0xb2: {  	_ =	task.clear_ibuf [dreg:s7], $0x6FFFF;
	_ =	strace $0x9000004C  }
0xb3: {  	s29 =	simm.s32 $0x9;
	_ =	strace $0x8000004E  }
0xb4: {  	_ =	swait.ge [sflag:s29], $0x1  }
0xb5: {  	[sflag:s29] =	ssyncadd.s32 $0xFFFFFFFF  }
0xb6: {  	_ =	strace $0x9000004E  }
0xb7: {  	_ =	sfence  }
0xb8: {  	s30 =	sld [smem:$0x0];
	_ =	sdelay $0x2  }
0xb9: {  	s31 =	sshll.u32 s1, $0xD;
	s1 =	sshrl.u32 s1, $0x2  }
0xba: {  	s3 =	sand.u32 $0x4000, s31;
	s1 =	sadd.s32 s1, s30  }
0xbb: {  	s0 =	sor.u32 s3, s0;
	s1 =	sshll.u32 s1, $0x11  }
0xbc: {  	s0 =	sor.u32 s1, s0  }
0xbd: {  	s0 =	sadd.s32 $0x8F2B, s0  }
0xbe: {  	[sflag:s0] =	ssyncadd.remote.s32 $0x1  }
0xbf: {  	_ =	sfence.sel $0xFFFF  }
0xc0: {  	[dreg:$0x0] =	wrdreg $0xFFFFFFFF;
	(pc) =	sbr.abs _section_cstart, $3  }
0xc1: {  	[dreg:$0x1] =	wrdreg $0xFFFFFFFF  }
0xc2: {  	_ =	task.clear_ibuf [dreg:s7], $0x2FFFF;
	_ =	strace $0x9FFFFFFF  }
0xc3: {  	(tm) =	ssettm $0x7FFFFFFF  }
tec
execute0_lowered:
.L_overlay_start_1:
0x0: {  	(tag) =	ssettag $0x1  }
0x1: {  	s0 =	rddreg [dreg:$0x0]  }
0x2: {  	s10 =	rddreg [dreg:$0x1]  }
0x3: {  	s2 =	rddreg [dreg:$0x2];
	s4 =	simm.s32 $0x0;
	s1 =	srdreg.scid  }
0x4: {  	s11 =	stileid.u32;
	[smem:$0x7FF] =	sst s4  }
0x5: {  	s1 =	sand.u32 $0x1, s1;
	s6 =	smul.u32 $0x14000, s11;
	s5 =	sadd.s32 $0xC800, s0  }
0x6: {  	s12 =	sadd.s32 $0x2A00, s0;
	s8 =	sadd.s32 $0x34800, s0;
	s3 =	smul.u32 $0x140000, s1  }
0x7: {  	s21 =	smul.u32 $0x50000, s11;
	_ =	strace $0x8000004D;
	s7 =	sshll.u32 s1, $0x4  }
0x8: {  	s23 =	ssub.s32 $0x2, s1;
	s7 =	sor.u32 s11, s7;
	s3 =	sadd.s32 s6, s3  }
0x9: {  	[dreg:$0x5] =	wrdreg s8;
	s7 =	smul.u32 $0x2710, s7;
	s3 =	sshrl.u32 s3, $0x3  }
0xa: {  	[dreg:$0x4] =	wrdreg s12;
	s24 =	sshrl.u32 s23, $0x1;
	s0 =	sadd.s32 s3, s0  }
0xb: {  	s3 =	ssub.s32 s23, s24;
	s25 =	sshrl.u32 s7, $0x3;
	s23 =	sshrl.u32 s21, $0x2  }
0xc: {  	s7 =	sadd.s32 s12, s25;
	s26 =	sadd.s32 s10, s25;
	s28 =	sadd.s32 $0xA, s25  }
0xd: {  	s13 =	sadd.s32 $0x14, s25;
	s15 =	sadd.s32 $0x1E, s25;
	s17 =	sadd.s32 $0x28, s25  }
0xe: {  	s18 =	sadd.s32 $0x32, s25;
	s20 =	sadd.s32 $0x3C, s25;
	[dreg:$0x6] =	wrdreg s7  }
0xf: {  	s6 =	sadd.s32 $0x46, s25;
	s25 =	sadd.s32 s23, s2;
	[dreg:$0x7] =	wrdreg s26  }
0x10: {  	s0 =	sadd.s32 $0x37000, s0;
	[dreg:$0x16] =	wrdreg s25  }
0x11: {  	s3 =	smax.u32 s3, $0x1;
	[dreg:$0x18] =	wrdreg s0  }
0x12: {  	s9 =	sadd.s32 s12, s28;
	[dreg:$0x19] =	wrdreg s3  }
0x13: {  	s7 =	sadd.s32 s10, s28;
	[dreg:$0x8] =	wrdreg s9  }
0x14: {  	s14 =	sadd.s32 s12, s13;
	[dreg:$0x9] =	wrdreg s7  }
0x15: {  	s16 =	sadd.s32 s12, s15;
	[dreg:$0xa] =	wrdreg s14  }
0x16: {  	s19 =	sadd.s32 s12, s18;
	[dreg:$0xc] =	wrdreg s16  }
0x17: {  	s8 =	sadd.s32 s10, s18;
	[dreg:$0x10] =	wrdreg s19  }
0x18: {  	s22 =	sadd.s32 s12, s20;
	[dreg:$0x11] =	wrdreg s8  }
0x19: {  	s24 =	sadd.s32 s12, s6;
	[dreg:$0x12] =	wrdreg s22  }
0x1a: {  	s6 =	sadd.s32 s10, s6;
	[dreg:$0x14] =	wrdreg s24  }
0x1b: {  	s29 =	simm.s32 $0x50;
	s7 =	sadd.s32 s10, s13;
	[dreg:$0x15] =	wrdreg s6  }
0x1c: {  	s26 =	sshll.u32 s11, $0x6;
	s13 =	sadd.s32 s12, s17;
	[dreg:$0xb] =	wrdreg s7  }
0x1d: {  	s1 =	smul.u32 $0x27100, s1;
	s19 =	sor.u32 $0x1C0D, s26;
	[dreg:$0xe] =	wrdreg s13  }
0x1e: {  	s9 =	smul.u32 $0x2710, s11;
	s7 =	sadd.s32 s10, s15;
	[dreg:$0x17] =	wrdreg s19  }
0x1f: {  	s30 =	simm.s32 $0x6;
	[dreg:$0xd] =	wrdreg s7;
	s7 =	sadd.s32 s10, s17  }
0x20: {  	s31 =	simm.s32 $0x2800;
	s1 =	sadd.s32 s9, s1;
	[dreg:$0xf] =	wrdreg s7  }
0x21: {  	s7 =	sadd.s32 s10, s20;
	s28 =	sadd.s32 $0x4B0, s1;
	s6 =	sadd.s32 $0x460, s1  }
0x22: {  	s8 =	sadd.s32 $0x410, s1;
	s14 =	sadd.s32 $0x3C0, s1;
	s16 =	sadd.s32 $0x370, s1  }
0x23: {  	s20 =	sadd.s32 $0x320, s1;
	s21 =	sadd.s32 $0x2D0, s1;
	[dreg:$0x13] =	wrdreg s7  }
0x24: {  	s0 =	sshrl.u32 s28, $0x3;
	s3 =	sshrl.u32 s6, $0x3;
	s9 =	sshrl.u32 s8, $0x3  }
0x25: {  	s15 =	sshrl.u32 s14, $0x3;
	s18 =	sshrl.u32 s16, $0x3;
	s28 =	sadd.s32 $0x280, s1  }
0x26: {  	s22 =	sshrl.u32 s20, $0x3;
	s7 =	sadd.s32 s0, s10;
	[smem:$0x7FD] =	sst s28  }
0x27: {  	s23 =	sshrl.u32 s21, $0x3;
	s0 =	sadd.s32 s0, s12;
	[dreg:$0x1a] =	wrdreg s7  }
0x28: {  	s21 =	simm.s32 $0xA400;
	s11 =	sadd.s32 s3, s10;
	[dreg:$0x1b] =	wrdreg s0  }
0x29: {  	s16 =	simm.s32 $0xD;
	s3 =	sadd.s32 s3, s12;
	[dreg:$0x1c] =	wrdreg s11  }
0x2a: {  	s6 =	simm.s32 $0x5;
	s13 =	sadd.s32 s9, s10;
	[dreg:$0x1d] =	wrdreg s3  }
0x2b: {  	s8 =	simm.s32 $0x7800;
	s17 =	sadd.s32 s15, s10;
	[dreg:$0x1e] =	wrdreg s13  }
0x2c: {  	s14 =	simm.s32 $0xB;
	s24 =	sadd.s32 s22, s10;
	[smem:$0x7F5] =	sst s17  }
0x2d: {  	s1 =	simm.s32 $0x0;
	s25 =	sadd.s32 s23, s10;
	[smem:$0x7F9] =	sst s24  }
0x2e: {  	s26 =	sadd.s32 s23, s12;
	s23 =	simm.s32 $0xA580;
	[smem:$0x7FB] =	sst s25  }
0x2f: {  	s0 =	sadd.s32 s9, s12;
	s3 =	sadd.s32 s18, s10;
	[smem:$0x7FC] =	sst s26  }
0x30: {  	s26 =	simm.s32 $0xA200;
	s24 =	simm.s32 $0xA600;
	s7 =	simm.s32 $0x8  }
0x31: {  	s9 =	simm.s32 $0x1;
	s10 =	simm.s32 $0x9;
	s11 =	simm.s32 $0x2  }
.Ltmp0:
0x32: {  	s13 =	simm.s32 $0x3;
	[dreg:$0x1f] =	wrdreg s0;
	(pc) =	sbr.rel .LBB2_1-.Ltmp0, $4  }
0x33: {  	s17 =	simm.s32 $0xC;
	s0 =	sadd.s32 s15, s12;
	[smem:$0x7F7] =	sst s3  }
0x34: {  	s3 =	simm.s32 $0x5000;
	[smem:$0x7F6] =	sst s0;
	s0 =	sadd.s32 s18, s12  }
0x35: {  	s15 =	simm.s32 $0x4;
	[smem:$0x7F8] =	sst s0;
	s0 =	sadd.s32 s22, s12  }
0x36: {  	s12 =	simm.s32 $0xA;
	[smem:$0x7FA] =	sst s0;
	s0 =	simm.s32 $0x7  }
.LBB2_4:
0x37: {  	_ =	swait.ge [sflag:s9], $0x2800  }
0x38: {  	[sflag:s9] =	ssyncset.done $0x0  }
0x39: {  	s21 =	simm.s32 $0xA400;
	[sflag:s9] =	ssyncadd.s32 $0xFFFFD800  }
0x3a: {  	[spmem:s2] =	stream.indirect.scatter.add.f32 [tilespmem:s4], [sflag:$0xD], $0x80, s21, s29, $0xb8;
	[tilespmem:$0x1E800] =	vst v63  }
0x3b: {  	_ =	swait.ge [sflag:s16], $0x2800  }
0x3c: {  	[sflag:s16] =	ssyncset.done $0x0  }
0x3d: {  	[sflag:s16] =	ssyncadd.s32 $0xFFFFD800  }
0x3e: {  	_ =	swait.ge [sflag:s10], $0x50  }
0x3f: {  	[sflag:s10] =	ssyncset.done $0x0  }
0x40: {  	[sflag:s10] =	ssyncadd.s32 $0xFFFFFFB0  }
0x41: {  	_ =	swait.ge [sflag:s10], $0x50  }
0x42: {  	[sflag:s10] =	ssyncset.done $0x0  }
0x43: {  	[sflag:s10] =	ssyncadd.s32 $0xFFFFFFB0  }
0x44: {  	[tilespmem:s4], [sflag:$0x1] =	stream.indirect.gather [hbm4b:s5+s29], $0x80, s26, s29, $0xb8;
	[tilespmem:$0x1E800] =	vst v63  }
0x45: {  	_ =	swait.ge [sflag:s11], $0x2800  }
0x46: {  	[sflag:s11] =	ssyncset.done $0x0  }
0x47: {  	[sflag:s11] =	ssyncadd.s32 $0xFFFFD800  }
0x48: {  	[spmem:s2] =	stream.indirect.scatter.add.f32 [tilespmem:s31], [sflag:$0xD], $0x80, s22, s29, $0xb8;
	[tilespmem:$0x1E800] =	vst v63  }
0x49: {  	_ =	swait.ge [sflag:s16], $0x2800  }
0x4a: {  	[sflag:s16] =	ssyncset.done $0x0  }
0x4b: {  	[sflag:s16] =	ssyncadd.s32 $0xFFFFD800  }
0x4c: {  	_ =	swait.ge [sflag:s13], $0x2800  }
0x4d: {  	[sflag:s13] =	ssyncset.done $0x0  }
0x4e: {  	s1 =	simm.s32 $0xA500;
	[sflag:s13] =	ssyncadd.s32 $0xFFFFD800  }
0x4f: {  	[spmem:s2] =	stream.indirect.scatter.add.f32 [tilespmem:s3], [sflag:$0xD], $0x80, s1, s29, $0xb8;
	[tilespmem:$0x1E800] =	vst v63  }
0x50: {  	_ =	swait.ge [sflag:s16], $0x2800  }
0x51: {  	[sflag:s16] =	ssyncset.done $0x0  }
0x52: {  	[sflag:s16] =	ssyncadd.s32 $0xFFFFD800  }
0x53: {  	_ =	swait.ge [sflag:s15], $0x2800  }
0x54: {  	[sflag:s15] =	ssyncset.done $0x0  }
0x55: {  	s23 =	simm.s32 $0xA580;
	[sflag:s15] =	ssyncadd.s32 $0xFFFFD800  }
0x56: {  	[spmem:s2] =	stream.indirect.scatter.add.f32 [tilespmem:s8], [sflag:$0xD], $0x80, s23, s29, $0xb8;
	[tilespmem:$0x1E800] =	vst v63  }
0x57: {  	_ =	swait.ge [sflag:s16], $0x2800  }
0x58: {  	[sflag:s16] =	ssyncset.done $0x0  }
0x59: {  	[sflag:s16] =	ssyncadd.s32 $0xFFFFD800  }
0x5a: {  	_ =	swait.ge [sflag:s9], $0x2800  }
0x5b: {  	[sflag:s9] =	ssyncset.done $0x0  }
0x5c: {  	s24 =	simm.s32 $0xA600;
	[sflag:s9] =	ssyncadd.s32 $0xFFFFD800  }
0x5d: {  	[spmem:s2] =	stream.indirect.scatter.add.f32 [tilespmem:s4], [sflag:$0xD], $0x80, s24, s29, $0xb8;
	[tilespmem:$0x1E800] =	vst v63  }
0x5e: {  	_ =	swait.ge [sflag:s16], $0x2800  }
0x5f: {  	[sflag:s16] =	ssyncset.done $0x0  }
0x60: {  	[sflag:s16] =	ssyncadd.s32 $0xFFFFD800  }
0x61: {  	[bflag:$0x0] =	sbarrier.arrive $0xFFFF  }
0x62: {  	s22 =	sld [smem:$0x7F4]  }
0x63: {  	s19 =	rddreg [dreg:$0x17]  }
0x64: {  	s18 =	rddreg [dreg:$0x18]  }
0x65: {  	[hbm:s18], [sflag:s19] =	dma.local [spmem:s22], $0x2800  }
0x66: {  	_ =	swait.ge [sflag:s16], $0x2800  }
0x67: {  	s25 =	sld [smem:$0x7F3];
	_ =	sdelay $0x2  }
0x68: {  	s28 =	rddreg [dreg:$0x19];
	s1 =	sadd.s32 $0x1, s25  }
0x69: {  	p0 =	sne.s32 s1, s28  }
.Ltmp1:
0x6a: {  	_ = 	snop;
	(pc) =	sbr.rel @!p0 .LBB2_5-.Ltmp1, $3  }
0x6b: {  	_ =	sdelay $0x1  }
0x6c: {  	[sflag:s16] =	ssyncset.done $0x0  }
0x6d: {  	[sflag:s16] =	ssyncadd.s32 $0xFFFFD800  }
.LBB2_1:
0x6e: {  	[smem:$0x7F3] =	sst s1  }
0x6f: {  	s18 =	rddreg [dreg:$0x6];
	s20 =	simm.s32 $0xA000  }
0x70: {  	[tilespmem:s20], [sflag:$0x5] =	stream.linear.gather [hbm4b:s18+s4], $0x50, $0x38;
	[tilespmem:$0x1E800] =	vst v63  }
0x71: {  	s22 =	rddreg [dreg:$0x7]  }
0x72: {  	[tilespmem:s21], [sflag:$0x5] =	stream.linear.gather [hbm4b:s22+s4], $0x50, $0x38;
	[tilespmem:$0x1E800] =	vst v63  }
0x73: {  	s18 =	rddreg [dreg:$0x8];
	s22 =	simm.s32 $0xA080  }
0x74: {  	[tilespmem:s22], [sflag:$0x6] =	stream.linear.gather [hbm4b:s18+s4], $0x50, $0x38;
	[tilespmem:$0x1E800] =	vst v63  }
0x75: {  	s25 =	simm.s32 $0xA480;
	s18 =	rddreg [dreg:$0x9]  }
0x76: {  	[tilespmem:s25], [sflag:$0x6] =	stream.linear.gather [hbm4b:s18+s4], $0x50, $0x38;
	[tilespmem:$0x1E800] =	vst v63  }
0x77: {  	s18 =	rddreg [dreg:$0xa];
	s25 =	simm.s32 $0xA100  }
0x78: {  	[tilespmem:s25], [sflag:$0x7] =	stream.linear.gather [hbm4b:s18+s4], $0x50, $0x38;
	[tilespmem:$0x1E800] =	vst v63  }
0x79: {  	s1 =	simm.s32 $0xA500;
	s18 =	rddreg [dreg:$0xb]  }
0x7a: {  	[tilespmem:s1], [sflag:$0x7] =	stream.linear.gather [hbm4b:s18+s4], $0x50, $0x38;
	[tilespmem:$0x1E800] =	vst v63  }
0x7b: {  	s18 =	rddreg [dreg:$0xc];
	s1 =	simm.s32 $0xA180  }
0x7c: {  	[tilespmem:s1], [sflag:$0x8] =	stream.linear.gather [hbm4b:s18+s4], $0x50, $0x38;
	[tilespmem:$0x1E800] =	vst v63  }
0x7d: {  	s18 =	rddreg [dreg:$0xd]  }
0x7e: {  	[tilespmem:s23], [sflag:$0x8] =	stream.linear.gather [hbm4b:s18+s4], $0x50, $0x38;
	[tilespmem:$0x1E800] =	vst v63  }
0x7f: {  	s23 =	rddreg [dreg:$0xe]  }
0x80: {  	[tilespmem:s26], [sflag:$0x9] =	stream.linear.gather [hbm4b:s23+s4], $0x50, $0x38;
	[tilespmem:$0x1E800] =	vst v63  }
0x81: {  	s23 =	rddreg [dreg:$0xf]  }
0x82: {  	[tilespmem:s24], [sflag:$0x9] =	stream.linear.gather [hbm4b:s23+s4], $0x50, $0x38;
	[tilespmem:$0x1E800] =	vst v63  }
0x83: {  	s23 =	rddreg [dreg:$0x10];
	s24 =	simm.s32 $0xA280  }
0x84: {  	[tilespmem:s24], [sflag:$0xA] =	stream.linear.gather [hbm4b:s23+s4], $0x50, $0x38;
	[tilespmem:$0x1E800] =	vst v63  }
0x85: {  	s23 =	rddreg [dreg:$0x11];
	s24 =	simm.s32 $0xA680  }
0x86: {  	[tilespmem:s24], [sflag:$0xA] =	stream.linear.gather [hbm4b:s23+s4], $0x50, $0x38;
	[tilespmem:$0x1E800] =	vst v63  }
0x87: {  	s23 =	rddreg [dreg:$0x12];
	s24 =	simm.s32 $0xA300  }
0x88: {  	[tilespmem:s24], [sflag:$0xB] =	stream.linear.gather [hbm4b:s23+s4], $0x50, $0x38;
	[tilespmem:$0x1E800] =	vst v63  }
0x89: {  	s23 =	rddreg [dreg:$0x13];
	s24 =	simm.s32 $0xA700  }
0x8a: {  	[tilespmem:s24], [sflag:$0xB] =	stream.linear.gather [hbm4b:s23+s4], $0x50, $0x38;
	[tilespmem:$0x1E800] =	vst v63  }
0x8b: {  	s23 =	rddreg [dreg:$0x14];
	s24 =	simm.s32 $0xA380  }
0x8c: {  	[tilespmem:s24], [sflag:$0xC] =	stream.linear.gather [hbm4b:s23+s4], $0x50, $0x38;
	[tilespmem:$0x1E800] =	vst v63  }
0x8d: {  	s28 =	simm.s32 $0xA780;
	s23 =	rddreg [dreg:$0x15]  }
0x8e: {  	[tilespmem:s28], [sflag:$0xC] =	stream.linear.gather [hbm4b:s23+s4], $0x50, $0x38;
	[tilespmem:$0x1E800] =	vst v63  }
0x8f: {  	s23 =	rddreg [dreg:$0x16]  }
0x90: {  	s18 =	rddreg [dreg:$0x5];
	s23 =	sshrl.u32 s23, $0x3  }
0x91: {  	[smem:$0x7F4] =	sst s23  }
0x92: {  	[spmem:s23], [sflag:s19] =	dma.local [hbm:s18], $0x2800  }
0x93: {  	_ =	swait.ge [sflag:s16], $0x2800  }
0x94: {  	[sflag:s16] =	ssyncset.done $0x0  }
0x95: {  	[sflag:s16] =	ssyncadd.s32 $0xFFFFD800  }
0x96: {  	[bflag:$0x0] =	sbarrier.arrive $0xFFFF  }
0x97: {  	_ =	swait.ge [sflag:s6], $0x50  }
0x98: {  	[sflag:s6] =	ssyncset.done $0x0  }
0x99: {  	[sflag:s6] =	ssyncadd.s32 $0xFFFFFFB0  }
0x9a: {  	_ =	swait.ge [sflag:s6], $0x50  }
0x9b: {  	[sflag:s6] =	ssyncset.done $0x0  }
0x9c: {  	[sflag:s6] =	ssyncadd.s32 $0xFFFFFFB0  }
0x9d: {  	[tilespmem:s4], [sflag:$0x1] =	stream.indirect.gather [hbm4b:s5+s29], $0x80, s20, s29, $0xb8;
	[tilespmem:$0x1E800] =	vst v63  }
0x9e: {  	_ =	swait.ge [sflag:s30], $0x50  }
0x9f: {  	[sflag:s30] =	ssyncset.done $0x0  }
0xa0: {  	[sflag:s30] =	ssyncadd.s32 $0xFFFFFFB0  }
0xa1: {  	_ =	swait.ge [sflag:s30], $0x50  }
0xa2: {  	[sflag:s30] =	ssyncset.done $0x0  }
0xa3: {  	[sflag:s30] =	ssyncadd.s32 $0xFFFFFFB0  }
0xa4: {  	[tilespmem:s31], [sflag:$0x2] =	stream.indirect.gather [hbm4b:s5+s29], $0x80, s22, s29, $0xb8;
	[tilespmem:$0x1E800] =	vst v63  }
0xa5: {  	_ =	swait.ge [sflag:s0], $0x50  }
0xa6: {  	[sflag:s0] =	ssyncset.done $0x0  }
0xa7: {  	[sflag:s0] =	ssyncadd.s32 $0xFFFFFFB0  }
0xa8: {  	_ =	swait.ge [sflag:s0], $0x50  }
0xa9: {  	[sflag:s0] =	ssyncset.done $0x0  }
0xaa: {  	[sflag:s0] =	ssyncadd.s32 $0xFFFFFFB0  }
0xab: {  	[tilespmem:s3], [sflag:$0x3] =	stream.indirect.gather [hbm4b:s5+s29], $0x80, s25, s29, $0xb8;
	[tilespmem:$0x1E800] =	vst v63  }
0xac: {  	_ =	swait.ge [sflag:s7], $0x50  }
0xad: {  	[sflag:s7] =	ssyncset.done $0x0  }
0xae: {  	[sflag:s7] =	ssyncadd.s32 $0xFFFFFFB0  }
0xaf: {  	_ =	swait.ge [sflag:s7], $0x50  }
0xb0: {  	[sflag:s7] =	ssyncset.done $0x0  }
0xb1: {  	s19 =	simm.s32 $0x0;
	s18 =	sld [smem:$0x7FD];
	[sflag:s7] =	ssyncadd.s32 $0xFFFFFFB0  }
0xb2: {  	[tilespmem:s8], [sflag:$0x4] =	stream.indirect.gather [hbm4b:s5+s29], $0x80, s1, s29, $0xb8;
	[tilespmem:$0x1E800] =	vst v63  }
.LBB2_2:
0xb3: {  	_ =	swait.ge [sflag:s9], $0x2800  }
0xb4: {  	[sflag:s9] =	ssyncset.done $0x0  }
0xb5: {  	[sflag:s9] =	ssyncadd.s32 $0xFFFFD800  }
0xb6: {  	[spmem:s2] =	stream.indirect.scatter.add.f32 [tilespmem:s4], [sflag:$0xD], $0x80, s21, s29, $0xb8;
	[tilespmem:$0x1E800] =	vst v63  }
0xb7: {  	_ =	swait.ge [sflag:s16], $0x2800  }
0xb8: {  	[sflag:s16] =	ssyncset.done $0x0  }
0xb9: {  	[sflag:s16] =	ssyncadd.s32 $0xFFFFD800  }
0xba: {  	_ =	swait.ge [sflag:s10], $0x50  }
0xbb: {  	[sflag:s10] =	ssyncset.done $0x0  }
0xbc: {  	[sflag:s10] =	ssyncadd.s32 $0xFFFFFFB0  }
0xbd: {  	_ =	swait.ge [sflag:s10], $0x50  }
0xbe: {  	[sflag:s10] =	ssyncset.done $0x0  }
0xbf: {  	[sflag:s10] =	ssyncadd.s32 $0xFFFFFFB0  }
0xc0: {  	[tilespmem:s4], [sflag:$0x1] =	stream.indirect.gather [hbm4b:s5+s29], $0x80, s26, s29, $0xb8;
	[tilespmem:$0x1E800] =	vst v63  }
0xc1: {  	s20 =	sshrl.u32 s18, $0x3;
	s26 =	rddreg [dreg:$0x4]  }
0xc2: {  	s25 =	simm.s32 $0xA000;
	s1 =	rddreg [dreg:$0x1];
	s21 =	sadd.s32 s26, s20  }
0xc3: {  	[tilespmem:s25], [sflag:$0x5] =	stream.linear.gather [hbm4b:s21+s4], $0x50, $0x38;
	[tilespmem:$0x1E800] =	vst v63  }
0xc4: {  	s22 =	simm.s32 $0xA400;
	s20 =	sadd.s32 s1, s20  }
0xc5: {  	[tilespmem:s22], [sflag:$0x5] =	stream.linear.gather [hbm4b:s20+s4], $0x50, $0x38;
	[tilespmem:$0x1E800] =	vst v63  }
0xc6: {  	_ =	swait.ge [sflag:s11], $0x2800  }
0xc7: {  	[sflag:s11] =	ssyncset.done $0x0  }
0xc8: {  	s22 =	simm.s32 $0xA480;
	[sflag:s11] =	ssyncadd.s32 $0xFFFFD800  }
0xc9: {  	[spmem:s2] =	stream.indirect.scatter.add.f32 [tilespmem:s31], [sflag:$0xD], $0x80, s22, s29, $0xb8;
	[tilespmem:$0x1E800] =	vst v63  }
0xca: {  	_ =	swait.ge [sflag:s16], $0x2800  }
0xcb: {  	[sflag:s16] =	ssyncset.done $0x0  }
0xcc: {  	[sflag:s16] =	ssyncadd.s32 $0xFFFFD800  }
0xcd: {  	_ =	swait.ge [sflag:s12], $0x50  }
0xce: {  	[sflag:s12] =	ssyncset.done $0x0  }
0xcf: {  	[sflag:s12] =	ssyncadd.s32 $0xFFFFFFB0  }
0xd0: {  	_ =	swait.ge [sflag:s12], $0x50  }
0xd1: {  	[sflag:s12] =	ssyncset.done $0x0;
	s21 =	sld [smem:$0x7FC]  }
0xd2: {  	s1 =	simm.s32 $0xA280;
	s23 =	sld [smem:$0x7FB];
	[sflag:s12] =	ssyncadd.s32 $0xFFFFFFB0  }
0xd3: {  	[tilespmem:s31], [sflag:$0x2] =	stream.indirect.gather [hbm4b:s5+s29], $0x80, s1, s29, $0xb8;
	[tilespmem:$0x1E800] =	vst v63  }
0xd4: {  	s20 =	sadd.s32 s19, s21;
	s21 =	simm.s32 $0xA080  }
0xd5: {  	[tilespmem:s21], [sflag:$0x6] =	stream.linear.gather [hbm4b:s20+s4], $0x50, $0x38;
	[tilespmem:$0x1E800] =	vst v63  }
0xd6: {  	s20 =	sadd.s32 s19, s23  }
0xd7: {  	[tilespmem:s22], [sflag:$0x6] =	stream.linear.gather [hbm4b:s20+s4], $0x50, $0x38;
	[tilespmem:$0x1E800] =	vst v63  }
0xd8: {  	_ =	swait.ge [sflag:s13], $0x2800  }
0xd9: {  	[sflag:s13] =	ssyncset.done $0x0  }
0xda: {  	s23 =	simm.s32 $0xA500;
	[sflag:s13] =	ssyncadd.s32 $0xFFFFD800  }
0xdb: {  	[spmem:s2] =	stream.indirect.scatter.add.f32 [tilespmem:s3], [sflag:$0xD], $0x80, s23, s29, $0xb8;
	[tilespmem:$0x1E800] =	vst v63  }
0xdc: {  	_ =	swait.ge [sflag:s16], $0x2800  }
0xdd: {  	[sflag:s16] =	ssyncset.done $0x0  }
0xde: {  	[sflag:s16] =	ssyncadd.s32 $0xFFFFD800  }
0xdf: {  	_ =	swait.ge [sflag:s14], $0x50  }
0xe0: {  	[sflag:s14] =	ssyncset.done $0x0  }
0xe1: {  	[sflag:s14] =	ssyncadd.s32 $0xFFFFFFB0  }
0xe2: {  	_ =	swait.ge [sflag:s14], $0x50  }
0xe3: {  	[sflag:s14] =	ssyncset.done $0x0  }
0xe4: {  	s26 =	simm.s32 $0xA300;
	s1 =	sld [smem:$0x7FA];
	[sflag:s14] =	ssyncadd.s32 $0xFFFFFFB0  }
0xe5: {  	[tilespmem:s3], [sflag:$0x3] =	stream.indirect.gather [hbm4b:s5+s29], $0x80, s26, s29, $0xb8;
	[tilespmem:$0x1E800] =	vst v63  }
0xe6: {  	s26 =	sld [smem:$0x7F9]  }
0xe7: {  	s20 =	sadd.s32 s19, s1;
	s1 =	simm.s32 $0xA100  }
0xe8: {  	[tilespmem:s1], [sflag:$0x7] =	stream.linear.gather [hbm4b:s20+s4], $0x50, $0x38;
	[tilespmem:$0x1E800] =	vst v63  }
0xe9: {  	s20 =	sadd.s32 s19, s26  }
0xea: {  	[tilespmem:s23], [sflag:$0x7] =	stream.linear.gather [hbm4b:s20+s4], $0x50, $0x38;
	[tilespmem:$0x1E800] =	vst v63  }
0xeb: {  	_ =	swait.ge [sflag:s15], $0x2800  }
0xec: {  	[sflag:s15] =	ssyncset.done $0x0  }
0xed: {  	s26 =	simm.s32 $0xA580;
	[sflag:s15] =	ssyncadd.s32 $0xFFFFD800  }
0xee: {  	[spmem:s2] =	stream.indirect.scatter.add.f32 [tilespmem:s8], [sflag:$0xD], $0x80, s26, s29, $0xb8;
	[tilespmem:$0x1E800] =	vst v63  }
0xef: {  	_ =	swait.ge [sflag:s16], $0x2800  }
0xf0: {  	[sflag:s16] =	ssyncset.done $0x0  }
0xf1: {  	[sflag:s16] =	ssyncadd.s32 $0xFFFFD800  }
0xf2: {  	_ =	swait.ge [sflag:s17], $0x50  }
0xf3: {  	[sflag:s17] =	ssyncset.done $0x0  }
0xf4: {  	[sflag:s17] =	ssyncadd.s32 $0xFFFFFFB0  }
0xf5: {  	_ =	swait.ge [sflag:s17], $0x50  }
0xf6: {  	[sflag:s17] =	ssyncset.done $0x0  }
0xf7: {  	s23 =	sld [smem:$0x7F8];
	[sflag:s17] =	ssyncadd.s32 $0xFFFFFFB0  }
0xf8: {  	[tilespmem:s8], [sflag:$0x4] =	stream.indirect.gather [hbm4b:s5+s29], $0x80, s24, s29, $0xb8;
	[tilespmem:$0x1E800] =	vst v63  }
0xf9: {  	s24 =	sld [smem:$0x7F7]  }
0xfa: {  	s20 =	sadd.s32 s19, s23;
	s23 =	simm.s32 $0xA180  }
0xfb: {  	[tilespmem:s23], [sflag:$0x8] =	stream.linear.gather [hbm4b:s20+s4], $0x50, $0x38;
	[tilespmem:$0x1E800] =	vst v63  }
0xfc: {  	s20 =	sadd.s32 s19, s24  }
0xfd: {  	[tilespmem:s26], [sflag:$0x8] =	stream.linear.gather [hbm4b:s20+s4], $0x50, $0x38;
	[tilespmem:$0x1E800] =	vst v63  }
0xfe: {  	_ =	swait.ge [sflag:s9], $0x2800  }
0xff: {  	[sflag:s9] =	ssyncset.done $0x0  }
0x100: {  	s24 =	simm.s32 $0xA600;
	[sflag:s9] =	ssyncadd.s32 $0xFFFFD800  }
0x101: {  	[spmem:s2] =	stream.indirect.scatter.add.f32 [tilespmem:s4], [sflag:$0xD], $0x80, s24, s29, $0xb8;
	[tilespmem:$0x1E800] =	vst v63  }
0x102: {  	_ =	swait.ge [sflag:s16], $0x2800  }
0x103: {  	[sflag:s16] =	ssyncset.done $0x0  }
0x104: {  	[sflag:s16] =	ssyncadd.s32 $0xFFFFD800  }
0x105: {  	_ =	swait.ge [sflag:s6], $0x50  }
0x106: {  	[sflag:s6] =	ssyncset.done $0x0  }
0x107: {  	[sflag:s6] =	ssyncadd.s32 $0xFFFFFFB0  }
0x108: {  	_ =	swait.ge [sflag:s6], $0x50  }
0x109: {  	[sflag:s6] =	ssyncset.done $0x0  }
0x10a: {  	[sflag:s6] =	ssyncadd.s32 $0xFFFFFFB0  }
0x10b: {  	[tilespmem:s4], [sflag:$0x1] =	stream.indirect.gather [hbm4b:s5+s29], $0x80, s25, s29, $0xb8;
	[tilespmem:$0x1E800] =	vst v63  }
0x10c: {  	s25 =	sld [smem:$0x7F6];
	_ =	sdelay $0x2  }
0x10d: {  	s20 =	sadd.s32 s19, s25;
	s25 =	sld [smem:$0x7F5]  }
0x10e: {  	s26 =	simm.s32 $0xA200  }
0x10f: {  	[tilespmem:s26], [sflag:$0x9] =	stream.linear.gather [hbm4b:s20+s4], $0x50, $0x38;
	[tilespmem:$0x1E800] =	vst v63  }
0x110: {  	s20 =	sadd.s32 s19, s25  }
0x111: {  	[tilespmem:s24], [sflag:$0x9] =	stream.linear.gather [hbm4b:s20+s4], $0x50, $0x38;
	[tilespmem:$0x1E800] =	vst v63  }
0x112: {  	_ =	swait.ge [sflag:s11], $0x2800  }
0x113: {  	[sflag:s11] =	ssyncset.done $0x0  }
0x114: {  	s24 =	simm.s32 $0xA680;
	[sflag:s11] =	ssyncadd.s32 $0xFFFFD800  }
0x115: {  	[spmem:s2] =	stream.indirect.scatter.add.f32 [tilespmem:s31], [sflag:$0xD], $0x80, s24, s29, $0xb8;
	[tilespmem:$0x1E800] =	vst v63  }
0x116: {  	_ =	swait.ge [sflag:s16], $0x2800  }
0x117: {  	[sflag:s16] =	ssyncset.done $0x0  }
0x118: {  	[sflag:s16] =	ssyncadd.s32 $0xFFFFD800  }
0x119: {  	_ =	swait.ge [sflag:s30], $0x50  }
0x11a: {  	[sflag:s30] =	ssyncset.done $0x0  }
0x11b: {  	[sflag:s30] =	ssyncadd.s32 $0xFFFFFFB0  }
0x11c: {  	_ =	swait.ge [sflag:s30], $0x50  }
0x11d: {  	[sflag:s30] =	ssyncset.done $0x0  }
0x11e: {  	p0 =	seq.s32 s19, $0x460;
	s20 =	rddreg [dreg:$0x1f];
	[sflag:s30] =	ssyncadd.s32 $0xFFFFFFB0  }
0x11f: {  	[tilespmem:s31], [sflag:$0x2] =	stream.indirect.gather [hbm4b:s5+s29], $0x80, s21, s29, $0xb8;
	[tilespmem:$0x1E800] =	vst v63  }
0x120: {  	s25 =	simm.s32 @!p0 $0xA280;
	s20 =	sadd.s32 @!p0 s19, s20;
	s21 =	simm.s32 @!p0 $0x0  }
0x121: {  	[tilespmem:s25], [sflag:$0xA] =	stream.linear.gather @!p0 [hbm4b:s20+s21], $0x50, $0x38;
	[tilespmem:$0x1E800] =	vst v63  }
0x122: {  	s20 =	rddreg [dreg:$0x1e]  }
0x123: {  	s25 =	simm.s32 @!p0 $0xA680;
	s20 =	sadd.s32 @!p0 s19, s20  }
0x124: {  	[tilespmem:s25], [sflag:$0xA] =	stream.linear.gather @!p0 [hbm4b:s20+s21], $0x50, $0x38;
	[tilespmem:$0x1E800] =	vst v63  }
0x125: {  	_ =	swait.ge [sflag:s13], $0x2800  }
0x126: {  	[sflag:s13] =	ssyncset.done $0x0  }
0x127: {  	s25 =	simm.s32 $0xA700;
	[sflag:s13] =	ssyncadd.s32 $0xFFFFD800  }
0x128: {  	[spmem:s2] =	stream.indirect.scatter.add.f32 [tilespmem:s3], [sflag:$0xD], $0x80, s25, s29, $0xb8;
	[tilespmem:$0x1E800] =	vst v63  }
0x129: {  	_ =	swait.ge [sflag:s16], $0x2800  }
0x12a: {  	[sflag:s16] =	ssyncset.done $0x0  }
0x12b: {  	[sflag:s16] =	ssyncadd.s32 $0xFFFFD800  }
0x12c: {  	_ =	swait.ge [sflag:s0], $0x50  }
0x12d: {  	[sflag:s0] =	ssyncset.done $0x0  }
0x12e: {  	[sflag:s0] =	ssyncadd.s32 $0xFFFFFFB0  }
0x12f: {  	_ =	swait.ge [sflag:s0], $0x50  }
0x130: {  	[sflag:s0] =	ssyncset.done $0x0  }
0x131: {  	s20 =	rddreg [dreg:$0x1d];
	[sflag:s0] =	ssyncadd.s32 $0xFFFFFFB0  }
0x132: {  	[tilespmem:s3], [sflag:$0x3] =	stream.indirect.gather [hbm4b:s5+s29], $0x80, s1, s29, $0xb8;
	[tilespmem:$0x1E800] =	vst v63  }
0x133: {  	s25 =	simm.s32 @!p0 $0xA300;
	s20 =	sadd.s32 @!p0 s19, s20  }
0x134: {  	[tilespmem:s25], [sflag:$0xB] =	stream.linear.gather @!p0 [hbm4b:s20+s21], $0x50, $0x38;
	[tilespmem:$0x1E800] =	vst v63  }
0x135: {  	s20 =	rddreg [dreg:$0x1c]  }
0x136: {  	s25 =	simm.s32 @!p0 $0xA700;
	s20 =	sadd.s32 @!p0 s19, s20  }
0x137: {  	[tilespmem:s25], [sflag:$0xB] =	stream.linear.gather @!p0 [hbm4b:s20+s21], $0x50, $0x38;
	[tilespmem:$0x1E800] =	vst v63  }
0x138: {  	_ =	swait.ge [sflag:s15], $0x2800  }
0x139: {  	[sflag:s15] =	ssyncset.done $0x0  }
0x13a: {  	[sflag:s15] =	ssyncadd.s32 $0xFFFFD800  }
0x13b: {  	[spmem:s2] =	stream.indirect.scatter.add.f32 [tilespmem:s8], [sflag:$0xD], $0x80, s28, s29, $0xb8;
	[tilespmem:$0x1E800] =	vst v63  }
0x13c: {  	_ =	swait.ge [sflag:s16], $0x2800  }
0x13d: {  	[sflag:s16] =	ssyncset.done $0x0  }
0x13e: {  	[sflag:s16] =	ssyncadd.s32 $0xFFFFD800  }
0x13f: {  	_ =	swait.ge [sflag:s7], $0x50  }
0x140: {  	[sflag:s7] =	ssyncset.done $0x0  }
.Ltmp2:
0x141: {  	[sflag:s7] =	ssyncadd.s32 $0xFFFFFFB0;
	(pc) =	sbr.rel @p0 .LBB2_4-.Ltmp2, $4  }
0x142: {  	_ =	swait.ge [sflag:s7], $0x50  }
0x143: {  	[sflag:s7] =	ssyncset.done $0x0  }
0x144: {  	s1 =	simm.s32 $0xA780;
	[sflag:s7] =	ssyncadd.s32 $0xFFFFFFB0  }
0x145: {  	[tilespmem:s8], [sflag:$0x4] =	stream.indirect.gather [hbm4b:s5+s29], $0x80, s23, s29, $0xb8;
	[tilespmem:$0x1E800] =	vst v63  }
0x146: {  	s20 =	rddreg [dreg:$0x1b]  }
.Ltmp3:
0x147: {  	s24 =	simm.s32 $0xA380;
	s25 =	rddreg [dreg:$0x1a];
	(pc) =	sbr.rel .LBB2_2-.Ltmp3, $4  }
0x148: {  	s18 =	sadd.s32 $0x280, s18;
	s21 =	simm.s32 $0xA400;
	s20 =	sadd.s32 s19, s20  }
0x149: {  	[tilespmem:s24], [sflag:$0xC] =	stream.linear.gather [hbm4b:s20+s4], $0x50, $0x38;
	[tilespmem:$0x1E800] =	vst v63  }
0x14a: {  	s28 =	simm.s32 $0xA780;
	s20 =	sadd.s32 s19, s25;
	s19 =	sadd.s32 $0x50, s19  }
0x14b: {  	[tilespmem:s1], [sflag:$0xC] =	stream.linear.gather [hbm4b:s20+s4], $0x50, $0x38;
	[tilespmem:$0x1E800] =	vst v63  }
.LBB2_5:
0x14c: {  	_ =	sfence.sel $0x180000  }
0x14d: {  	[bflag:$0x0] =	sbarrier.arrive $0xFFFF  }
0x14e: {  	_ =	strace $0x9000004D  }
0x14f: {  	s0 =	stileid.u32;
	[bflag:$0x2] =	sbarrier.arrive $0xFFFF  }
0x150: {  	p0 =	sne.s32 s0, $0x0;
	s0 =	rddreg [dreg:$0x3]  }
0x151: {  	s0 =	sadd.s32 @!p0 $0x100000, s0  }
0x152: {  	[sflag:s0] =	ssyncadd.tile.s32 @!p0 $0x1;
	_ =	shalt  }
.Lfunc_end2:
_tile_overlayer_lowered:
.L_overlay_start_2:
0x153: {  	(tag) =	ssettag $0x2  }
0x154: {  	s0 =	rddreg [dreg:$0x0];
	s2 =	stileid.u32  }
0x155: {  	s1 =	rddreg [dreg:$0x1];
	p0 =	sne.s32 s2, $0x0  }
0x156: {  	s3 =	rddreg [dreg:$0x2];
	[bflag:$0x3] =	sbarrier.arrive $0xFFFF;
	s2 =	simm.s32 @!p0 $0x1C0D  }
0x157: {  	[timem:s3], [sflag:s2] =	dma.local @!p0 [hbm:s0], s1  }
0x158: {  	s0 =	simm.s32 @!p0 $0xD  }
0x159: {  	_ =	swait.ge @!p0 [sflag:s0], s1  }
0x15a: {  	s1 =	ssub.s32 @!p0 $0x0, s1;
	[sflag:s0] =	ssyncset.done @!p0 $0x0  }
0x15b: {  	[sflag:s0] =	ssyncadd.s32 @!p0 s1  }
0x15c: {  	[bflag:$0x3] =	sbarrier.arrive $0xFFFF  }
0x15d: {  	_ =	shalt  }

</sc_bundles>
